<compile_context>
chip_gen: v7x
topology: tpu7x:2x2x1
jax: 0.10.2.dev20260603
libtpu: 0.0.44.dev20260713+nightly
codegen_flags: <defaults>
</compile_context>

<pallas_src>
import functools

import jax
import jax.numpy as jnp
from jax import lax
from jax.experimental import pallas as pl
from jax.experimental.pallas import tpu as pltpu
from jax.experimental.pallas import tpu_sc as plsc

BETA_C = 0.2
GAMMA_C = 0.95
N_N = 10000
N_E = 160000
D_F = 256

DC = 64
EC = 80
NB = 80
NBLK = N_N // NB
EPT = N_E // 16
ECH = EPT // EC
N_PASS = (D_F // DC) // 2
NBUF = 3

_mesh = plsc.VectorSubcoreMesh(core_axis_name="c", subcore_axis_name="s")

_scratch = dict(
    acc=pltpu.VMEM_SHARED((N_N, 2 * DC), jnp.float32),
    zsh=pltpu.VMEM_SHARED((N_N,), jnp.float32),
    zloc=pltpu.VMEM((N_N,), jnp.float32),
    zrows=pltpu.VMEM((16, D_F), jnp.float32),
    zmg=pltpu.VMEM((16,), jnp.float32),
    ztb=pltpu.VMEM((EC,), jnp.float32),
)
for _b in range(NBUF):
    _scratch[f"eb_{_b}"] = pltpu.VMEM((EC, 2 * DC), jnp.float32)
    _scratch[f"src_{_b}"] = pltpu.VMEM((EC,), jnp.int32)
    _scratch[f"dst_{_b}"] = pltpu.VMEM((EC,), jnp.int32)
    _scratch[f"isem_{_b}"] = pltpu.SemaphoreType.DMA
    _scratch[f"ssem_{_b}"] = pltpu.SemaphoreType.DMA


@functools.partial(
    pl.kernel,
    out_type=jax.ShapeDtypeStruct((N_N, D_F), jnp.float32),
    mesh=_mesh,
    compiler_params=pltpu.CompilerParams(
        use_tc_tiling_on_sc=False, needs_layout_passes=False),
    scratch_types=_scratch,
)
def _gnn_sc(z_hbm, e_hbm, src_hbm, dst_hbm, out_hbm, *, acc, zsh,
            zloc, zrows, zmg, ztb, **bufs):
    cid = lax.axis_index("c")
    sid = lax.axis_index("s")
    lane = lax.iota(jnp.int32, 16)
    zero16 = jnp.zeros((16,), jnp.float32)
    ebs = [bufs[f"eb_{b}"] for b in range(NBUF)]
    srcs = [bufs[f"src_{b}"] for b in range(NBUF)]
    dsts = [bufs[f"dst_{b}"] for b in range(NBUF)]
    isems = [bufs[f"isem_{b}"] for b in range(NBUF)]
    ssems = [bufs[f"ssem_{b}"] for b in range(NBUF)]

    n_z16 = ((N_N // 16) - sid + 15) // 16

    def zmax_blk(i, _):
        r0 = (sid + 16 * i) * 16
        pltpu.sync_copy(z_hbm.at[pl.ds(r0, 16)], zrows)

        def rowred(r, m):
            v = zrows[r, pl.ds(0, 16)]
            for j in range(1, D_F // 16):
                v = jnp.maximum(v, zrows[r, pl.ds(16 * j, 16)])
            return jnp.where(lane == r, jnp.max(v), m)

        m = lax.fori_loop(
            0, 16, rowred, jnp.full((16,), -jnp.inf, jnp.float32))
        zmg[pl.ds(0, 16)] = GAMMA_C * m
        pltpu.sync_copy(zmg, zsh.at[pl.ds(r0, 16)])
        return 0

    lax.fori_loop(0, n_z16, zmax_blk, 0)

    plsc.subcore_barrier()
    pltpu.sync_copy(zsh, zloc)

    n_my_blk = (NBLK - sid + 15) // 16

    for p in range(N_PASS):
        k = 2 * p + cid
        col0 = DC * k

        def in_copies(ch, b):
            e0 = sid * EPT + ch * EC
            return (
                pltpu.make_async_copy(
                    src_hbm.at[pl.ds(e0, EC)], srcs[b], isems[b]),
                pltpu.make_async_copy(
                    dst_hbm.at[pl.ds(e0, EC)], dsts[b], isems[b]),
                pltpu.make_async_copy(
                    e_hbm.at[pl.ds(e0, EC), pl.ds(col0, DC)],
                    ebs[b].at[:, pl.ds(0, DC)], isems[b]),
                pltpu.make_async_copy(
                    e_hbm.at[pl.ds(e0, EC), pl.ds(D_F + col0, DC)],
                    ebs[b].at[:, pl.ds(DC, DC)], isems[b]),
            )

        def sc_start(b):
            pltpu.async_copy(ebs[b], acc.at[dsts[b]], ssems[b], add=True)

        def sc_wait(b):
            pltpu.make_async_copy(ebs[b], acc.at[dsts[b]], ssems[b]).wait()

        plsc.subcore_barrier()

        def zfill(r, _):
            for j in range(2 * DC // 16):
                ebs[-1][r, pl.ds(16 * j, 16)] = zero16
            return 0

        lax.fori_loop(0, EC, zfill, 0)

        def zero_blk(i, _):
            r0 = (sid + 16 * i) * NB
            pltpu.sync_copy(ebs[-1], acc.at[pl.ds(r0, NB)])
            return 0

        lax.fori_loop(0, n_my_blk, zero_blk, 0)
        plsc.subcore_barrier()

        def compute(b):
            for g in range(EC // 16):
                src16 = srcs[b][pl.ds(g * 16, 16)]
                ztb[pl.ds(g * 16, 16)] = plsc.load_gather(zloc, [src16])

            def erow(r, _, b=b):
                ziv = plsc.load_gather(
                    ztb, [jnp.full((16,), r, jnp.int32)])
                for j in range(DC // 16):
                    sl = pl.ds(16 * j, 16)
                    s1 = pl.ds(DC + 16 * j, 16)
                    ebs[b][r, sl] = ziv * ebs[b][r, s1] + ebs[b][r, sl]
                return 0

            lax.fori_loop(0, EC, erow, 0, unroll=4)

        for c in in_copies(0, 0):
            c.start()

        def ring(g3, _):
            for b in range(NBUF):
                ch = g3 * NBUF + b

                @pl.when(ch < ECH)
                def _(b=b, ch=ch):
                    nb = (b + 1) % NBUF

                    @pl.when(ch >= 2)
                    def _():
                        sc_wait(nb)

                    @pl.when(ch + 1 < ECH)
                    def _():
                        for c in in_copies(ch + 1, nb):
                            c.start()

                    for c in in_copies(ch, b):
                        c.wait()
                    compute(b)
                    sc_start(b)

            return 0

        lax.fori_loop(0, (ECH + NBUF - 1) // NBUF, ring, 0)
        sc_wait((ECH - 2) % NBUF)
        sc_wait((ECH - 1) % NBUF)

        plsc.subcore_barrier()

        qacb = ebs[0]
        zview = ebs[1].at[:, pl.ds(0, DC)]
        oview = ebs[1].at[:, pl.ds(DC, DC)]

        def drain_blk(i, _):
            r0 = (sid + 16 * i) * NB
            pltpu.sync_copy(acc.at[pl.ds(r0, NB)], qacb)
            pltpu.sync_copy(z_hbm.at[pl.ds(r0, NB), pl.ds(col0, DC)], zview)

            def comb_row(r, _):
                for j in range(DC // 16):
                    sl = pl.ds(16 * j, 16)
                    s1 = pl.ds(DC + 16 * j, 16)
                    ebs[1][r, s1] = (BETA_C * ebs[1][r, sl]
                                     + (1.0 - BETA_C) * qacb[r, sl]
                                     / (qacb[r, s1] + 1e-6))
                return 0

            lax.fori_loop(0, NB, comb_row, 0)
            pltpu.sync_copy(oview, out_hbm.at[pl.ds(r0, NB), pl.ds(col0, DC)])
            return 0

        lax.fori_loop(0, n_my_blk, drain_blk, 0)


def kernel(z, e, edge_index):
    e2 = e.reshape(N_E, 2 * D_F)
    ei = edge_index.astype(jnp.int32)
    return _gnn_sc(z, e2, ei[0], ei[1])

# --- scband reference (transcript-rebuilt; emitter-appended) ---
"""Pipeline reference for scband-gnn-1838246003222 (READ-ONLY COPY).

The authoritative reference and input builder live on the scoring server;
editing this copy changes nothing except your own understanding.
"""

import jax, jax.numpy as jnp
import numpy as np

BETA = 0.2
GAMMA = 0.95
N_NODES = 10000
N_EDGES = 160000
D = 256

def setup_inputs(seed: int = 0) -> dict:
    key = jax.random.key(seed)
    k1, k2, k3 = jax.random.split(key, 3)
    z = jax.random.normal(k1, (N_NODES, D), dtype=jnp.float32)
    e = jax.random.uniform(k2, (N_EDGES, 2, D), dtype=jnp.float32)
    edge_index = jax.random.randint(k3, (2, N_EDGES), 0, N_NODES, dtype=jnp.int64)
    return {"z": z, "e": e, "edge_index": edge_index}

def reference(z, e, edge_index):
    # DGL update_all translation:
    # message_func: Q = GAMMA * max(src.z, dim=-1, keepdim) * e[:,1,:] + e[:,0,:]; ac = e[:,1,:]
    # reduce_func:  z = BETA*z + (1-BETA)*sum(q)/(sum(ac)+1e-6)
    src = edge_index[0]
    dst = edge_index[1]
    z_src = jnp.take(z, src, axis=0)                      # gather [E, D]
    zmax = jnp.max(z_src, axis=-1, keepdims=True)         # [E, 1]
    q = GAMMA * zmax * e[:, 1, :] + e[:, 0, :]            # [E, D]
    ac = e[:, 1, :]                                       # [E, D]
    sum_q = jax.ops.segment_sum(q, dst, num_segments=N_NODES)
    sum_ac = jax.ops.segment_sum(ac, dst, num_segments=N_NODES)
    z_new = BETA * z + (1.0 - BETA) * sum_q / (sum_ac + 1e-06)
    return z_new

if __name__ == "__main__":
    import jax
    _d = setup_inputs()
    print(jax.jit(kernel)(*tuple(_d.values())))

</pallas_src>

<mosaic_0001>
#map = affine_map<(d0, d1) -> (0, 0)>
#map1 = affine_map<(d0, d1) -> (0)>
module attributes {stable_mosaic.version = 14 : i64} {
  func.func @_gnn_sc(%arg0: i32, %arg1: i32, %arg2: memref<10000x256xf32, #tpu.memory_space<hbm>>, %arg3: memref<160000x512xf32, #tpu.memory_space<hbm>>, %arg4: memref<160000xi32, #tpu.memory_space<hbm>>, %arg5: memref<160000xi32, #tpu.memory_space<hbm>>, %arg6: memref<10000x256xf32, #tpu.memory_space<hbm>>, %arg7: memref<10000x128xf32, #tpu.memory_space<vmem_shared>>, %arg8: memref<80xi32, #tpu.memory_space<vmem>>, %arg9: memref<80xi32, #tpu.memory_space<vmem>>, %arg10: memref<80xi32, #tpu.memory_space<vmem>>, %arg11: memref<80x128xf32, #tpu.memory_space<vmem>>, %arg12: memref<80x128xf32, #tpu.memory_space<vmem>>, %arg13: memref<80x128xf32, #tpu.memory_space<vmem>>, %arg14: memref<!tpu.dma_semaphore, #tpu.memory_space<semaphore_mem>>, %arg15: memref<!tpu.dma_semaphore, #tpu.memory_space<semaphore_mem>>, %arg16: memref<!tpu.dma_semaphore, #tpu.memory_space<semaphore_mem>>, %arg17: memref<80xi32, #tpu.memory_space<vmem>>, %arg18: memref<80xi32, #tpu.memory_space<vmem>>, %arg19: memref<80xi32, #tpu.memory_space<vmem>>, %arg20: memref<!tpu.dma_semaphore, #tpu.memory_space<semaphore_mem>>, %arg21: memref<!tpu.dma_semaphore, #tpu.memory_space<semaphore_mem>>, %arg22: memref<!tpu.dma_semaphore, #tpu.memory_space<semaphore_mem>>, %arg23: memref<10000xf32, #tpu.memory_space<vmem>>, %arg24: memref<16xf32, #tpu.memory_space<vmem>>, %arg25: memref<16x256xf32, #tpu.memory_space<vmem>>, %arg26: memref<10000xf32, #tpu.memory_space<vmem_shared>>, %arg27: memref<80xf32, #tpu.memory_space<vmem>>) attributes {dimension_semantics = [#tpu.dimension_semantics<core_parallel>, #tpu.dimension_semantics<subcore_parallel>], iteration_bounds = array<i64: 2, 16>, scalar_prefetch = 0 : i64, scratch_operands = 21 : i64, tpu.core_type = #tpu.core_type<sc_vector_subcore>, window_params = [{transform_indices = #map}, {transform_indices = #map}, {transform_indices = #map1}, {transform_indices = #map1}, {transform_indices = #map}]} {
    %iota3A = tpu.iota {dimensions = array<i32: 0>} : vector<16xi32>
    %broadcast_in_dim3A = arith.constant 0.000000e+00 : f32
    %broadcast_in_dim3A_0 = vector.broadcast %broadcast_in_dim3A : f32 to vector<16xf32>
    %sub3A = arith.constant 625 : i32
    %sub3A_1 = arith.subi %sub3A, %arg1 : i32
    %add3A = arith.constant 15 : i32
    %add3A_2 = arith.addi %sub3A_1, %add3A : i32
    %jit3A = arith.constant 16 : i32
    %div3A = arith.divsi %add3A_2, %jit3A : i32
    %sign3A = arith.constant 0 : i32
    %sign3A_3 = arith.cmpi sgt, %add3A_2, %sign3A : i32
    %sign3A_4 = arith.extui %sign3A_3 : i1 to i32
    %sign3A_5 = arith.constant 0 : i32
    %sign3A_6 = arith.cmpi slt, %add3A_2, %sign3A_5 : i32
    %sign3A_7 = arith.extui %sign3A_6 : i1 to i32
    %sign3A_8 = arith.subi %sign3A_4, %sign3A_7 : i32
    %sign3A_9 = arith.constant 0 : i32
    %sign3A_10 = arith.cmpi sgt, %jit3A, %sign3A_9 : i32
    %sign3A_11 = arith.extui %sign3A_10 : i1 to i32
    %sign3A_12 = arith.constant 0 : i32
    %sign3A_13 = arith.cmpi slt, %jit3A, %sign3A_12 : i32
    %sign3A_14 = arith.extui %sign3A_13 : i1 to i32
    %sign3A_15 = arith.subi %sign3A_11, %sign3A_14 : i32
    %ne3A = arith.cmpi ne, %sign3A_8, %sign3A_15 : i32
    %rem3A = arith.remsi %add3A_2, %jit3A : i32
    %ne3A_16 = arith.constant 0 : i32
    %ne3A_17 = arith.cmpi ne, %rem3A, %ne3A_16 : i32
    %and3A = arith.andi %ne3A, %ne3A_17 : i1
    %sub3A_18 = arith.constant 1 : i32
    %sub3A_19 = arith.subi %div3A, %sub3A_18 : i32
    %select_n3A = arith.select %and3A, %sub3A_19, %div3A : i32
    %while3A = arith.constant 0 : i32
    %while3A_20 = arith.constant 0 : i32
    %while3A_21 = arith.subi %select_n3A, %while3A : i32
    %while3A_22 = arith.addi %while3A, %while3A_21 : i32
    %while3A_23 = arith.constant 1 : i32
    %while3A_24 = arith.divsi %while3A_21, %while3A_23 : i32
    %while3A_25 = arith.muli %while3A_24, %while3A_23 : i32
    %while3A_26 = arith.addi %while3A, %while3A_25 : i32
    %while3A_27 = arith.constant 1 : i32
    %while3A_28 = scf.for %while3A_209 = %while3A to %while3A_26 step %while3A_27 iter_args(%while3A_210 = %while3A_20) -> (i32)  : i32 {
      %mul3A_211 = arith.constant 16 : i32
      %mul3A_212 = arith.muli %mul3A_211, %while3A_209 : i32
      %add3A_213 = arith.addi %arg1, %mul3A_212 : i32
      %mul3A_214 = arith.constant 16 : i32
      %mul3A_215 = arith.muli %add3A_213, %mul3A_214 : i32
      "tpu.region"() ({
        %run_scoped3A = tpu.sem_alloc : memref<!tpu.dma_semaphore, #tpu.memory_space<semaphore_mem>>
        %dma_start3A_229 = arith.constant 0 : i32
        %dma_start3A_230 = tpu.memref_slice %arg2[%mul3A_215, %dma_start3A_229] : memref<10000x256xf32, #tpu.memory_space<hbm>> -> memref<16x256xf32, #tpu.memory_space<hbm>>
        %dma_start3A_231 = arith.constant 0 : i32
        %dma_start3A_232 = tpu.memref_slice %arg2[%mul3A_215, %dma_start3A_231] : memref<10000x256xf32, #tpu.memory_space<hbm>> -> memref<16x256xf32, #tpu.memory_space<hbm>>
        tpu.enqueue_dma source(%dma_start3A_232 : memref<16x256xf32, #tpu.memory_space<hbm>>) target(%arg25 : memref<16x256xf32, #tpu.memory_space<vmem>>) target_semaphore(%run_scoped3A : memref<!tpu.dma_semaphore, #tpu.memory_space<semaphore_mem>>)
        %dma_wait3A_233 = arith.constant 0 : i32
        %dma_wait3A_234 = tpu.memref_slice %arg2[%mul3A_215, %dma_wait3A_233] : memref<10000x256xf32, #tpu.memory_space<hbm>> -> memref<16x256xf32, #tpu.memory_space<hbm>>
        %dma_wait3A_235 = arith.constant 0 : i32
        %dma_wait3A_236 = tpu.memref_slice %arg2[%mul3A_215, %dma_wait3A_235] : memref<10000x256xf32, #tpu.memory_space<hbm>> -> memref<16x256xf32, #tpu.memory_space<hbm>>
        tpu.wait_dma2 semaphore(%run_scoped3A : memref<!tpu.dma_semaphore, #tpu.memory_space<semaphore_mem>>) src(%dma_wait3A_236 : memref<16x256xf32, #tpu.memory_space<hbm>>) dst(%arg25 : memref<16x256xf32, #tpu.memory_space<vmem>>)
        tpu.yield
      }) : () -> ()
      %broadcast_in_dim3A_216 = arith.constant 0xFF800000 : f32
      %broadcast_in_dim3A_217 = vector.broadcast %broadcast_in_dim3A_216 : f32 to vector<16xf32>
      %scan3A_218 = arith.constant 0 : i32
      %scan3A_219 = arith.constant 16 : i32
      %scan3A_220 = arith.addi %scan3A_218, %scan3A_219 : i32
      %scan3A_221 = arith.constant 1 : i32
      %scan3A_222 = scf.for %scan3A_229 = %scan3A_218 to %scan3A_220 step %scan3A_221 iter_args(%scan3A_230 = %broadcast_in_dim3A_217) -> (vector<16xf32>)  : i32 {
        %get3A = arith.index_cast %scan3A_229 : i32 to index
        %get3A_231 = arith.constant 0 : index
        %get3A_232 = tpu.vector_load %arg25[%get3A, %get3A_231] {strides = array<i32>} : memref<16x256xf32, #tpu.memory_space<vmem>>, vector<16xf32>,
        %get3A_233 = arith.index_cast %scan3A_229 : i32 to index
        %get3A_234 = arith.constant 16 : index
        %get3A_235 = tpu.vector_load %arg25[%get3A_233, %get3A_234] {strides = array<i32>} : memref<16x256xf32, #tpu.memory_space<vmem>>, vector<16xf32>,
        %max3A = arith.maximumf %get3A_232, %get3A_235 : vector<16xf32>
        %get3A_236 = arith.index_cast %scan3A_229 : i32 to index
        %get3A_237 = arith.constant 32 : index
        %get3A_238 = tpu.vector_load %arg25[%get3A_236, %get3A_237] {strides = array<i32>} : memref<16x256xf32, #tpu.memory_space<vmem>>, vector<16xf32>,
        %max3A_239 = arith.maximumf %max3A, %get3A_238 : vector<16xf32>
        %get3A_240 = arith.index_cast %scan3A_229 : i32 to index
        %get3A_241 = arith.constant 48 : index
        %get3A_242 = tpu.vector_load %arg25[%get3A_240, %get3A_241] {strides = array<i32>} : memref<16x256xf32, #tpu.memory_space<vmem>>, vector<16xf32>,
        %max3A_243 = arith.maximumf %max3A_239, %get3A_242 : vector<16xf32>
        %get3A_244 = arith.index_cast %scan3A_229 : i32 to index
        %get3A_245 = arith.constant 64 : index
        %get3A_246 = tpu.vector_load %arg25[%get3A_244, %get3A_245] {strides = array<i32>} : memref<16x256xf32, #tpu.memory_space<vmem>>, vector<16xf32>,
        %max3A_247 = arith.maximumf %max3A_243, %get3A_246 : vector<16xf32>
        %get3A_248 = arith.index_cast %scan3A_229 : i32 to index
        %get3A_249 = arith.constant 80 : index
        %get3A_250 = tpu.vector_load %arg25[%get3A_248, %get3A_249] {strides = array<i32>} : memref<16x256xf32, #tpu.memory_space<vmem>>, vector<16xf32>,
        %max3A_251 = arith.maximumf %max3A_247, %get3A_250 : vector<16xf32>
        %get3A_252 = arith.index_cast %scan3A_229 : i32 to index
        %get3A_253 = arith.constant 96 : index
        %get3A_254 = tpu.vector_load %arg25[%get3A_252, %get3A_253] {strides = array<i32>} : memref<16x256xf32, #tpu.memory_space<vmem>>, vector<16xf32>,
        %max3A_255 = arith.maximumf %max3A_251, %get3A_254 : vector<16xf32>
        %get3A_256 = arith.index_cast %scan3A_229 : i32 to index
        %get3A_257 = arith.constant 112 : index
        %get3A_258 = tpu.vector_load %arg25[%get3A_256, %get3A_257] {strides = array<i32>} : memref<16x256xf32, #tpu.memory_space<vmem>>, vector<16xf32>,
        %max3A_259 = arith.maximumf %max3A_255, %get3A_258 : vector<16xf32>
        %get3A_260 = arith.index_cast %scan3A_229 : i32 to index
        %get3A_261 = arith.constant 128 : index
        %get3A_262 = tpu.vector_load %arg25[%get3A_260, %get3A_261] {strides = array<i32>} : memref<16x256xf32, #tpu.memory_space<vmem>>, vector<16xf32>,
        %max3A_263 = arith.maximumf %max3A_259, %get3A_262 : vector<16xf32>
        %get3A_264 = arith.index_cast %scan3A_229 : i32 to index
        %get3A_265 = arith.constant 144 : index
        %get3A_266 = tpu.vector_load %arg25[%get3A_264, %get3A_265] {strides = array<i32>} : memref<16x256xf32, #tpu.memory_space<vmem>>, vector<16xf32>,
        %max3A_267 = arith.maximumf %max3A_263, %get3A_266 : vector<16xf32>
        %get3A_268 = arith.index_cast %scan3A_229 : i32 to index
        %get3A_269 = arith.constant 160 : index
        %get3A_270 = tpu.vector_load %arg25[%get3A_268, %get3A_269] {strides = array<i32>} : memref<16x256xf32, #tpu.memory_space<vmem>>, vector<16xf32>,
        %max3A_271 = arith.maximumf %max3A_267, %get3A_270 : vector<16xf32>
        %get3A_272 = arith.index_cast %scan3A_229 : i32 to index
        %get3A_273 = arith.constant 176 : index
        %get3A_274 = tpu.vector_load %arg25[%get3A_272, %get3A_273] {strides = array<i32>} : memref<16x256xf32, #tpu.memory_space<vmem>>, vector<16xf32>,
        %max3A_275 = arith.maximumf %max3A_271, %get3A_274 : vector<16xf32>
        %get3A_276 = arith.index_cast %scan3A_229 : i32 to index
        %get3A_277 = arith.constant 192 : index
        %get3A_278 = tpu.vector_load %arg25[%get3A_276, %get3A_277] {strides = array<i32>} : memref<16x256xf32, #tpu.memory_space<vmem>>, vector<16xf32>,
        %max3A_279 = arith.maximumf %max3A_275, %get3A_278 : vector<16xf32>
        %get3A_280 = arith.index_cast %scan3A_229 : i32 to index
        %get3A_281 = arith.constant 208 : index
        %get3A_282 = tpu.vector_load %arg25[%get3A_280, %get3A_281] {strides = array<i32>} : memref<16x256xf32, #tpu.memory_space<vmem>>, vector<16xf32>,
        %max3A_283 = arith.maximumf %max3A_279, %get3A_282 : vector<16xf32>
        %get3A_284 = arith.index_cast %scan3A_229 : i32 to index
        %get3A_285 = arith.constant 224 : index
        %get3A_286 = tpu.vector_load %arg25[%get3A_284, %get3A_285] {strides = array<i32>} : memref<16x256xf32, #tpu.memory_space<vmem>>, vector<16xf32>,
        %max3A_287 = arith.maximumf %max3A_283, %get3A_286 : vector<16xf32>
        %get3A_288 = arith.index_cast %scan3A_229 : i32 to index
        %get3A_289 = arith.constant 240 : index
        %get3A_290 = tpu.vector_load %arg25[%get3A_288, %get3A_289] {strides = array<i32>} : memref<16x256xf32, #tpu.memory_space<vmem>>, vector<16xf32>,
        %max3A_291 = arith.maximumf %max3A_287, %get3A_290 : vector<16xf32>
        %eq3A = vector.broadcast %scan3A_229 : i32 to vector<16xi32>
        %eq3A_292 = arith.cmpi eq, %iota3A, %eq3A : vector<16xi32>
        %reduce_max3A = arith.constant true
        %reduce_max3A_293 = vector.broadcast %reduce_max3A : i1 to vector<16xi1>
        %reduce_max3A_294 = tpu.scan <max>, %max3A_291 masked %reduce_max3A_293 : vector<16xf32>, vector<16xi1> -> vector<16xf32>
        %reduce_max3A_295 = vector.extract %reduce_max3A_294[15] : f32 from vector<16xf32>
        %broadcast_in_dim3A_296 = vector.broadcast %reduce_max3A_295 : f32 to vector<16xf32>
        %select_n3A_297 = arith.select %eq3A_292, %broadcast_in_dim3A_296, %scan3A_230 : vector<16xi1>, vector<16xf32>
        scf.yield %select_n3A_297 : vector<16xf32>
      }
      %scan3A_223 = arith.constant 16 : i32
      %mul3A_224 = arith.constant 0.949999988 : f32
      %mul3A_225 = vector.broadcast %mul3A_224 : f32 to vector<16xf32>
      %mul3A_226 = arith.mulf %mul3A_225, %scan3A_222 : vector<16xf32>
      %swap3A = arith.constant 0 : index
      %swap3A_227 = tpu.vector_load %arg24[%swap3A] {strides = array<i32>} : memref<16xf32, #tpu.memory_space<vmem>>, vector<16xf32>,
      tpu.vector_store %arg24[%swap3A], %mul3A_226 {strides = array<i32>} : memref<16xf32, #tpu.memory_space<vmem>>, vector<16xf32>,
      "tpu.region"() ({
        %run_scoped3A = tpu.sem_alloc : memref<!tpu.dma_semaphore, #tpu.memory_space<semaphore_mem>>
        %dma_start3A_229 = tpu.memref_slice %arg26[%mul3A_215] : memref<10000xf32, #tpu.memory_space<vmem_shared>> -> memref<16xf32, #tpu.memory_space<vmem_shared>>
        %dma_start3A_230 = tpu.memref_slice %arg26[%mul3A_215] : memref<10000xf32, #tpu.memory_space<vmem_shared>> -> memref<16xf32, #tpu.memory_space<vmem_shared>>
        tpu.enqueue_dma source(%arg24 : memref<16xf32, #tpu.memory_space<vmem>>) target(%dma_start3A_230 : memref<16xf32, #tpu.memory_space<vmem_shared>>) target_semaphore(%run_scoped3A : memref<!tpu.dma_semaphore, #tpu.memory_space<semaphore_mem>>)
        %dma_wait3A_231 = tpu.memref_slice %arg26[%mul3A_215] : memref<10000xf32, #tpu.memory_space<vmem_shared>> -> memref<16xf32, #tpu.memory_space<vmem_shared>>
        %dma_wait3A_232 = tpu.memref_slice %arg26[%mul3A_215] : memref<10000xf32, #tpu.memory_space<vmem_shared>> -> memref<16xf32, #tpu.memory_space<vmem_shared>>
        tpu.wait_dma2 semaphore(%run_scoped3A : memref<!tpu.dma_semaphore, #tpu.memory_space<semaphore_mem>>) src(%arg24 : memref<16xf32, #tpu.memory_space<vmem>>) dst(%dma_wait3A_232 : memref<16xf32, #tpu.memory_space<vmem_shared>>)
        tpu.yield
      }) : () -> ()
      %while3A_228 = arith.constant 0 : i32
      scf.yield %while3A_228 : i32
    }
    %while3A_29 = arith.constant 1 : i32
    %while3A_30 = scf.for %while3A_209 = %while3A_26 to %while3A_22 step %while3A_29 iter_args(%while3A_210 = %while3A_28) -> (i32)  : i32 {
      %mul3A_211 = arith.constant 16 : i32
      %mul3A_212 = arith.muli %mul3A_211, %while3A_209 : i32
      %add3A_213 = arith.addi %arg1, %mul3A_212 : i32
      %mul3A_214 = arith.constant 16 : i32
      %mul3A_215 = arith.muli %add3A_213, %mul3A_214 : i32
      "tpu.region"() ({
        %run_scoped3A = tpu.sem_alloc : memref<!tpu.dma_semaphore, #tpu.memory_space<semaphore_mem>>
        %dma_start3A_229 = arith.constant 0 : i32
        %dma_start3A_230 = tpu.memref_slice %arg2[%mul3A_215, %dma_start3A_229] : memref<10000x256xf32, #tpu.memory_space<hbm>> -> memref<16x256xf32, #tpu.memory_space<hbm>>
        %dma_start3A_231 = arith.constant 0 : i32
        %dma_start3A_232 = tpu.memref_slice %arg2[%mul3A_215, %dma_start3A_231] : memref<10000x256xf32, #tpu.memory_space<hbm>> -> memref<16x256xf32, #tpu.memory_space<hbm>>
        tpu.enqueue_dma source(%dma_start3A_232 : memref<16x256xf32, #tpu.memory_space<hbm>>) target(%arg25 : memref<16x256xf32, #tpu.memory_space<vmem>>) target_semaphore(%run_scoped3A : memref<!tpu.dma_semaphore, #tpu.memory_space<semaphore_mem>>)
        %dma_wait3A_233 = arith.constant 0 : i32
        %dma_wait3A_234 = tpu.memref_slice %arg2[%mul3A_215, %dma_wait3A_233] : memref<10000x256xf32, #tpu.memory_space<hbm>> -> memref<16x256xf32, #tpu.memory_space<hbm>>
        %dma_wait3A_235 = arith.constant 0 : i32
        %dma_wait3A_236 = tpu.memref_slice %arg2[%mul3A_215, %dma_wait3A_235] : memref<10000x256xf32, #tpu.memory_space<hbm>> -> memref<16x256xf32, #tpu.memory_space<hbm>>
        tpu.wait_dma2 semaphore(%run_scoped3A : memref<!tpu.dma_semaphore, #tpu.memory_space<semaphore_mem>>) src(%dma_wait3A_236 : memref<16x256xf32, #tpu.memory_space<hbm>>) dst(%arg25 : memref<16x256xf32, #tpu.memory_space<vmem>>)
        tpu.yield
      }) : () -> ()
      %broadcast_in_dim3A_216 = arith.constant 0xFF800000 : f32
      %broadcast_in_dim3A_217 = vector.broadcast %broadcast_in_dim3A_216 : f32 to vector<16xf32>
      %scan3A_218 = arith.constant 0 : i32
      %scan3A_219 = arith.constant 16 : i32
      %scan3A_220 = arith.addi %scan3A_218, %scan3A_219 : i32
      %scan3A_221 = arith.constant 1 : i32
      %scan3A_222 = scf.for %scan3A_229 = %scan3A_218 to %scan3A_220 step %scan3A_221 iter_args(%scan3A_230 = %broadcast_in_dim3A_217) -> (vector<16xf32>)  : i32 {
        %get3A = arith.index_cast %scan3A_229 : i32 to index
        %get3A_231 = arith.constant 0 : index
        %get3A_232 = tpu.vector_load %arg25[%get3A, %get3A_231] {strides = array<i32>} : memref<16x256xf32, #tpu.memory_space<vmem>>, vector<16xf32>,
        %get3A_233 = arith.index_cast %scan3A_229 : i32 to index
        %get3A_234 = arith.constant 16 : index
        %get3A_235 = tpu.vector_load %arg25[%get3A_233, %get3A_234] {strides = array<i32>} : memref<16x256xf32, #tpu.memory_space<vmem>>, vector<16xf32>,
        %max3A = arith.maximumf %get3A_232, %get3A_235 : vector<16xf32>
        %get3A_236 = arith.index_cast %scan3A_229 : i32 to index
        %get3A_237 = arith.constant 32 : index
        %get3A_238 = tpu.vector_load %arg25[%get3A_236, %get3A_237] {strides = array<i32>} : memref<16x256xf32, #tpu.memory_space<vmem>>, vector<16xf32>,
        %max3A_239 = arith.maximumf %max3A, %get3A_238 : vector<16xf32>
        %get3A_240 = arith.index_cast %scan3A_229 : i32 to index
        %get3A_241 = arith.constant 48 : index
        %get3A_242 = tpu.vector_load %arg25[%get3A_240, %get3A_241] {strides = array<i32>} : memref<16x256xf32, #tpu.memory_space<vmem>>, vector<16xf32>,
        %max3A_243 = arith.maximumf %max3A_239, %get3A_242 : vector<16xf32>
        %get3A_244 = arith.index_cast %scan3A_229 : i32 to index
        %get3A_245 = arith.constant 64 : index
        %get3A_246 = tpu.vector_load %arg25[%get3A_244, %get3A_245] {strides = array<i32>} : memref<16x256xf32, #tpu.memory_space<vmem>>, vector<16xf32>,
        %max3A_247 = arith.maximumf %max3A_243, %get3A_246 : vector<16xf32>
        %get3A_248 = arith.index_cast %scan3A_229 : i32 to index
        %get3A_249 = arith.constant 80 : index
        %get3A_250 = tpu.vector_load %arg25[%get3A_248, %get3A_249] {strides = array<i32>} : memref<16x256xf32, #tpu.memory_space<vmem>>, vector<16xf32>,
        %max3A_251 = arith.maximumf %max3A_247, %get3A_250 : vector<16xf32>
        %get3A_252 = arith.index_cast %scan3A_229 : i32 to index
        %get3A_253 = arith.constant 96 : index
        %get3A_254 = tpu.vector_load %arg25[%get3A_252, %get3A_253] {strides = array<i32>} : memref<16x256xf32, #tpu.memory_space<vmem>>, vector<16xf32>,
        %max3A_255 = arith.maximumf %max3A_251, %get3A_254 : vector<16xf32>
        %get3A_256 = arith.index_cast %scan3A_229 : i32 to index
        %get3A_257 = arith.constant 112 : index
        %get3A_258 = tpu.vector_load %arg25[%get3A_256, %get3A_257] {strides = array<i32>} : memref<16x256xf32, #tpu.memory_space<vmem>>, vector<16xf32>,
        %max3A_259 = arith.maximumf %max3A_255, %get3A_258 : vector<16xf32>
        %get3A_260 = arith.index_cast %scan3A_229 : i32 to index
        %get3A_261 = arith.constant 128 : index
        %get3A_262 = tpu.vector_load %arg25[%get3A_260, %get3A_261] {strides = array<i32>} : memref<16x256xf32, #tpu.memory_space<vmem>>, vector<16xf32>,
        %max3A_263 = arith.maximumf %max3A_259, %get3A_262 : vector<16xf32>
        %get3A_264 = arith.index_cast %scan3A_229 : i32 to index
        %get3A_265 = arith.constant 144 : index
        %get3A_266 = tpu.vector_load %arg25[%get3A_264, %get3A_265] {strides = array<i32>} : memref<16x256xf32, #tpu.memory_space<vmem>>, vector<16xf32>,
        %max3A_267 = arith.maximumf %max3A_263, %get3A_266 : vector<16xf32>
        %get3A_268 = arith.index_cast %scan3A_229 : i32 to index
        %get3A_269 = arith.constant 160 : index
        %get3A_270 = tpu.vector_load %arg25[%get3A_268, %get3A_269] {strides = array<i32>} : memref<16x256xf32, #tpu.memory_space<vmem>>, vector<16xf32>,
        %max3A_271 = arith.maximumf %max3A_267, %get3A_270 : vector<16xf32>
        %get3A_272 = arith.index_cast %scan3A_229 : i32 to index
        %get3A_273 = arith.constant 176 : index
        %get3A_274 = tpu.vector_load %arg25[%get3A_272, %get3A_273] {strides = array<i32>} : memref<16x256xf32, #tpu.memory_space<vmem>>, vector<16xf32>,
        %max3A_275 = arith.maximumf %max3A_271, %get3A_274 : vector<16xf32>
        %get3A_276 = arith.index_cast %scan3A_229 : i32 to index
        %get3A_277 = arith.constant 192 : index
        %get3A_278 = tpu.vector_load %arg25[%get3A_276, %get3A_277] {strides = array<i32>} : memref<16x256xf32, #tpu.memory_space<vmem>>, vector<16xf32>,
        %max3A_279 = arith.maximumf %max3A_275, %get3A_278 : vector<16xf32>
        %get3A_280 = arith.index_cast %scan3A_229 : i32 to index
        %get3A_281 = arith.constant 208 : index
        %get3A_282 = tpu.vector_load %arg25[%get3A_280, %get3A_281] {strides = array<i32>} : memref<16x256xf32, #tpu.memory_space<vmem>>, vector<16xf32>,
        %max3A_283 = arith.maximumf %max3A_279, %get3A_282 : vector<16xf32>
        %get3A_284 = arith.index_cast %scan3A_229 : i32 to index
        %get3A_285 = arith.constant 224 : index
        %get3A_286 = tpu.vector_load %arg25[%get3A_284, %get3A_285] {strides = array<i32>} : memref<16x256xf32, #tpu.memory_space<vmem>>, vector<16xf32>,
        %max3A_287 = arith.maximumf %max3A_283, %get3A_286 : vector<16xf32>
        %get3A_288 = arith.index_cast %scan3A_229 : i32 to index
        %get3A_289 = arith.constant 240 : index
        %get3A_290 = tpu.vector_load %arg25[%get3A_288, %get3A_289] {strides = array<i32>} : memref<16x256xf32, #tpu.memory_space<vmem>>, vector<16xf32>,
        %max3A_291 = arith.maximumf %max3A_287, %get3A_290 : vector<16xf32>
        %eq3A = vector.broadcast %scan3A_229 : i32 to vector<16xi32>
        %eq3A_292 = arith.cmpi eq, %iota3A, %eq3A : vector<16xi32>
        %reduce_max3A = arith.constant true
        %reduce_max3A_293 = vector.broadcast %reduce_max3A : i1 to vector<16xi1>
        %reduce_max3A_294 = tpu.scan <max>, %max3A_291 masked %reduce_max3A_293 : vector<16xf32>, vector<16xi1> -> vector<16xf32>
        %reduce_max3A_295 = vector.extract %reduce_max3A_294[15] : f32 from vector<16xf32>
        %broadcast_in_dim3A_296 = vector.broadcast %reduce_max3A_295 : f32 to vector<16xf32>
        %select_n3A_297 = arith.select %eq3A_292, %broadcast_in_dim3A_296, %scan3A_230 : vector<16xi1>, vector<16xf32>
        scf.yield %select_n3A_297 : vector<16xf32>
      }
      %scan3A_223 = arith.constant 16 : i32
      %mul3A_224 = arith.constant 0.949999988 : f32
      %mul3A_225 = vector.broadcast %mul3A_224 : f32 to vector<16xf32>
      %mul3A_226 = arith.mulf %mul3A_225, %scan3A_222 : vector<16xf32>
      %swap3A = arith.constant 0 : index
      %swap3A_227 = tpu.vector_load %arg24[%swap3A] {strides = array<i32>} : memref<16xf32, #tpu.memory_space<vmem>>, vector<16xf32>,
      tpu.vector_store %arg24[%swap3A], %mul3A_226 {strides = array<i32>} : memref<16xf32, #tpu.memory_space<vmem>>, vector<16xf32>,
      "tpu.region"() ({
        %run_scoped3A = tpu.sem_alloc : memref<!tpu.dma_semaphore, #tpu.memory_space<semaphore_mem>>
        %dma_start3A_229 = tpu.memref_slice %arg26[%mul3A_215] : memref<10000xf32, #tpu.memory_space<vmem_shared>> -> memref<16xf32, #tpu.memory_space<vmem_shared>>
        %dma_start3A_230 = tpu.memref_slice %arg26[%mul3A_215] : memref<10000xf32, #tpu.memory_space<vmem_shared>> -> memref<16xf32, #tpu.memory_space<vmem_shared>>
        tpu.enqueue_dma source(%arg24 : memref<16xf32, #tpu.memory_space<vmem>>) target(%dma_start3A_230 : memref<16xf32, #tpu.memory_space<vmem_shared>>) target_semaphore(%run_scoped3A : memref<!tpu.dma_semaphore, #tpu.memory_space<semaphore_mem>>)
        %dma_wait3A_231 = tpu.memref_slice %arg26[%mul3A_215] : memref<10000xf32, #tpu.memory_space<vmem_shared>> -> memref<16xf32, #tpu.memory_space<vmem_shared>>
        %dma_wait3A_232 = tpu.memref_slice %arg26[%mul3A_215] : memref<10000xf32, #tpu.memory_space<vmem_shared>> -> memref<16xf32, #tpu.memory_space<vmem_shared>>
        tpu.wait_dma2 semaphore(%run_scoped3A : memref<!tpu.dma_semaphore, #tpu.memory_space<semaphore_mem>>) src(%arg24 : memref<16xf32, #tpu.memory_space<vmem>>) dst(%dma_wait3A_232 : memref<16xf32, #tpu.memory_space<vmem_shared>>)
        tpu.yield
      }) : () -> ()
      %while3A_228 = arith.constant 0 : i32
      scf.yield %while3A_228 : i32
    }
    %barrier3A = arith.constant 0 : index
    tpu.barrier barrier_id(%barrier3A)
    "tpu.region"() ({
      %run_scoped3A = tpu.sem_alloc : memref<!tpu.dma_semaphore, #tpu.memory_space<semaphore_mem>>
      tpu.enqueue_dma source(%arg26 : memref<10000xf32, #tpu.memory_space<vmem_shared>>) target(%arg23 : memref<10000xf32, #tpu.memory_space<vmem>>) target_semaphore(%run_scoped3A : memref<!tpu.dma_semaphore, #tpu.memory_space<semaphore_mem>>)
      tpu.wait_dma2 semaphore(%run_scoped3A : memref<!tpu.dma_semaphore, #tpu.memory_space<semaphore_mem>>) src(%arg26 : memref<10000xf32, #tpu.memory_space<vmem_shared>>) dst(%arg23 : memref<10000xf32, #tpu.memory_space<vmem>>)
      tpu.yield
    }) : () -> ()
    %sub3A_31 = arith.constant 125 : i32
    %sub3A_32 = arith.subi %sub3A_31, %arg1 : i32
    %add3A_33 = arith.constant 15 : i32
    %add3A_34 = arith.addi %sub3A_32, %add3A_33 : i32
    %jit3A_35 = arith.constant 16 : i32
    %div3A_36 = arith.divsi %add3A_34, %jit3A_35 : i32
    %sign3A_37 = arith.constant 0 : i32
    %sign3A_38 = arith.cmpi sgt, %add3A_34, %sign3A_37 : i32
    %sign3A_39 = arith.extui %sign3A_38 : i1 to i32
    %sign3A_40 = arith.constant 0 : i32
    %sign3A_41 = arith.cmpi slt, %add3A_34, %sign3A_40 : i32
    %sign3A_42 = arith.extui %sign3A_41 : i1 to i32
    %sign3A_43 = arith.subi %sign3A_39, %sign3A_42 : i32
    %sign3A_44 = arith.constant 0 : i32
    %sign3A_45 = arith.cmpi sgt, %jit3A_35, %sign3A_44 : i32
    %sign3A_46 = arith.extui %sign3A_45 : i1 to i32
    %sign3A_47 = arith.constant 0 : i32
    %sign3A_48 = arith.cmpi slt, %jit3A_35, %sign3A_47 : i32
    %sign3A_49 = arith.extui %sign3A_48 : i1 to i32
    %sign3A_50 = arith.subi %sign3A_46, %sign3A_49 : i32
    %ne3A_51 = arith.cmpi ne, %sign3A_43, %sign3A_50 : i32
    %rem3A_52 = arith.remsi %add3A_34, %jit3A_35 : i32
    %ne3A_53 = arith.constant 0 : i32
    %ne3A_54 = arith.cmpi ne, %rem3A_52, %ne3A_53 : i32
    %and3A_55 = arith.andi %ne3A_51, %ne3A_54 : i1
    %sub3A_56 = arith.constant 1 : i32
    %sub3A_57 = arith.subi %div3A_36, %sub3A_56 : i32
    %select_n3A_58 = arith.select %and3A_55, %sub3A_57, %div3A_36 : i32
    %add3A_59 = arith.constant 0 : i32
    %add3A_60 = arith.addi %add3A_59, %arg0 : i32
    %mul3A = arith.constant 64 : i32
    %mul3A_61 = arith.muli %mul3A, %add3A_60 : i32
    %barrier3A_62 = arith.constant 0 : index
    tpu.barrier barrier_id(%barrier3A_62)
    %scan3A = arith.constant 0 : i32
    %scan3A_63 = arith.constant 0 : i32
    %scan3A_64 = arith.constant 80 : i32
    %scan3A_65 = arith.addi %scan3A_63, %scan3A_64 : i32
    %scan3A_66 = arith.constant 1 : i32
    %scan3A_67 = scf.for %scan3A_209 = %scan3A_63 to %scan3A_65 step %scan3A_66 iter_args(%scan3A_210 = %scan3A) -> (i32)  : i32 {
      %swap3A = arith.index_cast %scan3A_209 : i32 to index
      %swap3A_211 = arith.constant 0 : index
      %swap3A_212 = tpu.vector_load %arg13[%swap3A, %swap3A_211] {strides = array<i32>} : memref<80x128xf32, #tpu.memory_space<vmem>>, vector<16xf32>,
      tpu.vector_store %arg13[%swap3A, %swap3A_211], %broadcast_in_dim3A_0 {strides = array<i32>} : memref<80x128xf32, #tpu.memory_space<vmem>>, vector<16xf32>,
      %swap3A_213 = arith.index_cast %scan3A_209 : i32 to index
      %swap3A_214 = arith.constant 16 : index
      %swap3A_215 = tpu.vector_load %arg13[%swap3A_213, %swap3A_214] {strides = array<i32>} : memref<80x128xf32, #tpu.memory_space<vmem>>, vector<16xf32>,
      tpu.vector_store %arg13[%swap3A_213, %swap3A_214], %broadcast_in_dim3A_0 {strides = array<i32>} : memref<80x128xf32, #tpu.memory_space<vmem>>, vector<16xf32>,
      %swap3A_216 = arith.index_cast %scan3A_209 : i32 to index
      %swap3A_217 = arith.constant 32 : index
      %swap3A_218 = tpu.vector_load %arg13[%swap3A_216, %swap3A_217] {strides = array<i32>} : memref<80x128xf32, #tpu.memory_space<vmem>>, vector<16xf32>,
      tpu.vector_store %arg13[%swap3A_216, %swap3A_217], %broadcast_in_dim3A_0 {strides = array<i32>} : memref<80x128xf32, #tpu.memory_space<vmem>>, vector<16xf32>,
      %swap3A_219 = arith.index_cast %scan3A_209 : i32 to index
      %swap3A_220 = arith.constant 48 : index
      %swap3A_221 = tpu.vector_load %arg13[%swap3A_219, %swap3A_220] {strides = array<i32>} : memref<80x128xf32, #tpu.memory_space<vmem>>, vector<16xf32>,
      tpu.vector_store %arg13[%swap3A_219, %swap3A_220], %broadcast_in_dim3A_0 {strides = array<i32>} : memref<80x128xf32, #tpu.memory_space<vmem>>, vector<16xf32>,
      %swap3A_222 = arith.index_cast %scan3A_209 : i32 to index
      %swap3A_223 = arith.constant 64 : index
      %swap3A_224 = tpu.vector_load %arg13[%swap3A_222, %swap3A_223] {strides = array<i32>} : memref<80x128xf32, #tpu.memory_space<vmem>>, vector<16xf32>,
      tpu.vector_store %arg13[%swap3A_222, %swap3A_223], %broadcast_in_dim3A_0 {strides = array<i32>} : memref<80x128xf32, #tpu.memory_space<vmem>>, vector<16xf32>,
      %swap3A_225 = arith.index_cast %scan3A_209 : i32 to index
      %swap3A_226 = arith.constant 80 : index
      %swap3A_227 = tpu.vector_load %arg13[%swap3A_225, %swap3A_226] {strides = array<i32>} : memref<80x128xf32, #tpu.memory_space<vmem>>, vector<16xf32>,
      tpu.vector_store %arg13[%swap3A_225, %swap3A_226], %broadcast_in_dim3A_0 {strides = array<i32>} : memref<80x128xf32, #tpu.memory_space<vmem>>, vector<16xf32>,
      %swap3A_228 = arith.index_cast %scan3A_209 : i32 to index
      %swap3A_229 = arith.constant 96 : index
      %swap3A_230 = tpu.vector_load %arg13[%swap3A_228, %swap3A_229] {strides = array<i32>} : memref<80x128xf32, #tpu.memory_space<vmem>>, vector<16xf32>,
      tpu.vector_store %arg13[%swap3A_228, %swap3A_229], %broadcast_in_dim3A_0 {strides = array<i32>} : memref<80x128xf32, #tpu.memory_space<vmem>>, vector<16xf32>,
      %swap3A_231 = arith.index_cast %scan3A_209 : i32 to index
      %swap3A_232 = arith.constant 112 : index
      %swap3A_233 = tpu.vector_load %arg13[%swap3A_231, %swap3A_232] {strides = array<i32>} : memref<80x128xf32, #tpu.memory_space<vmem>>, vector<16xf32>,
      tpu.vector_store %arg13[%swap3A_231, %swap3A_232], %broadcast_in_dim3A_0 {strides = array<i32>} : memref<80x128xf32, #tpu.memory_space<vmem>>, vector<16xf32>,
      %scan3A_234 = arith.constant 0 : i32
      scf.yield %scan3A_234 : i32
    }
    %scan3A_68 = arith.constant 80 : i32
    %while3A_69 = arith.constant 0 : i32
    %while3A_70 = arith.constant 0 : i32
    %while3A_71 = arith.subi %select_n3A_58, %while3A_69 : i32
    %while3A_72 = arith.addi %while3A_69, %while3A_71 : i32
    %while3A_73 = arith.constant 1 : i32
    %while3A_74 = arith.divsi %while3A_71, %while3A_73 : i32
    %while3A_75 = arith.muli %while3A_74, %while3A_73 : i32
    %while3A_76 = arith.addi %while3A_69, %while3A_75 : i32
    %while3A_77 = arith.constant 1 : i32
    %while3A_78 = scf.for %while3A_209 = %while3A_69 to %while3A_76 step %while3A_77 iter_args(%while3A_210 = %while3A_70) -> (i32)  : i32 {
      %mul3A_211 = arith.constant 16 : i32
      %mul3A_212 = arith.muli %mul3A_211, %while3A_209 : i32
      %add3A_213 = arith.addi %arg1, %mul3A_212 : i32
      %mul3A_214 = arith.constant 80 : i32
      %mul3A_215 = arith.muli %add3A_213, %mul3A_214 : i32
      "tpu.region"() ({
        %run_scoped3A = tpu.sem_alloc : memref<!tpu.dma_semaphore, #tpu.memory_space<semaphore_mem>>
        %dma_start3A_217 = arith.constant 0 : i32
        %dma_start3A_218 = tpu.memref_slice %arg7[%mul3A_215, %dma_start3A_217] : memref<10000x128xf32, #tpu.memory_space<vmem_shared>> -> memref<80x128xf32, #tpu.memory_space<vmem_shared>>
        %dma_start3A_219 = arith.constant 0 : i32
        %dma_start3A_220 = tpu.memref_slice %arg7[%mul3A_215, %dma_start3A_219] : memref<10000x128xf32, #tpu.memory_space<vmem_shared>> -> memref<80x128xf32, #tpu.memory_space<vmem_shared>>
        tpu.enqueue_dma source(%arg13 : memref<80x128xf32, #tpu.memory_space<vmem>>) target(%dma_start3A_220 : memref<80x128xf32, #tpu.memory_space<vmem_shared>>) target_semaphore(%run_scoped3A : memref<!tpu.dma_semaphore, #tpu.memory_space<semaphore_mem>>)
        %dma_wait3A_221 = arith.constant 0 : i32
        %dma_wait3A_222 = tpu.memref_slice %arg7[%mul3A_215, %dma_wait3A_221] : memref<10000x128xf32, #tpu.memory_space<vmem_shared>> -> memref<80x128xf32, #tpu.memory_space<vmem_shared>>
        %dma_wait3A_223 = arith.constant 0 : i32
        %dma_wait3A_224 = tpu.memref_slice %arg7[%mul3A_215, %dma_wait3A_223] : memref<10000x128xf32, #tpu.memory_space<vmem_shared>> -> memref<80x128xf32, #tpu.memory_space<vmem_shared>>
        tpu.wait_dma2 semaphore(%run_scoped3A : memref<!tpu.dma_semaphore, #tpu.memory_space<semaphore_mem>>) src(%arg13 : memref<80x128xf32, #tpu.memory_space<vmem>>) dst(%dma_wait3A_224 : memref<80x128xf32, #tpu.memory_space<vmem_shared>>)
        tpu.yield
      }) : () -> ()
      %while3A_216 = arith.constant 0 : i32
      scf.yield %while3A_216 : i32
    }
    %while3A_79 = arith.constant 1 : i32
    %while3A_80 = scf.for %while3A_209 = %while3A_76 to %while3A_72 step %while3A_79 iter_args(%while3A_210 = %while3A_78) -> (i32)  : i32 {
      %mul3A_211 = arith.constant 16 : i32
      %mul3A_212 = arith.muli %mul3A_211, %while3A_209 : i32
      %add3A_213 = arith.addi %arg1, %mul3A_212 : i32
      %mul3A_214 = arith.constant 80 : i32
      %mul3A_215 = arith.muli %add3A_213, %mul3A_214 : i32
      "tpu.region"() ({
        %run_scoped3A = tpu.sem_alloc : memref<!tpu.dma_semaphore, #tpu.memory_space<semaphore_mem>>
        %dma_start3A_217 = arith.constant 0 : i32
        %dma_start3A_218 = tpu.memref_slice %arg7[%mul3A_215, %dma_start3A_217] : memref<10000x128xf32, #tpu.memory_space<vmem_shared>> -> memref<80x128xf32, #tpu.memory_space<vmem_shared>>
        %dma_start3A_219 = arith.constant 0 : i32
        %dma_start3A_220 = tpu.memref_slice %arg7[%mul3A_215, %dma_start3A_219] : memref<10000x128xf32, #tpu.memory_space<vmem_shared>> -> memref<80x128xf32, #tpu.memory_space<vmem_shared>>
        tpu.enqueue_dma source(%arg13 : memref<80x128xf32, #tpu.memory_space<vmem>>) target(%dma_start3A_220 : memref<80x128xf32, #tpu.memory_space<vmem_shared>>) target_semaphore(%run_scoped3A : memref<!tpu.dma_semaphore, #tpu.memory_space<semaphore_mem>>)
        %dma_wait3A_221 = arith.constant 0 : i32
        %dma_wait3A_222 = tpu.memref_slice %arg7[%mul3A_215, %dma_wait3A_221] : memref<10000x128xf32, #tpu.memory_space<vmem_shared>> -> memref<80x128xf32, #tpu.memory_space<vmem_shared>>
        %dma_wait3A_223 = arith.constant 0 : i32
        %dma_wait3A_224 = tpu.memref_slice %arg7[%mul3A_215, %dma_wait3A_223] : memref<10000x128xf32, #tpu.memory_space<vmem_shared>> -> memref<80x128xf32, #tpu.memory_space<vmem_shared>>
        tpu.wait_dma2 semaphore(%run_scoped3A : memref<!tpu.dma_semaphore, #tpu.memory_space<semaphore_mem>>) src(%arg13 : memref<80x128xf32, #tpu.memory_space<vmem>>) dst(%dma_wait3A_224 : memref<80x128xf32, #tpu.memory_space<vmem_shared>>)
        tpu.yield
      }) : () -> ()
      %while3A_216 = arith.constant 0 : i32
      scf.yield %while3A_216 : i32
    }
    %barrier3A_81 = arith.constant 0 : index
    tpu.barrier barrier_id(%barrier3A_81)
    %mul3A_82 = arith.constant 10000 : i32
    %mul3A_83 = arith.muli %arg1, %mul3A_82 : i32
    %add3A_84 = arith.constant 0 : i32
    %add3A_85 = arith.addi %mul3A_83, %add3A_84 : i32
    %add3A_86 = arith.constant 256 : i32
    %add3A_87 = arith.addi %add3A_86, %mul3A_61 : i32
    %dma_start3A = tpu.memref_slice %arg4[%add3A_85] : memref<160000xi32, #tpu.memory_space<hbm>> -> memref<80xi32, #tpu.memory_space<hbm>>
    %dma_start3A_88 = tpu.memref_slice %arg4[%add3A_85] : memref<160000xi32, #tpu.memory_space<hbm>> -> memref<80xi32, #tpu.memory_space<hbm>>
    tpu.enqueue_dma source(%dma_start3A_88 : memref<80xi32, #tpu.memory_space<hbm>>) target(%arg17 : memref<80xi32, #tpu.memory_space<vmem>>) target_semaphore(%arg14 : memref<!tpu.dma_semaphore, #tpu.memory_space<semaphore_mem>>)
    %dma_start3A_89 = tpu.memref_slice %arg5[%add3A_85] : memref<160000xi32, #tpu.memory_space<hbm>> -> memref<80xi32, #tpu.memory_space<hbm>>
    %dma_start3A_90 = tpu.memref_slice %arg5[%add3A_85] : memref<160000xi32, #tpu.memory_space<hbm>> -> memref<80xi32, #tpu.memory_space<hbm>>
    tpu.enqueue_dma source(%dma_start3A_90 : memref<80xi32, #tpu.memory_space<hbm>>) target(%arg8 : memref<80xi32, #tpu.memory_space<vmem>>) target_semaphore(%arg14 : memref<!tpu.dma_semaphore, #tpu.memory_space<semaphore_mem>>)
    %dma_start3A_91 = arith.constant 0 : i32
    %dma_start3A_92 = arith.constant 0 : i32
    %dma_start3A_93 = tpu.memref_slice %arg11[%dma_start3A_91, %dma_start3A_92] : memref<80x128xf32, #tpu.memory_space<vmem>> -> memref<80x64xf32, #tpu.memory_space<vmem>>
    %dma_start3A_94 = tpu.memref_slice %arg3[%add3A_85, %mul3A_61] : memref<160000x512xf32, #tpu.memory_space<hbm>> -> memref<80x64xf32, #tpu.memory_space<hbm>>
    %dma_start3A_95 = arith.constant 0 : i32
    %dma_start3A_96 = arith.constant 0 : i32
    %dma_start3A_97 = tpu.memref_slice %arg11[%dma_start3A_95, %dma_start3A_96] : memref<80x128xf32, #tpu.memory_space<vmem>> -> memref<80x64xf32, #tpu.memory_space<vmem>>
    %dma_start3A_98 = tpu.memref_slice %arg3[%add3A_85, %mul3A_61] : memref<160000x512xf32, #tpu.memory_space<hbm>> -> memref<80x64xf32, #tpu.memory_space<hbm>>
    tpu.enqueue_dma source(%dma_start3A_98 : memref<80x64xf32, #tpu.memory_space<hbm>>) target(%dma_start3A_97 : memref<80x64xf32, #tpu.memory_space<vmem>>) target_semaphore(%arg14 : memref<!tpu.dma_semaphore, #tpu.memory_space<semaphore_mem>>)
    %dma_start3A_99 = arith.constant 0 : i32
    %dma_start3A_100 = arith.constant 64 : i32
    %dma_start3A_101 = tpu.memref_slice %arg11[%dma_start3A_99, %dma_start3A_100] : memref<80x128xf32, #tpu.memory_space<vmem>> -> memref<80x64xf32, #tpu.memory_space<vmem>>
    %dma_start3A_102 = tpu.memref_slice %arg3[%add3A_85, %add3A_87] : memref<160000x512xf32, #tpu.memory_space<hbm>> -> memref<80x64xf32, #tpu.memory_space<hbm>>
    %dma_start3A_103 = arith.constant 0 : i32
    %dma_start3A_104 = arith.constant 64 : i32
    %dma_start3A_105 = tpu.memref_slice %arg11[%dma_start3A_103, %dma_start3A_104] : memref<80x128xf32, #tpu.memory_space<vmem>> -> memref<80x64xf32, #tpu.memory_space<vmem>>
    %dma_start3A_106 = tpu.memref_slice %arg3[%add3A_85, %add3A_87] : memref<160000x512xf32, #tpu.memory_space<hbm>> -> memref<80x64xf32, #tpu.memory_space<hbm>>
    tpu.enqueue_dma source(%dma_start3A_106 : memref<80x64xf32, #tpu.memory_space<hbm>>) target(%dma_start3A_105 : memref<80x64xf32, #tpu.memory_space<vmem>>) target_semaphore(%arg14 : memref<!tpu.dma_semaphore, #tpu.memory_space<semaphore_mem>>)
    %scan3A_107 = arith.constant 0 : i32
    %scan3A_108 = arith.constant 0 : i32
    %scan3A_109 = arith.constant 42 : i32
    %scan3A_110 = arith.addi %scan3A_108, %scan3A_109 : i32
    %scan3A_111 = arith.constant 1 : i32
    %scan3A_112 = scf.for %scan3A_209 = %scan3A_108 to %scan3A_110 step %scan3A_111 iter_args(%scan3A_210 = %scan3A_107) -> (i32)  : i32 {
      %mul3A_211 = arith.constant 3 : i32
      %mul3A_212 = arith.muli %scan3A_209, %mul3A_211 : i32
      %add3A_213 = arith.constant 0 : i32
      %add3A_214 = arith.addi %mul3A_212, %add3A_213 : i32
      %lt3A = arith.constant 125 : i32
      %lt3A_215 = arith.cmpi slt, %add3A_214, %lt3A : i32
      %convert_element_type3A = arith.extui %lt3A_215 : i1 to i32
      %cond3A = arith.constant 0 : i32
      %cond3A_216 = arith.cmpi ne, %convert_element_type3A, %cond3A : i32
      scf.if %cond3A_216 {
        %ge3A = arith.constant 2 : i32
        %ge3A_236 = arith.cmpi sge, %add3A_214, %ge3A : i32
        %convert_element_type3A_237 = arith.extui %ge3A_236 : i1 to i32
        %cond3A_238 = arith.constant 0 : i32
        %cond3A_239 = arith.cmpi ne, %convert_element_type3A_237, %cond3A_238 : i32
        scf.if %cond3A_239 {
          %dma_wait3A_306 = arith.constant 0 : i32
          %dma_wait3A_307 = arith.constant 0 : i32
          %dma_wait3A_308 = tpu.memref_slice %arg7[%dma_wait3A_306, %dma_wait3A_307] : memref<10000x128xf32, #tpu.memory_space<vmem_shared>> -> memref<10000x128xf32, #tpu.memory_space<vmem_shared>>
          tpu.wait_indirect_dma semaphore(%arg21 : memref<!tpu.dma_semaphore, #tpu.memory_space<semaphore_mem>>) src(%arg12 : memref<80x128xf32, #tpu.memory_space<vmem>>) dst(%dma_wait3A_308 : memref<10000x128xf32, #tpu.memory_space<vmem_shared>>)
        } else {
        }
        %add3A_240 = arith.constant 1 : i32
        %add3A_241 = arith.addi %add3A_214, %add3A_240 : i32
        %lt3A_242 = arith.constant 125 : i32
        %lt3A_243 = arith.cmpi slt, %add3A_241, %lt3A_242 : i32
        %convert_element_type3A_244 = arith.extui %lt3A_243 : i1 to i32
        %cond3A_245 = arith.constant 0 : i32
        %cond3A_246 = arith.cmpi ne, %convert_element_type3A_244, %cond3A_245 : i32
        scf.if %cond3A_246 {
          %add3A_306 = arith.constant 1 : i32
          %add3A_307 = arith.addi %add3A_214, %add3A_306 : i32
          %mul3A_308 = arith.constant 10000 : i32
          %mul3A_309 = arith.muli %arg1, %mul3A_308 : i32
          %mul3A_310 = arith.constant 80 : i32
          %mul3A_311 = arith.muli %add3A_307, %mul3A_310 : i32
          %add3A_312 = arith.addi %mul3A_309, %mul3A_311 : i32
          %add3A_313 = arith.constant 256 : i32
          %add3A_314 = arith.addi %add3A_313, %mul3A_61 : i32
          %dma_start3A_315 = tpu.memref_slice %arg4[%add3A_312] : memref<160000xi32, #tpu.memory_space<hbm>> -> memref<80xi32, #tpu.memory_space<hbm>>
          %dma_start3A_316 = tpu.memref_slice %arg4[%add3A_312] : memref<160000xi32, #tpu.memory_space<hbm>> -> memref<80xi32, #tpu.memory_space<hbm>>
          tpu.enqueue_dma source(%dma_start3A_316 : memref<80xi32, #tpu.memory_space<hbm>>) target(%arg18 : memref<80xi32, #tpu.memory_space<vmem>>) target_semaphore(%arg15 : memref<!tpu.dma_semaphore, #tpu.memory_space<semaphore_mem>>)
          %dma_start3A_317 = tpu.memref_slice %arg5[%add3A_312] : memref<160000xi32, #tpu.memory_space<hbm>> -> memref<80xi32, #tpu.memory_space<hbm>>
          %dma_start3A_318 = tpu.memref_slice %arg5[%add3A_312] : memref<160000xi32, #tpu.memory_space<hbm>> -> memref<80xi32, #tpu.memory_space<hbm>>
          tpu.enqueue_dma source(%dma_start3A_318 : memref<80xi32, #tpu.memory_space<hbm>>) target(%arg9 : memref<80xi32, #tpu.memory_space<vmem>>) target_semaphore(%arg15 : memref<!tpu.dma_semaphore, #tpu.memory_space<semaphore_mem>>)
          %dma_start3A_319 = arith.constant 0 : i32
          %dma_start3A_320 = arith.constant 0 : i32
          %dma_start3A_321 = tpu.memref_slice %arg12[%dma_start3A_319, %dma_start3A_320] : memref<80x128xf32, #tpu.memory_space<vmem>> -> memref<80x64xf32, #tpu.memory_space<vmem>>
          %dma_start3A_322 = tpu.memref_slice %arg3[%add3A_312, %mul3A_61] : memref<160000x512xf32, #tpu.memory_space<hbm>> -> memref<80x64xf32, #tpu.memory_space<hbm>>
          %dma_start3A_323 = arith.constant 0 : i32
          %dma_start3A_324 = arith.constant 0 : i32
          %dma_start3A_325 = tpu.memref_slice %arg12[%dma_start3A_323, %dma_start3A_324] : memref<80x128xf32, #tpu.memory_space<vmem>> -> memref<80x64xf32, #tpu.memory_space<vmem>>
          %dma_start3A_326 = tpu.memref_slice %arg3[%add3A_312, %mul3A_61] : memref<160000x512xf32, #tpu.memory_space<hbm>> -> memref<80x64xf32, #tpu.memory_space<hbm>>
          tpu.enqueue_dma source(%dma_start3A_326 : memref<80x64xf32, #tpu.memory_space<hbm>>) target(%dma_start3A_325 : memref<80x64xf32, #tpu.memory_space<vmem>>) target_semaphore(%arg15 : memref<!tpu.dma_semaphore, #tpu.memory_space<semaphore_mem>>)
          %dma_start3A_327 = arith.constant 0 : i32
          %dma_start3A_328 = arith.constant 64 : i32
          %dma_start3A_329 = tpu.memref_slice %arg12[%dma_start3A_327, %dma_start3A_328] : memref<80x128xf32, #tpu.memory_space<vmem>> -> memref<80x64xf32, #tpu.memory_space<vmem>>
          %dma_start3A_330 = tpu.memref_slice %arg3[%add3A_312, %add3A_314] : memref<160000x512xf32, #tpu.memory_space<hbm>> -> memref<80x64xf32, #tpu.memory_space<hbm>>
          %dma_start3A_331 = arith.constant 0 : i32
          %dma_start3A_332 = arith.constant 64 : i32
          %dma_start3A_333 = tpu.memref_slice %arg12[%dma_start3A_331, %dma_start3A_332] : memref<80x128xf32, #tpu.memory_space<vmem>> -> memref<80x64xf32, #tpu.memory_space<vmem>>
          %dma_start3A_334 = tpu.memref_slice %arg3[%add3A_312, %add3A_314] : memref<160000x512xf32, #tpu.memory_space<hbm>> -> memref<80x64xf32, #tpu.memory_space<hbm>>
          tpu.enqueue_dma source(%dma_start3A_334 : memref<80x64xf32, #tpu.memory_space<hbm>>) target(%dma_start3A_333 : memref<80x64xf32, #tpu.memory_space<vmem>>) target_semaphore(%arg15 : memref<!tpu.dma_semaphore, #tpu.memory_space<semaphore_mem>>)
        } else {
        }
        %mul3A_247 = arith.constant 10000 : i32
        %mul3A_248 = arith.muli %arg1, %mul3A_247 : i32
        %mul3A_249 = arith.constant 80 : i32
        %mul3A_250 = arith.muli %add3A_214, %mul3A_249 : i32
        %add3A_251 = arith.addi %mul3A_248, %mul3A_250 : i32
        %add3A_252 = arith.constant 256 : i32
        %add3A_253 = arith.addi %add3A_252, %mul3A_61 : i32
        %dma_wait3A_254 = tpu.memref_slice %arg4[%add3A_251] : memref<160000xi32, #tpu.memory_space<hbm>> -> memref<80xi32, #tpu.memory_space<hbm>>
        %dma_wait3A_255 = tpu.memref_slice %arg4[%add3A_251] : memref<160000xi32, #tpu.memory_space<hbm>> -> memref<80xi32, #tpu.memory_space<hbm>>
        tpu.wait_dma2 semaphore(%arg14 : memref<!tpu.dma_semaphore, #tpu.memory_space<semaphore_mem>>) src(%dma_wait3A_255 : memref<80xi32, #tpu.memory_space<hbm>>) dst(%arg17 : memref<80xi32, #tpu.memory_space<vmem>>)
        %dma_wait3A_256 = tpu.memref_slice %arg5[%add3A_251] : memref<160000xi32, #tpu.memory_space<hbm>> -> memref<80xi32, #tpu.memory_space<hbm>>
        %dma_wait3A_257 = tpu.memref_slice %arg5[%add3A_251] : memref<160000xi32, #tpu.memory_space<hbm>> -> memref<80xi32, #tpu.memory_space<hbm>>
        tpu.wait_dma2 semaphore(%arg14 : memref<!tpu.dma_semaphore, #tpu.memory_space<semaphore_mem>>) src(%dma_wait3A_257 : memref<80xi32, #tpu.memory_space<hbm>>) dst(%arg8 : memref<80xi32, #tpu.memory_space<vmem>>)
        %dma_wait3A_258 = arith.constant 0 : i32
        %dma_wait3A_259 = arith.constant 0 : i32
        %dma_wait3A_260 = tpu.memref_slice %arg11[%dma_wait3A_258, %dma_wait3A_259] : memref<80x128xf32, #tpu.memory_space<vmem>> -> memref<80x64xf32, #tpu.memory_space<vmem>>
        %dma_wait3A_261 = tpu.memref_slice %arg3[%add3A_251, %mul3A_61] : memref<160000x512xf32, #tpu.memory_space<hbm>> -> memref<80x64xf32, #tpu.memory_space<hbm>>
        %dma_wait3A_262 = arith.constant 0 : i32
        %dma_wait3A_263 = arith.constant 0 : i32
        %dma_wait3A_264 = tpu.memref_slice %arg11[%dma_wait3A_262, %dma_wait3A_263] : memref<80x128xf32, #tpu.memory_space<vmem>> -> memref<80x64xf32, #tpu.memory_space<vmem>>
        %dma_wait3A_265 = tpu.memref_slice %arg3[%add3A_251, %mul3A_61] : memref<160000x512xf32, #tpu.memory_space<hbm>> -> memref<80x64xf32, #tpu.memory_space<hbm>>
        tpu.wait_dma2 semaphore(%arg14 : memref<!tpu.dma_semaphore, #tpu.memory_space<semaphore_mem>>) src(%dma_wait3A_265 : memref<80x64xf32, #tpu.memory_space<hbm>>) dst(%dma_wait3A_264 : memref<80x64xf32, #tpu.memory_space<vmem>>)
        %dma_wait3A_266 = arith.constant 0 : i32
        %dma_wait3A_267 = arith.constant 64 : i32
        %dma_wait3A_268 = tpu.memref_slice %arg11[%dma_wait3A_266, %dma_wait3A_267] : memref<80x128xf32, #tpu.memory_space<vmem>> -> memref<80x64xf32, #tpu.memory_space<vmem>>
        %dma_wait3A_269 = tpu.memref_slice %arg3[%add3A_251, %add3A_253] : memref<160000x512xf32, #tpu.memory_space<hbm>> -> memref<80x64xf32, #tpu.memory_space<hbm>>
        %dma_wait3A_270 = arith.constant 0 : i32
        %dma_wait3A_271 = arith.constant 64 : i32
        %dma_wait3A_272 = tpu.memref_slice %arg11[%dma_wait3A_270, %dma_wait3A_271] : memref<80x128xf32, #tpu.memory_space<vmem>> -> memref<80x64xf32, #tpu.memory_space<vmem>>
        %dma_wait3A_273 = tpu.memref_slice %arg3[%add3A_251, %add3A_253] : memref<160000x512xf32, #tpu.memory_space<hbm>> -> memref<80x64xf32, #tpu.memory_space<hbm>>
        tpu.wait_dma2 semaphore(%arg14 : memref<!tpu.dma_semaphore, #tpu.memory_space<semaphore_mem>>) src(%dma_wait3A_273 : memref<80x64xf32, #tpu.memory_space<hbm>>) dst(%dma_wait3A_272 : memref<80x64xf32, #tpu.memory_space<vmem>>)
        %get3A = arith.constant 0 : index
        %get3A_274 = tpu.vector_load %arg17[%get3A] {strides = array<i32>} : memref<80xi32, #tpu.memory_space<vmem>>, vector<16xi32>,
        %gather3A = tpu.vector_load_idx %arg23[%get3A_274] : memref<10000xf32, #tpu.memory_space<vmem>>[vector<16xi32>], vector<16xf32>,
        %swap3A = arith.constant 0 : index
        %swap3A_275 = tpu.vector_load %arg27[%swap3A] {strides = array<i32>} : memref<80xf32, #tpu.memory_space<vmem>>, vector<16xf32>,
        tpu.vector_store %arg27[%swap3A], %gather3A {strides = array<i32>} : memref<80xf32, #tpu.memory_space<vmem>>, vector<16xf32>,
        %get3A_276 = arith.constant 16 : index
        %get3A_277 = tpu.vector_load %arg17[%get3A_276] {strides = array<i32>} : memref<80xi32, #tpu.memory_space<vmem>>, vector<16xi32>,
        %gather3A_278 = tpu.vector_load_idx %arg23[%get3A_277] : memref<10000xf32, #tpu.memory_space<vmem>>[vector<16xi32>], vector<16xf32>,
        %swap3A_279 = arith.constant 16 : index
        %swap3A_280 = tpu.vector_load %arg27[%swap3A_279] {strides = array<i32>} : memref<80xf32, #tpu.memory_space<vmem>>, vector<16xf32>,
        tpu.vector_store %arg27[%swap3A_279], %gather3A_278 {strides = array<i32>} : memref<80xf32, #tpu.memory_space<vmem>>, vector<16xf32>,
        %get3A_281 = arith.constant 32 : index
        %get3A_282 = tpu.vector_load %arg17[%get3A_281] {strides = array<i32>} : memref<80xi32, #tpu.memory_space<vmem>>, vector<16xi32>,
        %gather3A_283 = tpu.vector_load_idx %arg23[%get3A_282] : memref<10000xf32, #tpu.memory_space<vmem>>[vector<16xi32>], vector<16xf32>,
        %swap3A_284 = arith.constant 32 : index
        %swap3A_285 = tpu.vector_load %arg27[%swap3A_284] {strides = array<i32>} : memref<80xf32, #tpu.memory_space<vmem>>, vector<16xf32>,
        tpu.vector_store %arg27[%swap3A_284], %gather3A_283 {strides = array<i32>} : memref<80xf32, #tpu.memory_space<vmem>>, vector<16xf32>,
        %get3A_286 = arith.constant 48 : index
        %get3A_287 = tpu.vector_load %arg17[%get3A_286] {strides = array<i32>} : memref<80xi32, #tpu.memory_space<vmem>>, vector<16xi32>,
        %gather3A_288 = tpu.vector_load_idx %arg23[%get3A_287] : memref<10000xf32, #tpu.memory_space<vmem>>[vector<16xi32>], vector<16xf32>,
        %swap3A_289 = arith.constant 48 : index
        %swap3A_290 = tpu.vector_load %arg27[%swap3A_289] {strides = array<i32>} : memref<80xf32, #tpu.memory_space<vmem>>, vector<16xf32>,
        tpu.vector_store %arg27[%swap3A_289], %gather3A_288 {strides = array<i32>} : memref<80xf32, #tpu.memory_space<vmem>>, vector<16xf32>,
        %get3A_291 = arith.constant 64 : index
        %get3A_292 = tpu.vector_load %arg17[%get3A_291] {strides = array<i32>} : memref<80xi32, #tpu.memory_space<vmem>>, vector<16xi32>,
        %gather3A_293 = tpu.vector_load_idx %arg23[%get3A_292] : memref<10000xf32, #tpu.memory_space<vmem>>[vector<16xi32>], vector<16xf32>,
        %swap3A_294 = arith.constant 64 : index
        %swap3A_295 = tpu.vector_load %arg27[%swap3A_294] {strides = array<i32>} : memref<80xf32, #tpu.memory_space<vmem>>, vector<16xf32>,
        tpu.vector_store %arg27[%swap3A_294], %gather3A_293 {strides = array<i32>} : memref<80xf32, #tpu.memory_space<vmem>>, vector<16xf32>,
        %scan3A_296 = arith.constant 0 : i32
        %scan3A_297 = arith.constant 0 : i32
        %scan3A_298 = arith.constant 80 : i32
        %scan3A_299 = arith.addi %scan3A_297, %scan3A_298 : i32
        %scan3A_300 = arith.constant 4 : i32
        %scan3A_301 = scf.for %scan3A_306 = %scan3A_297 to %scan3A_299 step %scan3A_300 iter_args(%scan3A_307 = %scan3A_296) -> (i32)  : i32 {
          %broadcast_in_dim3A_308 = vector.broadcast %scan3A_306 : i32 to vector<16xi32>
          %gather3A_309 = tpu.vector_load_idx %arg27[%broadcast_in_dim3A_308] : memref<80xf32, #tpu.memory_space<vmem>>[vector<16xi32>], vector<16xf32>,
          %get3A_310 = arith.index_cast %scan3A_306 : i32 to index
          %get3A_311 = arith.constant 64 : index
          %get3A_312 = tpu.vector_load %arg11[%get3A_310, %get3A_311] {strides = array<i32>} : memref<80x128xf32, #tpu.memory_space<vmem>>, vector<16xf32>,
          %mul3A_313 = arith.mulf %gather3A_309, %get3A_312 : vector<16xf32>
          %get3A_314 = arith.index_cast %scan3A_306 : i32 to index
          %get3A_315 = arith.constant 0 : index
          %get3A_316 = tpu.vector_load %arg11[%get3A_314, %get3A_315] {strides = array<i32>} : memref<80x128xf32, #tpu.memory_space<vmem>>, vector<16xf32>,
          %add3A_317 = arith.addf %mul3A_313, %get3A_316 : vector<16xf32>
          %swap3A_318 = arith.index_cast %scan3A_306 : i32 to index
          %swap3A_319 = arith.constant 0 : index
          %swap3A_320 = tpu.vector_load %arg11[%swap3A_318, %swap3A_319] {strides = array<i32>} : memref<80x128xf32, #tpu.memory_space<vmem>>, vector<16xf32>,
          tpu.vector_store %arg11[%swap3A_318, %swap3A_319], %add3A_317 {strides = array<i32>} : memref<80x128xf32, #tpu.memory_space<vmem>>, vector<16xf32>,
          %get3A_321 = arith.index_cast %scan3A_306 : i32 to index
          %get3A_322 = arith.constant 80 : index
          %get3A_323 = tpu.vector_load %arg11[%get3A_321, %get3A_322] {strides = array<i32>} : memref<80x128xf32, #tpu.memory_space<vmem>>, vector<16xf32>,
          %mul3A_324 = arith.mulf %gather3A_309, %get3A_323 : vector<16xf32>
          %get3A_325 = arith.index_cast %scan3A_306 : i32 to index
          %get3A_326 = arith.constant 16 : index
          %get3A_327 = tpu.vector_load %arg11[%get3A_325, %get3A_326] {strides = array<i32>} : memref<80x128xf32, #tpu.memory_space<vmem>>, vector<16xf32>,
          %add3A_328 = arith.addf %mul3A_324, %get3A_327 : vector<16xf32>
          %swap3A_329 = arith.index_cast %scan3A_306 : i32 to index
          %swap3A_330 = arith.constant 16 : index
          %swap3A_331 = tpu.vector_load %arg11[%swap3A_329, %swap3A_330] {strides = array<i32>} : memref<80x128xf32, #tpu.memory_space<vmem>>, vector<16xf32>,
          tpu.vector_store %arg11[%swap3A_329, %swap3A_330], %add3A_328 {strides = array<i32>} : memref<80x128xf32, #tpu.memory_space<vmem>>, vector<16xf32>,
          %get3A_332 = arith.index_cast %scan3A_306 : i32 to index
          %get3A_333 = arith.constant 96 : index
          %get3A_334 = tpu.vector_load %arg11[%get3A_332, %get3A_333] {strides = array<i32>} : memref<80x128xf32, #tpu.memory_space<vmem>>, vector<16xf32>,
          %mul3A_335 = arith.mulf %gather3A_309, %get3A_334 : vector<16xf32>
          %get3A_336 = arith.index_cast %scan3A_306 : i32 to index
          %get3A_337 = arith.constant 32 : index
          %get3A_338 = tpu.vector_load %arg11[%get3A_336, %get3A_337] {strides = array<i32>} : memref<80x128xf32, #tpu.memory_space<vmem>>, vector<16xf32>,
          %add3A_339 = arith.addf %mul3A_335, %get3A_338 : vector<16xf32>
          %swap3A_340 = arith.index_cast %scan3A_306 : i32 to index
          %swap3A_341 = arith.constant 32 : index
          %swap3A_342 = tpu.vector_load %arg11[%swap3A_340, %swap3A_341] {strides = array<i32>} : memref<80x128xf32, #tpu.memory_space<vmem>>, vector<16xf32>,
          tpu.vector_store %arg11[%swap3A_340, %swap3A_341], %add3A_339 {strides = array<i32>} : memref<80x128xf32, #tpu.memory_space<vmem>>, vector<16xf32>,
          %get3A_343 = arith.index_cast %scan3A_306 : i32 to index
          %get3A_344 = arith.constant 112 : index
          %get3A_345 = tpu.vector_load %arg11[%get3A_343, %get3A_344] {strides = array<i32>} : memref<80x128xf32, #tpu.memory_space<vmem>>, vector<16xf32>,
          %mul3A_346 = arith.mulf %gather3A_309, %get3A_345 : vector<16xf32>
          %get3A_347 = arith.index_cast %scan3A_306 : i32 to index
          %get3A_348 = arith.constant 48 : index
          %get3A_349 = tpu.vector_load %arg11[%get3A_347, %get3A_348] {strides = array<i32>} : memref<80x128xf32, #tpu.memory_space<vmem>>, vector<16xf32>,
          %add3A_350 = arith.addf %mul3A_346, %get3A_349 : vector<16xf32>
          %swap3A_351 = arith.index_cast %scan3A_306 : i32 to index
          %swap3A_352 = arith.constant 48 : index
          %swap3A_353 = tpu.vector_load %arg11[%swap3A_351, %swap3A_352] {strides = array<i32>} : memref<80x128xf32, #tpu.memory_space<vmem>>, vector<16xf32>,
          tpu.vector_store %arg11[%swap3A_351, %swap3A_352], %add3A_350 {strides = array<i32>} : memref<80x128xf32, #tpu.memory_space<vmem>>, vector<16xf32>,
          %scan3A_354 = arith.constant 0 : i32
          %scan3A_355 = arith.constant 1 : i32
          %scan3A_356 = arith.addi %scan3A_306, %scan3A_355 : i32
          %broadcast_in_dim3A_357 = vector.broadcast %scan3A_356 : i32 to vector<16xi32>
          %gather3A_358 = tpu.vector_load_idx %arg27[%broadcast_in_dim3A_357] : memref<80xf32, #tpu.memory_space<vmem>>[vector<16xi32>], vector<16xf32>,
          %get3A_359 = arith.index_cast %scan3A_356 : i32 to index
          %get3A_360 = arith.constant 64 : index
          %get3A_361 = tpu.vector_load %arg11[%get3A_359, %get3A_360] {strides = array<i32>} : memref<80x128xf32, #tpu.memory_space<vmem>>, vector<16xf32>,
          %mul3A_362 = arith.mulf %gather3A_358, %get3A_361 : vector<16xf32>
          %get3A_363 = arith.index_cast %scan3A_356 : i32 to index
          %get3A_364 = arith.constant 0 : index
          %get3A_365 = tpu.vector_load %arg11[%get3A_363, %get3A_364] {strides = array<i32>} : memref<80x128xf32, #tpu.memory_space<vmem>>, vector<16xf32>,
          %add3A_366 = arith.addf %mul3A_362, %get3A_365 : vector<16xf32>
          %swap3A_367 = arith.index_cast %scan3A_356 : i32 to index
          %swap3A_368 = arith.constant 0 : index
          %swap3A_369 = tpu.vector_load %arg11[%swap3A_367, %swap3A_368] {strides = array<i32>} : memref<80x128xf32, #tpu.memory_space<vmem>>, vector<16xf32>,
          tpu.vector_store %arg11[%swap3A_367, %swap3A_368], %add3A_366 {strides = array<i32>} : memref<80x128xf32, #tpu.memory_space<vmem>>, vector<16xf32>,
          %get3A_370 = arith.index_cast %scan3A_356 : i32 to index
          %get3A_371 = arith.constant 80 : index
          %get3A_372 = tpu.vector_load %arg11[%get3A_370, %get3A_371] {strides = array<i32>} : memref<80x128xf32, #tpu.memory_space<vmem>>, vector<16xf32>,
          %mul3A_373 = arith.mulf %gather3A_358, %get3A_372 : vector<16xf32>
          %get3A_374 = arith.index_cast %scan3A_356 : i32 to index
          %get3A_375 = arith.constant 16 : index
          %get3A_376 = tpu.vector_load %arg11[%get3A_374, %get3A_375] {strides = array<i32>} : memref<80x128xf32, #tpu.memory_space<vmem>>, vector<16xf32>,
          %add3A_377 = arith.addf %mul3A_373, %get3A_376 : vector<16xf32>
          %swap3A_378 = arith.index_cast %scan3A_356 : i32 to index
          %swap3A_379 = arith.constant 16 : index
          %swap3A_380 = tpu.vector_load %arg11[%swap3A_378, %swap3A_379] {strides = array<i32>} : memref<80x128xf32, #tpu.memory_space<vmem>>, vector<16xf32>,
          tpu.vector_store %arg11[%swap3A_378, %swap3A_379], %add3A_377 {strides = array<i32>} : memref<80x128xf32, #tpu.memory_space<vmem>>, vector<16xf32>,
          %get3A_381 = arith.index_cast %scan3A_356 : i32 to index
          %get3A_382 = arith.constant 96 : index
          %get3A_383 = tpu.vector_load %arg11[%get3A_381, %get3A_382] {strides = array<i32>} : memref<80x128xf32, #tpu.memory_space<vmem>>, vector<16xf32>,
          %mul3A_384 = arith.mulf %gather3A_358, %get3A_383 : vector<16xf32>
          %get3A_385 = arith.index_cast %scan3A_356 : i32 to index
          %get3A_386 = arith.constant 32 : index
          %get3A_387 = tpu.vector_load %arg11[%get3A_385, %get3A_386] {strides = array<i32>} : memref<80x128xf32, #tpu.memory_space<vmem>>, vector<16xf32>,
          %add3A_388 = arith.addf %mul3A_384, %get3A_387 : vector<16xf32>
          %swap3A_389 = arith.index_cast %scan3A_356 : i32 to index
          %swap3A_390 = arith.constant 32 : index
          %swap3A_391 = tpu.vector_load %arg11[%swap3A_389, %swap3A_390] {strides = array<i32>} : memref<80x128xf32, #tpu.memory_space<vmem>>, vector<16xf32>,
          tpu.vector_store %arg11[%swap3A_389, %swap3A_390], %add3A_388 {strides = array<i32>} : memref<80x128xf32, #tpu.memory_space<vmem>>, vector<16xf32>,
          %get3A_392 = arith.index_cast %scan3A_356 : i32 to index
          %get3A_393 = arith.constant 112 : index
          %get3A_394 = tpu.vector_load %arg11[%get3A_392, %get3A_393] {strides = array<i32>} : memref<80x128xf32, #tpu.memory_space<vmem>>, vector<16xf32>,
          %mul3A_395 = arith.mulf %gather3A_358, %get3A_394 : vector<16xf32>
          %get3A_396 = arith.index_cast %scan3A_356 : i32 to index
          %get3A_397 = arith.constant 48 : index
          %get3A_398 = tpu.vector_load %arg11[%get3A_396, %get3A_397] {strides = array<i32>} : memref<80x128xf32, #tpu.memory_space<vmem>>, vector<16xf32>,
          %add3A_399 = arith.addf %mul3A_395, %get3A_398 : vector<16xf32>
          %swap3A_400 = arith.index_cast %scan3A_356 : i32 to index
          %swap3A_401 = arith.constant 48 : index
          %swap3A_402 = tpu.vector_load %arg11[%swap3A_400, %swap3A_401] {strides = array<i32>} : memref<80x128xf32, #tpu.memory_space<vmem>>, vector<16xf32>,
          tpu.vector_store %arg11[%swap3A_400, %swap3A_401], %add3A_399 {strides = array<i32>} : memref<80x128xf32, #tpu.memory_space<vmem>>, vector<16xf32>,
          %scan3A_403 = arith.constant 0 : i32
          %scan3A_404 = arith.constant 2 : i32
          %scan3A_405 = arith.addi %scan3A_306, %scan3A_404 : i32
          %broadcast_in_dim3A_406 = vector.broadcast %scan3A_405 : i32 to vector<16xi32>
          %gather3A_407 = tpu.vector_load_idx %arg27[%broadcast_in_dim3A_406] : memref<80xf32, #tpu.memory_space<vmem>>[vector<16xi32>], vector<16xf32>,
          %get3A_408 = arith.index_cast %scan3A_405 : i32 to index
          %get3A_409 = arith.constant 64 : index
          %get3A_410 = tpu.vector_load %arg11[%get3A_408, %get3A_409] {strides = array<i32>} : memref<80x128xf32, #tpu.memory_space<vmem>>, vector<16xf32>,
          %mul3A_411 = arith.mulf %gather3A_407, %get3A_410 : vector<16xf32>
          %get3A_412 = arith.index_cast %scan3A_405 : i32 to index
          %get3A_413 = arith.constant 0 : index
          %get3A_414 = tpu.vector_load %arg11[%get3A_412, %get3A_413] {strides = array<i32>} : memref<80x128xf32, #tpu.memory_space<vmem>>, vector<16xf32>,
          %add3A_415 = arith.addf %mul3A_411, %get3A_414 : vector<16xf32>
          %swap3A_416 = arith.index_cast %scan3A_405 : i32 to index
          %swap3A_417 = arith.constant 0 : index
          %swap3A_418 = tpu.vector_load %arg11[%swap3A_416, %swap3A_417] {strides = array<i32>} : memref<80x128xf32, #tpu.memory_space<vmem>>, vector<16xf32>,
          tpu.vector_store %arg11[%swap3A_416, %swap3A_417], %add3A_415 {strides = array<i32>} : memref<80x128xf32, #tpu.memory_space<vmem>>, vector<16xf32>,
          %get3A_419 = arith.index_cast %scan3A_405 : i32 to index
          %get3A_420 = arith.constant 80 : index
          %get3A_421 = tpu.vector_load %arg11[%get3A_419, %get3A_420] {strides = array<i32>} : memref<80x128xf32, #tpu.memory_space<vmem>>, vector<16xf32>,
          %mul3A_422 = arith.mulf %gather3A_407, %get3A_421 : vector<16xf32>
          %get3A_423 = arith.index_cast %scan3A_405 : i32 to index
          %get3A_424 = arith.constant 16 : index
          %get3A_425 = tpu.vector_load %arg11[%get3A_423, %get3A_424] {strides = array<i32>} : memref<80x128xf32, #tpu.memory_space<vmem>>, vector<16xf32>,
          %add3A_426 = arith.addf %mul3A_422, %get3A_425 : vector<16xf32>
          %swap3A_427 = arith.index_cast %scan3A_405 : i32 to index
          %swap3A_428 = arith.constant 16 : index
          %swap3A_429 = tpu.vector_load %arg11[%swap3A_427, %swap3A_428] {strides = array<i32>} : memref<80x128xf32, #tpu.memory_space<vmem>>, vector<16xf32>,
          tpu.vector_store %arg11[%swap3A_427, %swap3A_428], %add3A_426 {strides = array<i32>} : memref<80x128xf32, #tpu.memory_space<vmem>>, vector<16xf32>,
          %get3A_430 = arith.index_cast %scan3A_405 : i32 to index
          %get3A_431 = arith.constant 96 : index
          %get3A_432 = tpu.vector_load %arg11[%get3A_430, %get3A_431] {strides = array<i32>} : memref<80x128xf32, #tpu.memory_space<vmem>>, vector<16xf32>,
          %mul3A_433 = arith.mulf %gather3A_407, %get3A_432 : vector<16xf32>
          %get3A_434 = arith.index_cast %scan3A_405 : i32 to index
          %get3A_435 = arith.constant 32 : index
          %get3A_436 = tpu.vector_load %arg11[%get3A_434, %get3A_435] {strides = array<i32>} : memref<80x128xf32, #tpu.memory_space<vmem>>, vector<16xf32>,
          %add3A_437 = arith.addf %mul3A_433, %get3A_436 : vector<16xf32>
          %swap3A_438 = arith.index_cast %scan3A_405 : i32 to index
          %swap3A_439 = arith.constant 32 : index
          %swap3A_440 = tpu.vector_load %arg11[%swap3A_438, %swap3A_439] {strides = array<i32>} : memref<80x128xf32, #tpu.memory_space<vmem>>, vector<16xf32>,
          tpu.vector_store %arg11[%swap3A_438, %swap3A_439], %add3A_437 {strides = array<i32>} : memref<80x128xf32, #tpu.memory_space<vmem>>, vector<16xf32>,
          %get3A_441 = arith.index_cast %scan3A_405 : i32 to index
          %get3A_442 = arith.constant 112 : index
          %get3A_443 = tpu.vector_load %arg11[%get3A_441, %get3A_442] {strides = array<i32>} : memref<80x128xf32, #tpu.memory_space<vmem>>, vector<16xf32>,
          %mul3A_444 = arith.mulf %gather3A_407, %get3A_443 : vector<16xf32>
          %get3A_445 = arith.index_cast %scan3A_405 : i32 to index
          %get3A_446 = arith.constant 48 : index
          %get3A_447 = tpu.vector_load %arg11[%get3A_445, %get3A_446] {strides = array<i32>} : memref<80x128xf32, #tpu.memory_space<vmem>>, vector<16xf32>,
          %add3A_448 = arith.addf %mul3A_444, %get3A_447 : vector<16xf32>
          %swap3A_449 = arith.index_cast %scan3A_405 : i32 to index
          %swap3A_450 = arith.constant 48 : index
          %swap3A_451 = tpu.vector_load %arg11[%swap3A_449, %swap3A_450] {strides = array<i32>} : memref<80x128xf32, #tpu.memory_space<vmem>>, vector<16xf32>,
          tpu.vector_store %arg11[%swap3A_449, %swap3A_450], %add3A_448 {strides = array<i32>} : memref<80x128xf32, #tpu.memory_space<vmem>>, vector<16xf32>,
          %scan3A_452 = arith.constant 0 : i32
          %scan3A_453 = arith.constant 3 : i32
          %scan3A_454 = arith.addi %scan3A_306, %scan3A_453 : i32
          %broadcast_in_dim3A_455 = vector.broadcast %scan3A_454 : i32 to vector<16xi32>
          %gather3A_456 = tpu.vector_load_idx %arg27[%broadcast_in_dim3A_455] : memref<80xf32, #tpu.memory_space<vmem>>[vector<16xi32>], vector<16xf32>,
          %get3A_457 = arith.index_cast %scan3A_454 : i32 to index
          %get3A_458 = arith.constant 64 : index
          %get3A_459 = tpu.vector_load %arg11[%get3A_457, %get3A_458] {strides = array<i32>} : memref<80x128xf32, #tpu.memory_space<vmem>>, vector<16xf32>,
          %mul3A_460 = arith.mulf %gather3A_456, %get3A_459 : vector<16xf32>
          %get3A_461 = arith.index_cast %scan3A_454 : i32 to index
          %get3A_462 = arith.constant 0 : index
          %get3A_463 = tpu.vector_load %arg11[%get3A_461, %get3A_462] {strides = array<i32>} : memref<80x128xf32, #tpu.memory_space<vmem>>, vector<16xf32>,
          %add3A_464 = arith.addf %mul3A_460, %get3A_463 : vector<16xf32>
          %swap3A_465 = arith.index_cast %scan3A_454 : i32 to index
          %swap3A_466 = arith.constant 0 : index
          %swap3A_467 = tpu.vector_load %arg11[%swap3A_465, %swap3A_466] {strides = array<i32>} : memref<80x128xf32, #tpu.memory_space<vmem>>, vector<16xf32>,
          tpu.vector_store %arg11[%swap3A_465, %swap3A_466], %add3A_464 {strides = array<i32>} : memref<80x128xf32, #tpu.memory_space<vmem>>, vector<16xf32>,
          %get3A_468 = arith.index_cast %scan3A_454 : i32 to index
          %get3A_469 = arith.constant 80 : index
          %get3A_470 = tpu.vector_load %arg11[%get3A_468, %get3A_469] {strides = array<i32>} : memref<80x128xf32, #tpu.memory_space<vmem>>, vector<16xf32>,
          %mul3A_471 = arith.mulf %gather3A_456, %get3A_470 : vector<16xf32>
          %get3A_472 = arith.index_cast %scan3A_454 : i32 to index
          %get3A_473 = arith.constant 16 : index
          %get3A_474 = tpu.vector_load %arg11[%get3A_472, %get3A_473] {strides = array<i32>} : memref<80x128xf32, #tpu.memory_space<vmem>>, vector<16xf32>,
          %add3A_475 = arith.addf %mul3A_471, %get3A_474 : vector<16xf32>
          %swap3A_476 = arith.index_cast %scan3A_454 : i32 to index
          %swap3A_477 = arith.constant 16 : index
          %swap3A_478 = tpu.vector_load %arg11[%swap3A_476, %swap3A_477] {strides = array<i32>} : memref<80x128xf32, #tpu.memory_space<vmem>>, vector<16xf32>,
          tpu.vector_store %arg11[%swap3A_476, %swap3A_477], %add3A_475 {strides = array<i32>} : memref<80x128xf32, #tpu.memory_space<vmem>>, vector<16xf32>,
          %get3A_479 = arith.index_cast %scan3A_454 : i32 to index
          %get3A_480 = arith.constant 96 : index
          %get3A_481 = tpu.vector_load %arg11[%get3A_479, %get3A_480] {strides = array<i32>} : memref<80x128xf32, #tpu.memory_space<vmem>>, vector<16xf32>,
          %mul3A_482 = arith.mulf %gather3A_456, %get3A_481 : vector<16xf32>
          %get3A_483 = arith.index_cast %scan3A_454 : i32 to index
          %get3A_484 = arith.constant 32 : index
          %get3A_485 = tpu.vector_load %arg11[%get3A_483, %get3A_484] {strides = array<i32>} : memref<80x128xf32, #tpu.memory_space<vmem>>, vector<16xf32>,
          %add3A_486 = arith.addf %mul3A_482, %get3A_485 : vector<16xf32>
          %swap3A_487 = arith.index_cast %scan3A_454 : i32 to index
          %swap3A_488 = arith.constant 32 : index
          %swap3A_489 = tpu.vector_load %arg11[%swap3A_487, %swap3A_488] {strides = array<i32>} : memref<80x128xf32, #tpu.memory_space<vmem>>, vector<16xf32>,
          tpu.vector_store %arg11[%swap3A_487, %swap3A_488], %add3A_486 {strides = array<i32>} : memref<80x128xf32, #tpu.memory_space<vmem>>, vector<16xf32>,
          %get3A_490 = arith.index_cast %scan3A_454 : i32 to index
          %get3A_491 = arith.constant 112 : index
          %get3A_492 = tpu.vector_load %arg11[%get3A_490, %get3A_491] {strides = array<i32>} : memref<80x128xf32, #tpu.memory_space<vmem>>, vector<16xf32>,
          %mul3A_493 = arith.mulf %gather3A_456, %get3A_492 : vector<16xf32>
          %get3A_494 = arith.index_cast %scan3A_454 : i32 to index
          %get3A_495 = arith.constant 48 : index
          %get3A_496 = tpu.vector_load %arg11[%get3A_494, %get3A_495] {strides = array<i32>} : memref<80x128xf32, #tpu.memory_space<vmem>>, vector<16xf32>,
          %add3A_497 = arith.addf %mul3A_493, %get3A_496 : vector<16xf32>
          %swap3A_498 = arith.index_cast %scan3A_454 : i32 to index
          %swap3A_499 = arith.constant 48 : index
          %swap3A_500 = tpu.vector_load %arg11[%swap3A_498, %swap3A_499] {strides = array<i32>} : memref<80x128xf32, #tpu.memory_space<vmem>>, vector<16xf32>,
          tpu.vector_store %arg11[%swap3A_498, %swap3A_499], %add3A_497 {strides = array<i32>} : memref<80x128xf32, #tpu.memory_space<vmem>>, vector<16xf32>,
          %scan3A_501 = arith.constant 0 : i32
          scf.yield %scan3A_501 : i32
        }
        %scan3A_302 = arith.constant 80 : i32
        %dma_start3A_303 = arith.constant 0 : i32
        %dma_start3A_304 = arith.constant 0 : i32
        %dma_start3A_305 = tpu.memref_slice %arg7[%dma_start3A_303, %dma_start3A_304] : memref<10000x128xf32, #tpu.memory_space<vmem_shared>> -> memref<10000x128xf32, #tpu.memory_space<vmem_shared>>
        tpu.enqueue_indirect_dma source(%arg11 : memref<80x128xf32, #tpu.memory_space<vmem>>) target(%dma_start3A_305 : memref<10000x128xf32, #tpu.memory_space<vmem_shared>>) offsets(%arg8 : memref<80xi32, #tpu.memory_space<vmem>>) semaphore(%arg20 : memref<!tpu.dma_semaphore, #tpu.memory_space<semaphore_mem>>) {add = true}
      } else {
      }
      %mul3A_217 = arith.constant 3 : i32
      %mul3A_218 = arith.muli %scan3A_209, %mul3A_217 : i32
      %add3A_219 = arith.constant 1 : i32
      %add3A_220 = arith.addi %mul3A_218, %add3A_219 : i32
      %lt3A_221 = arith.constant 125 : i32
      %lt3A_222 = arith.cmpi slt, %add3A_220, %lt3A_221 : i32
      %convert_element_type3A_223 = arith.extui %lt3A_222 : i1 to i32
      %cond3A_224 = arith.constant 0 : i32
      %cond3A_225 = arith.cmpi ne, %convert_element_type3A_223, %cond3A_224 : i32
      scf.if %cond3A_225 {
        %ge3A = arith.constant 2 : i32
        %ge3A_236 = arith.cmpi sge, %add3A_220, %ge3A : i32
        %convert_element_type3A_237 = arith.extui %ge3A_236 : i1 to i32
        %cond3A_238 = arith.constant 0 : i32
        %cond3A_239 = arith.cmpi ne, %convert_element_type3A_237, %cond3A_238 : i32
        scf.if %cond3A_239 {
          %dma_wait3A_306 = arith.constant 0 : i32
          %dma_wait3A_307 = arith.constant 0 : i32
          %dma_wait3A_308 = tpu.memref_slice %arg7[%dma_wait3A_306, %dma_wait3A_307] : memref<10000x128xf32, #tpu.memory_space<vmem_shared>> -> memref<10000x128xf32, #tpu.memory_space<vmem_shared>>
          tpu.wait_indirect_dma semaphore(%arg22 : memref<!tpu.dma_semaphore, #tpu.memory_space<semaphore_mem>>) src(%arg13 : memref<80x128xf32, #tpu.memory_space<vmem>>) dst(%dma_wait3A_308 : memref<10000x128xf32, #tpu.memory_space<vmem_shared>>)
        } else {
        }
        %add3A_240 = arith.constant 1 : i32
        %add3A_241 = arith.addi %add3A_220, %add3A_240 : i32
        %lt3A_242 = arith.constant 125 : i32
        %lt3A_243 = arith.cmpi slt, %add3A_241, %lt3A_242 : i32
        %convert_element_type3A_244 = arith.extui %lt3A_243 : i1 to i32
        %cond3A_245 = arith.constant 0 : i32
        %cond3A_246 = arith.cmpi ne, %convert_element_type3A_244, %cond3A_245 : i32
        scf.if %cond3A_246 {
          %add3A_306 = arith.constant 1 : i32
          %add3A_307 = arith.addi %add3A_220, %add3A_306 : i32
          %mul3A_308 = arith.constant 10000 : i32
          %mul3A_309 = arith.muli %arg1, %mul3A_308 : i32
          %mul3A_310 = arith.constant 80 : i32
          %mul3A_311 = arith.muli %add3A_307, %mul3A_310 : i32
          %add3A_312 = arith.addi %mul3A_309, %mul3A_311 : i32
          %add3A_313 = arith.constant 256 : i32
          %add3A_314 = arith.addi %add3A_313, %mul3A_61 : i32
          %dma_start3A_315 = tpu.memref_slice %arg4[%add3A_312] : memref<160000xi32, #tpu.memory_space<hbm>> -> memref<80xi32, #tpu.memory_space<hbm>>
          %dma_start3A_316 = tpu.memref_slice %arg4[%add3A_312] : memref<160000xi32, #tpu.memory_space<hbm>> -> memref<80xi32, #tpu.memory_space<hbm>>
          tpu.enqueue_dma source(%dma_start3A_316 : memref<80xi32, #tpu.memory_space<hbm>>) target(%arg19 : memref<80xi32, #tpu.memory_space<vmem>>) target_semaphore(%arg16 : memref<!tpu.dma_semaphore, #tpu.memory_space<semaphore_mem>>)
          %dma_start3A_317 = tpu.memref_slice %arg5[%add3A_312] : memref<160000xi32, #tpu.memory_space<hbm>> -> memref<80xi32, #tpu.memory_space<hbm>>
          %dma_start3A_318 = tpu.memref_slice %arg5[%add3A_312] : memref<160000xi32, #tpu.memory_space<hbm>> -> memref<80xi32, #tpu.memory_space<hbm>>
          tpu.enqueue_dma source(%dma_start3A_318 : memref<80xi32, #tpu.memory_space<hbm>>) target(%arg10 : memref<80xi32, #tpu.memory_space<vmem>>) target_semaphore(%arg16 : memref<!tpu.dma_semaphore, #tpu.memory_space<semaphore_mem>>)
          %dma_start3A_319 = arith.constant 0 : i32
          %dma_start3A_320 = arith.constant 0 : i32
          %dma_start3A_321 = tpu.memref_slice %arg13[%dma_start3A_319, %dma_start3A_320] : memref<80x128xf32, #tpu.memory_space<vmem>> -> memref<80x64xf32, #tpu.memory_space<vmem>>
          %dma_start3A_322 = tpu.memref_slice %arg3[%add3A_312, %mul3A_61] : memref<160000x512xf32, #tpu.memory_space<hbm>> -> memref<80x64xf32, #tpu.memory_space<hbm>>
          %dma_start3A_323 = arith.constant 0 : i32
          %dma_start3A_324 = arith.constant 0 : i32
          %dma_start3A_325 = tpu.memref_slice %arg13[%dma_start3A_323, %dma_start3A_324] : memref<80x128xf32, #tpu.memory_space<vmem>> -> memref<80x64xf32, #tpu.memory_space<vmem>>
          %dma_start3A_326 = tpu.memref_slice %arg3[%add3A_312, %mul3A_61] : memref<160000x512xf32, #tpu.memory_space<hbm>> -> memref<80x64xf32, #tpu.memory_space<hbm>>
          tpu.enqueue_dma source(%dma_start3A_326 : memref<80x64xf32, #tpu.memory_space<hbm>>) target(%dma_start3A_325 : memref<80x64xf32, #tpu.memory_space<vmem>>) target_semaphore(%arg16 : memref<!tpu.dma_semaphore, #tpu.memory_space<semaphore_mem>>)
          %dma_start3A_327 = arith.constant 0 : i32
          %dma_start3A_328 = arith.constant 64 : i32
          %dma_start3A_329 = tpu.memref_slice %arg13[%dma_start3A_327, %dma_start3A_328] : memref<80x128xf32, #tpu.memory_space<vmem>> -> memref<80x64xf32, #tpu.memory_space<vmem>>
          %dma_start3A_330 = tpu.memref_slice %arg3[%add3A_312, %add3A_314] : memref<160000x512xf32, #tpu.memory_space<hbm>> -> memref<80x64xf32, #tpu.memory_space<hbm>>
          %dma_start3A_331 = arith.constant 0 : i32
          %dma_start3A_332 = arith.constant 64 : i32
          %dma_start3A_333 = tpu.memref_slice %arg13[%dma_start3A_331, %dma_start3A_332] : memref<80x128xf32, #tpu.memory_space<vmem>> -> memref<80x64xf32, #tpu.memory_space<vmem>>
          %dma_start3A_334 = tpu.memref_slice %arg3[%add3A_312, %add3A_314] : memref<160000x512xf32, #tpu.memory_space<hbm>> -> memref<80x64xf32, #tpu.memory_space<hbm>>
          tpu.enqueue_dma source(%dma_start3A_334 : memref<80x64xf32, #tpu.memory_space<hbm>>) target(%dma_start3A_333 : memref<80x64xf32, #tpu.memory_space<vmem>>) target_semaphore(%arg16 : memref<!tpu.dma_semaphore, #tpu.memory_space<semaphore_mem>>)
        } else {
        }
        %mul3A_247 = arith.constant 10000 : i32
        %mul3A_248 = arith.muli %arg1, %mul3A_247 : i32
        %mul3A_249 = arith.constant 80 : i32
        %mul3A_250 = arith.muli %add3A_220, %mul3A_249 : i32
        %add3A_251 = arith.addi %mul3A_248, %mul3A_250 : i32
        %add3A_252 = arith.constant 256 : i32
        %add3A_253 = arith.addi %add3A_252, %mul3A_61 : i32
        %dma_wait3A_254 = tpu.memref_slice %arg4[%add3A_251] : memref<160000xi32, #tpu.memory_space<hbm>> -> memref<80xi32, #tpu.memory_space<hbm>>
        %dma_wait3A_255 = tpu.memref_slice %arg4[%add3A_251] : memref<160000xi32, #tpu.memory_space<hbm>> -> memref<80xi32, #tpu.memory_space<hbm>>
        tpu.wait_dma2 semaphore(%arg15 : memref<!tpu.dma_semaphore, #tpu.memory_space<semaphore_mem>>) src(%dma_wait3A_255 : memref<80xi32, #tpu.memory_space<hbm>>) dst(%arg18 : memref<80xi32, #tpu.memory_space<vmem>>)
        %dma_wait3A_256 = tpu.memref_slice %arg5[%add3A_251] : memref<160000xi32, #tpu.memory_space<hbm>> -> memref<80xi32, #tpu.memory_space<hbm>>
        %dma_wait3A_257 = tpu.memref_slice %arg5[%add3A_251] : memref<160000xi32, #tpu.memory_space<hbm>> -> memref<80xi32, #tpu.memory_space<hbm>>
        tpu.wait_dma2 semaphore(%arg15 : memref<!tpu.dma_semaphore, #tpu.memory_space<semaphore_mem>>) src(%dma_wait3A_257 : memref<80xi32, #tpu.memory_space<hbm>>) dst(%arg9 : memref<80xi32, #tpu.memory_space<vmem>>)
        %dma_wait3A_258 = arith.constant 0 : i32
        %dma_wait3A_259 = arith.constant 0 : i32
        %dma_wait3A_260 = tpu.memref_slice %arg12[%dma_wait3A_258, %dma_wait3A_259] : memref<80x128xf32, #tpu.memory_space<vmem>> -> memref<80x64xf32, #tpu.memory_space<vmem>>
        %dma_wait3A_261 = tpu.memref_slice %arg3[%add3A_251, %mul3A_61] : memref<160000x512xf32, #tpu.memory_space<hbm>> -> memref<80x64xf32, #tpu.memory_space<hbm>>
        %dma_wait3A_262 = arith.constant 0 : i32
        %dma_wait3A_263 = arith.constant 0 : i32
        %dma_wait3A_264 = tpu.memref_slice %arg12[%dma_wait3A_262, %dma_wait3A_263] : memref<80x128xf32, #tpu.memory_space<vmem>> -> memref<80x64xf32, #tpu.memory_space<vmem>>
        %dma_wait3A_265 = tpu.memref_slice %arg3[%add3A_251, %mul3A_61] : memref<160000x512xf32, #tpu.memory_space<hbm>> -> memref<80x64xf32, #tpu.memory_space<hbm>>
        tpu.wait_dma2 semaphore(%arg15 : memref<!tpu.dma_semaphore, #tpu.memory_space<semaphore_mem>>) src(%dma_wait3A_265 : memref<80x64xf32, #tpu.memory_space<hbm>>) dst(%dma_wait3A_264 : memref<80x64xf32, #tpu.memory_space<vmem>>)
        %dma_wait3A_266 = arith.constant 0 : i32
        %dma_wait3A_267 = arith.constant 64 : i32
        %dma_wait3A_268 = tpu.memref_slice %arg12[%dma_wait3A_266, %dma_wait3A_267] : memref<80x128xf32, #tpu.memory_space<vmem>> -> memref<80x64xf32, #tpu.memory_space<vmem>>
        %dma_wait3A_269 = tpu.memref_slice %arg3[%add3A_251, %add3A_253] : memref<160000x512xf32, #tpu.memory_space<hbm>> -> memref<80x64xf32, #tpu.memory_space<hbm>>
        %dma_wait3A_270 = arith.constant 0 : i32
        %dma_wait3A_271 = arith.constant 64 : i32
        %dma_wait3A_272 = tpu.memref_slice %arg12[%dma_wait3A_270, %dma_wait3A_271] : memref<80x128xf32, #tpu.memory_space<vmem>> -> memref<80x64xf32, #tpu.memory_space<vmem>>
        %dma_wait3A_273 = tpu.memref_slice %arg3[%add3A_251, %add3A_253] : memref<160000x512xf32, #tpu.memory_space<hbm>> -> memref<80x64xf32, #tpu.memory_space<hbm>>
        tpu.wait_dma2 semaphore(%arg15 : memref<!tpu.dma_semaphore, #tpu.memory_space<semaphore_mem>>) src(%dma_wait3A_273 : memref<80x64xf32, #tpu.memory_space<hbm>>) dst(%dma_wait3A_272 : memref<80x64xf32, #tpu.memory_space<vmem>>)
        %get3A = arith.constant 0 : index
        %get3A_274 = tpu.vector_load %arg18[%get3A] {strides = array<i32>} : memref<80xi32, #tpu.memory_space<vmem>>, vector<16xi32>,
        %gather3A = tpu.vector_load_idx %arg23[%get3A_274] : memref<10000xf32, #tpu.memory_space<vmem>>[vector<16xi32>], vector<16xf32>,
        %swap3A = arith.constant 0 : index
        %swap3A_275 = tpu.vector_load %arg27[%swap3A] {strides = array<i32>} : memref<80xf32, #tpu.memory_space<vmem>>, vector<16xf32>,
        tpu.vector_store %arg27[%swap3A], %gather3A {strides = array<i32>} : memref<80xf32, #tpu.memory_space<vmem>>, vector<16xf32>,
        %get3A_276 = arith.constant 16 : index
        %get3A_277 = tpu.vector_load %arg18[%get3A_276] {strides = array<i32>} : memref<80xi32, #tpu.memory_space<vmem>>, vector<16xi32>,
        %gather3A_278 = tpu.vector_load_idx %arg23[%get3A_277] : memref<10000xf32, #tpu.memory_space<vmem>>[vector<16xi32>], vector<16xf32>,
        %swap3A_279 = arith.constant 16 : index
        %swap3A_280 = tpu.vector_load %arg27[%swap3A_279] {strides = array<i32>} : memref<80xf32, #tpu.memory_space<vmem>>, vector<16xf32>,
        tpu.vector_store %arg27[%swap3A_279], %gather3A_278 {strides = array<i32>} : memref<80xf32, #tpu.memory_space<vmem>>, vector<16xf32>,
        %get3A_281 = arith.constant 32 : index
        %get3A_282 = tpu.vector_load %arg18[%get3A_281] {strides = array<i32>} : memref<80xi32, #tpu.memory_space<vmem>>, vector<16xi32>,
        %gather3A_283 = tpu.vector_load_idx %arg23[%get3A_282] : memref<10000xf32, #tpu.memory_space<vmem>>[vector<16xi32>], vector<16xf32>,
        %swap3A_284 = arith.constant 32 : index
        %swap3A_285 = tpu.vector_load %arg27[%swap3A_284] {strides = array<i32>} : memref<80xf32, #tpu.memory_space<vmem>>, vector<16xf32>,
        tpu.vector_store %arg27[%swap3A_284], %gather3A_283 {strides = array<i32>} : memref<80xf32, #tpu.memory_space<vmem>>, vector<16xf32>,
        %get3A_286 = arith.constant 48 : index
        %get3A_287 = tpu.vector_load %arg18[%get3A_286] {strides = array<i32>} : memref<80xi32, #tpu.memory_space<vmem>>, vector<16xi32>,
        %gather3A_288 = tpu.vector_load_idx %arg23[%get3A_287] : memref<10000xf32, #tpu.memory_space<vmem>>[vector<16xi32>], vector<16xf32>,
        %swap3A_289 = arith.constant 48 : index
        %swap3A_290 = tpu.vector_load %arg27[%swap3A_289] {strides = array<i32>} : memref<80xf32, #tpu.memory_space<vmem>>, vector<16xf32>,
        tpu.vector_store %arg27[%swap3A_289], %gather3A_288 {strides = array<i32>} : memref<80xf32, #tpu.memory_space<vmem>>, vector<16xf32>,
        %get3A_291 = arith.constant 64 : index
        %get3A_292 = tpu.vector_load %arg18[%get3A_291] {strides = array<i32>} : memref<80xi32, #tpu.memory_space<vmem>>, vector<16xi32>,
        %gather3A_293 = tpu.vector_load_idx %arg23[%get3A_292] : memref<10000xf32, #tpu.memory_space<vmem>>[vector<16xi32>], vector<16xf32>,
        %swap3A_294 = arith.constant 64 : index
        %swap3A_295 = tpu.vector_load %arg27[%swap3A_294] {strides = array<i32>} : memref<80xf32, #tpu.memory_space<vmem>>, vector<16xf32>,
        tpu.vector_store %arg27[%swap3A_294], %gather3A_293 {strides = array<i32>} : memref<80xf32, #tpu.memory_space<vmem>>, vector<16xf32>,
        %scan3A_296 = arith.constant 0 : i32
        %scan3A_297 = arith.constant 0 : i32
        %scan3A_298 = arith.constant 80 : i32
        %scan3A_299 = arith.addi %scan3A_297, %scan3A_298 : i32
        %scan3A_300 = arith.constant 4 : i32
        %scan3A_301 = scf.for %scan3A_306 = %scan3A_297 to %scan3A_299 step %scan3A_300 iter_args(%scan3A_307 = %scan3A_296) -> (i32)  : i32 {
          %broadcast_in_dim3A_308 = vector.broadcast %scan3A_306 : i32 to vector<16xi32>
          %gather3A_309 = tpu.vector_load_idx %arg27[%broadcast_in_dim3A_308] : memref<80xf32, #tpu.memory_space<vmem>>[vector<16xi32>], vector<16xf32>,
          %get3A_310 = arith.index_cast %scan3A_306 : i32 to index
          %get3A_311 = arith.constant 64 : index
          %get3A_312 = tpu.vector_load %arg12[%get3A_310, %get3A_311] {strides = array<i32>} : memref<80x128xf32, #tpu.memory_space<vmem>>, vector<16xf32>,
          %mul3A_313 = arith.mulf %gather3A_309, %get3A_312 : vector<16xf32>
          %get3A_314 = arith.index_cast %scan3A_306 : i32 to index
          %get3A_315 = arith.constant 0 : index
          %get3A_316 = tpu.vector_load %arg12[%get3A_314, %get3A_315] {strides = array<i32>} : memref<80x128xf32, #tpu.memory_space<vmem>>, vector<16xf32>,
          %add3A_317 = arith.addf %mul3A_313, %get3A_316 : vector<16xf32>
          %swap3A_318 = arith.index_cast %scan3A_306 : i32 to index
          %swap3A_319 = arith.constant 0 : index
          %swap3A_320 = tpu.vector_load %arg12[%swap3A_318, %swap3A_319] {strides = array<i32>} : memref<80x128xf32, #tpu.memory_space<vmem>>, vector<16xf32>,
          tpu.vector_store %arg12[%swap3A_318, %swap3A_319], %add3A_317 {strides = array<i32>} : memref<80x128xf32, #tpu.memory_space<vmem>>, vector<16xf32>,
          %get3A_321 = arith.index_cast %scan3A_306 : i32 to index
          %get3A_322 = arith.constant 80 : index
          %get3A_323 = tpu.vector_load %arg12[%get3A_321, %get3A_322] {strides = array<i32>} : memref<80x128xf32, #tpu.memory_space<vmem>>, vector<16xf32>,
          %mul3A_324 = arith.mulf %gather3A_309, %get3A_323 : vector<16xf32>
          %get3A_325 = arith.index_cast %scan3A_306 : i32 to index
          %get3A_326 = arith.constant 16 : index
          %get3A_327 = tpu.vector_load %arg12[%get3A_325, %get3A_326] {strides = array<i32>} : memref<80x128xf32, #tpu.memory_space<vmem>>, vector<16xf32>,
          %add3A_328 = arith.addf %mul3A_324, %get3A_327 : vector<16xf32>
          %swap3A_329 = arith.index_cast %scan3A_306 : i32 to index
          %swap3A_330 = arith.constant 16 : index
          %swap3A_331 = tpu.vector_load %arg12[%swap3A_329, %swap3A_330] {strides = array<i32>} : memref<80x128xf32, #tpu.memory_space<vmem>>, vector<16xf32>,
          tpu.vector_store %arg12[%swap3A_329, %swap3A_330], %add3A_328 {strides = array<i32>} : memref<80x128xf32, #tpu.memory_space<vmem>>, vector<16xf32>,
          %get3A_332 = arith.index_cast %scan3A_306 : i32 to index
          %get3A_333 = arith.constant 96 : index
          %get3A_334 = tpu.vector_load %arg12[%get3A_332, %get3A_333] {strides = array<i32>} : memref<80x128xf32, #tpu.memory_space<vmem>>, vector<16xf32>,
          %mul3A_335 = arith.mulf %gather3A_309, %get3A_334 : vector<16xf32>
          %get3A_336 = arith.index_cast %scan3A_306 : i32 to index
          %get3A_337 = arith.constant 32 : index
          %get3A_338 = tpu.vector_load %arg12[%get3A_336, %get3A_337] {strides = array<i32>} : memref<80x128xf32, #tpu.memory_space<vmem>>, vector<16xf32>,
          %add3A_339 = arith.addf %mul3A_335, %get3A_338 : vector<16xf32>
          %swap3A_340 = arith.index_cast %scan3A_306 : i32 to index
          %swap3A_341 = arith.constant 32 : index
          %swap3A_342 = tpu.vector_load %arg12[%swap3A_340, %swap3A_341] {strides = array<i32>} : memref<80x128xf32, #tpu.memory_space<vmem>>, vector<16xf32>,
          tpu.vector_store %arg12[%swap3A_340, %swap3A_341], %add3A_339 {strides = array<i32>} : memref<80x128xf32, #tpu.memory_space<vmem>>, vector<16xf32>,
          %get3A_343 = arith.index_cast %scan3A_306 : i32 to index
          %get3A_344 = arith.constant 112 : index
          %get3A_345 = tpu.vector_load %arg12[%get3A_343, %get3A_344] {strides = array<i32>} : memref<80x128xf32, #tpu.memory_space<vmem>>, vector<16xf32>,
          %mul3A_346 = arith.mulf %gather3A_309, %get3A_345 : vector<16xf32>
          %get3A_347 = arith.index_cast %scan3A_306 : i32 to index
          %get3A_348 = arith.constant 48 : index
          %get3A_349 = tpu.vector_load %arg12[%get3A_347, %get3A_348] {strides = array<i32>} : memref<80x128xf32, #tpu.memory_space<vmem>>, vector<16xf32>,
          %add3A_350 = arith.addf %mul3A_346, %get3A_349 : vector<16xf32>
          %swap3A_351 = arith.index_cast %scan3A_306 : i32 to index
          %swap3A_352 = arith.constant 48 : index
          %swap3A_353 = tpu.vector_load %arg12[%swap3A_351, %swap3A_352] {strides = array<i32>} : memref<80x128xf32, #tpu.memory_space<vmem>>, vector<16xf32>,
          tpu.vector_store %arg12[%swap3A_351, %swap3A_352], %add3A_350 {strides = array<i32>} : memref<80x128xf32, #tpu.memory_space<vmem>>, vector<16xf32>,
          %scan3A_354 = arith.constant 0 : i32
          %scan3A_355 = arith.constant 1 : i32
          %scan3A_356 = arith.addi %scan3A_306, %scan3A_355 : i32
          %broadcast_in_dim3A_357 = vector.broadcast %scan3A_356 : i32 to vector<16xi32>
          %gather3A_358 = tpu.vector_load_idx %arg27[%broadcast_in_dim3A_357] : memref<80xf32, #tpu.memory_space<vmem>>[vector<16xi32>], vector<16xf32>,
          %get3A_359 = arith.index_cast %scan3A_356 : i32 to index
          %get3A_360 = arith.constant 64 : index
          %get3A_361 = tpu.vector_load %arg12[%get3A_359, %get3A_360] {strides = array<i32>} : memref<80x128xf32, #tpu.memory_space<vmem>>, vector<16xf32>,
          %mul3A_362 = arith.mulf %gather3A_358, %get3A_361 : vector<16xf32>
          %get3A_363 = arith.index_cast %scan3A_356 : i32 to index
          %get3A_364 = arith.constant 0 : index
          %get3A_365 = tpu.vector_load %arg12[%get3A_363, %get3A_364] {strides = array<i32>} : memref<80x128xf32, #tpu.memory_space<vmem>>, vector<16xf32>,
          %add3A_366 = arith.addf %mul3A_362, %get3A_365 : vector<16xf32>
          %swap3A_367 = arith.index_cast %scan3A_356 : i32 to index
          %swap3A_368 = arith.constant 0 : index
          %swap3A_369 = tpu.vector_load %arg12[%swap3A_367, %swap3A_368] {strides = array<i32>} : memref<80x128xf32, #tpu.memory_space<vmem>>, vector<16xf32>,
          tpu.vector_store %arg12[%swap3A_367, %swap3A_368], %add3A_366 {strides = array<i32>} : memref<80x128xf32, #tpu.memory_space<vmem>>, vector<16xf32>,
          %get3A_370 = arith.index_cast %scan3A_356 : i32 to index
          %get3A_371 = arith.constant 80 : index
          %get3A_372 = tpu.vector_load %arg12[%get3A_370, %get3A_371] {strides = array<i32>} : memref<80x128xf32, #tpu.memory_space<vmem>>, vector<16xf32>,
          %mul3A_373 = arith.mulf %gather3A_358, %get3A_372 : vector<16xf32>
          %get3A_374 = arith.index_cast %scan3A_356 : i32 to index
          %get3A_375 = arith.constant 16 : index
          %get3A_376 = tpu.vector_load %arg12[%get3A_374, %get3A_375] {strides = array<i32>} : memref<80x128xf32, #tpu.memory_space<vmem>>, vector<16xf32>,
          %add3A_377 = arith.addf %mul3A_373, %get3A_376 : vector<16xf32>
          %swap3A_378 = arith.index_cast %scan3A_356 : i32 to index
          %swap3A_379 = arith.constant 16 : index
          %swap3A_380 = tpu.vector_load %arg12[%swap3A_378, %swap3A_379] {strides = array<i32>} : memref<80x128xf32, #tpu.memory_space<vmem>>, vector<16xf32>,
          tpu.vector_store %arg12[%swap3A_378, %swap3A_379], %add3A_377 {strides = array<i32>} : memref<80x128xf32, #tpu.memory_space<vmem>>, vector<16xf32>,
          %get3A_381 = arith.index_cast %scan3A_356 : i32 to index
          %get3A_382 = arith.constant 96 : index
          %get3A_383 = tpu.vector_load %arg12[%get3A_381, %get3A_382] {strides = array<i32>} : memref<80x128xf32, #tpu.memory_space<vmem>>, vector<16xf32>,
          %mul3A_384 = arith.mulf %gather3A_358, %get3A_383 : vector<16xf32>
          %get3A_385 = arith.index_cast %scan3A_356 : i32 to index
          %get3A_386 = arith.constant 32 : index
          %get3A_387 = tpu.vector_load %arg12[%get3A_385, %get3A_386] {strides = array<i32>} : memref<80x128xf32, #tpu.memory_space<vmem>>, vector<16xf32>,
          %add3A_388 = arith.addf %mul3A_384, %get3A_387 : vector<16xf32>
          %swap3A_389 = arith.index_cast %scan3A_356 : i32 to index
          %swap3A_390 = arith.constant 32 : index
          %swap3A_391 = tpu.vector_load %arg12[%swap3A_389, %swap3A_390] {strides = array<i32>} : memref<80x128xf32, #tpu.memory_space<vmem>>, vector<16xf32>,
          tpu.vector_store %arg12[%swap3A_389, %swap3A_390], %add3A_388 {strides = array<i32>} : memref<80x128xf32, #tpu.memory_space<vmem>>, vector<16xf32>,
          %get3A_392 = arith.index_cast %scan3A_356 : i32 to index
          %get3A_393 = arith.constant 112 : index
          %get3A_394 = tpu.vector_load %arg12[%get3A_392, %get3A_393] {strides = array<i32>} : memref<80x128xf32, #tpu.memory_space<vmem>>, vector<16xf32>,
          %mul3A_395 = arith.mulf %gather3A_358, %get3A_394 : vector<16xf32>
          %get3A_396 = arith.index_cast %scan3A_356 : i32 to index
          %get3A_397 = arith.constant 48 : index
          %get3A_398 = tpu.vector_load %arg12[%get3A_396, %get3A_397] {strides = array<i32>} : memref<80x128xf32, #tpu.memory_space<vmem>>, vector<16xf32>,
          %add3A_399 = arith.addf %mul3A_395, %get3A_398 : vector<16xf32>
          %swap3A_400 = arith.index_cast %scan3A_356 : i32 to index
          %swap3A_401 = arith.constant 48 : index
          %swap3A_402 = tpu.vector_load %arg12[%swap3A_400, %swap3A_401] {strides = array<i32>} : memref<80x128xf32, #tpu.memory_space<vmem>>, vector<16xf32>,
          tpu.vector_store %arg12[%swap3A_400, %swap3A_401], %add3A_399 {strides = array<i32>} : memref<80x128xf32, #tpu.memory_space<vmem>>, vector<16xf32>,
          %scan3A_403 = arith.constant 0 : i32
          %scan3A_404 = arith.constant 2 : i32
          %scan3A_405 = arith.addi %scan3A_306, %scan3A_404 : i32
          %broadcast_in_dim3A_406 = vector.broadcast %scan3A_405 : i32 to vector<16xi32>
          %gather3A_407 = tpu.vector_load_idx %arg27[%broadcast_in_dim3A_406] : memref<80xf32, #tpu.memory_space<vmem>>[vector<16xi32>], vector<16xf32>,
          %get3A_408 = arith.index_cast %scan3A_405 : i32 to index
          %get3A_409 = arith.constant 64 : index
          %get3A_410 = tpu.vector_load %arg12[%get3A_408, %get3A_409] {strides = array<i32>} : memref<80x128xf32, #tpu.memory_space<vmem>>, vector<16xf32>,
          %mul3A_411 = arith.mulf %gather3A_407, %get3A_410 : vector<16xf32>
          %get3A_412 = arith.index_cast %scan3A_405 : i32 to index
          %get3A_413 = arith.constant 0 : index
          %get3A_414 = tpu.vector_load %arg12[%get3A_412, %get3A_413] {strides = array<i32>} : memref<80x128xf32, #tpu.memory_space<vmem>>, vector<16xf32>,
          %add3A_415 = arith.addf %mul3A_411, %get3A_414 : vector<16xf32>
          %swap3A_416 = arith.index_cast %scan3A_405 : i32 to index
          %swap3A_417 = arith.constant 0 : index
          %swap3A_418 = tpu.vector_load %arg12[%swap3A_416, %swap3A_417] {strides = array<i32>} : memref<80x128xf32, #tpu.memory_space<vmem>>, vector<16xf32>,
          tpu.vector_store %arg12[%swap3A_416, %swap3A_417], %add3A_415 {strides = array<i32>} : memref<80x128xf32, #tpu.memory_space<vmem>>, vector<16xf32>,
          %get3A_419 = arith.index_cast %scan3A_405 : i32 to index
          %get3A_420 = arith.constant 80 : index
          %get3A_421 = tpu.vector_load %arg12[%get3A_419, %get3A_420] {strides = array<i32>} : memref<80x128xf32, #tpu.memory_space<vmem>>, vector<16xf32>,
          %mul3A_422 = arith.mulf %gather3A_407, %get3A_421 : vector<16xf32>
          %get3A_423 = arith.index_cast %scan3A_405 : i32 to index
          %get3A_424 = arith.constant 16 : index
          %get3A_425 = tpu.vector_load %arg12[%get3A_423, %get3A_424] {strides = array<i32>} : memref<80x128xf32, #tpu.memory_space<vmem>>, vector<16xf32>,
          %add3A_426 = arith.addf %mul3A_422, %get3A_425 : vector<16xf32>
          %swap3A_427 = arith.index_cast %scan3A_405 : i32 to index
          %swap3A_428 = arith.constant 16 : index
          %swap3A_429 = tpu.vector_load %arg12[%swap3A_427, %swap3A_428] {strides = array<i32>} : memref<80x128xf32, #tpu.memory_space<vmem>>, vector<16xf32>,
          tpu.vector_store %arg12[%swap3A_427, %swap3A_428], %add3A_426 {strides = array<i32>} : memref<80x128xf32, #tpu.memory_space<vmem>>, vector<16xf32>,
          %get3A_430 = arith.index_cast %scan3A_405 : i32 to index
          %get3A_431 = arith.constant 96 : index
          %get3A_432 = tpu.vector_load %arg12[%get3A_430, %get3A_431] {strides = array<i32>} : memref<80x128xf32, #tpu.memory_space<vmem>>, vector<16xf32>,
          %mul3A_433 = arith.mulf %gather3A_407, %get3A_432 : vector<16xf32>
          %get3A_434 = arith.index_cast %scan3A_405 : i32 to index
          %get3A_435 = arith.constant 32 : index
          %get3A_436 = tpu.vector_load %arg12[%get3A_434, %get3A_435] {strides = array<i32>} : memref<80x128xf32, #tpu.memory_space<vmem>>, vector<16xf32>,
          %add3A_437 = arith.addf %mul3A_433, %get3A_436 : vector<16xf32>
          %swap3A_438 = arith.index_cast %scan3A_405 : i32 to index
          %swap3A_439 = arith.constant 32 : index
          %swap3A_440 = tpu.vector_load %arg12[%swap3A_438, %swap3A_439] {strides = array<i32>} : memref<80x128xf32, #tpu.memory_space<vmem>>, vector<16xf32>,
          tpu.vector_store %arg12[%swap3A_438, %swap3A_439], %add3A_437 {strides = array<i32>} : memref<80x128xf32, #tpu.memory_space<vmem>>, vector<16xf32>,
          %get3A_441 = arith.index_cast %scan3A_405 : i32 to index
          %get3A_442 = arith.constant 112 : index
          %get3A_443 = tpu.vector_load %arg12[%get3A_441, %get3A_442] {strides = array<i32>} : memref<80x128xf32, #tpu.memory_space<vmem>>, vector<16xf32>,
          %mul3A_444 = arith.mulf %gather3A_407, %get3A_443 : vector<16xf32>
          %get3A_445 = arith.index_cast %scan3A_405 : i32 to index
          %get3A_446 = arith.constant 48 : index
          %get3A_447 = tpu.vector_load %arg12[%get3A_445, %get3A_446] {strides = array<i32>} : memref<80x128xf32, #tpu.memory_space<vmem>>, vector<16xf32>,
          %add3A_448 = arith.addf %mul3A_444, %get3A_447 : vector<16xf32>
          %swap3A_449 = arith.index_cast %scan3A_405 : i32 to index
          %swap3A_450 = arith.constant 48 : index
          %swap3A_451 = tpu.vector_load %arg12[%swap3A_449, %swap3A_450] {strides = array<i32>} : memref<80x128xf32, #tpu.memory_space<vmem>>, vector<16xf32>,
          tpu.vector_store %arg12[%swap3A_449, %swap3A_450], %add3A_448 {strides = array<i32>} : memref<80x128xf32, #tpu.memory_space<vmem>>, vector<16xf32>,
          %scan3A_452 = arith.constant 0 : i32
          %scan3A_453 = arith.constant 3 : i32
          %scan3A_454 = arith.addi %scan3A_306, %scan3A_453 : i32
          %broadcast_in_dim3A_455 = vector.broadcast %scan3A_454 : i32 to vector<16xi32>
          %gather3A_456 = tpu.vector_load_idx %arg27[%broadcast_in_dim3A_455] : memref<80xf32, #tpu.memory_space<vmem>>[vector<16xi32>], vector<16xf32>,
          %get3A_457 = arith.index_cast %scan3A_454 : i32 to index
          %get3A_458 = arith.constant 64 : index
          %get3A_459 = tpu.vector_load %arg12[%get3A_457, %get3A_458] {strides = array<i32>} : memref<80x128xf32, #tpu.memory_space<vmem>>, vector<16xf32>,
          %mul3A_460 = arith.mulf %gather3A_456, %get3A_459 : vector<16xf32>
          %get3A_461 = arith.index_cast %scan3A_454 : i32 to index
          %get3A_462 = arith.constant 0 : index
          %get3A_463 = tpu.vector_load %arg12[%get3A_461, %get3A_462] {strides = array<i32>} : memref<80x128xf32, #tpu.memory_space<vmem>>, vector<16xf32>,
          %add3A_464 = arith.addf %mul3A_460, %get3A_463 : vector<16xf32>
          %swap3A_465 = arith.index_cast %scan3A_454 : i32 to index
          %swap3A_466 = arith.constant 0 : index
          %swap3A_467 = tpu.vector_load %arg12[%swap3A_465, %swap3A_466] {strides = array<i32>} : memref<80x128xf32, #tpu.memory_space<vmem>>, vector<16xf32>,
          tpu.vector_store %arg12[%swap3A_465, %swap3A_466], %add3A_464 {strides = array<i32>} : memref<80x128xf32, #tpu.memory_space<vmem>>, vector<16xf32>,
          %get3A_468 = arith.index_cast %scan3A_454 : i32 to index
          %get3A_469 = arith.constant 80 : index
          %get3A_470 = tpu.vector_load %arg12[%get3A_468, %get3A_469] {strides = array<i32>} : memref<80x128xf32, #tpu.memory_space<vmem>>, vector<16xf32>,
          %mul3A_471 = arith.mulf %gather3A_456, %get3A_470 : vector<16xf32>
          %get3A_472 = arith.index_cast %scan3A_454 : i32 to index
          %get3A_473 = arith.constant 16 : index
          %get3A_474 = tpu.vector_load %arg12[%get3A_472, %get3A_473] {strides = array<i32>} : memref<80x128xf32, #tpu.memory_space<vmem>>, vector<16xf32>,
          %add3A_475 = arith.addf %mul3A_471, %get3A_474 : vector<16xf32>
          %swap3A_476 = arith.index_cast %scan3A_454 : i32 to index
          %swap3A_477 = arith.constant 16 : index
          %swap3A_478 = tpu.vector_load %arg12[%swap3A_476, %swap3A_477] {strides = array<i32>} : memref<80x128xf32, #tpu.memory_space<vmem>>, vector<16xf32>,
          tpu.vector_store %arg12[%swap3A_476, %swap3A_477], %add3A_475 {strides = array<i32>} : memref<80x128xf32, #tpu.memory_space<vmem>>, vector<16xf32>,
          %get3A_479 = arith.index_cast %scan3A_454 : i32 to index
          %get3A_480 = arith.constant 96 : index
          %get3A_481 = tpu.vector_load %arg12[%get3A_479, %get3A_480] {strides = array<i32>} : memref<80x128xf32, #tpu.memory_space<vmem>>, vector<16xf32>,
          %mul3A_482 = arith.mulf %gather3A_456, %get3A_481 : vector<16xf32>
          %get3A_483 = arith.index_cast %scan3A_454 : i32 to index
          %get3A_484 = arith.constant 32 : index
          %get3A_485 = tpu.vector_load %arg12[%get3A_483, %get3A_484] {strides = array<i32>} : memref<80x128xf32, #tpu.memory_space<vmem>>, vector<16xf32>,
          %add3A_486 = arith.addf %mul3A_482, %get3A_485 : vector<16xf32>
          %swap3A_487 = arith.index_cast %scan3A_454 : i32 to index
          %swap3A_488 = arith.constant 32 : index
          %swap3A_489 = tpu.vector_load %arg12[%swap3A_487, %swap3A_488] {strides = array<i32>} : memref<80x128xf32, #tpu.memory_space<vmem>>, vector<16xf32>,
          tpu.vector_store %arg12[%swap3A_487, %swap3A_488], %add3A_486 {strides = array<i32>} : memref<80x128xf32, #tpu.memory_space<vmem>>, vector<16xf32>,
          %get3A_490 = arith.index_cast %scan3A_454 : i32 to index
          %get3A_491 = arith.constant 112 : index
          %get3A_492 = tpu.vector_load %arg12[%get3A_490, %get3A_491] {strides = array<i32>} : memref<80x128xf32, #tpu.memory_space<vmem>>, vector<16xf32>,
          %mul3A_493 = arith.mulf %gather3A_456, %get3A_492 : vector<16xf32>
          %get3A_494 = arith.index_cast %scan3A_454 : i32 to index
          %get3A_495 = arith.constant 48 : index
          %get3A_496 = tpu.vector_load %arg12[%get3A_494, %get3A_495] {strides = array<i32>} : memref<80x128xf32, #tpu.memory_space<vmem>>, vector<16xf32>,
          %add3A_497 = arith.addf %mul3A_493, %get3A_496 : vector<16xf32>
          %swap3A_498 = arith.index_cast %scan3A_454 : i32 to index
          %swap3A_499 = arith.constant 48 : index
          %swap3A_500 = tpu.vector_load %arg12[%swap3A_498, %swap3A_499] {strides = array<i32>} : memref<80x128xf32, #tpu.memory_space<vmem>>, vector<16xf32>,
          tpu.vector_store %arg12[%swap3A_498, %swap3A_499], %add3A_497 {strides = array<i32>} : memref<80x128xf32, #tpu.memory_space<vmem>>, vector<16xf32>,
          %scan3A_501 = arith.constant 0 : i32
          scf.yield %scan3A_501 : i32
        }
        %scan3A_302 = arith.constant 80 : i32
        %dma_start3A_303 = arith.constant 0 : i32
        %dma_start3A_304 = arith.constant 0 : i32
        %dma_start3A_305 = tpu.memref_slice %arg7[%dma_start3A_303, %dma_start3A_304] : memref<10000x128xf32, #tpu.memory_space<vmem_shared>> -> memref<10000x128xf32, #tpu.memory_space<vmem_shared>>
        tpu.enqueue_indirect_dma source(%arg12 : memref<80x128xf32, #tpu.memory_space<vmem>>) target(%dma_start3A_305 : memref<10000x128xf32, #tpu.memory_space<vmem_shared>>) offsets(%arg9 : memref<80xi32, #tpu.memory_space<vmem>>) semaphore(%arg21 : memref<!tpu.dma_semaphore, #tpu.memory_space<semaphore_mem>>) {add = true}
      } else {
      }
      %mul3A_226 = arith.constant 3 : i32
      %mul3A_227 = arith.muli %scan3A_209, %mul3A_226 : i32
      %add3A_228 = arith.constant 2 : i32
      %add3A_229 = arith.addi %mul3A_227, %add3A_228 : i32
      %lt3A_230 = arith.constant 125 : i32
      %lt3A_231 = arith.cmpi slt, %add3A_229, %lt3A_230 : i32
      %convert_element_type3A_232 = arith.extui %lt3A_231 : i1 to i32
      %cond3A_233 = arith.constant 0 : i32
      %cond3A_234 = arith.cmpi ne, %convert_element_type3A_232, %cond3A_233 : i32
      scf.if %cond3A_234 {
        %ge3A = arith.constant 2 : i32
        %ge3A_236 = arith.cmpi sge, %add3A_229, %ge3A : i32
        %convert_element_type3A_237 = arith.extui %ge3A_236 : i1 to i32
        %cond3A_238 = arith.constant 0 : i32
        %cond3A_239 = arith.cmpi ne, %convert_element_type3A_237, %cond3A_238 : i32
        scf.if %cond3A_239 {
          %dma_wait3A_306 = arith.constant 0 : i32
          %dma_wait3A_307 = arith.constant 0 : i32
          %dma_wait3A_308 = tpu.memref_slice %arg7[%dma_wait3A_306, %dma_wait3A_307] : memref<10000x128xf32, #tpu.memory_space<vmem_shared>> -> memref<10000x128xf32, #tpu.memory_space<vmem_shared>>
          tpu.wait_indirect_dma semaphore(%arg20 : memref<!tpu.dma_semaphore, #tpu.memory_space<semaphore_mem>>) src(%arg11 : memref<80x128xf32, #tpu.memory_space<vmem>>) dst(%dma_wait3A_308 : memref<10000x128xf32, #tpu.memory_space<vmem_shared>>)
        } else {
        }
        %add3A_240 = arith.constant 1 : i32
        %add3A_241 = arith.addi %add3A_229, %add3A_240 : i32
        %lt3A_242 = arith.constant 125 : i32
        %lt3A_243 = arith.cmpi slt, %add3A_241, %lt3A_242 : i32
        %convert_element_type3A_244 = arith.extui %lt3A_243 : i1 to i32
        %cond3A_245 = arith.constant 0 : i32
        %cond3A_246 = arith.cmpi ne, %convert_element_type3A_244, %cond3A_245 : i32
        scf.if %cond3A_246 {
          %add3A_306 = arith.constant 1 : i32
          %add3A_307 = arith.addi %add3A_229, %add3A_306 : i32
          %mul3A_308 = arith.constant 10000 : i32
          %mul3A_309 = arith.muli %arg1, %mul3A_308 : i32
          %mul3A_310 = arith.constant 80 : i32
          %mul3A_311 = arith.muli %add3A_307, %mul3A_310 : i32
          %add3A_312 = arith.addi %mul3A_309, %mul3A_311 : i32
          %add3A_313 = arith.constant 256 : i32
          %add3A_314 = arith.addi %add3A_313, %mul3A_61 : i32
          %dma_start3A_315 = tpu.memref_slice %arg4[%add3A_312] : memref<160000xi32, #tpu.memory_space<hbm>> -> memref<80xi32, #tpu.memory_space<hbm>>
          %dma_start3A_316 = tpu.memref_slice %arg4[%add3A_312] : memref<160000xi32, #tpu.memory_space<hbm>> -> memref<80xi32, #tpu.memory_space<hbm>>
          tpu.enqueue_dma source(%dma_start3A_316 : memref<80xi32, #tpu.memory_space<hbm>>) target(%arg17 : memref<80xi32, #tpu.memory_space<vmem>>) target_semaphore(%arg14 : memref<!tpu.dma_semaphore, #tpu.memory_space<semaphore_mem>>)
          %dma_start3A_317 = tpu.memref_slice %arg5[%add3A_312] : memref<160000xi32, #tpu.memory_space<hbm>> -> memref<80xi32, #tpu.memory_space<hbm>>
          %dma_start3A_318 = tpu.memref_slice %arg5[%add3A_312] : memref<160000xi32, #tpu.memory_space<hbm>> -> memref<80xi32, #tpu.memory_space<hbm>>
          tpu.enqueue_dma source(%dma_start3A_318 : memref<80xi32, #tpu.memory_space<hbm>>) target(%arg8 : memref<80xi32, #tpu.memory_space<vmem>>) target_semaphore(%arg14 : memref<!tpu.dma_semaphore, #tpu.memory_space<semaphore_mem>>)
          %dma_start3A_319 = arith.constant 0 : i32
          %dma_start3A_320 = arith.constant 0 : i32
          %dma_start3A_321 = tpu.memref_slice %arg11[%dma_start3A_319, %dma_start3A_320] : memref<80x128xf32, #tpu.memory_space<vmem>> -> memref<80x64xf32, #tpu.memory_space<vmem>>
          %dma_start3A_322 = tpu.memref_slice %arg3[%add3A_312, %mul3A_61] : memref<160000x512xf32, #tpu.memory_space<hbm>> -> memref<80x64xf32, #tpu.memory_space<hbm>>
          %dma_start3A_323 = arith.constant 0 : i32
          %dma_start3A_324 = arith.constant 0 : i32
          %dma_start3A_325 = tpu.memref_slice %arg11[%dma_start3A_323, %dma_start3A_324] : memref<80x128xf32, #tpu.memory_space<vmem>> -> memref<80x64xf32, #tpu.memory_space<vmem>>
          %dma_start3A_326 = tpu.memref_slice %arg3[%add3A_312, %mul3A_61] : memref<160000x512xf32, #tpu.memory_space<hbm>> -> memref<80x64xf32, #tpu.memory_space<hbm>>
          tpu.enqueue_dma source(%dma_start3A_326 : memref<80x64xf32, #tpu.memory_space<hbm>>) target(%dma_start3A_325 : memref<80x64xf32, #tpu.memory_space<vmem>>) target_semaphore(%arg14 : memref<!tpu.dma_semaphore, #tpu.memory_space<semaphore_mem>>)
          %dma_start3A_327 = arith.constant 0 : i32
          %dma_start3A_328 = arith.constant 64 : i32
          %dma_start3A_329 = tpu.memref_slice %arg11[%dma_start3A_327, %dma_start3A_328] : memref<80x128xf32, #tpu.memory_space<vmem>> -> memref<80x64xf32, #tpu.memory_space<vmem>>
          %dma_start3A_330 = tpu.memref_slice %arg3[%add3A_312, %add3A_314] : memref<160000x512xf32, #tpu.memory_space<hbm>> -> memref<80x64xf32, #tpu.memory_space<hbm>>
          %dma_start3A_331 = arith.constant 0 : i32
          %dma_start3A_332 = arith.constant 64 : i32
          %dma_start3A_333 = tpu.memref_slice %arg11[%dma_start3A_331, %dma_start3A_332] : memref<80x128xf32, #tpu.memory_space<vmem>> -> memref<80x64xf32, #tpu.memory_space<vmem>>
          %dma_start3A_334 = tpu.memref_slice %arg3[%add3A_312, %add3A_314] : memref<160000x512xf32, #tpu.memory_space<hbm>> -> memref<80x64xf32, #tpu.memory_space<hbm>>
          tpu.enqueue_dma source(%dma_start3A_334 : memref<80x64xf32, #tpu.memory_space<hbm>>) target(%dma_start3A_333 : memref<80x64xf32, #tpu.memory_space<vmem>>) target_semaphore(%arg14 : memref<!tpu.dma_semaphore, #tpu.memory_space<semaphore_mem>>)
        } else {
        }
        %mul3A_247 = arith.constant 10000 : i32
        %mul3A_248 = arith.muli %arg1, %mul3A_247 : i32
        %mul3A_249 = arith.constant 80 : i32
        %mul3A_250 = arith.muli %add3A_229, %mul3A_249 : i32
        %add3A_251 = arith.addi %mul3A_248, %mul3A_250 : i32
        %add3A_252 = arith.constant 256 : i32
        %add3A_253 = arith.addi %add3A_252, %mul3A_61 : i32
        %dma_wait3A_254 = tpu.memref_slice %arg4[%add3A_251] : memref<160000xi32, #tpu.memory_space<hbm>> -> memref<80xi32, #tpu.memory_space<hbm>>
        %dma_wait3A_255 = tpu.memref_slice %arg4[%add3A_251] : memref<160000xi32, #tpu.memory_space<hbm>> -> memref<80xi32, #tpu.memory_space<hbm>>
        tpu.wait_dma2 semaphore(%arg16 : memref<!tpu.dma_semaphore, #tpu.memory_space<semaphore_mem>>) src(%dma_wait3A_255 : memref<80xi32, #tpu.memory_space<hbm>>) dst(%arg19 : memref<80xi32, #tpu.memory_space<vmem>>)
        %dma_wait3A_256 = tpu.memref_slice %arg5[%add3A_251] : memref<160000xi32, #tpu.memory_space<hbm>> -> memref<80xi32, #tpu.memory_space<hbm>>
        %dma_wait3A_257 = tpu.memref_slice %arg5[%add3A_251] : memref<160000xi32, #tpu.memory_space<hbm>> -> memref<80xi32, #tpu.memory_space<hbm>>
        tpu.wait_dma2 semaphore(%arg16 : memref<!tpu.dma_semaphore, #tpu.memory_space<semaphore_mem>>) src(%dma_wait3A_257 : memref<80xi32, #tpu.memory_space<hbm>>) dst(%arg10 : memref<80xi32, #tpu.memory_space<vmem>>)
        %dma_wait3A_258 = arith.constant 0 : i32
        %dma_wait3A_259 = arith.constant 0 : i32
        %dma_wait3A_260 = tpu.memref_slice %arg13[%dma_wait3A_258, %dma_wait3A_259] : memref<80x128xf32, #tpu.memory_space<vmem>> -> memref<80x64xf32, #tpu.memory_space<vmem>>
        %dma_wait3A_261 = tpu.memref_slice %arg3[%add3A_251, %mul3A_61] : memref<160000x512xf32, #tpu.memory_space<hbm>> -> memref<80x64xf32, #tpu.memory_space<hbm>>
        %dma_wait3A_262 = arith.constant 0 : i32
        %dma_wait3A_263 = arith.constant 0 : i32
        %dma_wait3A_264 = tpu.memref_slice %arg13[%dma_wait3A_262, %dma_wait3A_263] : memref<80x128xf32, #tpu.memory_space<vmem>> -> memref<80x64xf32, #tpu.memory_space<vmem>>
        %dma_wait3A_265 = tpu.memref_slice %arg3[%add3A_251, %mul3A_61] : memref<160000x512xf32, #tpu.memory_space<hbm>> -> memref<80x64xf32, #tpu.memory_space<hbm>>
        tpu.wait_dma2 semaphore(%arg16 : memref<!tpu.dma_semaphore, #tpu.memory_space<semaphore_mem>>) src(%dma_wait3A_265 : memref<80x64xf32, #tpu.memory_space<hbm>>) dst(%dma_wait3A_264 : memref<80x64xf32, #tpu.memory_space<vmem>>)
        %dma_wait3A_266 = arith.constant 0 : i32
        %dma_wait3A_267 = arith.constant 64 : i32
        %dma_wait3A_268 = tpu.memref_slice %arg13[%dma_wait3A_266, %dma_wait3A_267] : memref<80x128xf32, #tpu.memory_space<vmem>> -> memref<80x64xf32, #tpu.memory_space<vmem>>
        %dma_wait3A_269 = tpu.memref_slice %arg3[%add3A_251, %add3A_253] : memref<160000x512xf32, #tpu.memory_space<hbm>> -> memref<80x64xf32, #tpu.memory_space<hbm>>
        %dma_wait3A_270 = arith.constant 0 : i32
        %dma_wait3A_271 = arith.constant 64 : i32
        %dma_wait3A_272 = tpu.memref_slice %arg13[%dma_wait3A_270, %dma_wait3A_271] : memref<80x128xf32, #tpu.memory_space<vmem>> -> memref<80x64xf32, #tpu.memory_space<vmem>>
        %dma_wait3A_273 = tpu.memref_slice %arg3[%add3A_251, %add3A_253] : memref<160000x512xf32, #tpu.memory_space<hbm>> -> memref<80x64xf32, #tpu.memory_space<hbm>>
        tpu.wait_dma2 semaphore(%arg16 : memref<!tpu.dma_semaphore, #tpu.memory_space<semaphore_mem>>) src(%dma_wait3A_273 : memref<80x64xf32, #tpu.memory_space<hbm>>) dst(%dma_wait3A_272 : memref<80x64xf32, #tpu.memory_space<vmem>>)
        %get3A = arith.constant 0 : index
        %get3A_274 = tpu.vector_load %arg19[%get3A] {strides = array<i32>} : memref<80xi32, #tpu.memory_space<vmem>>, vector<16xi32>,
        %gather3A = tpu.vector_load_idx %arg23[%get3A_274] : memref<10000xf32, #tpu.memory_space<vmem>>[vector<16xi32>], vector<16xf32>,
        %swap3A = arith.constant 0 : index
        %swap3A_275 = tpu.vector_load %arg27[%swap3A] {strides = array<i32>} : memref<80xf32, #tpu.memory_space<vmem>>, vector<16xf32>,
        tpu.vector_store %arg27[%swap3A], %gather3A {strides = array<i32>} : memref<80xf32, #tpu.memory_space<vmem>>, vector<16xf32>,
        %get3A_276 = arith.constant 16 : index
        %get3A_277 = tpu.vector_load %arg19[%get3A_276] {strides = array<i32>} : memref<80xi32, #tpu.memory_space<vmem>>, vector<16xi32>,
        %gather3A_278 = tpu.vector_load_idx %arg23[%get3A_277] : memref<10000xf32, #tpu.memory_space<vmem>>[vector<16xi32>], vector<16xf32>,
        %swap3A_279 = arith.constant 16 : index
        %swap3A_280 = tpu.vector_load %arg27[%swap3A_279] {strides = array<i32>} : memref<80xf32, #tpu.memory_space<vmem>>, vector<16xf32>,
        tpu.vector_store %arg27[%swap3A_279], %gather3A_278 {strides = array<i32>} : memref<80xf32, #tpu.memory_space<vmem>>, vector<16xf32>,
        %get3A_281 = arith.constant 32 : index
        %get3A_282 = tpu.vector_load %arg19[%get3A_281] {strides = array<i32>} : memref<80xi32, #tpu.memory_space<vmem>>, vector<16xi32>,
        %gather3A_283 = tpu.vector_load_idx %arg23[%get3A_282] : memref<10000xf32, #tpu.memory_space<vmem>>[vector<16xi32>], vector<16xf32>,
        %swap3A_284 = arith.constant 32 : index
        %swap3A_285 = tpu.vector_load %arg27[%swap3A_284] {strides = array<i32>} : memref<80xf32, #tpu.memory_space<vmem>>, vector<16xf32>,
        tpu.vector_store %arg27[%swap3A_284], %gather3A_283 {strides = array<i32>} : memref<80xf32, #tpu.memory_space<vmem>>, vector<16xf32>,
        %get3A_286 = arith.constant 48 : index
        %get3A_287 = tpu.vector_load %arg19[%get3A_286] {strides = array<i32>} : memref<80xi32, #tpu.memory_space<vmem>>, vector<16xi32>,
        %gather3A_288 = tpu.vector_load_idx %arg23[%get3A_287] : memref<10000xf32, #tpu.memory_space<vmem>>[vector<16xi32>], vector<16xf32>,
        %swap3A_289 = arith.constant 48 : index
        %swap3A_290 = tpu.vector_load %arg27[%swap3A_289] {strides = array<i32>} : memref<80xf32, #tpu.memory_space<vmem>>, vector<16xf32>,
        tpu.vector_store %arg27[%swap3A_289], %gather3A_288 {strides = array<i32>} : memref<80xf32, #tpu.memory_space<vmem>>, vector<16xf32>,
        %get3A_291 = arith.constant 64 : index
        %get3A_292 = tpu.vector_load %arg19[%get3A_291] {strides = array<i32>} : memref<80xi32, #tpu.memory_space<vmem>>, vector<16xi32>,
        %gather3A_293 = tpu.vector_load_idx %arg23[%get3A_292] : memref<10000xf32, #tpu.memory_space<vmem>>[vector<16xi32>], vector<16xf32>,
        %swap3A_294 = arith.constant 64 : index
        %swap3A_295 = tpu.vector_load %arg27[%swap3A_294] {strides = array<i32>} : memref<80xf32, #tpu.memory_space<vmem>>, vector<16xf32>,
        tpu.vector_store %arg27[%swap3A_294], %gather3A_293 {strides = array<i32>} : memref<80xf32, #tpu.memory_space<vmem>>, vector<16xf32>,
        %scan3A_296 = arith.constant 0 : i32
        %scan3A_297 = arith.constant 0 : i32
        %scan3A_298 = arith.constant 80 : i32
        %scan3A_299 = arith.addi %scan3A_297, %scan3A_298 : i32
        %scan3A_300 = arith.constant 4 : i32
        %scan3A_301 = scf.for %scan3A_306 = %scan3A_297 to %scan3A_299 step %scan3A_300 iter_args(%scan3A_307 = %scan3A_296) -> (i32)  : i32 {
          %broadcast_in_dim3A_308 = vector.broadcast %scan3A_306 : i32 to vector<16xi32>
          %gather3A_309 = tpu.vector_load_idx %arg27[%broadcast_in_dim3A_308] : memref<80xf32, #tpu.memory_space<vmem>>[vector<16xi32>], vector<16xf32>,
          %get3A_310 = arith.index_cast %scan3A_306 : i32 to index
          %get3A_311 = arith.constant 64 : index
          %get3A_312 = tpu.vector_load %arg13[%get3A_310, %get3A_311] {strides = array<i32>} : memref<80x128xf32, #tpu.memory_space<vmem>>, vector<16xf32>,
          %mul3A_313 = arith.mulf %gather3A_309, %get3A_312 : vector<16xf32>
          %get3A_314 = arith.index_cast %scan3A_306 : i32 to index
          %get3A_315 = arith.constant 0 : index
          %get3A_316 = tpu.vector_load %arg13[%get3A_314, %get3A_315] {strides = array<i32>} : memref<80x128xf32, #tpu.memory_space<vmem>>, vector<16xf32>,
          %add3A_317 = arith.addf %mul3A_313, %get3A_316 : vector<16xf32>
          %swap3A_318 = arith.index_cast %scan3A_306 : i32 to index
          %swap3A_319 = arith.constant 0 : index
          %swap3A_320 = tpu.vector_load %arg13[%swap3A_318, %swap3A_319] {strides = array<i32>} : memref<80x128xf32, #tpu.memory_space<vmem>>, vector<16xf32>,
          tpu.vector_store %arg13[%swap3A_318, %swap3A_319], %add3A_317 {strides = array<i32>} : memref<80x128xf32, #tpu.memory_space<vmem>>, vector<16xf32>,
          %get3A_321 = arith.index_cast %scan3A_306 : i32 to index
          %get3A_322 = arith.constant 80 : index
          %get3A_323 = tpu.vector_load %arg13[%get3A_321, %get3A_322] {strides = array<i32>} : memref<80x128xf32, #tpu.memory_space<vmem>>, vector<16xf32>,
          %mul3A_324 = arith.mulf %gather3A_309, %get3A_323 : vector<16xf32>
          %get3A_325 = arith.index_cast %scan3A_306 : i32 to index
          %get3A_326 = arith.constant 16 : index
          %get3A_327 = tpu.vector_load %arg13[%get3A_325, %get3A_326] {strides = array<i32>} : memref<80x128xf32, #tpu.memory_space<vmem>>, vector<16xf32>,
          %add3A_328 = arith.addf %mul3A_324, %get3A_327 : vector<16xf32>
          %swap3A_329 = arith.index_cast %scan3A_306 : i32 to index
          %swap3A_330 = arith.constant 16 : index
          %swap3A_331 = tpu.vector_load %arg13[%swap3A_329, %swap3A_330] {strides = array<i32>} : memref<80x128xf32, #tpu.memory_space<vmem>>, vector<16xf32>,
          tpu.vector_store %arg13[%swap3A_329, %swap3A_330], %add3A_328 {strides = array<i32>} : memref<80x128xf32, #tpu.memory_space<vmem>>, vector<16xf32>,
          %get3A_332 = arith.index_cast %scan3A_306 : i32 to index
          %get3A_333 = arith.constant 96 : index
          %get3A_334 = tpu.vector_load %arg13[%get3A_332, %get3A_333] {strides = array<i32>} : memref<80x128xf32, #tpu.memory_space<vmem>>, vector<16xf32>,
          %mul3A_335 = arith.mulf %gather3A_309, %get3A_334 : vector<16xf32>
          %get3A_336 = arith.index_cast %scan3A_306 : i32 to index
          %get3A_337 = arith.constant 32 : index
          %get3A_338 = tpu.vector_load %arg13[%get3A_336, %get3A_337] {strides = array<i32>} : memref<80x128xf32, #tpu.memory_space<vmem>>, vector<16xf32>,
          %add3A_339 = arith.addf %mul3A_335, %get3A_338 : vector<16xf32>
          %swap3A_340 = arith.index_cast %scan3A_306 : i32 to index
          %swap3A_341 = arith.constant 32 : index
          %swap3A_342 = tpu.vector_load %arg13[%swap3A_340, %swap3A_341] {strides = array<i32>} : memref<80x128xf32, #tpu.memory_space<vmem>>, vector<16xf32>,
          tpu.vector_store %arg13[%swap3A_340, %swap3A_341], %add3A_339 {strides = array<i32>} : memref<80x128xf32, #tpu.memory_space<vmem>>, vector<16xf32>,
          %get3A_343 = arith.index_cast %scan3A_306 : i32 to index
          %get3A_344 = arith.constant 112 : index
          %get3A_345 = tpu.vector_load %arg13[%get3A_343, %get3A_344] {strides = array<i32>} : memref<80x128xf32, #tpu.memory_space<vmem>>, vector<16xf32>,
          %mul3A_346 = arith.mulf %gather3A_309, %get3A_345 : vector<16xf32>
          %get3A_347 = arith.index_cast %scan3A_306 : i32 to index
          %get3A_348 = arith.constant 48 : index
          %get3A_349 = tpu.vector_load %arg13[%get3A_347, %get3A_348] {strides = array<i32>} : memref<80x128xf32, #tpu.memory_space<vmem>>, vector<16xf32>,
          %add3A_350 = arith.addf %mul3A_346, %get3A_349 : vector<16xf32>
          %swap3A_351 = arith.index_cast %scan3A_306 : i32 to index
          %swap3A_352 = arith.constant 48 : index
          %swap3A_353 = tpu.vector_load %arg13[%swap3A_351, %swap3A_352] {strides = array<i32>} : memref<80x128xf32, #tpu.memory_space<vmem>>, vector<16xf32>,
          tpu.vector_store %arg13[%swap3A_351, %swap3A_352], %add3A_350 {strides = array<i32>} : memref<80x128xf32, #tpu.memory_space<vmem>>, vector<16xf32>,
          %scan3A_354 = arith.constant 0 : i32
          %scan3A_355 = arith.constant 1 : i32
          %scan3A_356 = arith.addi %scan3A_306, %scan3A_355 : i32
          %broadcast_in_dim3A_357 = vector.broadcast %scan3A_356 : i32 to vector<16xi32>
          %gather3A_358 = tpu.vector_load_idx %arg27[%broadcast_in_dim3A_357] : memref<80xf32, #tpu.memory_space<vmem>>[vector<16xi32>], vector<16xf32>,
          %get3A_359 = arith.index_cast %scan3A_356 : i32 to index
          %get3A_360 = arith.constant 64 : index
          %get3A_361 = tpu.vector_load %arg13[%get3A_359, %get3A_360] {strides = array<i32>} : memref<80x128xf32, #tpu.memory_space<vmem>>, vector<16xf32>,
          %mul3A_362 = arith.mulf %gather3A_358, %get3A_361 : vector<16xf32>
          %get3A_363 = arith.index_cast %scan3A_356 : i32 to index
          %get3A_364 = arith.constant 0 : index
          %get3A_365 = tpu.vector_load %arg13[%get3A_363, %get3A_364] {strides = array<i32>} : memref<80x128xf32, #tpu.memory_space<vmem>>, vector<16xf32>,
          %add3A_366 = arith.addf %mul3A_362, %get3A_365 : vector<16xf32>
          %swap3A_367 = arith.index_cast %scan3A_356 : i32 to index
          %swap3A_368 = arith.constant 0 : index
          %swap3A_369 = tpu.vector_load %arg13[%swap3A_367, %swap3A_368] {strides = array<i32>} : memref<80x128xf32, #tpu.memory_space<vmem>>, vector<16xf32>,
          tpu.vector_store %arg13[%swap3A_367, %swap3A_368], %add3A_366 {strides = array<i32>} : memref<80x128xf32, #tpu.memory_space<vmem>>, vector<16xf32>,
          %get3A_370 = arith.index_cast %scan3A_356 : i32 to index
          %get3A_371 = arith.constant 80 : index
          %get3A_372 = tpu.vector_load %arg13[%get3A_370, %get3A_371] {strides = array<i32>} : memref<80x128xf32, #tpu.memory_space<vmem>>, vector<16xf32>,
          %mul3A_373 = arith.mulf %gather3A_358, %get3A_372 : vector<16xf32>
          %get3A_374 = arith.index_cast %scan3A_356 : i32 to index
          %get3A_375 = arith.constant 16 : index
          %get3A_376 = tpu.vector_load %arg13[%get3A_374, %get3A_375] {strides = array<i32>} : memref<80x128xf32, #tpu.memory_space<vmem>>, vector<16xf32>,
          %add3A_377 = arith.addf %mul3A_373, %get3A_376 : vector<16xf32>
          %swap3A_378 = arith.index_cast %scan3A_356 : i32 to index
          %swap3A_379 = arith.constant 16 : index
          %swap3A_380 = tpu.vector_load %arg13[%swap3A_378, %swap3A_379] {strides = array<i32>} : memref<80x128xf32, #tpu.memory_space<vmem>>, vector<16xf32>,
          tpu.vector_store %arg13[%swap3A_378, %swap3A_379], %add3A_377 {strides = array<i32>} : memref<80x128xf32, #tpu.memory_space<vmem>>, vector<16xf32>,
          %get3A_381 = arith.index_cast %scan3A_356 : i32 to index
          %get3A_382 = arith.constant 96 : index
          %get3A_383 = tpu.vector_load %arg13[%get3A_381, %get3A_382] {strides = array<i32>} : memref<80x128xf32, #tpu.memory_space<vmem>>, vector<16xf32>,
          %mul3A_384 = arith.mulf %gather3A_358, %get3A_383 : vector<16xf32>
          %get3A_385 = arith.index_cast %scan3A_356 : i32 to index
          %get3A_386 = arith.constant 32 : index
          %get3A_387 = tpu.vector_load %arg13[%get3A_385, %get3A_386] {strides = array<i32>} : memref<80x128xf32, #tpu.memory_space<vmem>>, vector<16xf32>,
          %add3A_388 = arith.addf %mul3A_384, %get3A_387 : vector<16xf32>
          %swap3A_389 = arith.index_cast %scan3A_356 : i32 to index
          %swap3A_390 = arith.constant 32 : index
          %swap3A_391 = tpu.vector_load %arg13[%swap3A_389, %swap3A_390] {strides = array<i32>} : memref<80x128xf32, #tpu.memory_space<vmem>>, vector<16xf32>,
          tpu.vector_store %arg13[%swap3A_389, %swap3A_390], %add3A_388 {strides = array<i32>} : memref<80x128xf32, #tpu.memory_space<vmem>>, vector<16xf32>,
          %get3A_392 = arith.index_cast %scan3A_356 : i32 to index
          %get3A_393 = arith.constant 112 : index
          %get3A_394 = tpu.vector_load %arg13[%get3A_392, %get3A_393] {strides = array<i32>} : memref<80x128xf32, #tpu.memory_space<vmem>>, vector<16xf32>,
          %mul3A_395 = arith.mulf %gather3A_358, %get3A_394 : vector<16xf32>
          %get3A_396 = arith.index_cast %scan3A_356 : i32 to index
          %get3A_397 = arith.constant 48 : index
          %get3A_398 = tpu.vector_load %arg13[%get3A_396, %get3A_397] {strides = array<i32>} : memref<80x128xf32, #tpu.memory_space<vmem>>, vector<16xf32>,
          %add3A_399 = arith.addf %mul3A_395, %get3A_398 : vector<16xf32>
          %swap3A_400 = arith.index_cast %scan3A_356 : i32 to index
          %swap3A_401 = arith.constant 48 : index
          %swap3A_402 = tpu.vector_load %arg13[%swap3A_400, %swap3A_401] {strides = array<i32>} : memref<80x128xf32, #tpu.memory_space<vmem>>, vector<16xf32>,
          tpu.vector_store %arg13[%swap3A_400, %swap3A_401], %add3A_399 {strides = array<i32>} : memref<80x128xf32, #tpu.memory_space<vmem>>, vector<16xf32>,
          %scan3A_403 = arith.constant 0 : i32
          %scan3A_404 = arith.constant 2 : i32
          %scan3A_405 = arith.addi %scan3A_306, %scan3A_404 : i32
          %broadcast_in_dim3A_406 = vector.broadcast %scan3A_405 : i32 to vector<16xi32>
          %gather3A_407 = tpu.vector_load_idx %arg27[%broadcast_in_dim3A_406] : memref<80xf32, #tpu.memory_space<vmem>>[vector<16xi32>], vector<16xf32>,
          %get3A_408 = arith.index_cast %scan3A_405 : i32 to index
          %get3A_409 = arith.constant 64 : index
          %get3A_410 = tpu.vector_load %arg13[%get3A_408, %get3A_409] {strides = array<i32>} : memref<80x128xf32, #tpu.memory_space<vmem>>, vector<16xf32>,
          %mul3A_411 = arith.mulf %gather3A_407, %get3A_410 : vector<16xf32>
          %get3A_412 = arith.index_cast %scan3A_405 : i32 to index
          %get3A_413 = arith.constant 0 : index
          %get3A_414 = tpu.vector_load %arg13[%get3A_412, %get3A_413] {strides = array<i32>} : memref<80x128xf32, #tpu.memory_space<vmem>>, vector<16xf32>,
          %add3A_415 = arith.addf %mul3A_411, %get3A_414 : vector<16xf32>
          %swap3A_416 = arith.index_cast %scan3A_405 : i32 to index
          %swap3A_417 = arith.constant 0 : index
          %swap3A_418 = tpu.vector_load %arg13[%swap3A_416, %swap3A_417] {strides = array<i32>} : memref<80x128xf32, #tpu.memory_space<vmem>>, vector<16xf32>,
          tpu.vector_store %arg13[%swap3A_416, %swap3A_417], %add3A_415 {strides = array<i32>} : memref<80x128xf32, #tpu.memory_space<vmem>>, vector<16xf32>,
          %get3A_419 = arith.index_cast %scan3A_405 : i32 to index
          %get3A_420 = arith.constant 80 : index
          %get3A_421 = tpu.vector_load %arg13[%get3A_419, %get3A_420] {strides = array<i32>} : memref<80x128xf32, #tpu.memory_space<vmem>>, vector<16xf32>,
          %mul3A_422 = arith.mulf %gather3A_407, %get3A_421 : vector<16xf32>
          %get3A_423 = arith.index_cast %scan3A_405 : i32 to index
          %get3A_424 = arith.constant 16 : index
          %get3A_425 = tpu.vector_load %arg13[%get3A_423, %get3A_424] {strides = array<i32>} : memref<80x128xf32, #tpu.memory_space<vmem>>, vector<16xf32>,
          %add3A_426 = arith.addf %mul3A_422, %get3A_425 : vector<16xf32>
          %swap3A_427 = arith.index_cast %scan3A_405 : i32 to index
          %swap3A_428 = arith.constant 16 : index
          %swap3A_429 = tpu.vector_load %arg13[%swap3A_427, %swap3A_428] {strides = array<i32>} : memref<80x128xf32, #tpu.memory_space<vmem>>, vector<16xf32>,
          tpu.vector_store %arg13[%swap3A_427, %swap3A_428], %add3A_426 {strides = array<i32>} : memref<80x128xf32, #tpu.memory_space<vmem>>, vector<16xf32>,
          %get3A_430 = arith.index_cast %scan3A_405 : i32 to index
          %get3A_431 = arith.constant 96 : index
          %get3A_432 = tpu.vector_load %arg13[%get3A_430, %get3A_431] {strides = array<i32>} : memref<80x128xf32, #tpu.memory_space<vmem>>, vector<16xf32>,
          %mul3A_433 = arith.mulf %gather3A_407, %get3A_432 : vector<16xf32>
          %get3A_434 = arith.index_cast %scan3A_405 : i32 to index
          %get3A_435 = arith.constant 32 : index
          %get3A_436 = tpu.vector_load %arg13[%get3A_434, %get3A_435] {strides = array<i32>} : memref<80x128xf32, #tpu.memory_space<vmem>>, vector<16xf32>,
          %add3A_437 = arith.addf %mul3A_433, %get3A_436 : vector<16xf32>
          %swap3A_438 = arith.index_cast %scan3A_405 : i32 to index
          %swap3A_439 = arith.constant 32 : index
          %swap3A_440 = tpu.vector_load %arg13[%swap3A_438, %swap3A_439] {strides = array<i32>} : memref<80x128xf32, #tpu.memory_space<vmem>>, vector<16xf32>,
          tpu.vector_store %arg13[%swap3A_438, %swap3A_439], %add3A_437 {strides = array<i32>} : memref<80x128xf32, #tpu.memory_space<vmem>>, vector<16xf32>,
          %get3A_441 = arith.index_cast %scan3A_405 : i32 to index
          %get3A_442 = arith.constant 112 : index
          %get3A_443 = tpu.vector_load %arg13[%get3A_441, %get3A_442] {strides = array<i32>} : memref<80x128xf32, #tpu.memory_space<vmem>>, vector<16xf32>,
          %mul3A_444 = arith.mulf %gather3A_407, %get3A_443 : vector<16xf32>
          %get3A_445 = arith.index_cast %scan3A_405 : i32 to index
          %get3A_446 = arith.constant 48 : index
          %get3A_447 = tpu.vector_load %arg13[%get3A_445, %get3A_446] {strides = array<i32>} : memref<80x128xf32, #tpu.memory_space<vmem>>, vector<16xf32>,
          %add3A_448 = arith.addf %mul3A_444, %get3A_447 : vector<16xf32>
          %swap3A_449 = arith.index_cast %scan3A_405 : i32 to index
          %swap3A_450 = arith.constant 48 : index
          %swap3A_451 = tpu.vector_load %arg13[%swap3A_449, %swap3A_450] {strides = array<i32>} : memref<80x128xf32, #tpu.memory_space<vmem>>, vector<16xf32>,
          tpu.vector_store %arg13[%swap3A_449, %swap3A_450], %add3A_448 {strides = array<i32>} : memref<80x128xf32, #tpu.memory_space<vmem>>, vector<16xf32>,
          %scan3A_452 = arith.constant 0 : i32
          %scan3A_453 = arith.constant 3 : i32
          %scan3A_454 = arith.addi %scan3A_306, %scan3A_453 : i32
          %broadcast_in_dim3A_455 = vector.broadcast %scan3A_454 : i32 to vector<16xi32>
          %gather3A_456 = tpu.vector_load_idx %arg27[%broadcast_in_dim3A_455] : memref<80xf32, #tpu.memory_space<vmem>>[vector<16xi32>], vector<16xf32>,
          %get3A_457 = arith.index_cast %scan3A_454 : i32 to index
          %get3A_458 = arith.constant 64 : index
          %get3A_459 = tpu.vector_load %arg13[%get3A_457, %get3A_458] {strides = array<i32>} : memref<80x128xf32, #tpu.memory_space<vmem>>, vector<16xf32>,
          %mul3A_460 = arith.mulf %gather3A_456, %get3A_459 : vector<16xf32>
          %get3A_461 = arith.index_cast %scan3A_454 : i32 to index
          %get3A_462 = arith.constant 0 : index
          %get3A_463 = tpu.vector_load %arg13[%get3A_461, %get3A_462] {strides = array<i32>} : memref<80x128xf32, #tpu.memory_space<vmem>>, vector<16xf32>,
          %add3A_464 = arith.addf %mul3A_460, %get3A_463 : vector<16xf32>
          %swap3A_465 = arith.index_cast %scan3A_454 : i32 to index
          %swap3A_466 = arith.constant 0 : index
          %swap3A_467 = tpu.vector_load %arg13[%swap3A_465, %swap3A_466] {strides = array<i32>} : memref<80x128xf32, #tpu.memory_space<vmem>>, vector<16xf32>,
          tpu.vector_store %arg13[%swap3A_465, %swap3A_466], %add3A_464 {strides = array<i32>} : memref<80x128xf32, #tpu.memory_space<vmem>>, vector<16xf32>,
          %get3A_468 = arith.index_cast %scan3A_454 : i32 to index
          %get3A_469 = arith.constant 80 : index
          %get3A_470 = tpu.vector_load %arg13[%get3A_468, %get3A_469] {strides = array<i32>} : memref<80x128xf32, #tpu.memory_space<vmem>>, vector<16xf32>,
          %mul3A_471 = arith.mulf %gather3A_456, %get3A_470 : vector<16xf32>
          %get3A_472 = arith.index_cast %scan3A_454 : i32 to index
          %get3A_473 = arith.constant 16 : index
          %get3A_474 = tpu.vector_load %arg13[%get3A_472, %get3A_473] {strides = array<i32>} : memref<80x128xf32, #tpu.memory_space<vmem>>, vector<16xf32>,
          %add3A_475 = arith.addf %mul3A_471, %get3A_474 : vector<16xf32>
          %swap3A_476 = arith.index_cast %scan3A_454 : i32 to index
          %swap3A_477 = arith.constant 16 : index
          %swap3A_478 = tpu.vector_load %arg13[%swap3A_476, %swap3A_477] {strides = array<i32>} : memref<80x128xf32, #tpu.memory_space<vmem>>, vector<16xf32>,
          tpu.vector_store %arg13[%swap3A_476, %swap3A_477], %add3A_475 {strides = array<i32>} : memref<80x128xf32, #tpu.memory_space<vmem>>, vector<16xf32>,
          %get3A_479 = arith.index_cast %scan3A_454 : i32 to index
          %get3A_480 = arith.constant 96 : index
          %get3A_481 = tpu.vector_load %arg13[%get3A_479, %get3A_480] {strides = array<i32>} : memref<80x128xf32, #tpu.memory_space<vmem>>, vector<16xf32>,
          %mul3A_482 = arith.mulf %gather3A_456, %get3A_481 : vector<16xf32>
          %get3A_483 = arith.index_cast %scan3A_454 : i32 to index
          %get3A_484 = arith.constant 32 : index
          %get3A_485 = tpu.vector_load %arg13[%get3A_483, %get3A_484] {strides = array<i32>} : memref<80x128xf32, #tpu.memory_space<vmem>>, vector<16xf32>,
          %add3A_486 = arith.addf %mul3A_482, %get3A_485 : vector<16xf32>
          %swap3A_487 = arith.index_cast %scan3A_454 : i32 to index
          %swap3A_488 = arith.constant 32 : index
          %swap3A_489 = tpu.vector_load %arg13[%swap3A_487, %swap3A_488] {strides = array<i32>} : memref<80x128xf32, #tpu.memory_space<vmem>>, vector<16xf32>,
          tpu.vector_store %arg13[%swap3A_487, %swap3A_488], %add3A_486 {strides = array<i32>} : memref<80x128xf32, #tpu.memory_space<vmem>>, vector<16xf32>,
          %get3A_490 = arith.index_cast %scan3A_454 : i32 to index
          %get3A_491 = arith.constant 112 : index
          %get3A_492 = tpu.vector_load %arg13[%get3A_490, %get3A_491] {strides = array<i32>} : memref<80x128xf32, #tpu.memory_space<vmem>>, vector<16xf32>,
          %mul3A_493 = arith.mulf %gather3A_456, %get3A_492 : vector<16xf32>
          %get3A_494 = arith.index_cast %scan3A_454 : i32 to index
          %get3A_495 = arith.constant 48 : index
          %get3A_496 = tpu.vector_load %arg13[%get3A_494, %get3A_495] {strides = array<i32>} : memref<80x128xf32, #tpu.memory_space<vmem>>, vector<16xf32>,
          %add3A_497 = arith.addf %mul3A_493, %get3A_496 : vector<16xf32>
          %swap3A_498 = arith.index_cast %scan3A_454 : i32 to index
          %swap3A_499 = arith.constant 48 : index
          %swap3A_500 = tpu.vector_load %arg13[%swap3A_498, %swap3A_499] {strides = array<i32>} : memref<80x128xf32, #tpu.memory_space<vmem>>, vector<16xf32>,
          tpu.vector_store %arg13[%swap3A_498, %swap3A_499], %add3A_497 {strides = array<i32>} : memref<80x128xf32, #tpu.memory_space<vmem>>, vector<16xf32>,
          %scan3A_501 = arith.constant 0 : i32
          scf.yield %scan3A_501 : i32
        }
        %scan3A_302 = arith.constant 80 : i32
        %dma_start3A_303 = arith.constant 0 : i32
        %dma_start3A_304 = arith.constant 0 : i32
        %dma_start3A_305 = tpu.memref_slice %arg7[%dma_start3A_303, %dma_start3A_304] : memref<10000x128xf32, #tpu.memory_space<vmem_shared>> -> memref<10000x128xf32, #tpu.memory_space<vmem_shared>>
        tpu.enqueue_indirect_dma source(%arg13 : memref<80x128xf32, #tpu.memory_space<vmem>>) target(%dma_start3A_305 : memref<10000x128xf32, #tpu.memory_space<vmem_shared>>) offsets(%arg10 : memref<80xi32, #tpu.memory_space<vmem>>) semaphore(%arg22 : memref<!tpu.dma_semaphore, #tpu.memory_space<semaphore_mem>>) {add = true}
      } else {
      }
      %scan3A_235 = arith.constant 0 : i32
      scf.yield %scan3A_235 : i32
    }
    %scan3A_113 = arith.constant 42 : i32
    %dma_wait3A = arith.constant 0 : i32
    %dma_wait3A_114 = arith.constant 0 : i32
    %dma_wait3A_115 = tpu.memref_slice %arg7[%dma_wait3A, %dma_wait3A_114] : memref<10000x128xf32, #tpu.memory_space<vmem_shared>> -> memref<10000x128xf32, #tpu.memory_space<vmem_shared>>
    tpu.wait_indirect_dma semaphore(%arg20 : memref<!tpu.dma_semaphore, #tpu.memory_space<semaphore_mem>>) src(%arg11 : memref<80x128xf32, #tpu.memory_space<vmem>>) dst(%dma_wait3A_115 : memref<10000x128xf32, #tpu.memory_space<vmem_shared>>)
    %dma_wait3A_116 = arith.constant 0 : i32
    %dma_wait3A_117 = arith.constant 0 : i32
    %dma_wait3A_118 = tpu.memref_slice %arg7[%dma_wait3A_116, %dma_wait3A_117] : memref<10000x128xf32, #tpu.memory_space<vmem_shared>> -> memref<10000x128xf32, #tpu.memory_space<vmem_shared>>
    tpu.wait_indirect_dma semaphore(%arg21 : memref<!tpu.dma_semaphore, #tpu.memory_space<semaphore_mem>>) src(%arg12 : memref<80x128xf32, #tpu.memory_space<vmem>>) dst(%dma_wait3A_118 : memref<10000x128xf32, #tpu.memory_space<vmem_shared>>)
    %barrier3A_119 = arith.constant 0 : index
    tpu.barrier barrier_id(%barrier3A_119)
    %while3A_120 = arith.constant 0 : i32
    %while3A_121 = arith.constant 0 : i32
    %while3A_122 = arith.subi %select_n3A_58, %while3A_120 : i32
    %while3A_123 = arith.addi %while3A_120, %while3A_122 : i32
    %while3A_124 = arith.constant 1 : i32
    %while3A_125 = arith.divsi %while3A_122, %while3A_124 : i32
    %while3A_126 = arith.muli %while3A_125, %while3A_124 : i32
    %while3A_127 = arith.addi %while3A_120, %while3A_126 : i32
    %while3A_128 = arith.constant 1 : i32
    %while3A_129 = scf.for %while3A_209 = %while3A_120 to %while3A_127 step %while3A_128 iter_args(%while3A_210 = %while3A_121) -> (i32)  : i32 {
      %mul3A_211 = arith.constant 16 : i32
      %mul3A_212 = arith.muli %mul3A_211, %while3A_209 : i32
      %add3A_213 = arith.addi %arg1, %mul3A_212 : i32
      %mul3A_214 = arith.constant 80 : i32
      %mul3A_215 = arith.muli %add3A_213, %mul3A_214 : i32
      "tpu.region"() ({
        %run_scoped3A = tpu.sem_alloc : memref<!tpu.dma_semaphore, #tpu.memory_space<semaphore_mem>>
        %dma_start3A_224 = arith.constant 0 : i32
        %dma_start3A_225 = tpu.memref_slice %arg7[%mul3A_215, %dma_start3A_224] : memref<10000x128xf32, #tpu.memory_space<vmem_shared>> -> memref<80x128xf32, #tpu.memory_space<vmem_shared>>
        %dma_start3A_226 = arith.constant 0 : i32
        %dma_start3A_227 = tpu.memref_slice %arg7[%mul3A_215, %dma_start3A_226] : memref<10000x128xf32, #tpu.memory_space<vmem_shared>> -> memref<80x128xf32, #tpu.memory_space<vmem_shared>>
        tpu.enqueue_dma source(%dma_start3A_227 : memref<80x128xf32, #tpu.memory_space<vmem_shared>>) target(%arg11 : memref<80x128xf32, #tpu.memory_space<vmem>>) target_semaphore(%run_scoped3A : memref<!tpu.dma_semaphore, #tpu.memory_space<semaphore_mem>>)
        %dma_wait3A_228 = arith.constant 0 : i32
        %dma_wait3A_229 = tpu.memref_slice %arg7[%mul3A_215, %dma_wait3A_228] : memref<10000x128xf32, #tpu.memory_space<vmem_shared>> -> memref<80x128xf32, #tpu.memory_space<vmem_shared>>
        %dma_wait3A_230 = arith.constant 0 : i32
        %dma_wait3A_231 = tpu.memref_slice %arg7[%mul3A_215, %dma_wait3A_230] : memref<10000x128xf32, #tpu.memory_space<vmem_shared>> -> memref<80x128xf32, #tpu.memory_space<vmem_shared>>
        tpu.wait_dma2 semaphore(%run_scoped3A : memref<!tpu.dma_semaphore, #tpu.memory_space<semaphore_mem>>) src(%dma_wait3A_231 : memref<80x128xf32, #tpu.memory_space<vmem_shared>>) dst(%arg11 : memref<80x128xf32, #tpu.memory_space<vmem>>)
        tpu.yield
      }) : () -> ()
      "tpu.region"() ({
        %run_scoped3A = tpu.sem_alloc : memref<!tpu.dma_semaphore, #tpu.memory_space<semaphore_mem>>
        %dma_start3A_224 = arith.constant 0 : i32
        %dma_start3A_225 = arith.constant 0 : i32
        %dma_start3A_226 = tpu.memref_slice %arg12[%dma_start3A_224, %dma_start3A_225] : memref<80x128xf32, #tpu.memory_space<vmem>> -> memref<80x64xf32, #tpu.memory_space<vmem>>
        %dma_start3A_227 = tpu.memref_slice %arg2[%mul3A_215, %mul3A_61] : memref<10000x256xf32, #tpu.memory_space<hbm>> -> memref<80x64xf32, #tpu.memory_space<hbm>>
        %dma_start3A_228 = arith.constant 0 : i32
        %dma_start3A_229 = arith.constant 0 : i32
        %dma_start3A_230 = tpu.memref_slice %arg12[%dma_start3A_228, %dma_start3A_229] : memref<80x128xf32, #tpu.memory_space<vmem>> -> memref<80x64xf32, #tpu.memory_space<vmem>>
        %dma_start3A_231 = tpu.memref_slice %arg2[%mul3A_215, %mul3A_61] : memref<10000x256xf32, #tpu.memory_space<hbm>> -> memref<80x64xf32, #tpu.memory_space<hbm>>
        tpu.enqueue_dma source(%dma_start3A_231 : memref<80x64xf32, #tpu.memory_space<hbm>>) target(%dma_start3A_230 : memref<80x64xf32, #tpu.memory_space<vmem>>) target_semaphore(%run_scoped3A : memref<!tpu.dma_semaphore, #tpu.memory_space<semaphore_mem>>)
        %dma_wait3A_232 = arith.constant 0 : i32
        %dma_wait3A_233 = arith.constant 0 : i32
        %dma_wait3A_234 = tpu.memref_slice %arg12[%dma_wait3A_232, %dma_wait3A_233] : memref<80x128xf32, #tpu.memory_space<vmem>> -> memref<80x64xf32, #tpu.memory_space<vmem>>
        %dma_wait3A_235 = tpu.memref_slice %arg2[%mul3A_215, %mul3A_61] : memref<10000x256xf32, #tpu.memory_space<hbm>> -> memref<80x64xf32, #tpu.memory_space<hbm>>
        %dma_wait3A_236 = arith.constant 0 : i32
        %dma_wait3A_237 = arith.constant 0 : i32
        %dma_wait3A_238 = tpu.memref_slice %arg12[%dma_wait3A_236, %dma_wait3A_237] : memref<80x128xf32, #tpu.memory_space<vmem>> -> memref<80x64xf32, #tpu.memory_space<vmem>>
        %dma_wait3A_239 = tpu.memref_slice %arg2[%mul3A_215, %mul3A_61] : memref<10000x256xf32, #tpu.memory_space<hbm>> -> memref<80x64xf32, #tpu.memory_space<hbm>>
        tpu.wait_dma2 semaphore(%run_scoped3A : memref<!tpu.dma_semaphore, #tpu.memory_space<semaphore_mem>>) src(%dma_wait3A_239 : memref<80x64xf32, #tpu.memory_space<hbm>>) dst(%dma_wait3A_238 : memref<80x64xf32, #tpu.memory_space<vmem>>)
        tpu.yield
      }) : () -> ()
      %scan3A_216 = arith.constant 0 : i32
      %scan3A_217 = arith.constant 0 : i32
      %scan3A_218 = arith.constant 80 : i32
      %scan3A_219 = arith.addi %scan3A_217, %scan3A_218 : i32
      %scan3A_220 = arith.constant 1 : i32
      %scan3A_221 = scf.for %scan3A_224 = %scan3A_217 to %scan3A_219 step %scan3A_220 iter_args(%scan3A_225 = %scan3A_216) -> (i32)  : i32 {
        %get3A = arith.index_cast %scan3A_224 : i32 to index
        %get3A_226 = arith.constant 0 : index
        %get3A_227 = tpu.vector_load %arg12[%get3A, %get3A_226] {strides = array<i32>} : memref<80x128xf32, #tpu.memory_space<vmem>>, vector<16xf32>,
        %mul3A_228 = arith.constant 2.000000e-01 : f32
        %mul3A_229 = vector.broadcast %mul3A_228 : f32 to vector<16xf32>
        %mul3A_230 = arith.mulf %mul3A_229, %get3A_227 : vector<16xf32>
        %get3A_231 = arith.index_cast %scan3A_224 : i32 to index
        %get3A_232 = arith.constant 0 : index
        %get3A_233 = tpu.vector_load %arg11[%get3A_231, %get3A_232] {strides = array<i32>} : memref<80x128xf32, #tpu.memory_space<vmem>>, vector<16xf32>,
        %mul3A_234 = arith.constant 8.000000e-01 : f32
        %mul3A_235 = vector.broadcast %mul3A_234 : f32 to vector<16xf32>
        %mul3A_236 = arith.mulf %mul3A_235, %get3A_233 : vector<16xf32>
        %get3A_237 = arith.index_cast %scan3A_224 : i32 to index
        %get3A_238 = arith.constant 64 : index
        %get3A_239 = tpu.vector_load %arg11[%get3A_237, %get3A_238] {strides = array<i32>} : memref<80x128xf32, #tpu.memory_space<vmem>>, vector<16xf32>,
        %add3A_240 = arith.constant 9.99999997E-7 : f32
        %add3A_241 = vector.broadcast %add3A_240 : f32 to vector<16xf32>
        %add3A_242 = arith.addf %get3A_239, %add3A_241 : vector<16xf32>
        %div3A_243 = arith.divf %mul3A_236, %add3A_242 : vector<16xf32>
        %add3A_244 = arith.addf %mul3A_230, %div3A_243 : vector<16xf32>
        %swap3A = arith.index_cast %scan3A_224 : i32 to index
        %swap3A_245 = arith.constant 64 : index
        %swap3A_246 = tpu.vector_load %arg12[%swap3A, %swap3A_245] {strides = array<i32>} : memref<80x128xf32, #tpu.memory_space<vmem>>, vector<16xf32>,
        tpu.vector_store %arg12[%swap3A, %swap3A_245], %add3A_244 {strides = array<i32>} : memref<80x128xf32, #tpu.memory_space<vmem>>, vector<16xf32>,
        %get3A_247 = arith.index_cast %scan3A_224 : i32 to index
        %get3A_248 = arith.constant 16 : index
        %get3A_249 = tpu.vector_load %arg12[%get3A_247, %get3A_248] {strides = array<i32>} : memref<80x128xf32, #tpu.memory_space<vmem>>, vector<16xf32>,
        %mul3A_250 = arith.constant 2.000000e-01 : f32
        %mul3A_251 = vector.broadcast %mul3A_250 : f32 to vector<16xf32>
        %mul3A_252 = arith.mulf %mul3A_251, %get3A_249 : vector<16xf32>
        %get3A_253 = arith.index_cast %scan3A_224 : i32 to index
        %get3A_254 = arith.constant 16 : index
        %get3A_255 = tpu.vector_load %arg11[%get3A_253, %get3A_254] {strides = array<i32>} : memref<80x128xf32, #tpu.memory_space<vmem>>, vector<16xf32>,
        %mul3A_256 = arith.constant 8.000000e-01 : f32
        %mul3A_257 = vector.broadcast %mul3A_256 : f32 to vector<16xf32>
        %mul3A_258 = arith.mulf %mul3A_257, %get3A_255 : vector<16xf32>
        %get3A_259 = arith.index_cast %scan3A_224 : i32 to index
        %get3A_260 = arith.constant 80 : index
        %get3A_261 = tpu.vector_load %arg11[%get3A_259, %get3A_260] {strides = array<i32>} : memref<80x128xf32, #tpu.memory_space<vmem>>, vector<16xf32>,
        %add3A_262 = arith.constant 9.99999997E-7 : f32
        %add3A_263 = vector.broadcast %add3A_262 : f32 to vector<16xf32>
        %add3A_264 = arith.addf %get3A_261, %add3A_263 : vector<16xf32>
        %div3A_265 = arith.divf %mul3A_258, %add3A_264 : vector<16xf32>
        %add3A_266 = arith.addf %mul3A_252, %div3A_265 : vector<16xf32>
        %swap3A_267 = arith.index_cast %scan3A_224 : i32 to index
        %swap3A_268 = arith.constant 80 : index
        %swap3A_269 = tpu.vector_load %arg12[%swap3A_267, %swap3A_268] {strides = array<i32>} : memref<80x128xf32, #tpu.memory_space<vmem>>, vector<16xf32>,
        tpu.vector_store %arg12[%swap3A_267, %swap3A_268], %add3A_266 {strides = array<i32>} : memref<80x128xf32, #tpu.memory_space<vmem>>, vector<16xf32>,
        %get3A_270 = arith.index_cast %scan3A_224 : i32 to index
        %get3A_271 = arith.constant 32 : index
        %get3A_272 = tpu.vector_load %arg12[%get3A_270, %get3A_271] {strides = array<i32>} : memref<80x128xf32, #tpu.memory_space<vmem>>, vector<16xf32>,
        %mul3A_273 = arith.constant 2.000000e-01 : f32
        %mul3A_274 = vector.broadcast %mul3A_273 : f32 to vector<16xf32>
        %mul3A_275 = arith.mulf %mul3A_274, %get3A_272 : vector<16xf32>
        %get3A_276 = arith.index_cast %scan3A_224 : i32 to index
        %get3A_277 = arith.constant 32 : index
        %get3A_278 = tpu.vector_load %arg11[%get3A_276, %get3A_277] {strides = array<i32>} : memref<80x128xf32, #tpu.memory_space<vmem>>, vector<16xf32>,
        %mul3A_279 = arith.constant 8.000000e-01 : f32
        %mul3A_280 = vector.broadcast %mul3A_279 : f32 to vector<16xf32>
        %mul3A_281 = arith.mulf %mul3A_280, %get3A_278 : vector<16xf32>
        %get3A_282 = arith.index_cast %scan3A_224 : i32 to index
        %get3A_283 = arith.constant 96 : index
        %get3A_284 = tpu.vector_load %arg11[%get3A_282, %get3A_283] {strides = array<i32>} : memref<80x128xf32, #tpu.memory_space<vmem>>, vector<16xf32>,
        %add3A_285 = arith.constant 9.99999997E-7 : f32
        %add3A_286 = vector.broadcast %add3A_285 : f32 to vector<16xf32>
        %add3A_287 = arith.addf %get3A_284, %add3A_286 : vector<16xf32>
        %div3A_288 = arith.divf %mul3A_281, %add3A_287 : vector<16xf32>
        %add3A_289 = arith.addf %mul3A_275, %div3A_288 : vector<16xf32>
        %swap3A_290 = arith.index_cast %scan3A_224 : i32 to index
        %swap3A_291 = arith.constant 96 : index
        %swap3A_292 = tpu.vector_load %arg12[%swap3A_290, %swap3A_291] {strides = array<i32>} : memref<80x128xf32, #tpu.memory_space<vmem>>, vector<16xf32>,
        tpu.vector_store %arg12[%swap3A_290, %swap3A_291], %add3A_289 {strides = array<i32>} : memref<80x128xf32, #tpu.memory_space<vmem>>, vector<16xf32>,
        %get3A_293 = arith.index_cast %scan3A_224 : i32 to index
        %get3A_294 = arith.constant 48 : index
        %get3A_295 = tpu.vector_load %arg12[%get3A_293, %get3A_294] {strides = array<i32>} : memref<80x128xf32, #tpu.memory_space<vmem>>, vector<16xf32>,
        %mul3A_296 = arith.constant 2.000000e-01 : f32
        %mul3A_297 = vector.broadcast %mul3A_296 : f32 to vector<16xf32>
        %mul3A_298 = arith.mulf %mul3A_297, %get3A_295 : vector<16xf32>
        %get3A_299 = arith.index_cast %scan3A_224 : i32 to index
        %get3A_300 = arith.constant 48 : index
        %get3A_301 = tpu.vector_load %arg11[%get3A_299, %get3A_300] {strides = array<i32>} : memref<80x128xf32, #tpu.memory_space<vmem>>, vector<16xf32>,
        %mul3A_302 = arith.constant 8.000000e-01 : f32
        %mul3A_303 = vector.broadcast %mul3A_302 : f32 to vector<16xf32>
        %mul3A_304 = arith.mulf %mul3A_303, %get3A_301 : vector<16xf32>
        %get3A_305 = arith.index_cast %scan3A_224 : i32 to index
        %get3A_306 = arith.constant 112 : index
        %get3A_307 = tpu.vector_load %arg11[%get3A_305, %get3A_306] {strides = array<i32>} : memref<80x128xf32, #tpu.memory_space<vmem>>, vector<16xf32>,
        %add3A_308 = arith.constant 9.99999997E-7 : f32
        %add3A_309 = vector.broadcast %add3A_308 : f32 to vector<16xf32>
        %add3A_310 = arith.addf %get3A_307, %add3A_309 : vector<16xf32>
        %div3A_311 = arith.divf %mul3A_304, %add3A_310 : vector<16xf32>
        %add3A_312 = arith.addf %mul3A_298, %div3A_311 : vector<16xf32>
        %swap3A_313 = arith.index_cast %scan3A_224 : i32 to index
        %swap3A_314 = arith.constant 112 : index
        %swap3A_315 = tpu.vector_load %arg12[%swap3A_313, %swap3A_314] {strides = array<i32>} : memref<80x128xf32, #tpu.memory_space<vmem>>, vector<16xf32>,
        tpu.vector_store %arg12[%swap3A_313, %swap3A_314], %add3A_312 {strides = array<i32>} : memref<80x128xf32, #tpu.memory_space<vmem>>, vector<16xf32>,
        %scan3A_316 = arith.constant 0 : i32
        scf.yield %scan3A_316 : i32
      }
      %scan3A_222 = arith.constant 80 : i32
      "tpu.region"() ({
        %run_scoped3A = tpu.sem_alloc : memref<!tpu.dma_semaphore, #tpu.memory_space<semaphore_mem>>
        %dma_start3A_224 = arith.constant 0 : i32
        %dma_start3A_225 = arith.constant 64 : i32
        %dma_start3A_226 = tpu.memref_slice %arg12[%dma_start3A_224, %dma_start3A_225] : memref<80x128xf32, #tpu.memory_space<vmem>> -> memref<80x64xf32, #tpu.memory_space<vmem>>
        %dma_start3A_227 = tpu.memref_slice %arg6[%mul3A_215, %mul3A_61] : memref<10000x256xf32, #tpu.memory_space<hbm>> -> memref<80x64xf32, #tpu.memory_space<hbm>>
        %dma_start3A_228 = tpu.memref_slice %arg6[%mul3A_215, %mul3A_61] : memref<10000x256xf32, #tpu.memory_space<hbm>> -> memref<80x64xf32, #tpu.memory_space<hbm>>
        %dma_start3A_229 = arith.constant 0 : i32
        %dma_start3A_230 = arith.constant 64 : i32
        %dma_start3A_231 = tpu.memref_slice %arg12[%dma_start3A_229, %dma_start3A_230] : memref<80x128xf32, #tpu.memory_space<vmem>> -> memref<80x64xf32, #tpu.memory_space<vmem>>
        tpu.enqueue_dma source(%dma_start3A_231 : memref<80x64xf32, #tpu.memory_space<vmem>>) target(%dma_start3A_228 : memref<80x64xf32, #tpu.memory_space<hbm>>) target_semaphore(%run_scoped3A : memref<!tpu.dma_semaphore, #tpu.memory_space<semaphore_mem>>)
        %dma_wait3A_232 = arith.constant 0 : i32
        %dma_wait3A_233 = arith.constant 64 : i32
        %dma_wait3A_234 = tpu.memref_slice %arg12[%dma_wait3A_232, %dma_wait3A_233] : memref<80x128xf32, #tpu.memory_space<vmem>> -> memref<80x64xf32, #tpu.memory_space<vmem>>
        %dma_wait3A_235 = tpu.memref_slice %arg6[%mul3A_215, %mul3A_61] : memref<10000x256xf32, #tpu.memory_space<hbm>> -> memref<80x64xf32, #tpu.memory_space<hbm>>
        %dma_wait3A_236 = tpu.memref_slice %arg6[%mul3A_215, %mul3A_61] : memref<10000x256xf32, #tpu.memory_space<hbm>> -> memref<80x64xf32, #tpu.memory_space<hbm>>
        %dma_wait3A_237 = arith.constant 0 : i32
        %dma_wait3A_238 = arith.constant 64 : i32
        %dma_wait3A_239 = tpu.memref_slice %arg12[%dma_wait3A_237, %dma_wait3A_238] : memref<80x128xf32, #tpu.memory_space<vmem>> -> memref<80x64xf32, #tpu.memory_space<vmem>>
        tpu.wait_dma2 semaphore(%run_scoped3A : memref<!tpu.dma_semaphore, #tpu.memory_space<semaphore_mem>>) src(%dma_wait3A_239 : memref<80x64xf32, #tpu.memory_space<vmem>>) dst(%dma_wait3A_236 : memref<80x64xf32, #tpu.memory_space<hbm>>)
        tpu.yield
      }) : () -> ()
      %while3A_223 = arith.constant 0 : i32
      scf.yield %while3A_223 : i32
    }
    %while3A_130 = arith.constant 1 : i32
    %while3A_131 = scf.for %while3A_209 = %while3A_127 to %while3A_123 step %while3A_130 iter_args(%while3A_210 = %while3A_129) -> (i32)  : i32 {
      %mul3A_211 = arith.constant 16 : i32
      %mul3A_212 = arith.muli %mul3A_211, %while3A_209 : i32
      %add3A_213 = arith.addi %arg1, %mul3A_212 : i32
      %mul3A_214 = arith.constant 80 : i32
      %mul3A_215 = arith.muli %add3A_213, %mul3A_214 : i32
      "tpu.region"() ({
        %run_scoped3A = tpu.sem_alloc : memref<!tpu.dma_semaphore, #tpu.memory_space<semaphore_mem>>
        %dma_start3A_224 = arith.constant 0 : i32
        %dma_start3A_225 = tpu.memref_slice %arg7[%mul3A_215, %dma_start3A_224] : memref<10000x128xf32, #tpu.memory_space<vmem_shared>> -> memref<80x128xf32, #tpu.memory_space<vmem_shared>>
        %dma_start3A_226 = arith.constant 0 : i32
        %dma_start3A_227 = tpu.memref_slice %arg7[%mul3A_215, %dma_start3A_226] : memref<10000x128xf32, #tpu.memory_space<vmem_shared>> -> memref<80x128xf32, #tpu.memory_space<vmem_shared>>
        tpu.enqueue_dma source(%dma_start3A_227 : memref<80x128xf32, #tpu.memory_space<vmem_shared>>) target(%arg11 : memref<80x128xf32, #tpu.memory_space<vmem>>) target_semaphore(%run_scoped3A : memref<!tpu.dma_semaphore, #tpu.memory_space<semaphore_mem>>)
        %dma_wait3A_228 = arith.constant 0 : i32
        %dma_wait3A_229 = tpu.memref_slice %arg7[%mul3A_215, %dma_wait3A_228] : memref<10000x128xf32, #tpu.memory_space<vmem_shared>> -> memref<80x128xf32, #tpu.memory_space<vmem_shared>>
        %dma_wait3A_230 = arith.constant 0 : i32
        %dma_wait3A_231 = tpu.memref_slice %arg7[%mul3A_215, %dma_wait3A_230] : memref<10000x128xf32, #tpu.memory_space<vmem_shared>> -> memref<80x128xf32, #tpu.memory_space<vmem_shared>>
        tpu.wait_dma2 semaphore(%run_scoped3A : memref<!tpu.dma_semaphore, #tpu.memory_space<semaphore_mem>>) src(%dma_wait3A_231 : memref<80x128xf32, #tpu.memory_space<vmem_shared>>) dst(%arg11 : memref<80x128xf32, #tpu.memory_space<vmem>>)
        tpu.yield
      }) : () -> ()
      "tpu.region"() ({
        %run_scoped3A = tpu.sem_alloc : memref<!tpu.dma_semaphore, #tpu.memory_space<semaphore_mem>>
        %dma_start3A_224 = arith.constant 0 : i32
        %dma_start3A_225 = arith.constant 0 : i32
        %dma_start3A_226 = tpu.memref_slice %arg12[%dma_start3A_224, %dma_start3A_225] : memref<80x128xf32, #tpu.memory_space<vmem>> -> memref<80x64xf32, #tpu.memory_space<vmem>>
        %dma_start3A_227 = tpu.memref_slice %arg2[%mul3A_215, %mul3A_61] : memref<10000x256xf32, #tpu.memory_space<hbm>> -> memref<80x64xf32, #tpu.memory_space<hbm>>
        %dma_start3A_228 = arith.constant 0 : i32
        %dma_start3A_229 = arith.constant 0 : i32
        %dma_start3A_230 = tpu.memref_slice %arg12[%dma_start3A_228, %dma_start3A_229] : memref<80x128xf32, #tpu.memory_space<vmem>> -> memref<80x64xf32, #tpu.memory_space<vmem>>
        %dma_start3A_231 = tpu.memref_slice %arg2[%mul3A_215, %mul3A_61] : memref<10000x256xf32, #tpu.memory_space<hbm>> -> memref<80x64xf32, #tpu.memory_space<hbm>>
        tpu.enqueue_dma source(%dma_start3A_231 : memref<80x64xf32, #tpu.memory_space<hbm>>) target(%dma_start3A_230 : memref<80x64xf32, #tpu.memory_space<vmem>>) target_semaphore(%run_scoped3A : memref<!tpu.dma_semaphore, #tpu.memory_space<semaphore_mem>>)
        %dma_wait3A_232 = arith.constant 0 : i32
        %dma_wait3A_233 = arith.constant 0 : i32
        %dma_wait3A_234 = tpu.memref_slice %arg12[%dma_wait3A_232, %dma_wait3A_233] : memref<80x128xf32, #tpu.memory_space<vmem>> -> memref<80x64xf32, #tpu.memory_space<vmem>>
        %dma_wait3A_235 = tpu.memref_slice %arg2[%mul3A_215, %mul3A_61] : memref<10000x256xf32, #tpu.memory_space<hbm>> -> memref<80x64xf32, #tpu.memory_space<hbm>>
        %dma_wait3A_236 = arith.constant 0 : i32
        %dma_wait3A_237 = arith.constant 0 : i32
        %dma_wait3A_238 = tpu.memref_slice %arg12[%dma_wait3A_236, %dma_wait3A_237] : memref<80x128xf32, #tpu.memory_space<vmem>> -> memref<80x64xf32, #tpu.memory_space<vmem>>
        %dma_wait3A_239 = tpu.memref_slice %arg2[%mul3A_215, %mul3A_61] : memref<10000x256xf32, #tpu.memory_space<hbm>> -> memref<80x64xf32, #tpu.memory_space<hbm>>
        tpu.wait_dma2 semaphore(%run_scoped3A : memref<!tpu.dma_semaphore, #tpu.memory_space<semaphore_mem>>) src(%dma_wait3A_239 : memref<80x64xf32, #tpu.memory_space<hbm>>) dst(%dma_wait3A_238 : memref<80x64xf32, #tpu.memory_space<vmem>>)
        tpu.yield
      }) : () -> ()
      %scan3A_216 = arith.constant 0 : i32
      %scan3A_217 = arith.constant 0 : i32
      %scan3A_218 = arith.constant 80 : i32
      %scan3A_219 = arith.addi %scan3A_217, %scan3A_218 : i32
      %scan3A_220 = arith.constant 1 : i32
      %scan3A_221 = scf.for %scan3A_224 = %scan3A_217 to %scan3A_219 step %scan3A_220 iter_args(%scan3A_225 = %scan3A_216) -> (i32)  : i32 {
        %get3A = arith.index_cast %scan3A_224 : i32 to index
        %get3A_226 = arith.constant 0 : index
        %get3A_227 = tpu.vector_load %arg12[%get3A, %get3A_226] {strides = array<i32>} : memref<80x128xf32, #tpu.memory_space<vmem>>, vector<16xf32>,
        %mul3A_228 = arith.constant 2.000000e-01 : f32
        %mul3A_229 = vector.broadcast %mul3A_228 : f32 to vector<16xf32>
        %mul3A_230 = arith.mulf %mul3A_229, %get3A_227 : vector<16xf32>
        %get3A_231 = arith.index_cast %scan3A_224 : i32 to index
        %get3A_232 = arith.constant 0 : index
        %get3A_233 = tpu.vector_load %arg11[%get3A_231, %get3A_232] {strides = array<i32>} : memref<80x128xf32, #tpu.memory_space<vmem>>, vector<16xf32>,
        %mul3A_234 = arith.constant 8.000000e-01 : f32
        %mul3A_235 = vector.broadcast %mul3A_234 : f32 to vector<16xf32>
        %mul3A_236 = arith.mulf %mul3A_235, %get3A_233 : vector<16xf32>
        %get3A_237 = arith.index_cast %scan3A_224 : i32 to index
        %get3A_238 = arith.constant 64 : index
        %get3A_239 = tpu.vector_load %arg11[%get3A_237, %get3A_238] {strides = array<i32>} : memref<80x128xf32, #tpu.memory_space<vmem>>, vector<16xf32>,
        %add3A_240 = arith.constant 9.99999997E-7 : f32
        %add3A_241 = vector.broadcast %add3A_240 : f32 to vector<16xf32>
        %add3A_242 = arith.addf %get3A_239, %add3A_241 : vector<16xf32>
        %div3A_243 = arith.divf %mul3A_236, %add3A_242 : vector<16xf32>
        %add3A_244 = arith.addf %mul3A_230, %div3A_243 : vector<16xf32>
        %swap3A = arith.index_cast %scan3A_224 : i32 to index
        %swap3A_245 = arith.constant 64 : index
        %swap3A_246 = tpu.vector_load %arg12[%swap3A, %swap3A_245] {strides = array<i32>} : memref<80x128xf32, #tpu.memory_space<vmem>>, vector<16xf32>,
        tpu.vector_store %arg12[%swap3A, %swap3A_245], %add3A_244 {strides = array<i32>} : memref<80x128xf32, #tpu.memory_space<vmem>>, vector<16xf32>,
        %get3A_247 = arith.index_cast %scan3A_224 : i32 to index
        %get3A_248 = arith.constant 16 : index
        %get3A_249 = tpu.vector_load %arg12[%get3A_247, %get3A_248] {strides = array<i32>} : memref<80x128xf32, #tpu.memory_space<vmem>>, vector<16xf32>,
        %mul3A_250 = arith.constant 2.000000e-01 : f32
        %mul3A_251 = vector.broadcast %mul3A_250 : f32 to vector<16xf32>
        %mul3A_252 = arith.mulf %mul3A_251, %get3A_249 : vector<16xf32>
        %get3A_253 = arith.index_cast %scan3A_224 : i32 to index
        %get3A_254 = arith.constant 16 : index
        %get3A_255 = tpu.vector_load %arg11[%get3A_253, %get3A_254] {strides = array<i32>} : memref<80x128xf32, #tpu.memory_space<vmem>>, vector<16xf32>,
        %mul3A_256 = arith.constant 8.000000e-01 : f32
        %mul3A_257 = vector.broadcast %mul3A_256 : f32 to vector<16xf32>
        %mul3A_258 = arith.mulf %mul3A_257, %get3A_255 : vector<16xf32>
        %get3A_259 = arith.index_cast %scan3A_224 : i32 to index
        %get3A_260 = arith.constant 80 : index
        %get3A_261 = tpu.vector_load %arg11[%get3A_259, %get3A_260] {strides = array<i32>} : memref<80x128xf32, #tpu.memory_space<vmem>>, vector<16xf32>,
        %add3A_262 = arith.constant 9.99999997E-7 : f32
        %add3A_263 = vector.broadcast %add3A_262 : f32 to vector<16xf32>
        %add3A_264 = arith.addf %get3A_261, %add3A_263 : vector<16xf32>
        %div3A_265 = arith.divf %mul3A_258, %add3A_264 : vector<16xf32>
        %add3A_266 = arith.addf %mul3A_252, %div3A_265 : vector<16xf32>
        %swap3A_267 = arith.index_cast %scan3A_224 : i32 to index
        %swap3A_268 = arith.constant 80 : index
        %swap3A_269 = tpu.vector_load %arg12[%swap3A_267, %swap3A_268] {strides = array<i32>} : memref<80x128xf32, #tpu.memory_space<vmem>>, vector<16xf32>,
        tpu.vector_store %arg12[%swap3A_267, %swap3A_268], %add3A_266 {strides = array<i32>} : memref<80x128xf32, #tpu.memory_space<vmem>>, vector<16xf32>,
        %get3A_270 = arith.index_cast %scan3A_224 : i32 to index
        %get3A_271 = arith.constant 32 : index
        %get3A_272 = tpu.vector_load %arg12[%get3A_270, %get3A_271] {strides = array<i32>} : memref<80x128xf32, #tpu.memory_space<vmem>>, vector<16xf32>,
        %mul3A_273 = arith.constant 2.000000e-01 : f32
        %mul3A_274 = vector.broadcast %mul3A_273 : f32 to vector<16xf32>
        %mul3A_275 = arith.mulf %mul3A_274, %get3A_272 : vector<16xf32>
        %get3A_276 = arith.index_cast %scan3A_224 : i32 to index
        %get3A_277 = arith.constant 32 : index
        %get3A_278 = tpu.vector_load %arg11[%get3A_276, %get3A_277] {strides = array<i32>} : memref<80x128xf32, #tpu.memory_space<vmem>>, vector<16xf32>,
        %mul3A_279 = arith.constant 8.000000e-01 : f32
        %mul3A_280 = vector.broadcast %mul3A_279 : f32 to vector<16xf32>
        %mul3A_281 = arith.mulf %mul3A_280, %get3A_278 : vector<16xf32>
        %get3A_282 = arith.index_cast %scan3A_224 : i32 to index
        %get3A_283 = arith.constant 96 : index
        %get3A_284 = tpu.vector_load %arg11[%get3A_282, %get3A_283] {strides = array<i32>} : memref<80x128xf32, #tpu.memory_space<vmem>>, vector<16xf32>,
        %add3A_285 = arith.constant 9.99999997E-7 : f32
        %add3A_286 = vector.broadcast %add3A_285 : f32 to vector<16xf32>
        %add3A_287 = arith.addf %get3A_284, %add3A_286 : vector<16xf32>
        %div3A_288 = arith.divf %mul3A_281, %add3A_287 : vector<16xf32>
        %add3A_289 = arith.addf %mul3A_275, %div3A_288 : vector<16xf32>
        %swap3A_290 = arith.index_cast %scan3A_224 : i32 to index
        %swap3A_291 = arith.constant 96 : index
        %swap3A_292 = tpu.vector_load %arg12[%swap3A_290, %swap3A_291] {strides = array<i32>} : memref<80x128xf32, #tpu.memory_space<vmem>>, vector<16xf32>,
        tpu.vector_store %arg12[%swap3A_290, %swap3A_291], %add3A_289 {strides = array<i32>} : memref<80x128xf32, #tpu.memory_space<vmem>>, vector<16xf32>,
        %get3A_293 = arith.index_cast %scan3A_224 : i32 to index
        %get3A_294 = arith.constant 48 : index
        %get3A_295 = tpu.vector_load %arg12[%get3A_293, %get3A_294] {strides = array<i32>} : memref<80x128xf32, #tpu.memory_space<vmem>>, vector<16xf32>,
        %mul3A_296 = arith.constant 2.000000e-01 : f32
        %mul3A_297 = vector.broadcast %mul3A_296 : f32 to vector<16xf32>
        %mul3A_298 = arith.mulf %mul3A_297, %get3A_295 : vector<16xf32>
        %get3A_299 = arith.index_cast %scan3A_224 : i32 to index
        %get3A_300 = arith.constant 48 : index
        %get3A_301 = tpu.vector_load %arg11[%get3A_299, %get3A_300] {strides = array<i32>} : memref<80x128xf32, #tpu.memory_space<vmem>>, vector<16xf32>,
        %mul3A_302 = arith.constant 8.000000e-01 : f32
        %mul3A_303 = vector.broadcast %mul3A_302 : f32 to vector<16xf32>
        %mul3A_304 = arith.mulf %mul3A_303, %get3A_301 : vector<16xf32>
        %get3A_305 = arith.index_cast %scan3A_224 : i32 to index
        %get3A_306 = arith.constant 112 : index
        %get3A_307 = tpu.vector_load %arg11[%get3A_305, %get3A_306] {strides = array<i32>} : memref<80x128xf32, #tpu.memory_space<vmem>>, vector<16xf32>,
        %add3A_308 = arith.constant 9.99999997E-7 : f32
        %add3A_309 = vector.broadcast %add3A_308 : f32 to vector<16xf32>
        %add3A_310 = arith.addf %get3A_307, %add3A_309 : vector<16xf32>
        %div3A_311 = arith.divf %mul3A_304, %add3A_310 : vector<16xf32>
        %add3A_312 = arith.addf %mul3A_298, %div3A_311 : vector<16xf32>
        %swap3A_313 = arith.index_cast %scan3A_224 : i32 to index
        %swap3A_314 = arith.constant 112 : index
        %swap3A_315 = tpu.vector_load %arg12[%swap3A_313, %swap3A_314] {strides = array<i32>} : memref<80x128xf32, #tpu.memory_space<vmem>>, vector<16xf32>,
        tpu.vector_store %arg12[%swap3A_313, %swap3A_314], %add3A_312 {strides = array<i32>} : memref<80x128xf32, #tpu.memory_space<vmem>>, vector<16xf32>,
        %scan3A_316 = arith.constant 0 : i32
        scf.yield %scan3A_316 : i32
      }
      %scan3A_222 = arith.constant 80 : i32
      "tpu.region"() ({
        %run_scoped3A = tpu.sem_alloc : memref<!tpu.dma_semaphore, #tpu.memory_space<semaphore_mem>>
        %dma_start3A_224 = arith.constant 0 : i32
        %dma_start3A_225 = arith.constant 64 : i32
        %dma_start3A_226 = tpu.memref_slice %arg12[%dma_start3A_224, %dma_start3A_225] : memref<80x128xf32, #tpu.memory_space<vmem>> -> memref<80x64xf32, #tpu.memory_space<vmem>>
        %dma_start3A_227 = tpu.memref_slice %arg6[%mul3A_215, %mul3A_61] : memref<10000x256xf32, #tpu.memory_space<hbm>> -> memref<80x64xf32, #tpu.memory_space<hbm>>
        %dma_start3A_228 = tpu.memref_slice %arg6[%mul3A_215, %mul3A_61] : memref<10000x256xf32, #tpu.memory_space<hbm>> -> memref<80x64xf32, #tpu.memory_space<hbm>>
        %dma_start3A_229 = arith.constant 0 : i32
        %dma_start3A_230 = arith.constant 64 : i32
        %dma_start3A_231 = tpu.memref_slice %arg12[%dma_start3A_229, %dma_start3A_230] : memref<80x128xf32, #tpu.memory_space<vmem>> -> memref<80x64xf32, #tpu.memory_space<vmem>>
        tpu.enqueue_dma source(%dma_start3A_231 : memref<80x64xf32, #tpu.memory_space<vmem>>) target(%dma_start3A_228 : memref<80x64xf32, #tpu.memory_space<hbm>>) target_semaphore(%run_scoped3A : memref<!tpu.dma_semaphore, #tpu.memory_space<semaphore_mem>>)
        %dma_wait3A_232 = arith.constant 0 : i32
        %dma_wait3A_233 = arith.constant 64 : i32
        %dma_wait3A_234 = tpu.memref_slice %arg12[%dma_wait3A_232, %dma_wait3A_233] : memref<80x128xf32, #tpu.memory_space<vmem>> -> memref<80x64xf32, #tpu.memory_space<vmem>>
        %dma_wait3A_235 = tpu.memref_slice %arg6[%mul3A_215, %mul3A_61] : memref<10000x256xf32, #tpu.memory_space<hbm>> -> memref<80x64xf32, #tpu.memory_space<hbm>>
        %dma_wait3A_236 = tpu.memref_slice %arg6[%mul3A_215, %mul3A_61] : memref<10000x256xf32, #tpu.memory_space<hbm>> -> memref<80x64xf32, #tpu.memory_space<hbm>>
        %dma_wait3A_237 = arith.constant 0 : i32
        %dma_wait3A_238 = arith.constant 64 : i32
        %dma_wait3A_239 = tpu.memref_slice %arg12[%dma_wait3A_237, %dma_wait3A_238] : memref<80x128xf32, #tpu.memory_space<vmem>> -> memref<80x64xf32, #tpu.memory_space<vmem>>
        tpu.wait_dma2 semaphore(%run_scoped3A : memref<!tpu.dma_semaphore, #tpu.memory_space<semaphore_mem>>) src(%dma_wait3A_239 : memref<80x64xf32, #tpu.memory_space<vmem>>) dst(%dma_wait3A_236 : memref<80x64xf32, #tpu.memory_space<hbm>>)
        tpu.yield
      }) : () -> ()
      %while3A_223 = arith.constant 0 : i32
      scf.yield %while3A_223 : i32
    }
    %add3A_132 = arith.constant 2 : i32
    %add3A_133 = arith.addi %add3A_132, %arg0 : i32
    %mul3A_134 = arith.constant 64 : i32
    %mul3A_135 = arith.muli %mul3A_134, %add3A_133 : i32
    %barrier3A_136 = arith.constant 0 : index
    tpu.barrier barrier_id(%barrier3A_136)
    %scan3A_137 = arith.constant 0 : i32
    %scan3A_138 = arith.constant 0 : i32
    %scan3A_139 = arith.constant 80 : i32
    %scan3A_140 = arith.addi %scan3A_138, %scan3A_139 : i32
    %scan3A_141 = arith.constant 1 : i32
    %scan3A_142 = scf.for %scan3A_209 = %scan3A_138 to %scan3A_140 step %scan3A_141 iter_args(%scan3A_210 = %scan3A_137) -> (i32)  : i32 {
      %swap3A = arith.index_cast %scan3A_209 : i32 to index
      %swap3A_211 = arith.constant 0 : index
      %swap3A_212 = tpu.vector_load %arg13[%swap3A, %swap3A_211] {strides = array<i32>} : memref<80x128xf32, #tpu.memory_space<vmem>>, vector<16xf32>,
      tpu.vector_store %arg13[%swap3A, %swap3A_211], %broadcast_in_dim3A_0 {strides = array<i32>} : memref<80x128xf32, #tpu.memory_space<vmem>>, vector<16xf32>,
      %swap3A_213 = arith.index_cast %scan3A_209 : i32 to index
      %swap3A_214 = arith.constant 16 : index
      %swap3A_215 = tpu.vector_load %arg13[%swap3A_213, %swap3A_214] {strides = array<i32>} : memref<80x128xf32, #tpu.memory_space<vmem>>, vector<16xf32>,
      tpu.vector_store %arg13[%swap3A_213, %swap3A_214], %broadcast_in_dim3A_0 {strides = array<i32>} : memref<80x128xf32, #tpu.memory_space<vmem>>, vector<16xf32>,
      %swap3A_216 = arith.index_cast %scan3A_209 : i32 to index
      %swap3A_217 = arith.constant 32 : index
      %swap3A_218 = tpu.vector_load %arg13[%swap3A_216, %swap3A_217] {strides = array<i32>} : memref<80x128xf32, #tpu.memory_space<vmem>>, vector<16xf32>,
      tpu.vector_store %arg13[%swap3A_216, %swap3A_217], %broadcast_in_dim3A_0 {strides = array<i32>} : memref<80x128xf32, #tpu.memory_space<vmem>>, vector<16xf32>,
      %swap3A_219 = arith.index_cast %scan3A_209 : i32 to index
      %swap3A_220 = arith.constant 48 : index
      %swap3A_221 = tpu.vector_load %arg13[%swap3A_219, %swap3A_220] {strides = array<i32>} : memref<80x128xf32, #tpu.memory_space<vmem>>, vector<16xf32>,
      tpu.vector_store %arg13[%swap3A_219, %swap3A_220], %broadcast_in_dim3A_0 {strides = array<i32>} : memref<80x128xf32, #tpu.memory_space<vmem>>, vector<16xf32>,
      %swap3A_222 = arith.index_cast %scan3A_209 : i32 to index
      %swap3A_223 = arith.constant 64 : index
      %swap3A_224 = tpu.vector_load %arg13[%swap3A_222, %swap3A_223] {strides = array<i32>} : memref<80x128xf32, #tpu.memory_space<vmem>>, vector<16xf32>,
      tpu.vector_store %arg13[%swap3A_222, %swap3A_223], %broadcast_in_dim3A_0 {strides = array<i32>} : memref<80x128xf32, #tpu.memory_space<vmem>>, vector<16xf32>,
      %swap3A_225 = arith.index_cast %scan3A_209 : i32 to index
      %swap3A_226 = arith.constant 80 : index
      %swap3A_227 = tpu.vector_load %arg13[%swap3A_225, %swap3A_226] {strides = array<i32>} : memref<80x128xf32, #tpu.memory_space<vmem>>, vector<16xf32>,
      tpu.vector_store %arg13[%swap3A_225, %swap3A_226], %broadcast_in_dim3A_0 {strides = array<i32>} : memref<80x128xf32, #tpu.memory_space<vmem>>, vector<16xf32>,
      %swap3A_228 = arith.index_cast %scan3A_209 : i32 to index
      %swap3A_229 = arith.constant 96 : index
      %swap3A_230 = tpu.vector_load %arg13[%swap3A_228, %swap3A_229] {strides = array<i32>} : memref<80x128xf32, #tpu.memory_space<vmem>>, vector<16xf32>,
      tpu.vector_store %arg13[%swap3A_228, %swap3A_229], %broadcast_in_dim3A_0 {strides = array<i32>} : memref<80x128xf32, #tpu.memory_space<vmem>>, vector<16xf32>,
      %swap3A_231 = arith.index_cast %scan3A_209 : i32 to index
      %swap3A_232 = arith.constant 112 : index
      %swap3A_233 = tpu.vector_load %arg13[%swap3A_231, %swap3A_232] {strides = array<i32>} : memref<80x128xf32, #tpu.memory_space<vmem>>, vector<16xf32>,
      tpu.vector_store %arg13[%swap3A_231, %swap3A_232], %broadcast_in_dim3A_0 {strides = array<i32>} : memref<80x128xf32, #tpu.memory_space<vmem>>, vector<16xf32>,
      %scan3A_234 = arith.constant 0 : i32
      scf.yield %scan3A_234 : i32
    }
    %scan3A_143 = arith.constant 80 : i32
    %while3A_144 = arith.constant 0 : i32
    %while3A_145 = arith.constant 0 : i32
    %while3A_146 = arith.subi %select_n3A_58, %while3A_144 : i32
    %while3A_147 = arith.addi %while3A_144, %while3A_146 : i32
    %while3A_148 = arith.constant 1 : i32
    %while3A_149 = arith.divsi %while3A_146, %while3A_148 : i32
    %while3A_150 = arith.muli %while3A_149, %while3A_148 : i32
    %while3A_151 = arith.addi %while3A_144, %while3A_150 : i32
    %while3A_152 = arith.constant 1 : i32
    %while3A_153 = scf.for %while3A_209 = %while3A_144 to %while3A_151 step %while3A_152 iter_args(%while3A_210 = %while3A_145) -> (i32)  : i32 {
      %mul3A_211 = arith.constant 16 : i32
      %mul3A_212 = arith.muli %mul3A_211, %while3A_209 : i32
      %add3A_213 = arith.addi %arg1, %mul3A_212 : i32
      %mul3A_214 = arith.constant 80 : i32
      %mul3A_215 = arith.muli %add3A_213, %mul3A_214 : i32
      "tpu.region"() ({
        %run_scoped3A = tpu.sem_alloc : memref<!tpu.dma_semaphore, #tpu.memory_space<semaphore_mem>>
        %dma_start3A_217 = arith.constant 0 : i32
        %dma_start3A_218 = tpu.memref_slice %arg7[%mul3A_215, %dma_start3A_217] : memref<10000x128xf32, #tpu.memory_space<vmem_shared>> -> memref<80x128xf32, #tpu.memory_space<vmem_shared>>
        %dma_start3A_219 = arith.constant 0 : i32
        %dma_start3A_220 = tpu.memref_slice %arg7[%mul3A_215, %dma_start3A_219] : memref<10000x128xf32, #tpu.memory_space<vmem_shared>> -> memref<80x128xf32, #tpu.memory_space<vmem_shared>>
        tpu.enqueue_dma source(%arg13 : memref<80x128xf32, #tpu.memory_space<vmem>>) target(%dma_start3A_220 : memref<80x128xf32, #tpu.memory_space<vmem_shared>>) target_semaphore(%run_scoped3A : memref<!tpu.dma_semaphore, #tpu.memory_space<semaphore_mem>>)
        %dma_wait3A_221 = arith.constant 0 : i32
        %dma_wait3A_222 = tpu.memref_slice %arg7[%mul3A_215, %dma_wait3A_221] : memref<10000x128xf32, #tpu.memory_space<vmem_shared>> -> memref<80x128xf32, #tpu.memory_space<vmem_shared>>
        %dma_wait3A_223 = arith.constant 0 : i32
        %dma_wait3A_224 = tpu.memref_slice %arg7[%mul3A_215, %dma_wait3A_223] : memref<10000x128xf32, #tpu.memory_space<vmem_shared>> -> memref<80x128xf32, #tpu.memory_space<vmem_shared>>
        tpu.wait_dma2 semaphore(%run_scoped3A : memref<!tpu.dma_semaphore, #tpu.memory_space<semaphore_mem>>) src(%arg13 : memref<80x128xf32, #tpu.memory_space<vmem>>) dst(%dma_wait3A_224 : memref<80x128xf32, #tpu.memory_space<vmem_shared>>)
        tpu.yield
      }) : () -> ()
      %while3A_216 = arith.constant 0 : i32
      scf.yield %while3A_216 : i32
    }
    %while3A_154 = arith.constant 1 : i32
    %while3A_155 = scf.for %while3A_209 = %while3A_151 to %while3A_147 step %while3A_154 iter_args(%while3A_210 = %while3A_153) -> (i32)  : i32 {
      %mul3A_211 = arith.constant 16 : i32
      %mul3A_212 = arith.muli %mul3A_211, %while3A_209 : i32
      %add3A_213 = arith.addi %arg1, %mul3A_212 : i32
      %mul3A_214 = arith.constant 80 : i32
      %mul3A_215 = arith.muli %add3A_213, %mul3A_214 : i32
      "tpu.region"() ({
        %run_scoped3A = tpu.sem_alloc : memref<!tpu.dma_semaphore, #tpu.memory_space<semaphore_mem>>
        %dma_start3A_217 = arith.constant 0 : i32
        %dma_start3A_218 = tpu.memref_slice %arg7[%mul3A_215, %dma_start3A_217] : memref<10000x128xf32, #tpu.memory_space<vmem_shared>> -> memref<80x128xf32, #tpu.memory_space<vmem_shared>>
        %dma_start3A_219 = arith.constant 0 : i32
        %dma_start3A_220 = tpu.memref_slice %arg7[%mul3A_215, %dma_start3A_219] : memref<10000x128xf32, #tpu.memory_space<vmem_shared>> -> memref<80x128xf32, #tpu.memory_space<vmem_shared>>
        tpu.enqueue_dma source(%arg13 : memref<80x128xf32, #tpu.memory_space<vmem>>) target(%dma_start3A_220 : memref<80x128xf32, #tpu.memory_space<vmem_shared>>) target_semaphore(%run_scoped3A : memref<!tpu.dma_semaphore, #tpu.memory_space<semaphore_mem>>)
        %dma_wait3A_221 = arith.constant 0 : i32
        %dma_wait3A_222 = tpu.memref_slice %arg7[%mul3A_215, %dma_wait3A_221] : memref<10000x128xf32, #tpu.memory_space<vmem_shared>> -> memref<80x128xf32, #tpu.memory_space<vmem_shared>>
        %dma_wait3A_223 = arith.constant 0 : i32
        %dma_wait3A_224 = tpu.memref_slice %arg7[%mul3A_215, %dma_wait3A_223] : memref<10000x128xf32, #tpu.memory_space<vmem_shared>> -> memref<80x128xf32, #tpu.memory_space<vmem_shared>>
        tpu.wait_dma2 semaphore(%run_scoped3A : memref<!tpu.dma_semaphore, #tpu.memory_space<semaphore_mem>>) src(%arg13 : memref<80x128xf32, #tpu.memory_space<vmem>>) dst(%dma_wait3A_224 : memref<80x128xf32, #tpu.memory_space<vmem_shared>>)
        tpu.yield
      }) : () -> ()
      %while3A_216 = arith.constant 0 : i32
      scf.yield %while3A_216 : i32
    }
    %barrier3A_156 = arith.constant 0 : index
    tpu.barrier barrier_id(%barrier3A_156)
    %mul3A_157 = arith.constant 10000 : i32
    %mul3A_158 = arith.muli %arg1, %mul3A_157 : i32
    %add3A_159 = arith.constant 0 : i32
    %add3A_160 = arith.addi %mul3A_158, %add3A_159 : i32
    %add3A_161 = arith.constant 256 : i32
    %add3A_162 = arith.addi %add3A_161, %mul3A_135 : i32
    %dma_start3A_163 = tpu.memref_slice %arg4[%add3A_160] : memref<160000xi32, #tpu.memory_space<hbm>> -> memref<80xi32, #tpu.memory_space<hbm>>
    %dma_start3A_164 = tpu.memref_slice %arg4[%add3A_160] : memref<160000xi32, #tpu.memory_space<hbm>> -> memref<80xi32, #tpu.memory_space<hbm>>
    tpu.enqueue_dma source(%dma_start3A_164 : memref<80xi32, #tpu.memory_space<hbm>>) target(%arg17 : memref<80xi32, #tpu.memory_space<vmem>>) target_semaphore(%arg14 : memref<!tpu.dma_semaphore, #tpu.memory_space<semaphore_mem>>)
    %dma_start3A_165 = tpu.memref_slice %arg5[%add3A_160] : memref<160000xi32, #tpu.memory_space<hbm>> -> memref<80xi32, #tpu.memory_space<hbm>>
    %dma_start3A_166 = tpu.memref_slice %arg5[%add3A_160] : memref<160000xi32, #tpu.memory_space<hbm>> -> memref<80xi32, #tpu.memory_space<hbm>>
    tpu.enqueue_dma source(%dma_start3A_166 : memref<80xi32, #tpu.memory_space<hbm>>) target(%arg8 : memref<80xi32, #tpu.memory_space<vmem>>) target_semaphore(%arg14 : memref<!tpu.dma_semaphore, #tpu.memory_space<semaphore_mem>>)
    %dma_start3A_167 = arith.constant 0 : i32
    %dma_start3A_168 = arith.constant 0 : i32
    %dma_start3A_169 = tpu.memref_slice %arg11[%dma_start3A_167, %dma_start3A_168] : memref<80x128xf32, #tpu.memory_space<vmem>> -> memref<80x64xf32, #tpu.memory_space<vmem>>
    %dma_start3A_170 = tpu.memref_slice %arg3[%add3A_160, %mul3A_135] : memref<160000x512xf32, #tpu.memory_space<hbm>> -> memref<80x64xf32, #tpu.memory_space<hbm>>
    %dma_start3A_171 = arith.constant 0 : i32
    %dma_start3A_172 = arith.constant 0 : i32
    %dma_start3A_173 = tpu.memref_slice %arg11[%dma_start3A_171, %dma_start3A_172] : memref<80x128xf32, #tpu.memory_space<vmem>> -> memref<80x64xf32, #tpu.memory_space<vmem>>
    %dma_start3A_174 = tpu.memref_slice %arg3[%add3A_160, %mul3A_135] : memref<160000x512xf32, #tpu.memory_space<hbm>> -> memref<80x64xf32, #tpu.memory_space<hbm>>
    tpu.enqueue_dma source(%dma_start3A_174 : memref<80x64xf32, #tpu.memory_space<hbm>>) target(%dma_start3A_173 : memref<80x64xf32, #tpu.memory_space<vmem>>) target_semaphore(%arg14 : memref<!tpu.dma_semaphore, #tpu.memory_space<semaphore_mem>>)
    %dma_start3A_175 = arith.constant 0 : i32
    %dma_start3A_176 = arith.constant 64 : i32
    %dma_start3A_177 = tpu.memref_slice %arg11[%dma_start3A_175, %dma_start3A_176] : memref<80x128xf32, #tpu.memory_space<vmem>> -> memref<80x64xf32, #tpu.memory_space<vmem>>
    %dma_start3A_178 = tpu.memref_slice %arg3[%add3A_160, %add3A_162] : memref<160000x512xf32, #tpu.memory_space<hbm>> -> memref<80x64xf32, #tpu.memory_space<hbm>>
    %dma_start3A_179 = arith.constant 0 : i32
    %dma_start3A_180 = arith.constant 64 : i32
    %dma_start3A_181 = tpu.memref_slice %arg11[%dma_start3A_179, %dma_start3A_180] : memref<80x128xf32, #tpu.memory_space<vmem>> -> memref<80x64xf32, #tpu.memory_space<vmem>>
    %dma_start3A_182 = tpu.memref_slice %arg3[%add3A_160, %add3A_162] : memref<160000x512xf32, #tpu.memory_space<hbm>> -> memref<80x64xf32, #tpu.memory_space<hbm>>
    tpu.enqueue_dma source(%dma_start3A_182 : memref<80x64xf32, #tpu.memory_space<hbm>>) target(%dma_start3A_181 : memref<80x64xf32, #tpu.memory_space<vmem>>) target_semaphore(%arg14 : memref<!tpu.dma_semaphore, #tpu.memory_space<semaphore_mem>>)
    %scan3A_183 = arith.constant 0 : i32
    %scan3A_184 = arith.constant 0 : i32
    %scan3A_185 = arith.constant 42 : i32
    %scan3A_186 = arith.addi %scan3A_184, %scan3A_185 : i32
    %scan3A_187 = arith.constant 1 : i32
    %scan3A_188 = scf.for %scan3A_209 = %scan3A_184 to %scan3A_186 step %scan3A_187 iter_args(%scan3A_210 = %scan3A_183) -> (i32)  : i32 {
      %mul3A_211 = arith.constant 3 : i32
      %mul3A_212 = arith.muli %scan3A_209, %mul3A_211 : i32
      %add3A_213 = arith.constant 0 : i32
      %add3A_214 = arith.addi %mul3A_212, %add3A_213 : i32
      %lt3A = arith.constant 125 : i32
      %lt3A_215 = arith.cmpi slt, %add3A_214, %lt3A : i32
      %convert_element_type3A = arith.extui %lt3A_215 : i1 to i32
      %cond3A = arith.constant 0 : i32
      %cond3A_216 = arith.cmpi ne, %convert_element_type3A, %cond3A : i32
      scf.if %cond3A_216 {
        %ge3A = arith.constant 2 : i32
        %ge3A_236 = arith.cmpi sge, %add3A_214, %ge3A : i32
        %convert_element_type3A_237 = arith.extui %ge3A_236 : i1 to i32
        %cond3A_238 = arith.constant 0 : i32
        %cond3A_239 = arith.cmpi ne, %convert_element_type3A_237, %cond3A_238 : i32
        scf.if %cond3A_239 {
          %dma_wait3A_306 = arith.constant 0 : i32
          %dma_wait3A_307 = arith.constant 0 : i32
          %dma_wait3A_308 = tpu.memref_slice %arg7[%dma_wait3A_306, %dma_wait3A_307] : memref<10000x128xf32, #tpu.memory_space<vmem_shared>> -> memref<10000x128xf32, #tpu.memory_space<vmem_shared>>
          tpu.wait_indirect_dma semaphore(%arg21 : memref<!tpu.dma_semaphore, #tpu.memory_space<semaphore_mem>>) src(%arg12 : memref<80x128xf32, #tpu.memory_space<vmem>>) dst(%dma_wait3A_308 : memref<10000x128xf32, #tpu.memory_space<vmem_shared>>)
        } else {
        }
        %add3A_240 = arith.constant 1 : i32
        %add3A_241 = arith.addi %add3A_214, %add3A_240 : i32
        %lt3A_242 = arith.constant 125 : i32
        %lt3A_243 = arith.cmpi slt, %add3A_241, %lt3A_242 : i32
        %convert_element_type3A_244 = arith.extui %lt3A_243 : i1 to i32
        %cond3A_245 = arith.constant 0 : i32
        %cond3A_246 = arith.cmpi ne, %convert_element_type3A_244, %cond3A_245 : i32
        scf.if %cond3A_246 {
          %add3A_306 = arith.constant 1 : i32
          %add3A_307 = arith.addi %add3A_214, %add3A_306 : i32
          %mul3A_308 = arith.constant 10000 : i32
          %mul3A_309 = arith.muli %arg1, %mul3A_308 : i32
          %mul3A_310 = arith.constant 80 : i32
          %mul3A_311 = arith.muli %add3A_307, %mul3A_310 : i32
          %add3A_312 = arith.addi %mul3A_309, %mul3A_311 : i32
          %add3A_313 = arith.constant 256 : i32
          %add3A_314 = arith.addi %add3A_313, %mul3A_135 : i32
          %dma_start3A_315 = tpu.memref_slice %arg4[%add3A_312] : memref<160000xi32, #tpu.memory_space<hbm>> -> memref<80xi32, #tpu.memory_space<hbm>>
          %dma_start3A_316 = tpu.memref_slice %arg4[%add3A_312] : memref<160000xi32, #tpu.memory_space<hbm>> -> memref<80xi32, #tpu.memory_space<hbm>>
          tpu.enqueue_dma source(%dma_start3A_316 : memref<80xi32, #tpu.memory_space<hbm>>) target(%arg18 : memref<80xi32, #tpu.memory_space<vmem>>) target_semaphore(%arg15 : memref<!tpu.dma_semaphore, #tpu.memory_space<semaphore_mem>>)
          %dma_start3A_317 = tpu.memref_slice %arg5[%add3A_312] : memref<160000xi32, #tpu.memory_space<hbm>> -> memref<80xi32, #tpu.memory_space<hbm>>
          %dma_start3A_318 = tpu.memref_slice %arg5[%add3A_312] : memref<160000xi32, #tpu.memory_space<hbm>> -> memref<80xi32, #tpu.memory_space<hbm>>
          tpu.enqueue_dma source(%dma_start3A_318 : memref<80xi32, #tpu.memory_space<hbm>>) target(%arg9 : memref<80xi32, #tpu.memory_space<vmem>>) target_semaphore(%arg15 : memref<!tpu.dma_semaphore, #tpu.memory_space<semaphore_mem>>)
          %dma_start3A_319 = arith.constant 0 : i32
          %dma_start3A_320 = arith.constant 0 : i32
          %dma_start3A_321 = tpu.memref_slice %arg12[%dma_start3A_319, %dma_start3A_320] : memref<80x128xf32, #tpu.memory_space<vmem>> -> memref<80x64xf32, #tpu.memory_space<vmem>>
          %dma_start3A_322 = tpu.memref_slice %arg3[%add3A_312, %mul3A_135] : memref<160000x512xf32, #tpu.memory_space<hbm>> -> memref<80x64xf32, #tpu.memory_space<hbm>>
          %dma_start3A_323 = arith.constant 0 : i32
          %dma_start3A_324 = arith.constant 0 : i32
          %dma_start3A_325 = tpu.memref_slice %arg12[%dma_start3A_323, %dma_start3A_324] : memref<80x128xf32, #tpu.memory_space<vmem>> -> memref<80x64xf32, #tpu.memory_space<vmem>>
          %dma_start3A_326 = tpu.memref_slice %arg3[%add3A_312, %mul3A_135] : memref<160000x512xf32, #tpu.memory_space<hbm>> -> memref<80x64xf32, #tpu.memory_space<hbm>>
          tpu.enqueue_dma source(%dma_start3A_326 : memref<80x64xf32, #tpu.memory_space<hbm>>) target(%dma_start3A_325 : memref<80x64xf32, #tpu.memory_space<vmem>>) target_semaphore(%arg15 : memref<!tpu.dma_semaphore, #tpu.memory_space<semaphore_mem>>)
          %dma_start3A_327 = arith.constant 0 : i32
          %dma_start3A_328 = arith.constant 64 : i32
          %dma_start3A_329 = tpu.memref_slice %arg12[%dma_start3A_327, %dma_start3A_328] : memref<80x128xf32, #tpu.memory_space<vmem>> -> memref<80x64xf32, #tpu.memory_space<vmem>>
          %dma_start3A_330 = tpu.memref_slice %arg3[%add3A_312, %add3A_314] : memref<160000x512xf32, #tpu.memory_space<hbm>> -> memref<80x64xf32, #tpu.memory_space<hbm>>
          %dma_start3A_331 = arith.constant 0 : i32
          %dma_start3A_332 = arith.constant 64 : i32
          %dma_start3A_333 = tpu.memref_slice %arg12[%dma_start3A_331, %dma_start3A_332] : memref<80x128xf32, #tpu.memory_space<vmem>> -> memref<80x64xf32, #tpu.memory_space<vmem>>
          %dma_start3A_334 = tpu.memref_slice %arg3[%add3A_312, %add3A_314] : memref<160000x512xf32, #tpu.memory_space<hbm>> -> memref<80x64xf32, #tpu.memory_space<hbm>>
          tpu.enqueue_dma source(%dma_start3A_334 : memref<80x64xf32, #tpu.memory_space<hbm>>) target(%dma_start3A_333 : memref<80x64xf32, #tpu.memory_space<vmem>>) target_semaphore(%arg15 : memref<!tpu.dma_semaphore, #tpu.memory_space<semaphore_mem>>)
        } else {
        }
        %mul3A_247 = arith.constant 10000 : i32
        %mul3A_248 = arith.muli %arg1, %mul3A_247 : i32
        %mul3A_249 = arith.constant 80 : i32
        %mul3A_250 = arith.muli %add3A_214, %mul3A_249 : i32
        %add3A_251 = arith.addi %mul3A_248, %mul3A_250 : i32
        %add3A_252 = arith.constant 256 : i32
        %add3A_253 = arith.addi %add3A_252, %mul3A_135 : i32
        %dma_wait3A_254 = tpu.memref_slice %arg4[%add3A_251] : memref<160000xi32, #tpu.memory_space<hbm>> -> memref<80xi32, #tpu.memory_space<hbm>>
        %dma_wait3A_255 = tpu.memref_slice %arg4[%add3A_251] : memref<160000xi32, #tpu.memory_space<hbm>> -> memref<80xi32, #tpu.memory_space<hbm>>
        tpu.wait_dma2 semaphore(%arg14 : memref<!tpu.dma_semaphore, #tpu.memory_space<semaphore_mem>>) src(%dma_wait3A_255 : memref<80xi32, #tpu.memory_space<hbm>>) dst(%arg17 : memref<80xi32, #tpu.memory_space<vmem>>)
        %dma_wait3A_256 = tpu.memref_slice %arg5[%add3A_251] : memref<160000xi32, #tpu.memory_space<hbm>> -> memref<80xi32, #tpu.memory_space<hbm>>
        %dma_wait3A_257 = tpu.memref_slice %arg5[%add3A_251] : memref<160000xi32, #tpu.memory_space<hbm>> -> memref<80xi32, #tpu.memory_space<hbm>>
        tpu.wait_dma2 semaphore(%arg14 : memref<!tpu.dma_semaphore, #tpu.memory_space<semaphore_mem>>) src(%dma_wait3A_257 : memref<80xi32, #tpu.memory_space<hbm>>) dst(%arg8 : memref<80xi32, #tpu.memory_space<vmem>>)
        %dma_wait3A_258 = arith.constant 0 : i32
        %dma_wait3A_259 = arith.constant 0 : i32
        %dma_wait3A_260 = tpu.memref_slice %arg11[%dma_wait3A_258, %dma_wait3A_259] : memref<80x128xf32, #tpu.memory_space<vmem>> -> memref<80x64xf32, #tpu.memory_space<vmem>>
        %dma_wait3A_261 = tpu.memref_slice %arg3[%add3A_251, %mul3A_135] : memref<160000x512xf32, #tpu.memory_space<hbm>> -> memref<80x64xf32, #tpu.memory_space<hbm>>
        %dma_wait3A_262 = arith.constant 0 : i32
        %dma_wait3A_263 = arith.constant 0 : i32
        %dma_wait3A_264 = tpu.memref_slice %arg11[%dma_wait3A_262, %dma_wait3A_263] : memref<80x128xf32, #tpu.memory_space<vmem>> -> memref<80x64xf32, #tpu.memory_space<vmem>>
        %dma_wait3A_265 = tpu.memref_slice %arg3[%add3A_251, %mul3A_135] : memref<160000x512xf32, #tpu.memory_space<hbm>> -> memref<80x64xf32, #tpu.memory_space<hbm>>
        tpu.wait_dma2 semaphore(%arg14 : memref<!tpu.dma_semaphore, #tpu.memory_space<semaphore_mem>>) src(%dma_wait3A_265 : memref<80x64xf32, #tpu.memory_space<hbm>>) dst(%dma_wait3A_264 : memref<80x64xf32, #tpu.memory_space<vmem>>)
        %dma_wait3A_266 = arith.constant 0 : i32
        %dma_wait3A_267 = arith.constant 64 : i32
        %dma_wait3A_268 = tpu.memref_slice %arg11[%dma_wait3A_266, %dma_wait3A_267] : memref<80x128xf32, #tpu.memory_space<vmem>> -> memref<80x64xf32, #tpu.memory_space<vmem>>
        %dma_wait3A_269 = tpu.memref_slice %arg3[%add3A_251, %add3A_253] : memref<160000x512xf32, #tpu.memory_space<hbm>> -> memref<80x64xf32, #tpu.memory_space<hbm>>
        %dma_wait3A_270 = arith.constant 0 : i32
        %dma_wait3A_271 = arith.constant 64 : i32
        %dma_wait3A_272 = tpu.memref_slice %arg11[%dma_wait3A_270, %dma_wait3A_271] : memref<80x128xf32, #tpu.memory_space<vmem>> -> memref<80x64xf32, #tpu.memory_space<vmem>>
        %dma_wait3A_273 = tpu.memref_slice %arg3[%add3A_251, %add3A_253] : memref<160000x512xf32, #tpu.memory_space<hbm>> -> memref<80x64xf32, #tpu.memory_space<hbm>>
        tpu.wait_dma2 semaphore(%arg14 : memref<!tpu.dma_semaphore, #tpu.memory_space<semaphore_mem>>) src(%dma_wait3A_273 : memref<80x64xf32, #tpu.memory_space<hbm>>) dst(%dma_wait3A_272 : memref<80x64xf32, #tpu.memory_space<vmem>>)
        %get3A = arith.constant 0 : index
        %get3A_274 = tpu.vector_load %arg17[%get3A] {strides = array<i32>} : memref<80xi32, #tpu.memory_space<vmem>>, vector<16xi32>,
        %gather3A = tpu.vector_load_idx %arg23[%get3A_274] : memref<10000xf32, #tpu.memory_space<vmem>>[vector<16xi32>], vector<16xf32>,
        %swap3A = arith.constant 0 : index
        %swap3A_275 = tpu.vector_load %arg27[%swap3A] {strides = array<i32>} : memref<80xf32, #tpu.memory_space<vmem>>, vector<16xf32>,
        tpu.vector_store %arg27[%swap3A], %gather3A {strides = array<i32>} : memref<80xf32, #tpu.memory_space<vmem>>, vector<16xf32>,
        %get3A_276 = arith.constant 16 : index
        %get3A_277 = tpu.vector_load %arg17[%get3A_276] {strides = array<i32>} : memref<80xi32, #tpu.memory_space<vmem>>, vector<16xi32>,
        %gather3A_278 = tpu.vector_load_idx %arg23[%get3A_277] : memref<10000xf32, #tpu.memory_space<vmem>>[vector<16xi32>], vector<16xf32>,
        %swap3A_279 = arith.constant 16 : index
        %swap3A_280 = tpu.vector_load %arg27[%swap3A_279] {strides = array<i32>} : memref<80xf32, #tpu.memory_space<vmem>>, vector<16xf32>,
        tpu.vector_store %arg27[%swap3A_279], %gather3A_278 {strides = array<i32>} : memref<80xf32, #tpu.memory_space<vmem>>, vector<16xf32>,
        %get3A_281 = arith.constant 32 : index
        %get3A_282 = tpu.vector_load %arg17[%get3A_281] {strides = array<i32>} : memref<80xi32, #tpu.memory_space<vmem>>, vector<16xi32>,
        %gather3A_283 = tpu.vector_load_idx %arg23[%get3A_282] : memref<10000xf32, #tpu.memory_space<vmem>>[vector<16xi32>], vector<16xf32>,
        %swap3A_284 = arith.constant 32 : index
        %swap3A_285 = tpu.vector_load %arg27[%swap3A_284] {strides = array<i32>} : memref<80xf32, #tpu.memory_space<vmem>>, vector<16xf32>,
        tpu.vector_store %arg27[%swap3A_284], %gather3A_283 {strides = array<i32>} : memref<80xf32, #tpu.memory_space<vmem>>, vector<16xf32>,
        %get3A_286 = arith.constant 48 : index
        %get3A_287 = tpu.vector_load %arg17[%get3A_286] {strides = array<i32>} : memref<80xi32, #tpu.memory_space<vmem>>, vector<16xi32>,
        %gather3A_288 = tpu.vector_load_idx %arg23[%get3A_287] : memref<10000xf32, #tpu.memory_space<vmem>>[vector<16xi32>], vector<16xf32>,
        %swap3A_289 = arith.constant 48 : index
        %swap3A_290 = tpu.vector_load %arg27[%swap3A_289] {strides = array<i32>} : memref<80xf32, #tpu.memory_space<vmem>>, vector<16xf32>,
        tpu.vector_store %arg27[%swap3A_289], %gather3A_288 {strides = array<i32>} : memref<80xf32, #tpu.memory_space<vmem>>, vector<16xf32>,
        %get3A_291 = arith.constant 64 : index
        %get3A_292 = tpu.vector_load %arg17[%get3A_291] {strides = array<i32>} : memref<80xi32, #tpu.memory_space<vmem>>, vector<16xi32>,
        %gather3A_293 = tpu.vector_load_idx %arg23[%get3A_292] : memref<10000xf32, #tpu.memory_space<vmem>>[vector<16xi32>], vector<16xf32>,
        %swap3A_294 = arith.constant 64 : index
        %swap3A_295 = tpu.vector_load %arg27[%swap3A_294] {strides = array<i32>} : memref<80xf32, #tpu.memory_space<vmem>>, vector<16xf32>,
        tpu.vector_store %arg27[%swap3A_294], %gather3A_293 {strides = array<i32>} : memref<80xf32, #tpu.memory_space<vmem>>, vector<16xf32>,
        %scan3A_296 = arith.constant 0 : i32
        %scan3A_297 = arith.constant 0 : i32
        %scan3A_298 = arith.constant 80 : i32
        %scan3A_299 = arith.addi %scan3A_297, %scan3A_298 : i32
        %scan3A_300 = arith.constant 4 : i32
        %scan3A_301 = scf.for %scan3A_306 = %scan3A_297 to %scan3A_299 step %scan3A_300 iter_args(%scan3A_307 = %scan3A_296) -> (i32)  : i32 {
          %broadcast_in_dim3A_308 = vector.broadcast %scan3A_306 : i32 to vector<16xi32>
          %gather3A_309 = tpu.vector_load_idx %arg27[%broadcast_in_dim3A_308] : memref<80xf32, #tpu.memory_space<vmem>>[vector<16xi32>], vector<16xf32>,
          %get3A_310 = arith.index_cast %scan3A_306 : i32 to index
          %get3A_311 = arith.constant 64 : index
          %get3A_312 = tpu.vector_load %arg11[%get3A_310, %get3A_311] {strides = array<i32>} : memref<80x128xf32, #tpu.memory_space<vmem>>, vector<16xf32>,
          %mul3A_313 = arith.mulf %gather3A_309, %get3A_312 : vector<16xf32>
          %get3A_314 = arith.index_cast %scan3A_306 : i32 to index
          %get3A_315 = arith.constant 0 : index
          %get3A_316 = tpu.vector_load %arg11[%get3A_314, %get3A_315] {strides = array<i32>} : memref<80x128xf32, #tpu.memory_space<vmem>>, vector<16xf32>,
          %add3A_317 = arith.addf %mul3A_313, %get3A_316 : vector<16xf32>
          %swap3A_318 = arith.index_cast %scan3A_306 : i32 to index
          %swap3A_319 = arith.constant 0 : index
          %swap3A_320 = tpu.vector_load %arg11[%swap3A_318, %swap3A_319] {strides = array<i32>} : memref<80x128xf32, #tpu.memory_space<vmem>>, vector<16xf32>,
          tpu.vector_store %arg11[%swap3A_318, %swap3A_319], %add3A_317 {strides = array<i32>} : memref<80x128xf32, #tpu.memory_space<vmem>>, vector<16xf32>,
          %get3A_321 = arith.index_cast %scan3A_306 : i32 to index
          %get3A_322 = arith.constant 80 : index
          %get3A_323 = tpu.vector_load %arg11[%get3A_321, %get3A_322] {strides = array<i32>} : memref<80x128xf32, #tpu.memory_space<vmem>>, vector<16xf32>,
          %mul3A_324 = arith.mulf %gather3A_309, %get3A_323 : vector<16xf32>
          %get3A_325 = arith.index_cast %scan3A_306 : i32 to index
          %get3A_326 = arith.constant 16 : index
          %get3A_327 = tpu.vector_load %arg11[%get3A_325, %get3A_326] {strides = array<i32>} : memref<80x128xf32, #tpu.memory_space<vmem>>, vector<16xf32>,
          %add3A_328 = arith.addf %mul3A_324, %get3A_327 : vector<16xf32>
          %swap3A_329 = arith.index_cast %scan3A_306 : i32 to index
          %swap3A_330 = arith.constant 16 : index
          %swap3A_331 = tpu.vector_load %arg11[%swap3A_329, %swap3A_330] {strides = array<i32>} : memref<80x128xf32, #tpu.memory_space<vmem>>, vector<16xf32>,
          tpu.vector_store %arg11[%swap3A_329, %swap3A_330], %add3A_328 {strides = array<i32>} : memref<80x128xf32, #tpu.memory_space<vmem>>, vector<16xf32>,
          %get3A_332 = arith.index_cast %scan3A_306 : i32 to index
          %get3A_333 = arith.constant 96 : index
          %get3A_334 = tpu.vector_load %arg11[%get3A_332, %get3A_333] {strides = array<i32>} : memref<80x128xf32, #tpu.memory_space<vmem>>, vector<16xf32>,
          %mul3A_335 = arith.mulf %gather3A_309, %get3A_334 : vector<16xf32>
          %get3A_336 = arith.index_cast %scan3A_306 : i32 to index
          %get3A_337 = arith.constant 32 : index
          %get3A_338 = tpu.vector_load %arg11[%get3A_336, %get3A_337] {strides = array<i32>} : memref<80x128xf32, #tpu.memory_space<vmem>>, vector<16xf32>,
          %add3A_339 = arith.addf %mul3A_335, %get3A_338 : vector<16xf32>
          %swap3A_340 = arith.index_cast %scan3A_306 : i32 to index
          %swap3A_341 = arith.constant 32 : index
          %swap3A_342 = tpu.vector_load %arg11[%swap3A_340, %swap3A_341] {strides = array<i32>} : memref<80x128xf32, #tpu.memory_space<vmem>>, vector<16xf32>,
          tpu.vector_store %arg11[%swap3A_340, %swap3A_341], %add3A_339 {strides = array<i32>} : memref<80x128xf32, #tpu.memory_space<vmem>>, vector<16xf32>,
          %get3A_343 = arith.index_cast %scan3A_306 : i32 to index
          %get3A_344 = arith.constant 112 : index
          %get3A_345 = tpu.vector_load %arg11[%get3A_343, %get3A_344] {strides = array<i32>} : memref<80x128xf32, #tpu.memory_space<vmem>>, vector<16xf32>,
          %mul3A_346 = arith.mulf %gather3A_309, %get3A_345 : vector<16xf32>
          %get3A_347 = arith.index_cast %scan3A_306 : i32 to index
          %get3A_348 = arith.constant 48 : index
          %get3A_349 = tpu.vector_load %arg11[%get3A_347, %get3A_348] {strides = array<i32>} : memref<80x128xf32, #tpu.memory_space<vmem>>, vector<16xf32>,
          %add3A_350 = arith.addf %mul3A_346, %get3A_349 : vector<16xf32>
          %swap3A_351 = arith.index_cast %scan3A_306 : i32 to index
          %swap3A_352 = arith.constant 48 : index
          %swap3A_353 = tpu.vector_load %arg11[%swap3A_351, %swap3A_352] {strides = array<i32>} : memref<80x128xf32, #tpu.memory_space<vmem>>, vector<16xf32>,
          tpu.vector_store %arg11[%swap3A_351, %swap3A_352], %add3A_350 {strides = array<i32>} : memref<80x128xf32, #tpu.memory_space<vmem>>, vector<16xf32>,
          %scan3A_354 = arith.constant 0 : i32
          %scan3A_355 = arith.constant 1 : i32
          %scan3A_356 = arith.addi %scan3A_306, %scan3A_355 : i32
          %broadcast_in_dim3A_357 = vector.broadcast %scan3A_356 : i32 to vector<16xi32>
          %gather3A_358 = tpu.vector_load_idx %arg27[%broadcast_in_dim3A_357] : memref<80xf32, #tpu.memory_space<vmem>>[vector<16xi32>], vector<16xf32>,
          %get3A_359 = arith.index_cast %scan3A_356 : i32 to index
          %get3A_360 = arith.constant 64 : index
          %get3A_361 = tpu.vector_load %arg11[%get3A_359, %get3A_360] {strides = array<i32>} : memref<80x128xf32, #tpu.memory_space<vmem>>, vector<16xf32>,
          %mul3A_362 = arith.mulf %gather3A_358, %get3A_361 : vector<16xf32>
          %get3A_363 = arith.index_cast %scan3A_356 : i32 to index
          %get3A_364 = arith.constant 0 : index
          %get3A_365 = tpu.vector_load %arg11[%get3A_363, %get3A_364] {strides = array<i32>} : memref<80x128xf32, #tpu.memory_space<vmem>>, vector<16xf32>,
          %add3A_366 = arith.addf %mul3A_362, %get3A_365 : vector<16xf32>
          %swap3A_367 = arith.index_cast %scan3A_356 : i32 to index
          %swap3A_368 = arith.constant 0 : index
          %swap3A_369 = tpu.vector_load %arg11[%swap3A_367, %swap3A_368] {strides = array<i32>} : memref<80x128xf32, #tpu.memory_space<vmem>>, vector<16xf32>,
          tpu.vector_store %arg11[%swap3A_367, %swap3A_368], %add3A_366 {strides = array<i32>} : memref<80x128xf32, #tpu.memory_space<vmem>>, vector<16xf32>,
          %get3A_370 = arith.index_cast %scan3A_356 : i32 to index
          %get3A_371 = arith.constant 80 : index
          %get3A_372 = tpu.vector_load %arg11[%get3A_370, %get3A_371] {strides = array<i32>} : memref<80x128xf32, #tpu.memory_space<vmem>>, vector<16xf32>,
          %mul3A_373 = arith.mulf %gather3A_358, %get3A_372 : vector<16xf32>
          %get3A_374 = arith.index_cast %scan3A_356 : i32 to index
          %get3A_375 = arith.constant 16 : index
          %get3A_376 = tpu.vector_load %arg11[%get3A_374, %get3A_375] {strides = array<i32>} : memref<80x128xf32, #tpu.memory_space<vmem>>, vector<16xf32>,
          %add3A_377 = arith.addf %mul3A_373, %get3A_376 : vector<16xf32>
          %swap3A_378 = arith.index_cast %scan3A_356 : i32 to index
          %swap3A_379 = arith.constant 16 : index
          %swap3A_380 = tpu.vector_load %arg11[%swap3A_378, %swap3A_379] {strides = array<i32>} : memref<80x128xf32, #tpu.memory_space<vmem>>, vector<16xf32>,
          tpu.vector_store %arg11[%swap3A_378, %swap3A_379], %add3A_377 {strides = array<i32>} : memref<80x128xf32, #tpu.memory_space<vmem>>, vector<16xf32>,
          %get3A_381 = arith.index_cast %scan3A_356 : i32 to index
          %get3A_382 = arith.constant 96 : index
          %get3A_383 = tpu.vector_load %arg11[%get3A_381, %get3A_382] {strides = array<i32>} : memref<80x128xf32, #tpu.memory_space<vmem>>, vector<16xf32>,
          %mul3A_384 = arith.mulf %gather3A_358, %get3A_383 : vector<16xf32>
          %get3A_385 = arith.index_cast %scan3A_356 : i32 to index
          %get3A_386 = arith.constant 32 : index
          %get3A_387 = tpu.vector_load %arg11[%get3A_385, %get3A_386] {strides = array<i32>} : memref<80x128xf32, #tpu.memory_space<vmem>>, vector<16xf32>,
          %add3A_388 = arith.addf %mul3A_384, %get3A_387 : vector<16xf32>
          %swap3A_389 = arith.index_cast %scan3A_356 : i32 to index
          %swap3A_390 = arith.constant 32 : index
          %swap3A_391 = tpu.vector_load %arg11[%swap3A_389, %swap3A_390] {strides = array<i32>} : memref<80x128xf32, #tpu.memory_space<vmem>>, vector<16xf32>,
          tpu.vector_store %arg11[%swap3A_389, %swap3A_390], %add3A_388 {strides = array<i32>} : memref<80x128xf32, #tpu.memory_space<vmem>>, vector<16xf32>,
          %get3A_392 = arith.index_cast %scan3A_356 : i32 to index
          %get3A_393 = arith.constant 112 : index
          %get3A_394 = tpu.vector_load %arg11[%get3A_392, %get3A_393] {strides = array<i32>} : memref<80x128xf32, #tpu.memory_space<vmem>>, vector<16xf32>,
          %mul3A_395 = arith.mulf %gather3A_358, %get3A_394 : vector<16xf32>
          %get3A_396 = arith.index_cast %scan3A_356 : i32 to index
          %get3A_397 = arith.constant 48 : index
          %get3A_398 = tpu.vector_load %arg11[%get3A_396, %get3A_397] {strides = array<i32>} : memref<80x128xf32, #tpu.memory_space<vmem>>, vector<16xf32>,
          %add3A_399 = arith.addf %mul3A_395, %get3A_398 : vector<16xf32>
          %swap3A_400 = arith.index_cast %scan3A_356 : i32 to index
          %swap3A_401 = arith.constant 48 : index
          %swap3A_402 = tpu.vector_load %arg11[%swap3A_400, %swap3A_401] {strides = array<i32>} : memref<80x128xf32, #tpu.memory_space<vmem>>, vector<16xf32>,
          tpu.vector_store %arg11[%swap3A_400, %swap3A_401], %add3A_399 {strides = array<i32>} : memref<80x128xf32, #tpu.memory_space<vmem>>, vector<16xf32>,
          %scan3A_403 = arith.constant 0 : i32
          %scan3A_404 = arith.constant 2 : i32
          %scan3A_405 = arith.addi %scan3A_306, %scan3A_404 : i32
          %broadcast_in_dim3A_406 = vector.broadcast %scan3A_405 : i32 to vector<16xi32>
          %gather3A_407 = tpu.vector_load_idx %arg27[%broadcast_in_dim3A_406] : memref<80xf32, #tpu.memory_space<vmem>>[vector<16xi32>], vector<16xf32>,
          %get3A_408 = arith.index_cast %scan3A_405 : i32 to index
          %get3A_409 = arith.constant 64 : index
          %get3A_410 = tpu.vector_load %arg11[%get3A_408, %get3A_409] {strides = array<i32>} : memref<80x128xf32, #tpu.memory_space<vmem>>, vector<16xf32>,
          %mul3A_411 = arith.mulf %gather3A_407, %get3A_410 : vector<16xf32>
          %get3A_412 = arith.index_cast %scan3A_405 : i32 to index
          %get3A_413 = arith.constant 0 : index
          %get3A_414 = tpu.vector_load %arg11[%get3A_412, %get3A_413] {strides = array<i32>} : memref<80x128xf32, #tpu.memory_space<vmem>>, vector<16xf32>,
          %add3A_415 = arith.addf %mul3A_411, %get3A_414 : vector<16xf32>
          %swap3A_416 = arith.index_cast %scan3A_405 : i32 to index
          %swap3A_417 = arith.constant 0 : index
          %swap3A_418 = tpu.vector_load %arg11[%swap3A_416, %swap3A_417] {strides = array<i32>} : memref<80x128xf32, #tpu.memory_space<vmem>>, vector<16xf32>,
          tpu.vector_store %arg11[%swap3A_416, %swap3A_417], %add3A_415 {strides = array<i32>} : memref<80x128xf32, #tpu.memory_space<vmem>>, vector<16xf32>,
          %get3A_419 = arith.index_cast %scan3A_405 : i32 to index
          %get3A_420 = arith.constant 80 : index
          %get3A_421 = tpu.vector_load %arg11[%get3A_419, %get3A_420] {strides = array<i32>} : memref<80x128xf32, #tpu.memory_space<vmem>>, vector<16xf32>,
          %mul3A_422 = arith.mulf %gather3A_407, %get3A_421 : vector<16xf32>
          %get3A_423 = arith.index_cast %scan3A_405 : i32 to index
          %get3A_424 = arith.constant 16 : index
          %get3A_425 = tpu.vector_load %arg11[%get3A_423, %get3A_424] {strides = array<i32>} : memref<80x128xf32, #tpu.memory_space<vmem>>, vector<16xf32>,
          %add3A_426 = arith.addf %mul3A_422, %get3A_425 : vector<16xf32>
          %swap3A_427 = arith.index_cast %scan3A_405 : i32 to index
          %swap3A_428 = arith.constant 16 : index
          %swap3A_429 = tpu.vector_load %arg11[%swap3A_427, %swap3A_428] {strides = array<i32>} : memref<80x128xf32, #tpu.memory_space<vmem>>, vector<16xf32>,
          tpu.vector_store %arg11[%swap3A_427, %swap3A_428], %add3A_426 {strides = array<i32>} : memref<80x128xf32, #tpu.memory_space<vmem>>, vector<16xf32>,
          %get3A_430 = arith.index_cast %scan3A_405 : i32 to index
          %get3A_431 = arith.constant 96 : index
          %get3A_432 = tpu.vector_load %arg11[%get3A_430, %get3A_431] {strides = array<i32>} : memref<80x128xf32, #tpu.memory_space<vmem>>, vector<16xf32>,
          %mul3A_433 = arith.mulf %gather3A_407, %get3A_432 : vector<16xf32>
          %get3A_434 = arith.index_cast %scan3A_405 : i32 to index
          %get3A_435 = arith.constant 32 : index
          %get3A_436 = tpu.vector_load %arg11[%get3A_434, %get3A_435] {strides = array<i32>} : memref<80x128xf32, #tpu.memory_space<vmem>>, vector<16xf32>,
          %add3A_437 = arith.addf %mul3A_433, %get3A_436 : vector<16xf32>
          %swap3A_438 = arith.index_cast %scan3A_405 : i32 to index
          %swap3A_439 = arith.constant 32 : index
          %swap3A_440 = tpu.vector_load %arg11[%swap3A_438, %swap3A_439] {strides = array<i32>} : memref<80x128xf32, #tpu.memory_space<vmem>>, vector<16xf32>,
          tpu.vector_store %arg11[%swap3A_438, %swap3A_439], %add3A_437 {strides = array<i32>} : memref<80x128xf32, #tpu.memory_space<vmem>>, vector<16xf32>,
          %get3A_441 = arith.index_cast %scan3A_405 : i32 to index
          %get3A_442 = arith.constant 112 : index
          %get3A_443 = tpu.vector_load %arg11[%get3A_441, %get3A_442] {strides = array<i32>} : memref<80x128xf32, #tpu.memory_space<vmem>>, vector<16xf32>,
          %mul3A_444 = arith.mulf %gather3A_407, %get3A_443 : vector<16xf32>
          %get3A_445 = arith.index_cast %scan3A_405 : i32 to index
          %get3A_446 = arith.constant 48 : index
          %get3A_447 = tpu.vector_load %arg11[%get3A_445, %get3A_446] {strides = array<i32>} : memref<80x128xf32, #tpu.memory_space<vmem>>, vector<16xf32>,
          %add3A_448 = arith.addf %mul3A_444, %get3A_447 : vector<16xf32>
          %swap3A_449 = arith.index_cast %scan3A_405 : i32 to index
          %swap3A_450 = arith.constant 48 : index
          %swap3A_451 = tpu.vector_load %arg11[%swap3A_449, %swap3A_450] {strides = array<i32>} : memref<80x128xf32, #tpu.memory_space<vmem>>, vector<16xf32>,
          tpu.vector_store %arg11[%swap3A_449, %swap3A_450], %add3A_448 {strides = array<i32>} : memref<80x128xf32, #tpu.memory_space<vmem>>, vector<16xf32>,
          %scan3A_452 = arith.constant 0 : i32
          %scan3A_453 = arith.constant 3 : i32
          %scan3A_454 = arith.addi %scan3A_306, %scan3A_453 : i32
          %broadcast_in_dim3A_455 = vector.broadcast %scan3A_454 : i32 to vector<16xi32>
          %gather3A_456 = tpu.vector_load_idx %arg27[%broadcast_in_dim3A_455] : memref<80xf32, #tpu.memory_space<vmem>>[vector<16xi32>], vector<16xf32>,
          %get3A_457 = arith.index_cast %scan3A_454 : i32 to index
          %get3A_458 = arith.constant 64 : index
          %get3A_459 = tpu.vector_load %arg11[%get3A_457, %get3A_458] {strides = array<i32>} : memref<80x128xf32, #tpu.memory_space<vmem>>, vector<16xf32>,
          %mul3A_460 = arith.mulf %gather3A_456, %get3A_459 : vector<16xf32>
          %get3A_461 = arith.index_cast %scan3A_454 : i32 to index
          %get3A_462 = arith.constant 0 : index
          %get3A_463 = tpu.vector_load %arg11[%get3A_461, %get3A_462] {strides = array<i32>} : memref<80x128xf32, #tpu.memory_space<vmem>>, vector<16xf32>,
          %add3A_464 = arith.addf %mul3A_460, %get3A_463 : vector<16xf32>
          %swap3A_465 = arith.index_cast %scan3A_454 : i32 to index
          %swap3A_466 = arith.constant 0 : index
          %swap3A_467 = tpu.vector_load %arg11[%swap3A_465, %swap3A_466] {strides = array<i32>} : memref<80x128xf32, #tpu.memory_space<vmem>>, vector<16xf32>,
          tpu.vector_store %arg11[%swap3A_465, %swap3A_466], %add3A_464 {strides = array<i32>} : memref<80x128xf32, #tpu.memory_space<vmem>>, vector<16xf32>,
          %get3A_468 = arith.index_cast %scan3A_454 : i32 to index
          %get3A_469 = arith.constant 80 : index
          %get3A_470 = tpu.vector_load %arg11[%get3A_468, %get3A_469] {strides = array<i32>} : memref<80x128xf32, #tpu.memory_space<vmem>>, vector<16xf32>,
          %mul3A_471 = arith.mulf %gather3A_456, %get3A_470 : vector<16xf32>
          %get3A_472 = arith.index_cast %scan3A_454 : i32 to index
          %get3A_473 = arith.constant 16 : index
          %get3A_474 = tpu.vector_load %arg11[%get3A_472, %get3A_473] {strides = array<i32>} : memref<80x128xf32, #tpu.memory_space<vmem>>, vector<16xf32>,
          %add3A_475 = arith.addf %mul3A_471, %get3A_474 : vector<16xf32>
          %swap3A_476 = arith.index_cast %scan3A_454 : i32 to index
          %swap3A_477 = arith.constant 16 : index
          %swap3A_478 = tpu.vector_load %arg11[%swap3A_476, %swap3A_477] {strides = array<i32>} : memref<80x128xf32, #tpu.memory_space<vmem>>, vector<16xf32>,
          tpu.vector_store %arg11[%swap3A_476, %swap3A_477], %add3A_475 {strides = array<i32>} : memref<80x128xf32, #tpu.memory_space<vmem>>, vector<16xf32>,
          %get3A_479 = arith.index_cast %scan3A_454 : i32 to index
          %get3A_480 = arith.constant 96 : index
          %get3A_481 = tpu.vector_load %arg11[%get3A_479, %get3A_480] {strides = array<i32>} : memref<80x128xf32, #tpu.memory_space<vmem>>, vector<16xf32>,
          %mul3A_482 = arith.mulf %gather3A_456, %get3A_481 : vector<16xf32>
          %get3A_483 = arith.index_cast %scan3A_454 : i32 to index
          %get3A_484 = arith.constant 32 : index
          %get3A_485 = tpu.vector_load %arg11[%get3A_483, %get3A_484] {strides = array<i32>} : memref<80x128xf32, #tpu.memory_space<vmem>>, vector<16xf32>,
          %add3A_486 = arith.addf %mul3A_482, %get3A_485 : vector<16xf32>
          %swap3A_487 = arith.index_cast %scan3A_454 : i32 to index
          %swap3A_488 = arith.constant 32 : index
          %swap3A_489 = tpu.vector_load %arg11[%swap3A_487, %swap3A_488] {strides = array<i32>} : memref<80x128xf32, #tpu.memory_space<vmem>>, vector<16xf32>,
          tpu.vector_store %arg11[%swap3A_487, %swap3A_488], %add3A_486 {strides = array<i32>} : memref<80x128xf32, #tpu.memory_space<vmem>>, vector<16xf32>,
          %get3A_490 = arith.index_cast %scan3A_454 : i32 to index
          %get3A_491 = arith.constant 112 : index
          %get3A_492 = tpu.vector_load %arg11[%get3A_490, %get3A_491] {strides = array<i32>} : memref<80x128xf32, #tpu.memory_space<vmem>>, vector<16xf32>,
          %mul3A_493 = arith.mulf %gather3A_456, %get3A_492 : vector<16xf32>
          %get3A_494 = arith.index_cast %scan3A_454 : i32 to index
          %get3A_495 = arith.constant 48 : index
          %get3A_496 = tpu.vector_load %arg11[%get3A_494, %get3A_495] {strides = array<i32>} : memref<80x128xf32, #tpu.memory_space<vmem>>, vector<16xf32>,
          %add3A_497 = arith.addf %mul3A_493, %get3A_496 : vector<16xf32>
          %swap3A_498 = arith.index_cast %scan3A_454 : i32 to index
          %swap3A_499 = arith.constant 48 : index
          %swap3A_500 = tpu.vector_load %arg11[%swap3A_498, %swap3A_499] {strides = array<i32>} : memref<80x128xf32, #tpu.memory_space<vmem>>, vector<16xf32>,
          tpu.vector_store %arg11[%swap3A_498, %swap3A_499], %add3A_497 {strides = array<i32>} : memref<80x128xf32, #tpu.memory_space<vmem>>, vector<16xf32>,
          %scan3A_501 = arith.constant 0 : i32
          scf.yield %scan3A_501 : i32
        }
        %scan3A_302 = arith.constant 80 : i32
        %dma_start3A_303 = arith.constant 0 : i32
        %dma_start3A_304 = arith.constant 0 : i32
        %dma_start3A_305 = tpu.memref_slice %arg7[%dma_start3A_303, %dma_start3A_304] : memref<10000x128xf32, #tpu.memory_space<vmem_shared>> -> memref<10000x128xf32, #tpu.memory_space<vmem_shared>>
        tpu.enqueue_indirect_dma source(%arg11 : memref<80x128xf32, #tpu.memory_space<vmem>>) target(%dma_start3A_305 : memref<10000x128xf32, #tpu.memory_space<vmem_shared>>) offsets(%arg8 : memref<80xi32, #tpu.memory_space<vmem>>) semaphore(%arg20 : memref<!tpu.dma_semaphore, #tpu.memory_space<semaphore_mem>>) {add = true}
      } else {
      }
      %mul3A_217 = arith.constant 3 : i32
      %mul3A_218 = arith.muli %scan3A_209, %mul3A_217 : i32
      %add3A_219 = arith.constant 1 : i32
      %add3A_220 = arith.addi %mul3A_218, %add3A_219 : i32
      %lt3A_221 = arith.constant 125 : i32
      %lt3A_222 = arith.cmpi slt, %add3A_220, %lt3A_221 : i32
      %convert_element_type3A_223 = arith.extui %lt3A_222 : i1 to i32
      %cond3A_224 = arith.constant 0 : i32
      %cond3A_225 = arith.cmpi ne, %convert_element_type3A_223, %cond3A_224 : i32
      scf.if %cond3A_225 {
        %ge3A = arith.constant 2 : i32
        %ge3A_236 = arith.cmpi sge, %add3A_220, %ge3A : i32
        %convert_element_type3A_237 = arith.extui %ge3A_236 : i1 to i32
        %cond3A_238 = arith.constant 0 : i32
        %cond3A_239 = arith.cmpi ne, %convert_element_type3A_237, %cond3A_238 : i32
        scf.if %cond3A_239 {
          %dma_wait3A_306 = arith.constant 0 : i32
          %dma_wait3A_307 = arith.constant 0 : i32
          %dma_wait3A_308 = tpu.memref_slice %arg7[%dma_wait3A_306, %dma_wait3A_307] : memref<10000x128xf32, #tpu.memory_space<vmem_shared>> -> memref<10000x128xf32, #tpu.memory_space<vmem_shared>>
          tpu.wait_indirect_dma semaphore(%arg22 : memref<!tpu.dma_semaphore, #tpu.memory_space<semaphore_mem>>) src(%arg13 : memref<80x128xf32, #tpu.memory_space<vmem>>) dst(%dma_wait3A_308 : memref<10000x128xf32, #tpu.memory_space<vmem_shared>>)
        } else {
        }
        %add3A_240 = arith.constant 1 : i32
        %add3A_241 = arith.addi %add3A_220, %add3A_240 : i32
        %lt3A_242 = arith.constant 125 : i32
        %lt3A_243 = arith.cmpi slt, %add3A_241, %lt3A_242 : i32
        %convert_element_type3A_244 = arith.extui %lt3A_243 : i1 to i32
        %cond3A_245 = arith.constant 0 : i32
        %cond3A_246 = arith.cmpi ne, %convert_element_type3A_244, %cond3A_245 : i32
        scf.if %cond3A_246 {
          %add3A_306 = arith.constant 1 : i32
          %add3A_307 = arith.addi %add3A_220, %add3A_306 : i32
          %mul3A_308 = arith.constant 10000 : i32
          %mul3A_309 = arith.muli %arg1, %mul3A_308 : i32
          %mul3A_310 = arith.constant 80 : i32
          %mul3A_311 = arith.muli %add3A_307, %mul3A_310 : i32
          %add3A_312 = arith.addi %mul3A_309, %mul3A_311 : i32
          %add3A_313 = arith.constant 256 : i32
          %add3A_314 = arith.addi %add3A_313, %mul3A_135 : i32
          %dma_start3A_315 = tpu.memref_slice %arg4[%add3A_312] : memref<160000xi32, #tpu.memory_space<hbm>> -> memref<80xi32, #tpu.memory_space<hbm>>
          %dma_start3A_316 = tpu.memref_slice %arg4[%add3A_312] : memref<160000xi32, #tpu.memory_space<hbm>> -> memref<80xi32, #tpu.memory_space<hbm>>
          tpu.enqueue_dma source(%dma_start3A_316 : memref<80xi32, #tpu.memory_space<hbm>>) target(%arg19 : memref<80xi32, #tpu.memory_space<vmem>>) target_semaphore(%arg16 : memref<!tpu.dma_semaphore, #tpu.memory_space<semaphore_mem>>)
          %dma_start3A_317 = tpu.memref_slice %arg5[%add3A_312] : memref<160000xi32, #tpu.memory_space<hbm>> -> memref<80xi32, #tpu.memory_space<hbm>>
          %dma_start3A_318 = tpu.memref_slice %arg5[%add3A_312] : memref<160000xi32, #tpu.memory_space<hbm>> -> memref<80xi32, #tpu.memory_space<hbm>>
          tpu.enqueue_dma source(%dma_start3A_318 : memref<80xi32, #tpu.memory_space<hbm>>) target(%arg10 : memref<80xi32, #tpu.memory_space<vmem>>) target_semaphore(%arg16 : memref<!tpu.dma_semaphore, #tpu.memory_space<semaphore_mem>>)
          %dma_start3A_319 = arith.constant 0 : i32
          %dma_start3A_320 = arith.constant 0 : i32
          %dma_start3A_321 = tpu.memref_slice %arg13[%dma_start3A_319, %dma_start3A_320] : memref<80x128xf32, #tpu.memory_space<vmem>> -> memref<80x64xf32, #tpu.memory_space<vmem>>
          %dma_start3A_322 = tpu.memref_slice %arg3[%add3A_312, %mul3A_135] : memref<160000x512xf32, #tpu.memory_space<hbm>> -> memref<80x64xf32, #tpu.memory_space<hbm>>
          %dma_start3A_323 = arith.constant 0 : i32
          %dma_start3A_324 = arith.constant 0 : i32
          %dma_start3A_325 = tpu.memref_slice %arg13[%dma_start3A_323, %dma_start3A_324] : memref<80x128xf32, #tpu.memory_space<vmem>> -> memref<80x64xf32, #tpu.memory_space<vmem>>
          %dma_start3A_326 = tpu.memref_slice %arg3[%add3A_312, %mul3A_135] : memref<160000x512xf32, #tpu.memory_space<hbm>> -> memref<80x64xf32, #tpu.memory_space<hbm>>
          tpu.enqueue_dma source(%dma_start3A_326 : memref<80x64xf32, #tpu.memory_space<hbm>>) target(%dma_start3A_325 : memref<80x64xf32, #tpu.memory_space<vmem>>) target_semaphore(%arg16 : memref<!tpu.dma_semaphore, #tpu.memory_space<semaphore_mem>>)
          %dma_start3A_327 = arith.constant 0 : i32
          %dma_start3A_328 = arith.constant 64 : i32
          %dma_start3A_329 = tpu.memref_slice %arg13[%dma_start3A_327, %dma_start3A_328] : memref<80x128xf32, #tpu.memory_space<vmem>> -> memref<80x64xf32, #tpu.memory_space<vmem>>
          %dma_start3A_330 = tpu.memref_slice %arg3[%add3A_312, %add3A_314] : memref<160000x512xf32, #tpu.memory_space<hbm>> -> memref<80x64xf32, #tpu.memory_space<hbm>>
          %dma_start3A_331 = arith.constant 0 : i32
          %dma_start3A_332 = arith.constant 64 : i32
          %dma_start3A_333 = tpu.memref_slice %arg13[%dma_start3A_331, %dma_start3A_332] : memref<80x128xf32, #tpu.memory_space<vmem>> -> memref<80x64xf32, #tpu.memory_space<vmem>>
          %dma_start3A_334 = tpu.memref_slice %arg3[%add3A_312, %add3A_314] : memref<160000x512xf32, #tpu.memory_space<hbm>> -> memref<80x64xf32, #tpu.memory_space<hbm>>
          tpu.enqueue_dma source(%dma_start3A_334 : memref<80x64xf32, #tpu.memory_space<hbm>>) target(%dma_start3A_333 : memref<80x64xf32, #tpu.memory_space<vmem>>) target_semaphore(%arg16 : memref<!tpu.dma_semaphore, #tpu.memory_space<semaphore_mem>>)
        } else {
        }
        %mul3A_247 = arith.constant 10000 : i32
        %mul3A_248 = arith.muli %arg1, %mul3A_247 : i32
        %mul3A_249 = arith.constant 80 : i32
        %mul3A_250 = arith.muli %add3A_220, %mul3A_249 : i32
        %add3A_251 = arith.addi %mul3A_248, %mul3A_250 : i32
        %add3A_252 = arith.constant 256 : i32
        %add3A_253 = arith.addi %add3A_252, %mul3A_135 : i32
        %dma_wait3A_254 = tpu.memref_slice %arg4[%add3A_251] : memref<160000xi32, #tpu.memory_space<hbm>> -> memref<80xi32, #tpu.memory_space<hbm>>
        %dma_wait3A_255 = tpu.memref_slice %arg4[%add3A_251] : memref<160000xi32, #tpu.memory_space<hbm>> -> memref<80xi32, #tpu.memory_space<hbm>>
        tpu.wait_dma2 semaphore(%arg15 : memref<!tpu.dma_semaphore, #tpu.memory_space<semaphore_mem>>) src(%dma_wait3A_255 : memref<80xi32, #tpu.memory_space<hbm>>) dst(%arg18 : memref<80xi32, #tpu.memory_space<vmem>>)
        %dma_wait3A_256 = tpu.memref_slice %arg5[%add3A_251] : memref<160000xi32, #tpu.memory_space<hbm>> -> memref<80xi32, #tpu.memory_space<hbm>>
        %dma_wait3A_257 = tpu.memref_slice %arg5[%add3A_251] : memref<160000xi32, #tpu.memory_space<hbm>> -> memref<80xi32, #tpu.memory_space<hbm>>
        tpu.wait_dma2 semaphore(%arg15 : memref<!tpu.dma_semaphore, #tpu.memory_space<semaphore_mem>>) src(%dma_wait3A_257 : memref<80xi32, #tpu.memory_space<hbm>>) dst(%arg9 : memref<80xi32, #tpu.memory_space<vmem>>)
        %dma_wait3A_258 = arith.constant 0 : i32
        %dma_wait3A_259 = arith.constant 0 : i32
        %dma_wait3A_260 = tpu.memref_slice %arg12[%dma_wait3A_258, %dma_wait3A_259] : memref<80x128xf32, #tpu.memory_space<vmem>> -> memref<80x64xf32, #tpu.memory_space<vmem>>
        %dma_wait3A_261 = tpu.memref_slice %arg3[%add3A_251, %mul3A_135] : memref<160000x512xf32, #tpu.memory_space<hbm>> -> memref<80x64xf32, #tpu.memory_space<hbm>>
        %dma_wait3A_262 = arith.constant 0 : i32
        %dma_wait3A_263 = arith.constant 0 : i32
        %dma_wait3A_264 = tpu.memref_slice %arg12[%dma_wait3A_262, %dma_wait3A_263] : memref<80x128xf32, #tpu.memory_space<vmem>> -> memref<80x64xf32, #tpu.memory_space<vmem>>
        %dma_wait3A_265 = tpu.memref_slice %arg3[%add3A_251, %mul3A_135] : memref<160000x512xf32, #tpu.memory_space<hbm>> -> memref<80x64xf32, #tpu.memory_space<hbm>>
        tpu.wait_dma2 semaphore(%arg15 : memref<!tpu.dma_semaphore, #tpu.memory_space<semaphore_mem>>) src(%dma_wait3A_265 : memref<80x64xf32, #tpu.memory_space<hbm>>) dst(%dma_wait3A_264 : memref<80x64xf32, #tpu.memory_space<vmem>>)
        %dma_wait3A_266 = arith.constant 0 : i32
        %dma_wait3A_267 = arith.constant 64 : i32
        %dma_wait3A_268 = tpu.memref_slice %arg12[%dma_wait3A_266, %dma_wait3A_267] : memref<80x128xf32, #tpu.memory_space<vmem>> -> memref<80x64xf32, #tpu.memory_space<vmem>>
        %dma_wait3A_269 = tpu.memref_slice %arg3[%add3A_251, %add3A_253] : memref<160000x512xf32, #tpu.memory_space<hbm>> -> memref<80x64xf32, #tpu.memory_space<hbm>>
        %dma_wait3A_270 = arith.constant 0 : i32
        %dma_wait3A_271 = arith.constant 64 : i32
        %dma_wait3A_272 = tpu.memref_slice %arg12[%dma_wait3A_270, %dma_wait3A_271] : memref<80x128xf32, #tpu.memory_space<vmem>> -> memref<80x64xf32, #tpu.memory_space<vmem>>
        %dma_wait3A_273 = tpu.memref_slice %arg3[%add3A_251, %add3A_253] : memref<160000x512xf32, #tpu.memory_space<hbm>> -> memref<80x64xf32, #tpu.memory_space<hbm>>
        tpu.wait_dma2 semaphore(%arg15 : memref<!tpu.dma_semaphore, #tpu.memory_space<semaphore_mem>>) src(%dma_wait3A_273 : memref<80x64xf32, #tpu.memory_space<hbm>>) dst(%dma_wait3A_272 : memref<80x64xf32, #tpu.memory_space<vmem>>)
        %get3A = arith.constant 0 : index
        %get3A_274 = tpu.vector_load %arg18[%get3A] {strides = array<i32>} : memref<80xi32, #tpu.memory_space<vmem>>, vector<16xi32>,
        %gather3A = tpu.vector_load_idx %arg23[%get3A_274] : memref<10000xf32, #tpu.memory_space<vmem>>[vector<16xi32>], vector<16xf32>,
        %swap3A = arith.constant 0 : index
        %swap3A_275 = tpu.vector_load %arg27[%swap3A] {strides = array<i32>} : memref<80xf32, #tpu.memory_space<vmem>>, vector<16xf32>,
        tpu.vector_store %arg27[%swap3A], %gather3A {strides = array<i32>} : memref<80xf32, #tpu.memory_space<vmem>>, vector<16xf32>,
        %get3A_276 = arith.constant 16 : index
        %get3A_277 = tpu.vector_load %arg18[%get3A_276] {strides = array<i32>} : memref<80xi32, #tpu.memory_space<vmem>>, vector<16xi32>,
        %gather3A_278 = tpu.vector_load_idx %arg23[%get3A_277] : memref<10000xf32, #tpu.memory_space<vmem>>[vector<16xi32>], vector<16xf32>,
        %swap3A_279 = arith.constant 16 : index
        %swap3A_280 = tpu.vector_load %arg27[%swap3A_279] {strides = array<i32>} : memref<80xf32, #tpu.memory_space<vmem>>, vector<16xf32>,
        tpu.vector_store %arg27[%swap3A_279], %gather3A_278 {strides = array<i32>} : memref<80xf32, #tpu.memory_space<vmem>>, vector<16xf32>,
        %get3A_281 = arith.constant 32 : index
        %get3A_282 = tpu.vector_load %arg18[%get3A_281] {strides = array<i32>} : memref<80xi32, #tpu.memory_space<vmem>>, vector<16xi32>,
        %gather3A_283 = tpu.vector_load_idx %arg23[%get3A_282] : memref<10000xf32, #tpu.memory_space<vmem>>[vector<16xi32>], vector<16xf32>,
        %swap3A_284 = arith.constant 32 : index
        %swap3A_285 = tpu.vector_load %arg27[%swap3A_284] {strides = array<i32>} : memref<80xf32, #tpu.memory_space<vmem>>, vector<16xf32>,
        tpu.vector_store %arg27[%swap3A_284], %gather3A_283 {strides = array<i32>} : memref<80xf32, #tpu.memory_space<vmem>>, vector<16xf32>,
        %get3A_286 = arith.constant 48 : index
        %get3A_287 = tpu.vector_load %arg18[%get3A_286] {strides = array<i32>} : memref<80xi32, #tpu.memory_space<vmem>>, vector<16xi32>,
        %gather3A_288 = tpu.vector_load_idx %arg23[%get3A_287] : memref<10000xf32, #tpu.memory_space<vmem>>[vector<16xi32>], vector<16xf32>,
        %swap3A_289 = arith.constant 48 : index
        %swap3A_290 = tpu.vector_load %arg27[%swap3A_289] {strides = array<i32>} : memref<80xf32, #tpu.memory_space<vmem>>, vector<16xf32>,
        tpu.vector_store %arg27[%swap3A_289], %gather3A_288 {strides = array<i32>} : memref<80xf32, #tpu.memory_space<vmem>>, vector<16xf32>,
        %get3A_291 = arith.constant 64 : index
        %get3A_292 = tpu.vector_load %arg18[%get3A_291] {strides = array<i32>} : memref<80xi32, #tpu.memory_space<vmem>>, vector<16xi32>,
        %gather3A_293 = tpu.vector_load_idx %arg23[%get3A_292] : memref<10000xf32, #tpu.memory_space<vmem>>[vector<16xi32>], vector<16xf32>,
        %swap3A_294 = arith.constant 64 : index
        %swap3A_295 = tpu.vector_load %arg27[%swap3A_294] {strides = array<i32>} : memref<80xf32, #tpu.memory_space<vmem>>, vector<16xf32>,
        tpu.vector_store %arg27[%swap3A_294], %gather3A_293 {strides = array<i32>} : memref<80xf32, #tpu.memory_space<vmem>>, vector<16xf32>,
        %scan3A_296 = arith.constant 0 : i32
        %scan3A_297 = arith.constant 0 : i32
        %scan3A_298 = arith.constant 80 : i32
        %scan3A_299 = arith.addi %scan3A_297, %scan3A_298 : i32
        %scan3A_300 = arith.constant 4 : i32
        %scan3A_301 = scf.for %scan3A_306 = %scan3A_297 to %scan3A_299 step %scan3A_300 iter_args(%scan3A_307 = %scan3A_296) -> (i32)  : i32 {
          %broadcast_in_dim3A_308 = vector.broadcast %scan3A_306 : i32 to vector<16xi32>
          %gather3A_309 = tpu.vector_load_idx %arg27[%broadcast_in_dim3A_308] : memref<80xf32, #tpu.memory_space<vmem>>[vector<16xi32>], vector<16xf32>,
          %get3A_310 = arith.index_cast %scan3A_306 : i32 to index
          %get3A_311 = arith.constant 64 : index
          %get3A_312 = tpu.vector_load %arg12[%get3A_310, %get3A_311] {strides = array<i32>} : memref<80x128xf32, #tpu.memory_space<vmem>>, vector<16xf32>,
          %mul3A_313 = arith.mulf %gather3A_309, %get3A_312 : vector<16xf32>
          %get3A_314 = arith.index_cast %scan3A_306 : i32 to index
          %get3A_315 = arith.constant 0 : index
          %get3A_316 = tpu.vector_load %arg12[%get3A_314, %get3A_315] {strides = array<i32>} : memref<80x128xf32, #tpu.memory_space<vmem>>, vector<16xf32>,
          %add3A_317 = arith.addf %mul3A_313, %get3A_316 : vector<16xf32>
          %swap3A_318 = arith.index_cast %scan3A_306 : i32 to index
          %swap3A_319 = arith.constant 0 : index
          %swap3A_320 = tpu.vector_load %arg12[%swap3A_318, %swap3A_319] {strides = array<i32>} : memref<80x128xf32, #tpu.memory_space<vmem>>, vector<16xf32>,
          tpu.vector_store %arg12[%swap3A_318, %swap3A_319], %add3A_317 {strides = array<i32>} : memref<80x128xf32, #tpu.memory_space<vmem>>, vector<16xf32>,
          %get3A_321 = arith.index_cast %scan3A_306 : i32 to index
          %get3A_322 = arith.constant 80 : index
          %get3A_323 = tpu.vector_load %arg12[%get3A_321, %get3A_322] {strides = array<i32>} : memref<80x128xf32, #tpu.memory_space<vmem>>, vector<16xf32>,
          %mul3A_324 = arith.mulf %gather3A_309, %get3A_323 : vector<16xf32>
          %get3A_325 = arith.index_cast %scan3A_306 : i32 to index
          %get3A_326 = arith.constant 16 : index
          %get3A_327 = tpu.vector_load %arg12[%get3A_325, %get3A_326] {strides = array<i32>} : memref<80x128xf32, #tpu.memory_space<vmem>>, vector<16xf32>,
          %add3A_328 = arith.addf %mul3A_324, %get3A_327 : vector<16xf32>
          %swap3A_329 = arith.index_cast %scan3A_306 : i32 to index
          %swap3A_330 = arith.constant 16 : index
          %swap3A_331 = tpu.vector_load %arg12[%swap3A_329, %swap3A_330] {strides = array<i32>} : memref<80x128xf32, #tpu.memory_space<vmem>>, vector<16xf32>,
          tpu.vector_store %arg12[%swap3A_329, %swap3A_330], %add3A_328 {strides = array<i32>} : memref<80x128xf32, #tpu.memory_space<vmem>>, vector<16xf32>,
          %get3A_332 = arith.index_cast %scan3A_306 : i32 to index
          %get3A_333 = arith.constant 96 : index
          %get3A_334 = tpu.vector_load %arg12[%get3A_332, %get3A_333] {strides = array<i32>} : memref<80x128xf32, #tpu.memory_space<vmem>>, vector<16xf32>,
          %mul3A_335 = arith.mulf %gather3A_309, %get3A_334 : vector<16xf32>
          %get3A_336 = arith.index_cast %scan3A_306 : i32 to index
          %get3A_337 = arith.constant 32 : index
          %get3A_338 = tpu.vector_load %arg12[%get3A_336, %get3A_337] {strides = array<i32>} : memref<80x128xf32, #tpu.memory_space<vmem>>, vector<16xf32>,
          %add3A_339 = arith.addf %mul3A_335, %get3A_338 : vector<16xf32>
          %swap3A_340 = arith.index_cast %scan3A_306 : i32 to index
          %swap3A_341 = arith.constant 32 : index
          %swap3A_342 = tpu.vector_load %arg12[%swap3A_340, %swap3A_341] {strides = array<i32>} : memref<80x128xf32, #tpu.memory_space<vmem>>, vector<16xf32>,
          tpu.vector_store %arg12[%swap3A_340, %swap3A_341], %add3A_339 {strides = array<i32>} : memref<80x128xf32, #tpu.memory_space<vmem>>, vector<16xf32>,
          %get3A_343 = arith.index_cast %scan3A_306 : i32 to index
          %get3A_344 = arith.constant 112 : index
          %get3A_345 = tpu.vector_load %arg12[%get3A_343, %get3A_344] {strides = array<i32>} : memref<80x128xf32, #tpu.memory_space<vmem>>, vector<16xf32>,
          %mul3A_346 = arith.mulf %gather3A_309, %get3A_345 : vector<16xf32>
          %get3A_347 = arith.index_cast %scan3A_306 : i32 to index
          %get3A_348 = arith.constant 48 : index
          %get3A_349 = tpu.vector_load %arg12[%get3A_347, %get3A_348] {strides = array<i32>} : memref<80x128xf32, #tpu.memory_space<vmem>>, vector<16xf32>,
          %add3A_350 = arith.addf %mul3A_346, %get3A_349 : vector<16xf32>
          %swap3A_351 = arith.index_cast %scan3A_306 : i32 to index
          %swap3A_352 = arith.constant 48 : index
          %swap3A_353 = tpu.vector_load %arg12[%swap3A_351, %swap3A_352] {strides = array<i32>} : memref<80x128xf32, #tpu.memory_space<vmem>>, vector<16xf32>,
          tpu.vector_store %arg12[%swap3A_351, %swap3A_352], %add3A_350 {strides = array<i32>} : memref<80x128xf32, #tpu.memory_space<vmem>>, vector<16xf32>,
          %scan3A_354 = arith.constant 0 : i32
          %scan3A_355 = arith.constant 1 : i32
          %scan3A_356 = arith.addi %scan3A_306, %scan3A_355 : i32
          %broadcast_in_dim3A_357 = vector.broadcast %scan3A_356 : i32 to vector<16xi32>
          %gather3A_358 = tpu.vector_load_idx %arg27[%broadcast_in_dim3A_357] : memref<80xf32, #tpu.memory_space<vmem>>[vector<16xi32>], vector<16xf32>,
          %get3A_359 = arith.index_cast %scan3A_356 : i32 to index
          %get3A_360 = arith.constant 64 : index
          %get3A_361 = tpu.vector_load %arg12[%get3A_359, %get3A_360] {strides = array<i32>} : memref<80x128xf32, #tpu.memory_space<vmem>>, vector<16xf32>,
          %mul3A_362 = arith.mulf %gather3A_358, %get3A_361 : vector<16xf32>
          %get3A_363 = arith.index_cast %scan3A_356 : i32 to index
          %get3A_364 = arith.constant 0 : index
          %get3A_365 = tpu.vector_load %arg12[%get3A_363, %get3A_364] {strides = array<i32>} : memref<80x128xf32, #tpu.memory_space<vmem>>, vector<16xf32>,
          %add3A_366 = arith.addf %mul3A_362, %get3A_365 : vector<16xf32>
          %swap3A_367 = arith.index_cast %scan3A_356 : i32 to index
          %swap3A_368 = arith.constant 0 : index
          %swap3A_369 = tpu.vector_load %arg12[%swap3A_367, %swap3A_368] {strides = array<i32>} : memref<80x128xf32, #tpu.memory_space<vmem>>, vector<16xf32>,
          tpu.vector_store %arg12[%swap3A_367, %swap3A_368], %add3A_366 {strides = array<i32>} : memref<80x128xf32, #tpu.memory_space<vmem>>, vector<16xf32>,
          %get3A_370 = arith.index_cast %scan3A_356 : i32 to index
          %get3A_371 = arith.constant 80 : index
          %get3A_372 = tpu.vector_load %arg12[%get3A_370, %get3A_371] {strides = array<i32>} : memref<80x128xf32, #tpu.memory_space<vmem>>, vector<16xf32>,
          %mul3A_373 = arith.mulf %gather3A_358, %get3A_372 : vector<16xf32>
          %get3A_374 = arith.index_cast %scan3A_356 : i32 to index
          %get3A_375 = arith.constant 16 : index
          %get3A_376 = tpu.vector_load %arg12[%get3A_374, %get3A_375] {strides = array<i32>} : memref<80x128xf32, #tpu.memory_space<vmem>>, vector<16xf32>,
          %add3A_377 = arith.addf %mul3A_373, %get3A_376 : vector<16xf32>
          %swap3A_378 = arith.index_cast %scan3A_356 : i32 to index
          %swap3A_379 = arith.constant 16 : index
          %swap3A_380 = tpu.vector_load %arg12[%swap3A_378, %swap3A_379] {strides = array<i32>} : memref<80x128xf32, #tpu.memory_space<vmem>>, vector<16xf32>,
          tpu.vector_store %arg12[%swap3A_378, %swap3A_379], %add3A_377 {strides = array<i32>} : memref<80x128xf32, #tpu.memory_space<vmem>>, vector<16xf32>,
          %get3A_381 = arith.index_cast %scan3A_356 : i32 to index
          %get3A_382 = arith.constant 96 : index
          %get3A_383 = tpu.vector_load %arg12[%get3A_381, %get3A_382] {strides = array<i32>} : memref<80x128xf32, #tpu.memory_space<vmem>>, vector<16xf32>,
          %mul3A_384 = arith.mulf %gather3A_358, %get3A_383 : vector<16xf32>
          %get3A_385 = arith.index_cast %scan3A_356 : i32 to index
          %get3A_386 = arith.constant 32 : index
          %get3A_387 = tpu.vector_load %arg12[%get3A_385, %get3A_386] {strides = array<i32>} : memref<80x128xf32, #tpu.memory_space<vmem>>, vector<16xf32>,
          %add3A_388 = arith.addf %mul3A_384, %get3A_387 : vector<16xf32>
          %swap3A_389 = arith.index_cast %scan3A_356 : i32 to index
          %swap3A_390 = arith.constant 32 : index
          %swap3A_391 = tpu.vector_load %arg12[%swap3A_389, %swap3A_390] {strides = array<i32>} : memref<80x128xf32, #tpu.memory_space<vmem>>, vector<16xf32>,
          tpu.vector_store %arg12[%swap3A_389, %swap3A_390], %add3A_388 {strides = array<i32>} : memref<80x128xf32, #tpu.memory_space<vmem>>, vector<16xf32>,
          %get3A_392 = arith.index_cast %scan3A_356 : i32 to index
          %get3A_393 = arith.constant 112 : index
          %get3A_394 = tpu.vector_load %arg12[%get3A_392, %get3A_393] {strides = array<i32>} : memref<80x128xf32, #tpu.memory_space<vmem>>, vector<16xf32>,
          %mul3A_395 = arith.mulf %gather3A_358, %get3A_394 : vector<16xf32>
          %get3A_396 = arith.index_cast %scan3A_356 : i32 to index
          %get3A_397 = arith.constant 48 : index
          %get3A_398 = tpu.vector_load %arg12[%get3A_396, %get3A_397] {strides = array<i32>} : memref<80x128xf32, #tpu.memory_space<vmem>>, vector<16xf32>,
          %add3A_399 = arith.addf %mul3A_395, %get3A_398 : vector<16xf32>
          %swap3A_400 = arith.index_cast %scan3A_356 : i32 to index
          %swap3A_401 = arith.constant 48 : index
          %swap3A_402 = tpu.vector_load %arg12[%swap3A_400, %swap3A_401] {strides = array<i32>} : memref<80x128xf32, #tpu.memory_space<vmem>>, vector<16xf32>,
          tpu.vector_store %arg12[%swap3A_400, %swap3A_401], %add3A_399 {strides = array<i32>} : memref<80x128xf32, #tpu.memory_space<vmem>>, vector<16xf32>,
          %scan3A_403 = arith.constant 0 : i32
          %scan3A_404 = arith.constant 2 : i32
          %scan3A_405 = arith.addi %scan3A_306, %scan3A_404 : i32
          %broadcast_in_dim3A_406 = vector.broadcast %scan3A_405 : i32 to vector<16xi32>
          %gather3A_407 = tpu.vector_load_idx %arg27[%broadcast_in_dim3A_406] : memref<80xf32, #tpu.memory_space<vmem>>[vector<16xi32>], vector<16xf32>,
          %get3A_408 = arith.index_cast %scan3A_405 : i32 to index
          %get3A_409 = arith.constant 64 : index
          %get3A_410 = tpu.vector_load %arg12[%get3A_408, %get3A_409] {strides = array<i32>} : memref<80x128xf32, #tpu.memory_space<vmem>>, vector<16xf32>,
          %mul3A_411 = arith.mulf %gather3A_407, %get3A_410 : vector<16xf32>
          %get3A_412 = arith.index_cast %scan3A_405 : i32 to index
          %get3A_413 = arith.constant 0 : index
          %get3A_414 = tpu.vector_load %arg12[%get3A_412, %get3A_413] {strides = array<i32>} : memref<80x128xf32, #tpu.memory_space<vmem>>, vector<16xf32>,
          %add3A_415 = arith.addf %mul3A_411, %get3A_414 : vector<16xf32>
          %swap3A_416 = arith.index_cast %scan3A_405 : i32 to index
          %swap3A_417 = arith.constant 0 : index
          %swap3A_418 = tpu.vector_load %arg12[%swap3A_416, %swap3A_417] {strides = array<i32>} : memref<80x128xf32, #tpu.memory_space<vmem>>, vector<16xf32>,
          tpu.vector_store %arg12[%swap3A_416, %swap3A_417], %add3A_415 {strides = array<i32>} : memref<80x128xf32, #tpu.memory_space<vmem>>, vector<16xf32>,
          %get3A_419 = arith.index_cast %scan3A_405 : i32 to index
          %get3A_420 = arith.constant 80 : index
          %get3A_421 = tpu.vector_load %arg12[%get3A_419, %get3A_420] {strides = array<i32>} : memref<80x128xf32, #tpu.memory_space<vmem>>, vector<16xf32>,
          %mul3A_422 = arith.mulf %gather3A_407, %get3A_421 : vector<16xf32>
          %get3A_423 = arith.index_cast %scan3A_405 : i32 to index
          %get3A_424 = arith.constant 16 : index
          %get3A_425 = tpu.vector_load %arg12[%get3A_423, %get3A_424] {strides = array<i32>} : memref<80x128xf32, #tpu.memory_space<vmem>>, vector<16xf32>,
          %add3A_426 = arith.addf %mul3A_422, %get3A_425 : vector<16xf32>
          %swap3A_427 = arith.index_cast %scan3A_405 : i32 to index
          %swap3A_428 = arith.constant 16 : index
          %swap3A_429 = tpu.vector_load %arg12[%swap3A_427, %swap3A_428] {strides = array<i32>} : memref<80x128xf32, #tpu.memory_space<vmem>>, vector<16xf32>,
          tpu.vector_store %arg12[%swap3A_427, %swap3A_428], %add3A_426 {strides = array<i32>} : memref<80x128xf32, #tpu.memory_space<vmem>>, vector<16xf32>,
          %get3A_430 = arith.index_cast %scan3A_405 : i32 to index
          %get3A_431 = arith.constant 96 : index
          %get3A_432 = tpu.vector_load %arg12[%get3A_430, %get3A_431] {strides = array<i32>} : memref<80x128xf32, #tpu.memory_space<vmem>>, vector<16xf32>,
          %mul3A_433 = arith.mulf %gather3A_407, %get3A_432 : vector<16xf32>
          %get3A_434 = arith.index_cast %scan3A_405 : i32 to index
          %get3A_435 = arith.constant 32 : index
          %get3A_436 = tpu.vector_load %arg12[%get3A_434, %get3A_435] {strides = array<i32>} : memref<80x128xf32, #tpu.memory_space<vmem>>, vector<16xf32>,
          %add3A_437 = arith.addf %mul3A_433, %get3A_436 : vector<16xf32>
          %swap3A_438 = arith.index_cast %scan3A_405 : i32 to index
          %swap3A_439 = arith.constant 32 : index
          %swap3A_440 = tpu.vector_load %arg12[%swap3A_438, %swap3A_439] {strides = array<i32>} : memref<80x128xf32, #tpu.memory_space<vmem>>, vector<16xf32>,
          tpu.vector_store %arg12[%swap3A_438, %swap3A_439], %add3A_437 {strides = array<i32>} : memref<80x128xf32, #tpu.memory_space<vmem>>, vector<16xf32>,
          %get3A_441 = arith.index_cast %scan3A_405 : i32 to index
          %get3A_442 = arith.constant 112 : index
          %get3A_443 = tpu.vector_load %arg12[%get3A_441, %get3A_442] {strides = array<i32>} : memref<80x128xf32, #tpu.memory_space<vmem>>, vector<16xf32>,
          %mul3A_444 = arith.mulf %gather3A_407, %get3A_443 : vector<16xf32>
          %get3A_445 = arith.index_cast %scan3A_405 : i32 to index
          %get3A_446 = arith.constant 48 : index
          %get3A_447 = tpu.vector_load %arg12[%get3A_445, %get3A_446] {strides = array<i32>} : memref<80x128xf32, #tpu.memory_space<vmem>>, vector<16xf32>,
          %add3A_448 = arith.addf %mul3A_444, %get3A_447 : vector<16xf32>
          %swap3A_449 = arith.index_cast %scan3A_405 : i32 to index
          %swap3A_450 = arith.constant 48 : index
          %swap3A_451 = tpu.vector_load %arg12[%swap3A_449, %swap3A_450] {strides = array<i32>} : memref<80x128xf32, #tpu.memory_space<vmem>>, vector<16xf32>,
          tpu.vector_store %arg12[%swap3A_449, %swap3A_450], %add3A_448 {strides = array<i32>} : memref<80x128xf32, #tpu.memory_space<vmem>>, vector<16xf32>,
          %scan3A_452 = arith.constant 0 : i32
          %scan3A_453 = arith.constant 3 : i32
          %scan3A_454 = arith.addi %scan3A_306, %scan3A_453 : i32
          %broadcast_in_dim3A_455 = vector.broadcast %scan3A_454 : i32 to vector<16xi32>
          %gather3A_456 = tpu.vector_load_idx %arg27[%broadcast_in_dim3A_455] : memref<80xf32, #tpu.memory_space<vmem>>[vector<16xi32>], vector<16xf32>,
          %get3A_457 = arith.index_cast %scan3A_454 : i32 to index
          %get3A_458 = arith.constant 64 : index
          %get3A_459 = tpu.vector_load %arg12[%get3A_457, %get3A_458] {strides = array<i32>} : memref<80x128xf32, #tpu.memory_space<vmem>>, vector<16xf32>,
          %mul3A_460 = arith.mulf %gather3A_456, %get3A_459 : vector<16xf32>
          %get3A_461 = arith.index_cast %scan3A_454 : i32 to index
          %get3A_462 = arith.constant 0 : index
          %get3A_463 = tpu.vector_load %arg12[%get3A_461, %get3A_462] {strides = array<i32>} : memref<80x128xf32, #tpu.memory_space<vmem>>, vector<16xf32>,
          %add3A_464 = arith.addf %mul3A_460, %get3A_463 : vector<16xf32>
          %swap3A_465 = arith.index_cast %scan3A_454 : i32 to index
          %swap3A_466 = arith.constant 0 : index
          %swap3A_467 = tpu.vector_load %arg12[%swap3A_465, %swap3A_466] {strides = array<i32>} : memref<80x128xf32, #tpu.memory_space<vmem>>, vector<16xf32>,
          tpu.vector_store %arg12[%swap3A_465, %swap3A_466], %add3A_464 {strides = array<i32>} : memref<80x128xf32, #tpu.memory_space<vmem>>, vector<16xf32>,
          %get3A_468 = arith.index_cast %scan3A_454 : i32 to index
          %get3A_469 = arith.constant 80 : index
          %get3A_470 = tpu.vector_load %arg12[%get3A_468, %get3A_469] {strides = array<i32>} : memref<80x128xf32, #tpu.memory_space<vmem>>, vector<16xf32>,
          %mul3A_471 = arith.mulf %gather3A_456, %get3A_470 : vector<16xf32>
          %get3A_472 = arith.index_cast %scan3A_454 : i32 to index
          %get3A_473 = arith.constant 16 : index
          %get3A_474 = tpu.vector_load %arg12[%get3A_472, %get3A_473] {strides = array<i32>} : memref<80x128xf32, #tpu.memory_space<vmem>>, vector<16xf32>,
          %add3A_475 = arith.addf %mul3A_471, %get3A_474 : vector<16xf32>
          %swap3A_476 = arith.index_cast %scan3A_454 : i32 to index
          %swap3A_477 = arith.constant 16 : index
          %swap3A_478 = tpu.vector_load %arg12[%swap3A_476, %swap3A_477] {strides = array<i32>} : memref<80x128xf32, #tpu.memory_space<vmem>>, vector<16xf32>,
          tpu.vector_store %arg12[%swap3A_476, %swap3A_477], %add3A_475 {strides = array<i32>} : memref<80x128xf32, #tpu.memory_space<vmem>>, vector<16xf32>,
          %get3A_479 = arith.index_cast %scan3A_454 : i32 to index
          %get3A_480 = arith.constant 96 : index
          %get3A_481 = tpu.vector_load %arg12[%get3A_479, %get3A_480] {strides = array<i32>} : memref<80x128xf32, #tpu.memory_space<vmem>>, vector<16xf32>,
          %mul3A_482 = arith.mulf %gather3A_456, %get3A_481 : vector<16xf32>
          %get3A_483 = arith.index_cast %scan3A_454 : i32 to index
          %get3A_484 = arith.constant 32 : index
          %get3A_485 = tpu.vector_load %arg12[%get3A_483, %get3A_484] {strides = array<i32>} : memref<80x128xf32, #tpu.memory_space<vmem>>, vector<16xf32>,
          %add3A_486 = arith.addf %mul3A_482, %get3A_485 : vector<16xf32>
          %swap3A_487 = arith.index_cast %scan3A_454 : i32 to index
          %swap3A_488 = arith.constant 32 : index
          %swap3A_489 = tpu.vector_load %arg12[%swap3A_487, %swap3A_488] {strides = array<i32>} : memref<80x128xf32, #tpu.memory_space<vmem>>, vector<16xf32>,
          tpu.vector_store %arg12[%swap3A_487, %swap3A_488], %add3A_486 {strides = array<i32>} : memref<80x128xf32, #tpu.memory_space<vmem>>, vector<16xf32>,
          %get3A_490 = arith.index_cast %scan3A_454 : i32 to index
          %get3A_491 = arith.constant 112 : index
          %get3A_492 = tpu.vector_load %arg12[%get3A_490, %get3A_491] {strides = array<i32>} : memref<80x128xf32, #tpu.memory_space<vmem>>, vector<16xf32>,
          %mul3A_493 = arith.mulf %gather3A_456, %get3A_492 : vector<16xf32>
          %get3A_494 = arith.index_cast %scan3A_454 : i32 to index
          %get3A_495 = arith.constant 48 : index
          %get3A_496 = tpu.vector_load %arg12[%get3A_494, %get3A_495] {strides = array<i32>} : memref<80x128xf32, #tpu.memory_space<vmem>>, vector<16xf32>,
          %add3A_497 = arith.addf %mul3A_493, %get3A_496 : vector<16xf32>
          %swap3A_498 = arith.index_cast %scan3A_454 : i32 to index
          %swap3A_499 = arith.constant 48 : index
          %swap3A_500 = tpu.vector_load %arg12[%swap3A_498, %swap3A_499] {strides = array<i32>} : memref<80x128xf32, #tpu.memory_space<vmem>>, vector<16xf32>,
          tpu.vector_store %arg12[%swap3A_498, %swap3A_499], %add3A_497 {strides = array<i32>} : memref<80x128xf32, #tpu.memory_space<vmem>>, vector<16xf32>,
          %scan3A_501 = arith.constant 0 : i32
          scf.yield %scan3A_501 : i32
        }
        %scan3A_302 = arith.constant 80 : i32
        %dma_start3A_303 = arith.constant 0 : i32
        %dma_start3A_304 = arith.constant 0 : i32
        %dma_start3A_305 = tpu.memref_slice %arg7[%dma_start3A_303, %dma_start3A_304] : memref<10000x128xf32, #tpu.memory_space<vmem_shared>> -> memref<10000x128xf32, #tpu.memory_space<vmem_shared>>
        tpu.enqueue_indirect_dma source(%arg12 : memref<80x128xf32, #tpu.memory_space<vmem>>) target(%dma_start3A_305 : memref<10000x128xf32, #tpu.memory_space<vmem_shared>>) offsets(%arg9 : memref<80xi32, #tpu.memory_space<vmem>>) semaphore(%arg21 : memref<!tpu.dma_semaphore, #tpu.memory_space<semaphore_mem>>) {add = true}
      } else {
      }
      %mul3A_226 = arith.constant 3 : i32
      %mul3A_227 = arith.muli %scan3A_209, %mul3A_226 : i32
      %add3A_228 = arith.constant 2 : i32
      %add3A_229 = arith.addi %mul3A_227, %add3A_228 : i32
      %lt3A_230 = arith.constant 125 : i32
      %lt3A_231 = arith.cmpi slt, %add3A_229, %lt3A_230 : i32
      %convert_element_type3A_232 = arith.extui %lt3A_231 : i1 to i32
      %cond3A_233 = arith.constant 0 : i32
      %cond3A_234 = arith.cmpi ne, %convert_element_type3A_232, %cond3A_233 : i32
      scf.if %cond3A_234 {
        %ge3A = arith.constant 2 : i32
        %ge3A_236 = arith.cmpi sge, %add3A_229, %ge3A : i32
        %convert_element_type3A_237 = arith.extui %ge3A_236 : i1 to i32
        %cond3A_238 = arith.constant 0 : i32
        %cond3A_239 = arith.cmpi ne, %convert_element_type3A_237, %cond3A_238 : i32
        scf.if %cond3A_239 {
          %dma_wait3A_306 = arith.constant 0 : i32
          %dma_wait3A_307 = arith.constant 0 : i32
          %dma_wait3A_308 = tpu.memref_slice %arg7[%dma_wait3A_306, %dma_wait3A_307] : memref<10000x128xf32, #tpu.memory_space<vmem_shared>> -> memref<10000x128xf32, #tpu.memory_space<vmem_shared>>
          tpu.wait_indirect_dma semaphore(%arg20 : memref<!tpu.dma_semaphore, #tpu.memory_space<semaphore_mem>>) src(%arg11 : memref<80x128xf32, #tpu.memory_space<vmem>>) dst(%dma_wait3A_308 : memref<10000x128xf32, #tpu.memory_space<vmem_shared>>)
        } else {
        }
        %add3A_240 = arith.constant 1 : i32
        %add3A_241 = arith.addi %add3A_229, %add3A_240 : i32
        %lt3A_242 = arith.constant 125 : i32
        %lt3A_243 = arith.cmpi slt, %add3A_241, %lt3A_242 : i32
        %convert_element_type3A_244 = arith.extui %lt3A_243 : i1 to i32
        %cond3A_245 = arith.constant 0 : i32
        %cond3A_246 = arith.cmpi ne, %convert_element_type3A_244, %cond3A_245 : i32
        scf.if %cond3A_246 {
          %add3A_306 = arith.constant 1 : i32
          %add3A_307 = arith.addi %add3A_229, %add3A_306 : i32
          %mul3A_308 = arith.constant 10000 : i32
          %mul3A_309 = arith.muli %arg1, %mul3A_308 : i32
          %mul3A_310 = arith.constant 80 : i32
          %mul3A_311 = arith.muli %add3A_307, %mul3A_310 : i32
          %add3A_312 = arith.addi %mul3A_309, %mul3A_311 : i32
          %add3A_313 = arith.constant 256 : i32
          %add3A_314 = arith.addi %add3A_313, %mul3A_135 : i32
          %dma_start3A_315 = tpu.memref_slice %arg4[%add3A_312] : memref<160000xi32, #tpu.memory_space<hbm>> -> memref<80xi32, #tpu.memory_space<hbm>>
          %dma_start3A_316 = tpu.memref_slice %arg4[%add3A_312] : memref<160000xi32, #tpu.memory_space<hbm>> -> memref<80xi32, #tpu.memory_space<hbm>>
          tpu.enqueue_dma source(%dma_start3A_316 : memref<80xi32, #tpu.memory_space<hbm>>) target(%arg17 : memref<80xi32, #tpu.memory_space<vmem>>) target_semaphore(%arg14 : memref<!tpu.dma_semaphore, #tpu.memory_space<semaphore_mem>>)
          %dma_start3A_317 = tpu.memref_slice %arg5[%add3A_312] : memref<160000xi32, #tpu.memory_space<hbm>> -> memref<80xi32, #tpu.memory_space<hbm>>
          %dma_start3A_318 = tpu.memref_slice %arg5[%add3A_312] : memref<160000xi32, #tpu.memory_space<hbm>> -> memref<80xi32, #tpu.memory_space<hbm>>
          tpu.enqueue_dma source(%dma_start3A_318 : memref<80xi32, #tpu.memory_space<hbm>>) target(%arg8 : memref<80xi32, #tpu.memory_space<vmem>>) target_semaphore(%arg14 : memref<!tpu.dma_semaphore, #tpu.memory_space<semaphore_mem>>)
          %dma_start3A_319 = arith.constant 0 : i32
          %dma_start3A_320 = arith.constant 0 : i32
          %dma_start3A_321 = tpu.memref_slice %arg11[%dma_start3A_319, %dma_start3A_320] : memref<80x128xf32, #tpu.memory_space<vmem>> -> memref<80x64xf32, #tpu.memory_space<vmem>>
          %dma_start3A_322 = tpu.memref_slice %arg3[%add3A_312, %mul3A_135] : memref<160000x512xf32, #tpu.memory_space<hbm>> -> memref<80x64xf32, #tpu.memory_space<hbm>>
          %dma_start3A_323 = arith.constant 0 : i32
          %dma_start3A_324 = arith.constant 0 : i32
          %dma_start3A_325 = tpu.memref_slice %arg11[%dma_start3A_323, %dma_start3A_324] : memref<80x128xf32, #tpu.memory_space<vmem>> -> memref<80x64xf32, #tpu.memory_space<vmem>>
          %dma_start3A_326 = tpu.memref_slice %arg3[%add3A_312, %mul3A_135] : memref<160000x512xf32, #tpu.memory_space<hbm>> -> memref<80x64xf32, #tpu.memory_space<hbm>>
          tpu.enqueue_dma source(%dma_start3A_326 : memref<80x64xf32, #tpu.memory_space<hbm>>) target(%dma_start3A_325 : memref<80x64xf32, #tpu.memory_space<vmem>>) target_semaphore(%arg14 : memref<!tpu.dma_semaphore, #tpu.memory_space<semaphore_mem>>)
          %dma_start3A_327 = arith.constant 0 : i32
          %dma_start3A_328 = arith.constant 64 : i32
          %dma_start3A_329 = tpu.memref_slice %arg11[%dma_start3A_327, %dma_start3A_328] : memref<80x128xf32, #tpu.memory_space<vmem>> -> memref<80x64xf32, #tpu.memory_space<vmem>>
          %dma_start3A_330 = tpu.memref_slice %arg3[%add3A_312, %add3A_314] : memref<160000x512xf32, #tpu.memory_space<hbm>> -> memref<80x64xf32, #tpu.memory_space<hbm>>
          %dma_start3A_331 = arith.constant 0 : i32
          %dma_start3A_332 = arith.constant 64 : i32
          %dma_start3A_333 = tpu.memref_slice %arg11[%dma_start3A_331, %dma_start3A_332] : memref<80x128xf32, #tpu.memory_space<vmem>> -> memref<80x64xf32, #tpu.memory_space<vmem>>
          %dma_start3A_334 = tpu.memref_slice %arg3[%add3A_312, %add3A_314] : memref<160000x512xf32, #tpu.memory_space<hbm>> -> memref<80x64xf32, #tpu.memory_space<hbm>>
          tpu.enqueue_dma source(%dma_start3A_334 : memref<80x64xf32, #tpu.memory_space<hbm>>) target(%dma_start3A_333 : memref<80x64xf32, #tpu.memory_space<vmem>>) target_semaphore(%arg14 : memref<!tpu.dma_semaphore, #tpu.memory_space<semaphore_mem>>)
        } else {
        }
        %mul3A_247 = arith.constant 10000 : i32
        %mul3A_248 = arith.muli %arg1, %mul3A_247 : i32
        %mul3A_249 = arith.constant 80 : i32
        %mul3A_250 = arith.muli %add3A_229, %mul3A_249 : i32
        %add3A_251 = arith.addi %mul3A_248, %mul3A_250 : i32
        %add3A_252 = arith.constant 256 : i32
        %add3A_253 = arith.addi %add3A_252, %mul3A_135 : i32
        %dma_wait3A_254 = tpu.memref_slice %arg4[%add3A_251] : memref<160000xi32, #tpu.memory_space<hbm>> -> memref<80xi32, #tpu.memory_space<hbm>>
        %dma_wait3A_255 = tpu.memref_slice %arg4[%add3A_251] : memref<160000xi32, #tpu.memory_space<hbm>> -> memref<80xi32, #tpu.memory_space<hbm>>
        tpu.wait_dma2 semaphore(%arg16 : memref<!tpu.dma_semaphore, #tpu.memory_space<semaphore_mem>>) src(%dma_wait3A_255 : memref<80xi32, #tpu.memory_space<hbm>>) dst(%arg19 : memref<80xi32, #tpu.memory_space<vmem>>)
        %dma_wait3A_256 = tpu.memref_slice %arg5[%add3A_251] : memref<160000xi32, #tpu.memory_space<hbm>> -> memref<80xi32, #tpu.memory_space<hbm>>
        %dma_wait3A_257 = tpu.memref_slice %arg5[%add3A_251] : memref<160000xi32, #tpu.memory_space<hbm>> -> memref<80xi32, #tpu.memory_space<hbm>>
        tpu.wait_dma2 semaphore(%arg16 : memref<!tpu.dma_semaphore, #tpu.memory_space<semaphore_mem>>) src(%dma_wait3A_257 : memref<80xi32, #tpu.memory_space<hbm>>) dst(%arg10 : memref<80xi32, #tpu.memory_space<vmem>>)
        %dma_wait3A_258 = arith.constant 0 : i32
        %dma_wait3A_259 = arith.constant 0 : i32
        %dma_wait3A_260 = tpu.memref_slice %arg13[%dma_wait3A_258, %dma_wait3A_259] : memref<80x128xf32, #tpu.memory_space<vmem>> -> memref<80x64xf32, #tpu.memory_space<vmem>>
        %dma_wait3A_261 = tpu.memref_slice %arg3[%add3A_251, %mul3A_135] : memref<160000x512xf32, #tpu.memory_space<hbm>> -> memref<80x64xf32, #tpu.memory_space<hbm>>
        %dma_wait3A_262 = arith.constant 0 : i32
        %dma_wait3A_263 = arith.constant 0 : i32
        %dma_wait3A_264 = tpu.memref_slice %arg13[%dma_wait3A_262, %dma_wait3A_263] : memref<80x128xf32, #tpu.memory_space<vmem>> -> memref<80x64xf32, #tpu.memory_space<vmem>>
        %dma_wait3A_265 = tpu.memref_slice %arg3[%add3A_251, %mul3A_135] : memref<160000x512xf32, #tpu.memory_space<hbm>> -> memref<80x64xf32, #tpu.memory_space<hbm>>
        tpu.wait_dma2 semaphore(%arg16 : memref<!tpu.dma_semaphore, #tpu.memory_space<semaphore_mem>>) src(%dma_wait3A_265 : memref<80x64xf32, #tpu.memory_space<hbm>>) dst(%dma_wait3A_264 : memref<80x64xf32, #tpu.memory_space<vmem>>)
        %dma_wait3A_266 = arith.constant 0 : i32
        %dma_wait3A_267 = arith.constant 64 : i32
        %dma_wait3A_268 = tpu.memref_slice %arg13[%dma_wait3A_266, %dma_wait3A_267] : memref<80x128xf32, #tpu.memory_space<vmem>> -> memref<80x64xf32, #tpu.memory_space<vmem>>
        %dma_wait3A_269 = tpu.memref_slice %arg3[%add3A_251, %add3A_253] : memref<160000x512xf32, #tpu.memory_space<hbm>> -> memref<80x64xf32, #tpu.memory_space<hbm>>
        %dma_wait3A_270 = arith.constant 0 : i32
        %dma_wait3A_271 = arith.constant 64 : i32
        %dma_wait3A_272 = tpu.memref_slice %arg13[%dma_wait3A_270, %dma_wait3A_271] : memref<80x128xf32, #tpu.memory_space<vmem>> -> memref<80x64xf32, #tpu.memory_space<vmem>>
        %dma_wait3A_273 = tpu.memref_slice %arg3[%add3A_251, %add3A_253] : memref<160000x512xf32, #tpu.memory_space<hbm>> -> memref<80x64xf32, #tpu.memory_space<hbm>>
        tpu.wait_dma2 semaphore(%arg16 : memref<!tpu.dma_semaphore, #tpu.memory_space<semaphore_mem>>) src(%dma_wait3A_273 : memref<80x64xf32, #tpu.memory_space<hbm>>) dst(%dma_wait3A_272 : memref<80x64xf32, #tpu.memory_space<vmem>>)
        %get3A = arith.constant 0 : index
        %get3A_274 = tpu.vector_load %arg19[%get3A] {strides = array<i32>} : memref<80xi32, #tpu.memory_space<vmem>>, vector<16xi32>,
        %gather3A = tpu.vector_load_idx %arg23[%get3A_274] : memref<10000xf32, #tpu.memory_space<vmem>>[vector<16xi32>], vector<16xf32>,
        %swap3A = arith.constant 0 : index
        %swap3A_275 = tpu.vector_load %arg27[%swap3A] {strides = array<i32>} : memref<80xf32, #tpu.memory_space<vmem>>, vector<16xf32>,
        tpu.vector_store %arg27[%swap3A], %gather3A {strides = array<i32>} : memref<80xf32, #tpu.memory_space<vmem>>, vector<16xf32>,
        %get3A_276 = arith.constant 16 : index
        %get3A_277 = tpu.vector_load %arg19[%get3A_276] {strides = array<i32>} : memref<80xi32, #tpu.memory_space<vmem>>, vector<16xi32>,
        %gather3A_278 = tpu.vector_load_idx %arg23[%get3A_277] : memref<10000xf32, #tpu.memory_space<vmem>>[vector<16xi32>], vector<16xf32>,
        %swap3A_279 = arith.constant 16 : index
        %swap3A_280 = tpu.vector_load %arg27[%swap3A_279] {strides = array<i32>} : memref<80xf32, #tpu.memory_space<vmem>>, vector<16xf32>,
        tpu.vector_store %arg27[%swap3A_279], %gather3A_278 {strides = array<i32>} : memref<80xf32, #tpu.memory_space<vmem>>, vector<16xf32>,
        %get3A_281 = arith.constant 32 : index
        %get3A_282 = tpu.vector_load %arg19[%get3A_281] {strides = array<i32>} : memref<80xi32, #tpu.memory_space<vmem>>, vector<16xi32>,
        %gather3A_283 = tpu.vector_load_idx %arg23[%get3A_282] : memref<10000xf32, #tpu.memory_space<vmem>>[vector<16xi32>], vector<16xf32>,
        %swap3A_284 = arith.constant 32 : index
        %swap3A_285 = tpu.vector_load %arg27[%swap3A_284] {strides = array<i32>} : memref<80xf32, #tpu.memory_space<vmem>>, vector<16xf32>,
        tpu.vector_store %arg27[%swap3A_284], %gather3A_283 {strides = array<i32>} : memref<80xf32, #tpu.memory_space<vmem>>, vector<16xf32>,
        %get3A_286 = arith.constant 48 : index
        %get3A_287 = tpu.vector_load %arg19[%get3A_286] {strides = array<i32>} : memref<80xi32, #tpu.memory_space<vmem>>, vector<16xi32>,
        %gather3A_288 = tpu.vector_load_idx %arg23[%get3A_287] : memref<10000xf32, #tpu.memory_space<vmem>>[vector<16xi32>], vector<16xf32>,
        %swap3A_289 = arith.constant 48 : index
        %swap3A_290 = tpu.vector_load %arg27[%swap3A_289] {strides = array<i32>} : memref<80xf32, #tpu.memory_space<vmem>>, vector<16xf32>,
        tpu.vector_store %arg27[%swap3A_289], %gather3A_288 {strides = array<i32>} : memref<80xf32, #tpu.memory_space<vmem>>, vector<16xf32>,
        %get3A_291 = arith.constant 64 : index
        %get3A_292 = tpu.vector_load %arg19[%get3A_291] {strides = array<i32>} : memref<80xi32, #tpu.memory_space<vmem>>, vector<16xi32>,
        %gather3A_293 = tpu.vector_load_idx %arg23[%get3A_292] : memref<10000xf32, #tpu.memory_space<vmem>>[vector<16xi32>], vector<16xf32>,
        %swap3A_294 = arith.constant 64 : index
        %swap3A_295 = tpu.vector_load %arg27[%swap3A_294] {strides = array<i32>} : memref<80xf32, #tpu.memory_space<vmem>>, vector<16xf32>,
        tpu.vector_store %arg27[%swap3A_294], %gather3A_293 {strides = array<i32>} : memref<80xf32, #tpu.memory_space<vmem>>, vector<16xf32>,
        %scan3A_296 = arith.constant 0 : i32
        %scan3A_297 = arith.constant 0 : i32
        %scan3A_298 = arith.constant 80 : i32
        %scan3A_299 = arith.addi %scan3A_297, %scan3A_298 : i32
        %scan3A_300 = arith.constant 4 : i32
        %scan3A_301 = scf.for %scan3A_306 = %scan3A_297 to %scan3A_299 step %scan3A_300 iter_args(%scan3A_307 = %scan3A_296) -> (i32)  : i32 {
          %broadcast_in_dim3A_308 = vector.broadcast %scan3A_306 : i32 to vector<16xi32>
          %gather3A_309 = tpu.vector_load_idx %arg27[%broadcast_in_dim3A_308] : memref<80xf32, #tpu.memory_space<vmem>>[vector<16xi32>], vector<16xf32>,
          %get3A_310 = arith.index_cast %scan3A_306 : i32 to index
          %get3A_311 = arith.constant 64 : index
          %get3A_312 = tpu.vector_load %arg13[%get3A_310, %get3A_311] {strides = array<i32>} : memref<80x128xf32, #tpu.memory_space<vmem>>, vector<16xf32>,
          %mul3A_313 = arith.mulf %gather3A_309, %get3A_312 : vector<16xf32>
          %get3A_314 = arith.index_cast %scan3A_306 : i32 to index
          %get3A_315 = arith.constant 0 : index
          %get3A_316 = tpu.vector_load %arg13[%get3A_314, %get3A_315] {strides = array<i32>} : memref<80x128xf32, #tpu.memory_space<vmem>>, vector<16xf32>,
          %add3A_317 = arith.addf %mul3A_313, %get3A_316 : vector<16xf32>
          %swap3A_318 = arith.index_cast %scan3A_306 : i32 to index
          %swap3A_319 = arith.constant 0 : index
          %swap3A_320 = tpu.vector_load %arg13[%swap3A_318, %swap3A_319] {strides = array<i32>} : memref<80x128xf32, #tpu.memory_space<vmem>>, vector<16xf32>,
          tpu.vector_store %arg13[%swap3A_318, %swap3A_319], %add3A_317 {strides = array<i32>} : memref<80x128xf32, #tpu.memory_space<vmem>>, vector<16xf32>,
          %get3A_321 = arith.index_cast %scan3A_306 : i32 to index
          %get3A_322 = arith.constant 80 : index
          %get3A_323 = tpu.vector_load %arg13[%get3A_321, %get3A_322] {strides = array<i32>} : memref<80x128xf32, #tpu.memory_space<vmem>>, vector<16xf32>,
          %mul3A_324 = arith.mulf %gather3A_309, %get3A_323 : vector<16xf32>
          %get3A_325 = arith.index_cast %scan3A_306 : i32 to index
          %get3A_326 = arith.constant 16 : index
          %get3A_327 = tpu.vector_load %arg13[%get3A_325, %get3A_326] {strides = array<i32>} : memref<80x128xf32, #tpu.memory_space<vmem>>, vector<16xf32>,
          %add3A_328 = arith.addf %mul3A_324, %get3A_327 : vector<16xf32>
          %swap3A_329 = arith.index_cast %scan3A_306 : i32 to index
          %swap3A_330 = arith.constant 16 : index
          %swap3A_331 = tpu.vector_load %arg13[%swap3A_329, %swap3A_330] {strides = array<i32>} : memref<80x128xf32, #tpu.memory_space<vmem>>, vector<16xf32>,
          tpu.vector_store %arg13[%swap3A_329, %swap3A_330], %add3A_328 {strides = array<i32>} : memref<80x128xf32, #tpu.memory_space<vmem>>, vector<16xf32>,
          %get3A_332 = arith.index_cast %scan3A_306 : i32 to index
          %get3A_333 = arith.constant 96 : index
          %get3A_334 = tpu.vector_load %arg13[%get3A_332, %get3A_333] {strides = array<i32>} : memref<80x128xf32, #tpu.memory_space<vmem>>, vector<16xf32>,
          %mul3A_335 = arith.mulf %gather3A_309, %get3A_334 : vector<16xf32>
          %get3A_336 = arith.index_cast %scan3A_306 : i32 to index
          %get3A_337 = arith.constant 32 : index
          %get3A_338 = tpu.vector_load %arg13[%get3A_336, %get3A_337] {strides = array<i32>} : memref<80x128xf32, #tpu.memory_space<vmem>>, vector<16xf32>,
          %add3A_339 = arith.addf %mul3A_335, %get3A_338 : vector<16xf32>
          %swap3A_340 = arith.index_cast %scan3A_306 : i32 to index
          %swap3A_341 = arith.constant 32 : index
          %swap3A_342 = tpu.vector_load %arg13[%swap3A_340, %swap3A_341] {strides = array<i32>} : memref<80x128xf32, #tpu.memory_space<vmem>>, vector<16xf32>,
          tpu.vector_store %arg13[%swap3A_340, %swap3A_341], %add3A_339 {strides = array<i32>} : memref<80x128xf32, #tpu.memory_space<vmem>>, vector<16xf32>,
          %get3A_343 = arith.index_cast %scan3A_306 : i32 to index
          %get3A_344 = arith.constant 112 : index
          %get3A_345 = tpu.vector_load %arg13[%get3A_343, %get3A_344] {strides = array<i32>} : memref<80x128xf32, #tpu.memory_space<vmem>>, vector<16xf32>,
          %mul3A_346 = arith.mulf %gather3A_309, %get3A_345 : vector<16xf32>
          %get3A_347 = arith.index_cast %scan3A_306 : i32 to index
          %get3A_348 = arith.constant 48 : index
          %get3A_349 = tpu.vector_load %arg13[%get3A_347, %get3A_348] {strides = array<i32>} : memref<80x128xf32, #tpu.memory_space<vmem>>, vector<16xf32>,
          %add3A_350 = arith.addf %mul3A_346, %get3A_349 : vector<16xf32>
          %swap3A_351 = arith.index_cast %scan3A_306 : i32 to index
          %swap3A_352 = arith.constant 48 : index
          %swap3A_353 = tpu.vector_load %arg13[%swap3A_351, %swap3A_352] {strides = array<i32>} : memref<80x128xf32, #tpu.memory_space<vmem>>, vector<16xf32>,
          tpu.vector_store %arg13[%swap3A_351, %swap3A_352], %add3A_350 {strides = array<i32>} : memref<80x128xf32, #tpu.memory_space<vmem>>, vector<16xf32>,
          %scan3A_354 = arith.constant 0 : i32
          %scan3A_355 = arith.constant 1 : i32
          %scan3A_356 = arith.addi %scan3A_306, %scan3A_355 : i32
          %broadcast_in_dim3A_357 = vector.broadcast %scan3A_356 : i32 to vector<16xi32>
          %gather3A_358 = tpu.vector_load_idx %arg27[%broadcast_in_dim3A_357] : memref<80xf32, #tpu.memory_space<vmem>>[vector<16xi32>], vector<16xf32>,
          %get3A_359 = arith.index_cast %scan3A_356 : i32 to index
          %get3A_360 = arith.constant 64 : index
          %get3A_361 = tpu.vector_load %arg13[%get3A_359, %get3A_360] {strides = array<i32>} : memref<80x128xf32, #tpu.memory_space<vmem>>, vector<16xf32>,
          %mul3A_362 = arith.mulf %gather3A_358, %get3A_361 : vector<16xf32>
          %get3A_363 = arith.index_cast %scan3A_356 : i32 to index
          %get3A_364 = arith.constant 0 : index
          %get3A_365 = tpu.vector_load %arg13[%get3A_363, %get3A_364] {strides = array<i32>} : memref<80x128xf32, #tpu.memory_space<vmem>>, vector<16xf32>,
          %add3A_366 = arith.addf %mul3A_362, %get3A_365 : vector<16xf32>
          %swap3A_367 = arith.index_cast %scan3A_356 : i32 to index
          %swap3A_368 = arith.constant 0 : index
          %swap3A_369 = tpu.vector_load %arg13[%swap3A_367, %swap3A_368] {strides = array<i32>} : memref<80x128xf32, #tpu.memory_space<vmem>>, vector<16xf32>,
          tpu.vector_store %arg13[%swap3A_367, %swap3A_368], %add3A_366 {strides = array<i32>} : memref<80x128xf32, #tpu.memory_space<vmem>>, vector<16xf32>,
          %get3A_370 = arith.index_cast %scan3A_356 : i32 to index
          %get3A_371 = arith.constant 80 : index
          %get3A_372 = tpu.vector_load %arg13[%get3A_370, %get3A_371] {strides = array<i32>} : memref<80x128xf32, #tpu.memory_space<vmem>>, vector<16xf32>,
          %mul3A_373 = arith.mulf %gather3A_358, %get3A_372 : vector<16xf32>
          %get3A_374 = arith.index_cast %scan3A_356 : i32 to index
          %get3A_375 = arith.constant 16 : index
          %get3A_376 = tpu.vector_load %arg13[%get3A_374, %get3A_375] {strides = array<i32>} : memref<80x128xf32, #tpu.memory_space<vmem>>, vector<16xf32>,
          %add3A_377 = arith.addf %mul3A_373, %get3A_376 : vector<16xf32>
          %swap3A_378 = arith.index_cast %scan3A_356 : i32 to index
          %swap3A_379 = arith.constant 16 : index
          %swap3A_380 = tpu.vector_load %arg13[%swap3A_378, %swap3A_379] {strides = array<i32>} : memref<80x128xf32, #tpu.memory_space<vmem>>, vector<16xf32>,
          tpu.vector_store %arg13[%swap3A_378, %swap3A_379], %add3A_377 {strides = array<i32>} : memref<80x128xf32, #tpu.memory_space<vmem>>, vector<16xf32>,
          %get3A_381 = arith.index_cast %scan3A_356 : i32 to index
          %get3A_382 = arith.constant 96 : index
          %get3A_383 = tpu.vector_load %arg13[%get3A_381, %get3A_382] {strides = array<i32>} : memref<80x128xf32, #tpu.memory_space<vmem>>, vector<16xf32>,
          %mul3A_384 = arith.mulf %gather3A_358, %get3A_383 : vector<16xf32>
          %get3A_385 = arith.index_cast %scan3A_356 : i32 to index
          %get3A_386 = arith.constant 32 : index
          %get3A_387 = tpu.vector_load %arg13[%get3A_385, %get3A_386] {strides = array<i32>} : memref<80x128xf32, #tpu.memory_space<vmem>>, vector<16xf32>,
          %add3A_388 = arith.addf %mul3A_384, %get3A_387 : vector<16xf32>
          %swap3A_389 = arith.index_cast %scan3A_356 : i32 to index
          %swap3A_390 = arith.constant 32 : index
          %swap3A_391 = tpu.vector_load %arg13[%swap3A_389, %swap3A_390] {strides = array<i32>} : memref<80x128xf32, #tpu.memory_space<vmem>>, vector<16xf32>,
          tpu.vector_store %arg13[%swap3A_389, %swap3A_390], %add3A_388 {strides = array<i32>} : memref<80x128xf32, #tpu.memory_space<vmem>>, vector<16xf32>,
          %get3A_392 = arith.index_cast %scan3A_356 : i32 to index
          %get3A_393 = arith.constant 112 : index
          %get3A_394 = tpu.vector_load %arg13[%get3A_392, %get3A_393] {strides = array<i32>} : memref<80x128xf32, #tpu.memory_space<vmem>>, vector<16xf32>,
          %mul3A_395 = arith.mulf %gather3A_358, %get3A_394 : vector<16xf32>
          %get3A_396 = arith.index_cast %scan3A_356 : i32 to index
          %get3A_397 = arith.constant 48 : index
          %get3A_398 = tpu.vector_load %arg13[%get3A_396, %get3A_397] {strides = array<i32>} : memref<80x128xf32, #tpu.memory_space<vmem>>, vector<16xf32>,
          %add3A_399 = arith.addf %mul3A_395, %get3A_398 : vector<16xf32>
          %swap3A_400 = arith.index_cast %scan3A_356 : i32 to index
          %swap3A_401 = arith.constant 48 : index
          %swap3A_402 = tpu.vector_load %arg13[%swap3A_400, %swap3A_401] {strides = array<i32>} : memref<80x128xf32, #tpu.memory_space<vmem>>, vector<16xf32>,
          tpu.vector_store %arg13[%swap3A_400, %swap3A_401], %add3A_399 {strides = array<i32>} : memref<80x128xf32, #tpu.memory_space<vmem>>, vector<16xf32>,
          %scan3A_403 = arith.constant 0 : i32
          %scan3A_404 = arith.constant 2 : i32
          %scan3A_405 = arith.addi %scan3A_306, %scan3A_404 : i32
          %broadcast_in_dim3A_406 = vector.broadcast %scan3A_405 : i32 to vector<16xi32>
          %gather3A_407 = tpu.vector_load_idx %arg27[%broadcast_in_dim3A_406] : memref<80xf32, #tpu.memory_space<vmem>>[vector<16xi32>], vector<16xf32>,
          %get3A_408 = arith.index_cast %scan3A_405 : i32 to index
          %get3A_409 = arith.constant 64 : index
          %get3A_410 = tpu.vector_load %arg13[%get3A_408, %get3A_409] {strides = array<i32>} : memref<80x128xf32, #tpu.memory_space<vmem>>, vector<16xf32>,
          %mul3A_411 = arith.mulf %gather3A_407, %get3A_410 : vector<16xf32>
          %get3A_412 = arith.index_cast %scan3A_405 : i32 to index
          %get3A_413 = arith.constant 0 : index
          %get3A_414 = tpu.vector_load %arg13[%get3A_412, %get3A_413] {strides = array<i32>} : memref<80x128xf32, #tpu.memory_space<vmem>>, vector<16xf32>,
          %add3A_415 = arith.addf %mul3A_411, %get3A_414 : vector<16xf32>
          %swap3A_416 = arith.index_cast %scan3A_405 : i32 to index
          %swap3A_417 = arith.constant 0 : index
          %swap3A_418 = tpu.vector_load %arg13[%swap3A_416, %swap3A_417] {strides = array<i32>} : memref<80x128xf32, #tpu.memory_space<vmem>>, vector<16xf32>,
          tpu.vector_store %arg13[%swap3A_416, %swap3A_417], %add3A_415 {strides = array<i32>} : memref<80x128xf32, #tpu.memory_space<vmem>>, vector<16xf32>,
          %get3A_419 = arith.index_cast %scan3A_405 : i32 to index
          %get3A_420 = arith.constant 80 : index
          %get3A_421 = tpu.vector_load %arg13[%get3A_419, %get3A_420] {strides = array<i32>} : memref<80x128xf32, #tpu.memory_space<vmem>>, vector<16xf32>,
          %mul3A_422 = arith.mulf %gather3A_407, %get3A_421 : vector<16xf32>
          %get3A_423 = arith.index_cast %scan3A_405 : i32 to index
          %get3A_424 = arith.constant 16 : index
          %get3A_425 = tpu.vector_load %arg13[%get3A_423, %get3A_424] {strides = array<i32>} : memref<80x128xf32, #tpu.memory_space<vmem>>, vector<16xf32>,
          %add3A_426 = arith.addf %mul3A_422, %get3A_425 : vector<16xf32>
          %swap3A_427 = arith.index_cast %scan3A_405 : i32 to index
          %swap3A_428 = arith.constant 16 : index
          %swap3A_429 = tpu.vector_load %arg13[%swap3A_427, %swap3A_428] {strides = array<i32>} : memref<80x128xf32, #tpu.memory_space<vmem>>, vector<16xf32>,
          tpu.vector_store %arg13[%swap3A_427, %swap3A_428], %add3A_426 {strides = array<i32>} : memref<80x128xf32, #tpu.memory_space<vmem>>, vector<16xf32>,
          %get3A_430 = arith.index_cast %scan3A_405 : i32 to index
          %get3A_431 = arith.constant 96 : index
          %get3A_432 = tpu.vector_load %arg13[%get3A_430, %get3A_431] {strides = array<i32>} : memref<80x128xf32, #tpu.memory_space<vmem>>, vector<16xf32>,
          %mul3A_433 = arith.mulf %gather3A_407, %get3A_432 : vector<16xf32>
          %get3A_434 = arith.index_cast %scan3A_405 : i32 to index
          %get3A_435 = arith.constant 32 : index
          %get3A_436 = tpu.vector_load %arg13[%get3A_434, %get3A_435] {strides = array<i32>} : memref<80x128xf32, #tpu.memory_space<vmem>>, vector<16xf32>,
          %add3A_437 = arith.addf %mul3A_433, %get3A_436 : vector<16xf32>
          %swap3A_438 = arith.index_cast %scan3A_405 : i32 to index
          %swap3A_439 = arith.constant 32 : index
          %swap3A_440 = tpu.vector_load %arg13[%swap3A_438, %swap3A_439] {strides = array<i32>} : memref<80x128xf32, #tpu.memory_space<vmem>>, vector<16xf32>,
          tpu.vector_store %arg13[%swap3A_438, %swap3A_439], %add3A_437 {strides = array<i32>} : memref<80x128xf32, #tpu.memory_space<vmem>>, vector<16xf32>,
          %get3A_441 = arith.index_cast %scan3A_405 : i32 to index
          %get3A_442 = arith.constant 112 : index
          %get3A_443 = tpu.vector_load %arg13[%get3A_441, %get3A_442] {strides = array<i32>} : memref<80x128xf32, #tpu.memory_space<vmem>>, vector<16xf32>,
          %mul3A_444 = arith.mulf %gather3A_407, %get3A_443 : vector<16xf32>
          %get3A_445 = arith.index_cast %scan3A_405 : i32 to index
          %get3A_446 = arith.constant 48 : index
          %get3A_447 = tpu.vector_load %arg13[%get3A_445, %get3A_446] {strides = array<i32>} : memref<80x128xf32, #tpu.memory_space<vmem>>, vector<16xf32>,
          %add3A_448 = arith.addf %mul3A_444, %get3A_447 : vector<16xf32>
          %swap3A_449 = arith.index_cast %scan3A_405 : i32 to index
          %swap3A_450 = arith.constant 48 : index
          %swap3A_451 = tpu.vector_load %arg13[%swap3A_449, %swap3A_450] {strides = array<i32>} : memref<80x128xf32, #tpu.memory_space<vmem>>, vector<16xf32>,
          tpu.vector_store %arg13[%swap3A_449, %swap3A_450], %add3A_448 {strides = array<i32>} : memref<80x128xf32, #tpu.memory_space<vmem>>, vector<16xf32>,
          %scan3A_452 = arith.constant 0 : i32
          %scan3A_453 = arith.constant 3 : i32
          %scan3A_454 = arith.addi %scan3A_306, %scan3A_453 : i32
          %broadcast_in_dim3A_455 = vector.broadcast %scan3A_454 : i32 to vector<16xi32>
          %gather3A_456 = tpu.vector_load_idx %arg27[%broadcast_in_dim3A_455] : memref<80xf32, #tpu.memory_space<vmem>>[vector<16xi32>], vector<16xf32>,
          %get3A_457 = arith.index_cast %scan3A_454 : i32 to index
          %get3A_458 = arith.constant 64 : index
          %get3A_459 = tpu.vector_load %arg13[%get3A_457, %get3A_458] {strides = array<i32>} : memref<80x128xf32, #tpu.memory_space<vmem>>, vector<16xf32>,
          %mul3A_460 = arith.mulf %gather3A_456, %get3A_459 : vector<16xf32>
          %get3A_461 = arith.index_cast %scan3A_454 : i32 to index
          %get3A_462 = arith.constant 0 : index
          %get3A_463 = tpu.vector_load %arg13[%get3A_461, %get3A_462] {strides = array<i32>} : memref<80x128xf32, #tpu.memory_space<vmem>>, vector<16xf32>,
          %add3A_464 = arith.addf %mul3A_460, %get3A_463 : vector<16xf32>
          %swap3A_465 = arith.index_cast %scan3A_454 : i32 to index
          %swap3A_466 = arith.constant 0 : index
          %swap3A_467 = tpu.vector_load %arg13[%swap3A_465, %swap3A_466] {strides = array<i32>} : memref<80x128xf32, #tpu.memory_space<vmem>>, vector<16xf32>,
          tpu.vector_store %arg13[%swap3A_465, %swap3A_466], %add3A_464 {strides = array<i32>} : memref<80x128xf32, #tpu.memory_space<vmem>>, vector<16xf32>,
          %get3A_468 = arith.index_cast %scan3A_454 : i32 to index
          %get3A_469 = arith.constant 80 : index
          %get3A_470 = tpu.vector_load %arg13[%get3A_468, %get3A_469] {strides = array<i32>} : memref<80x128xf32, #tpu.memory_space<vmem>>, vector<16xf32>,
          %mul3A_471 = arith.mulf %gather3A_456, %get3A_470 : vector<16xf32>
          %get3A_472 = arith.index_cast %scan3A_454 : i32 to index
          %get3A_473 = arith.constant 16 : index
          %get3A_474 = tpu.vector_load %arg13[%get3A_472, %get3A_473] {strides = array<i32>} : memref<80x128xf32, #tpu.memory_space<vmem>>, vector<16xf32>,
          %add3A_475 = arith.addf %mul3A_471, %get3A_474 : vector<16xf32>
          %swap3A_476 = arith.index_cast %scan3A_454 : i32 to index
          %swap3A_477 = arith.constant 16 : index
          %swap3A_478 = tpu.vector_load %arg13[%swap3A_476, %swap3A_477] {strides = array<i32>} : memref<80x128xf32, #tpu.memory_space<vmem>>, vector<16xf32>,
          tpu.vector_store %arg13[%swap3A_476, %swap3A_477], %add3A_475 {strides = array<i32>} : memref<80x128xf32, #tpu.memory_space<vmem>>, vector<16xf32>,
          %get3A_479 = arith.index_cast %scan3A_454 : i32 to index
          %get3A_480 = arith.constant 96 : index
          %get3A_481 = tpu.vector_load %arg13[%get3A_479, %get3A_480] {strides = array<i32>} : memref<80x128xf32, #tpu.memory_space<vmem>>, vector<16xf32>,
          %mul3A_482 = arith.mulf %gather3A_456, %get3A_481 : vector<16xf32>
          %get3A_483 = arith.index_cast %scan3A_454 : i32 to index
          %get3A_484 = arith.constant 32 : index
          %get3A_485 = tpu.vector_load %arg13[%get3A_483, %get3A_484] {strides = array<i32>} : memref<80x128xf32, #tpu.memory_space<vmem>>, vector<16xf32>,
          %add3A_486 = arith.addf %mul3A_482, %get3A_485 : vector<16xf32>
          %swap3A_487 = arith.index_cast %scan3A_454 : i32 to index
          %swap3A_488 = arith.constant 32 : index
          %swap3A_489 = tpu.vector_load %arg13[%swap3A_487, %swap3A_488] {strides = array<i32>} : memref<80x128xf32, #tpu.memory_space<vmem>>, vector<16xf32>,
          tpu.vector_store %arg13[%swap3A_487, %swap3A_488], %add3A_486 {strides = array<i32>} : memref<80x128xf32, #tpu.memory_space<vmem>>, vector<16xf32>,
          %get3A_490 = arith.index_cast %scan3A_454 : i32 to index
          %get3A_491 = arith.constant 112 : index
          %get3A_492 = tpu.vector_load %arg13[%get3A_490, %get3A_491] {strides = array<i32>} : memref<80x128xf32, #tpu.memory_space<vmem>>, vector<16xf32>,
          %mul3A_493 = arith.mulf %gather3A_456, %get3A_492 : vector<16xf32>
          %get3A_494 = arith.index_cast %scan3A_454 : i32 to index
          %get3A_495 = arith.constant 48 : index
          %get3A_496 = tpu.vector_load %arg13[%get3A_494, %get3A_495] {strides = array<i32>} : memref<80x128xf32, #tpu.memory_space<vmem>>, vector<16xf32>,
          %add3A_497 = arith.addf %mul3A_493, %get3A_496 : vector<16xf32>
          %swap3A_498 = arith.index_cast %scan3A_454 : i32 to index
          %swap3A_499 = arith.constant 48 : index
          %swap3A_500 = tpu.vector_load %arg13[%swap3A_498, %swap3A_499] {strides = array<i32>} : memref<80x128xf32, #tpu.memory_space<vmem>>, vector<16xf32>,
          tpu.vector_store %arg13[%swap3A_498, %swap3A_499], %add3A_497 {strides = array<i32>} : memref<80x128xf32, #tpu.memory_space<vmem>>, vector<16xf32>,
          %scan3A_501 = arith.constant 0 : i32
          scf.yield %scan3A_501 : i32
        }
        %scan3A_302 = arith.constant 80 : i32
        %dma_start3A_303 = arith.constant 0 : i32
        %dma_start3A_304 = arith.constant 0 : i32
        %dma_start3A_305 = tpu.memref_slice %arg7[%dma_start3A_303, %dma_start3A_304] : memref<10000x128xf32, #tpu.memory_space<vmem_shared>> -> memref<10000x128xf32, #tpu.memory_space<vmem_shared>>
        tpu.enqueue_indirect_dma source(%arg13 : memref<80x128xf32, #tpu.memory_space<vmem>>) target(%dma_start3A_305 : memref<10000x128xf32, #tpu.memory_space<vmem_shared>>) offsets(%arg10 : memref<80xi32, #tpu.memory_space<vmem>>) semaphore(%arg22 : memref<!tpu.dma_semaphore, #tpu.memory_space<semaphore_mem>>) {add = true}
      } else {
      }
      %scan3A_235 = arith.constant 0 : i32
      scf.yield %scan3A_235 : i32
    }
    %scan3A_189 = arith.constant 42 : i32
    %dma_wait3A_190 = arith.constant 0 : i32
    %dma_wait3A_191 = arith.constant 0 : i32
    %dma_wait3A_192 = tpu.memref_slice %arg7[%dma_wait3A_190, %dma_wait3A_191] : memref<10000x128xf32, #tpu.memory_space<vmem_shared>> -> memref<10000x128xf32, #tpu.memory_space<vmem_shared>>
    tpu.wait_indirect_dma semaphore(%arg20 : memref<!tpu.dma_semaphore, #tpu.memory_space<semaphore_mem>>) src(%arg11 : memref<80x128xf32, #tpu.memory_space<vmem>>) dst(%dma_wait3A_192 : memref<10000x128xf32, #tpu.memory_space<vmem_shared>>)
    %dma_wait3A_193 = arith.constant 0 : i32
    %dma_wait3A_194 = arith.constant 0 : i32
    %dma_wait3A_195 = tpu.memref_slice %arg7[%dma_wait3A_193, %dma_wait3A_194] : memref<10000x128xf32, #tpu.memory_space<vmem_shared>> -> memref<10000x128xf32, #tpu.memory_space<vmem_shared>>
    tpu.wait_indirect_dma semaphore(%arg21 : memref<!tpu.dma_semaphore, #tpu.memory_space<semaphore_mem>>) src(%arg12 : memref<80x128xf32, #tpu.memory_space<vmem>>) dst(%dma_wait3A_195 : memref<10000x128xf32, #tpu.memory_space<vmem_shared>>)
    %barrier3A_196 = arith.constant 0 : index
    tpu.barrier barrier_id(%barrier3A_196)
    %while3A_197 = arith.constant 0 : i32
    %while3A_198 = arith.constant 0 : i32
    %while3A_199 = arith.subi %select_n3A_58, %while3A_197 : i32
    %while3A_200 = arith.addi %while3A_197, %while3A_199 : i32
    %while3A_201 = arith.constant 1 : i32
    %while3A_202 = arith.divsi %while3A_199, %while3A_201 : i32
    %while3A_203 = arith.muli %while3A_202, %while3A_201 : i32
    %while3A_204 = arith.addi %while3A_197, %while3A_203 : i32
    %while3A_205 = arith.constant 1 : i32
    %while3A_206 = scf.for %while3A_209 = %while3A_197 to %while3A_204 step %while3A_205 iter_args(%while3A_210 = %while3A_198) -> (i32)  : i32 {
      %mul3A_211 = arith.constant 16 : i32
      %mul3A_212 = arith.muli %mul3A_211, %while3A_209 : i32
      %add3A_213 = arith.addi %arg1, %mul3A_212 : i32
      %mul3A_214 = arith.constant 80 : i32
      %mul3A_215 = arith.muli %add3A_213, %mul3A_214 : i32
      "tpu.region"() ({
        %run_scoped3A = tpu.sem_alloc : memref<!tpu.dma_semaphore, #tpu.memory_space<semaphore_mem>>
        %dma_start3A_224 = arith.constant 0 : i32
        %dma_start3A_225 = tpu.memref_slice %arg7[%mul3A_215, %dma_start3A_224] : memref<10000x128xf32, #tpu.memory_space<vmem_shared>> -> memref<80x128xf32, #tpu.memory_space<vmem_shared>>
        %dma_start3A_226 = arith.constant 0 : i32
        %dma_start3A_227 = tpu.memref_slice %arg7[%mul3A_215, %dma_start3A_226] : memref<10000x128xf32, #tpu.memory_space<vmem_shared>> -> memref<80x128xf32, #tpu.memory_space<vmem_shared>>
        tpu.enqueue_dma source(%dma_start3A_227 : memref<80x128xf32, #tpu.memory_space<vmem_shared>>) target(%arg11 : memref<80x128xf32, #tpu.memory_space<vmem>>) target_semaphore(%run_scoped3A : memref<!tpu.dma_semaphore, #tpu.memory_space<semaphore_mem>>)
        %dma_wait3A_228 = arith.constant 0 : i32
        %dma_wait3A_229 = tpu.memref_slice %arg7[%mul3A_215, %dma_wait3A_228] : memref<10000x128xf32, #tpu.memory_space<vmem_shared>> -> memref<80x128xf32, #tpu.memory_space<vmem_shared>>
        %dma_wait3A_230 = arith.constant 0 : i32
        %dma_wait3A_231 = tpu.memref_slice %arg7[%mul3A_215, %dma_wait3A_230] : memref<10000x128xf32, #tpu.memory_space<vmem_shared>> -> memref<80x128xf32, #tpu.memory_space<vmem_shared>>
        tpu.wait_dma2 semaphore(%run_scoped3A : memref<!tpu.dma_semaphore, #tpu.memory_space<semaphore_mem>>) src(%dma_wait3A_231 : memref<80x128xf32, #tpu.memory_space<vmem_shared>>) dst(%arg11 : memref<80x128xf32, #tpu.memory_space<vmem>>)
        tpu.yield
      }) : () -> ()
      "tpu.region"() ({
        %run_scoped3A = tpu.sem_alloc : memref<!tpu.dma_semaphore, #tpu.memory_space<semaphore_mem>>
        %dma_start3A_224 = arith.constant 0 : i32
        %dma_start3A_225 = arith.constant 0 : i32
        %dma_start3A_226 = tpu.memref_slice %arg12[%dma_start3A_224, %dma_start3A_225] : memref<80x128xf32, #tpu.memory_space<vmem>> -> memref<80x64xf32, #tpu.memory_space<vmem>>
        %dma_start3A_227 = tpu.memref_slice %arg2[%mul3A_215, %mul3A_135] : memref<10000x256xf32, #tpu.memory_space<hbm>> -> memref<80x64xf32, #tpu.memory_space<hbm>>
        %dma_start3A_228 = arith.constant 0 : i32
        %dma_start3A_229 = arith.constant 0 : i32
        %dma_start3A_230 = tpu.memref_slice %arg12[%dma_start3A_228, %dma_start3A_229] : memref<80x128xf32, #tpu.memory_space<vmem>> -> memref<80x64xf32, #tpu.memory_space<vmem>>
        %dma_start3A_231 = tpu.memref_slice %arg2[%mul3A_215, %mul3A_135] : memref<10000x256xf32, #tpu.memory_space<hbm>> -> memref<80x64xf32, #tpu.memory_space<hbm>>
        tpu.enqueue_dma source(%dma_start3A_231 : memref<80x64xf32, #tpu.memory_space<hbm>>) target(%dma_start3A_230 : memref<80x64xf32, #tpu.memory_space<vmem>>) target_semaphore(%run_scoped3A : memref<!tpu.dma_semaphore, #tpu.memory_space<semaphore_mem>>)
        %dma_wait3A_232 = arith.constant 0 : i32
        %dma_wait3A_233 = arith.constant 0 : i32
        %dma_wait3A_234 = tpu.memref_slice %arg12[%dma_wait3A_232, %dma_wait3A_233] : memref<80x128xf32, #tpu.memory_space<vmem>> -> memref<80x64xf32, #tpu.memory_space<vmem>>
        %dma_wait3A_235 = tpu.memref_slice %arg2[%mul3A_215, %mul3A_135] : memref<10000x256xf32, #tpu.memory_space<hbm>> -> memref<80x64xf32, #tpu.memory_space<hbm>>
        %dma_wait3A_236 = arith.constant 0 : i32
        %dma_wait3A_237 = arith.constant 0 : i32
        %dma_wait3A_238 = tpu.memref_slice %arg12[%dma_wait3A_236, %dma_wait3A_237] : memref<80x128xf32, #tpu.memory_space<vmem>> -> memref<80x64xf32, #tpu.memory_space<vmem>>
        %dma_wait3A_239 = tpu.memref_slice %arg2[%mul3A_215, %mul3A_135] : memref<10000x256xf32, #tpu.memory_space<hbm>> -> memref<80x64xf32, #tpu.memory_space<hbm>>
        tpu.wait_dma2 semaphore(%run_scoped3A : memref<!tpu.dma_semaphore, #tpu.memory_space<semaphore_mem>>) src(%dma_wait3A_239 : memref<80x64xf32, #tpu.memory_space<hbm>>) dst(%dma_wait3A_238 : memref<80x64xf32, #tpu.memory_space<vmem>>)
        tpu.yield
      }) : () -> ()
      %scan3A_216 = arith.constant 0 : i32
      %scan3A_217 = arith.constant 0 : i32
      %scan3A_218 = arith.constant 80 : i32
      %scan3A_219 = arith.addi %scan3A_217, %scan3A_218 : i32
      %scan3A_220 = arith.constant 1 : i32
      %scan3A_221 = scf.for %scan3A_224 = %scan3A_217 to %scan3A_219 step %scan3A_220 iter_args(%scan3A_225 = %scan3A_216) -> (i32)  : i32 {
        %get3A = arith.index_cast %scan3A_224 : i32 to index
        %get3A_226 = arith.constant 0 : index
        %get3A_227 = tpu.vector_load %arg12[%get3A, %get3A_226] {strides = array<i32>} : memref<80x128xf32, #tpu.memory_space<vmem>>, vector<16xf32>,
        %mul3A_228 = arith.constant 2.000000e-01 : f32
        %mul3A_229 = vector.broadcast %mul3A_228 : f32 to vector<16xf32>
        %mul3A_230 = arith.mulf %mul3A_229, %get3A_227 : vector<16xf32>
        %get3A_231 = arith.index_cast %scan3A_224 : i32 to index
        %get3A_232 = arith.constant 0 : index
        %get3A_233 = tpu.vector_load %arg11[%get3A_231, %get3A_232] {strides = array<i32>} : memref<80x128xf32, #tpu.memory_space<vmem>>, vector<16xf32>,
        %mul3A_234 = arith.constant 8.000000e-01 : f32
        %mul3A_235 = vector.broadcast %mul3A_234 : f32 to vector<16xf32>
        %mul3A_236 = arith.mulf %mul3A_235, %get3A_233 : vector<16xf32>
        %get3A_237 = arith.index_cast %scan3A_224 : i32 to index
        %get3A_238 = arith.constant 64 : index
        %get3A_239 = tpu.vector_load %arg11[%get3A_237, %get3A_238] {strides = array<i32>} : memref<80x128xf32, #tpu.memory_space<vmem>>, vector<16xf32>,
        %add3A_240 = arith.constant 9.99999997E-7 : f32
        %add3A_241 = vector.broadcast %add3A_240 : f32 to vector<16xf32>
        %add3A_242 = arith.addf %get3A_239, %add3A_241 : vector<16xf32>
        %div3A_243 = arith.divf %mul3A_236, %add3A_242 : vector<16xf32>
        %add3A_244 = arith.addf %mul3A_230, %div3A_243 : vector<16xf32>
        %swap3A = arith.index_cast %scan3A_224 : i32 to index
        %swap3A_245 = arith.constant 64 : index
        %swap3A_246 = tpu.vector_load %arg12[%swap3A, %swap3A_245] {strides = array<i32>} : memref<80x128xf32, #tpu.memory_space<vmem>>, vector<16xf32>,
        tpu.vector_store %arg12[%swap3A, %swap3A_245], %add3A_244 {strides = array<i32>} : memref<80x128xf32, #tpu.memory_space<vmem>>, vector<16xf32>,
        %get3A_247 = arith.index_cast %scan3A_224 : i32 to index
        %get3A_248 = arith.constant 16 : index
        %get3A_249 = tpu.vector_load %arg12[%get3A_247, %get3A_248] {strides = array<i32>} : memref<80x128xf32, #tpu.memory_space<vmem>>, vector<16xf32>,
        %mul3A_250 = arith.constant 2.000000e-01 : f32
        %mul3A_251 = vector.broadcast %mul3A_250 : f32 to vector<16xf32>
        %mul3A_252 = arith.mulf %mul3A_251, %get3A_249 : vector<16xf32>
        %get3A_253 = arith.index_cast %scan3A_224 : i32 to index
        %get3A_254 = arith.constant 16 : index
        %get3A_255 = tpu.vector_load %arg11[%get3A_253, %get3A_254] {strides = array<i32>} : memref<80x128xf32, #tpu.memory_space<vmem>>, vector<16xf32>,
        %mul3A_256 = arith.constant 8.000000e-01 : f32
        %mul3A_257 = vector.broadcast %mul3A_256 : f32 to vector<16xf32>
        %mul3A_258 = arith.mulf %mul3A_257, %get3A_255 : vector<16xf32>
        %get3A_259 = arith.index_cast %scan3A_224 : i32 to index
        %get3A_260 = arith.constant 80 : index
        %get3A_261 = tpu.vector_load %arg11[%get3A_259, %get3A_260] {strides = array<i32>} : memref<80x128xf32, #tpu.memory_space<vmem>>, vector<16xf32>,
        %add3A_262 = arith.constant 9.99999997E-7 : f32
        %add3A_263 = vector.broadcast %add3A_262 : f32 to vector<16xf32>
        %add3A_264 = arith.addf %get3A_261, %add3A_263 : vector<16xf32>
        %div3A_265 = arith.divf %mul3A_258, %add3A_264 : vector<16xf32>
        %add3A_266 = arith.addf %mul3A_252, %div3A_265 : vector<16xf32>
        %swap3A_267 = arith.index_cast %scan3A_224 : i32 to index
        %swap3A_268 = arith.constant 80 : index
        %swap3A_269 = tpu.vector_load %arg12[%swap3A_267, %swap3A_268] {strides = array<i32>} : memref<80x128xf32, #tpu.memory_space<vmem>>, vector<16xf32>,
        tpu.vector_store %arg12[%swap3A_267, %swap3A_268], %add3A_266 {strides = array<i32>} : memref<80x128xf32, #tpu.memory_space<vmem>>, vector<16xf32>,
        %get3A_270 = arith.index_cast %scan3A_224 : i32 to index
        %get3A_271 = arith.constant 32 : index
        %get3A_272 = tpu.vector_load %arg12[%get3A_270, %get3A_271] {strides = array<i32>} : memref<80x128xf32, #tpu.memory_space<vmem>>, vector<16xf32>,
        %mul3A_273 = arith.constant 2.000000e-01 : f32
        %mul3A_274 = vector.broadcast %mul3A_273 : f32 to vector<16xf32>
        %mul3A_275 = arith.mulf %mul3A_274, %get3A_272 : vector<16xf32>
        %get3A_276 = arith.index_cast %scan3A_224 : i32 to index
        %get3A_277 = arith.constant 32 : index
        %get3A_278 = tpu.vector_load %arg11[%get3A_276, %get3A_277] {strides = array<i32>} : memref<80x128xf32, #tpu.memory_space<vmem>>, vector<16xf32>,
        %mul3A_279 = arith.constant 8.000000e-01 : f32
        %mul3A_280 = vector.broadcast %mul3A_279 : f32 to vector<16xf32>
        %mul3A_281 = arith.mulf %mul3A_280, %get3A_278 : vector<16xf32>
        %get3A_282 = arith.index_cast %scan3A_224 : i32 to index
        %get3A_283 = arith.constant 96 : index
        %get3A_284 = tpu.vector_load %arg11[%get3A_282, %get3A_283] {strides = array<i32>} : memref<80x128xf32, #tpu.memory_space<vmem>>, vector<16xf32>,
        %add3A_285 = arith.constant 9.99999997E-7 : f32
        %add3A_286 = vector.broadcast %add3A_285 : f32 to vector<16xf32>
        %add3A_287 = arith.addf %get3A_284, %add3A_286 : vector<16xf32>
        %div3A_288 = arith.divf %mul3A_281, %add3A_287 : vector<16xf32>
        %add3A_289 = arith.addf %mul3A_275, %div3A_288 : vector<16xf32>
        %swap3A_290 = arith.index_cast %scan3A_224 : i32 to index
        %swap3A_291 = arith.constant 96 : index
        %swap3A_292 = tpu.vector_load %arg12[%swap3A_290, %swap3A_291] {strides = array<i32>} : memref<80x128xf32, #tpu.memory_space<vmem>>, vector<16xf32>,
        tpu.vector_store %arg12[%swap3A_290, %swap3A_291], %add3A_289 {strides = array<i32>} : memref<80x128xf32, #tpu.memory_space<vmem>>, vector<16xf32>,
        %get3A_293 = arith.index_cast %scan3A_224 : i32 to index
        %get3A_294 = arith.constant 48 : index
        %get3A_295 = tpu.vector_load %arg12[%get3A_293, %get3A_294] {strides = array<i32>} : memref<80x128xf32, #tpu.memory_space<vmem>>, vector<16xf32>,
        %mul3A_296 = arith.constant 2.000000e-01 : f32
        %mul3A_297 = vector.broadcast %mul3A_296 : f32 to vector<16xf32>
        %mul3A_298 = arith.mulf %mul3A_297, %get3A_295 : vector<16xf32>
        %get3A_299 = arith.index_cast %scan3A_224 : i32 to index
        %get3A_300 = arith.constant 48 : index
        %get3A_301 = tpu.vector_load %arg11[%get3A_299, %get3A_300] {strides = array<i32>} : memref<80x128xf32, #tpu.memory_space<vmem>>, vector<16xf32>,
        %mul3A_302 = arith.constant 8.000000e-01 : f32
        %mul3A_303 = vector.broadcast %mul3A_302 : f32 to vector<16xf32>
        %mul3A_304 = arith.mulf %mul3A_303, %get3A_301 : vector<16xf32>
        %get3A_305 = arith.index_cast %scan3A_224 : i32 to index
        %get3A_306 = arith.constant 112 : index
        %get3A_307 = tpu.vector_load %arg11[%get3A_305, %get3A_306] {strides = array<i32>} : memref<80x128xf32, #tpu.memory_space<vmem>>, vector<16xf32>,
        %add3A_308 = arith.constant 9.99999997E-7 : f32
        %add3A_309 = vector.broadcast %add3A_308 : f32 to vector<16xf32>
        %add3A_310 = arith.addf %get3A_307, %add3A_309 : vector<16xf32>
        %div3A_311 = arith.divf %mul3A_304, %add3A_310 : vector<16xf32>
        %add3A_312 = arith.addf %mul3A_298, %div3A_311 : vector<16xf32>
        %swap3A_313 = arith.index_cast %scan3A_224 : i32 to index
        %swap3A_314 = arith.constant 112 : index
        %swap3A_315 = tpu.vector_load %arg12[%swap3A_313, %swap3A_314] {strides = array<i32>} : memref<80x128xf32, #tpu.memory_space<vmem>>, vector<16xf32>,
        tpu.vector_store %arg12[%swap3A_313, %swap3A_314], %add3A_312 {strides = array<i32>} : memref<80x128xf32, #tpu.memory_space<vmem>>, vector<16xf32>,
        %scan3A_316 = arith.constant 0 : i32
        scf.yield %scan3A_316 : i32
      }
      %scan3A_222 = arith.constant 80 : i32
      "tpu.region"() ({
        %run_scoped3A = tpu.sem_alloc : memref<!tpu.dma_semaphore, #tpu.memory_space<semaphore_mem>>
        %dma_start3A_224 = arith.constant 0 : i32
        %dma_start3A_225 = arith.constant 64 : i32
        %dma_start3A_226 = tpu.memref_slice %arg12[%dma_start3A_224, %dma_start3A_225] : memref<80x128xf32, #tpu.memory_space<vmem>> -> memref<80x64xf32, #tpu.memory_space<vmem>>
        %dma_start3A_227 = tpu.memref_slice %arg6[%mul3A_215, %mul3A_135] : memref<10000x256xf32, #tpu.memory_space<hbm>> -> memref<80x64xf32, #tpu.memory_space<hbm>>
        %dma_start3A_228 = tpu.memref_slice %arg6[%mul3A_215, %mul3A_135] : memref<10000x256xf32, #tpu.memory_space<hbm>> -> memref<80x64xf32, #tpu.memory_space<hbm>>
        %dma_start3A_229 = arith.constant 0 : i32
        %dma_start3A_230 = arith.constant 64 : i32
        %dma_start3A_231 = tpu.memref_slice %arg12[%dma_start3A_229, %dma_start3A_230] : memref<80x128xf32, #tpu.memory_space<vmem>> -> memref<80x64xf32, #tpu.memory_space<vmem>>
        tpu.enqueue_dma source(%dma_start3A_231 : memref<80x64xf32, #tpu.memory_space<vmem>>) target(%dma_start3A_228 : memref<80x64xf32, #tpu.memory_space<hbm>>) target_semaphore(%run_scoped3A : memref<!tpu.dma_semaphore, #tpu.memory_space<semaphore_mem>>)
        %dma_wait3A_232 = arith.constant 0 : i32
        %dma_wait3A_233 = arith.constant 64 : i32
        %dma_wait3A_234 = tpu.memref_slice %arg12[%dma_wait3A_232, %dma_wait3A_233] : memref<80x128xf32, #tpu.memory_space<vmem>> -> memref<80x64xf32, #tpu.memory_space<vmem>>
        %dma_wait3A_235 = tpu.memref_slice %arg6[%mul3A_215, %mul3A_135] : memref<10000x256xf32, #tpu.memory_space<hbm>> -> memref<80x64xf32, #tpu.memory_space<hbm>>
        %dma_wait3A_236 = tpu.memref_slice %arg6[%mul3A_215, %mul3A_135] : memref<10000x256xf32, #tpu.memory_space<hbm>> -> memref<80x64xf32, #tpu.memory_space<hbm>>
        %dma_wait3A_237 = arith.constant 0 : i32
        %dma_wait3A_238 = arith.constant 64 : i32
        %dma_wait3A_239 = tpu.memref_slice %arg12[%dma_wait3A_237, %dma_wait3A_238] : memref<80x128xf32, #tpu.memory_space<vmem>> -> memref<80x64xf32, #tpu.memory_space<vmem>>
        tpu.wait_dma2 semaphore(%run_scoped3A : memref<!tpu.dma_semaphore, #tpu.memory_space<semaphore_mem>>) src(%dma_wait3A_239 : memref<80x64xf32, #tpu.memory_space<vmem>>) dst(%dma_wait3A_236 : memref<80x64xf32, #tpu.memory_space<hbm>>)
        tpu.yield
      }) : () -> ()
      %while3A_223 = arith.constant 0 : i32
      scf.yield %while3A_223 : i32
    }
    %while3A_207 = arith.constant 1 : i32
    %while3A_208 = scf.for %while3A_209 = %while3A_204 to %while3A_200 step %while3A_207 iter_args(%while3A_210 = %while3A_206) -> (i32)  : i32 {
      %mul3A_211 = arith.constant 16 : i32
      %mul3A_212 = arith.muli %mul3A_211, %while3A_209 : i32
      %add3A_213 = arith.addi %arg1, %mul3A_212 : i32
      %mul3A_214 = arith.constant 80 : i32
      %mul3A_215 = arith.muli %add3A_213, %mul3A_214 : i32
      "tpu.region"() ({
        %run_scoped3A = tpu.sem_alloc : memref<!tpu.dma_semaphore, #tpu.memory_space<semaphore_mem>>
        %dma_start3A_224 = arith.constant 0 : i32
        %dma_start3A_225 = tpu.memref_slice %arg7[%mul3A_215, %dma_start3A_224] : memref<10000x128xf32, #tpu.memory_space<vmem_shared>> -> memref<80x128xf32, #tpu.memory_space<vmem_shared>>
        %dma_start3A_226 = arith.constant 0 : i32
        %dma_start3A_227 = tpu.memref_slice %arg7[%mul3A_215, %dma_start3A_226] : memref<10000x128xf32, #tpu.memory_space<vmem_shared>> -> memref<80x128xf32, #tpu.memory_space<vmem_shared>>
        tpu.enqueue_dma source(%dma_start3A_227 : memref<80x128xf32, #tpu.memory_space<vmem_shared>>) target(%arg11 : memref<80x128xf32, #tpu.memory_space<vmem>>) target_semaphore(%run_scoped3A : memref<!tpu.dma_semaphore, #tpu.memory_space<semaphore_mem>>)
        %dma_wait3A_228 = arith.constant 0 : i32
        %dma_wait3A_229 = tpu.memref_slice %arg7[%mul3A_215, %dma_wait3A_228] : memref<10000x128xf32, #tpu.memory_space<vmem_shared>> -> memref<80x128xf32, #tpu.memory_space<vmem_shared>>
        %dma_wait3A_230 = arith.constant 0 : i32
        %dma_wait3A_231 = tpu.memref_slice %arg7[%mul3A_215, %dma_wait3A_230] : memref<10000x128xf32, #tpu.memory_space<vmem_shared>> -> memref<80x128xf32, #tpu.memory_space<vmem_shared>>
        tpu.wait_dma2 semaphore(%run_scoped3A : memref<!tpu.dma_semaphore, #tpu.memory_space<semaphore_mem>>) src(%dma_wait3A_231 : memref<80x128xf32, #tpu.memory_space<vmem_shared>>) dst(%arg11 : memref<80x128xf32, #tpu.memory_space<vmem>>)
        tpu.yield
      }) : () -> ()
      "tpu.region"() ({
        %run_scoped3A = tpu.sem_alloc : memref<!tpu.dma_semaphore, #tpu.memory_space<semaphore_mem>>
        %dma_start3A_224 = arith.constant 0 : i32
        %dma_start3A_225 = arith.constant 0 : i32
        %dma_start3A_226 = tpu.memref_slice %arg12[%dma_start3A_224, %dma_start3A_225] : memref<80x128xf32, #tpu.memory_space<vmem>> -> memref<80x64xf32, #tpu.memory_space<vmem>>
        %dma_start3A_227 = tpu.memref_slice %arg2[%mul3A_215, %mul3A_135] : memref<10000x256xf32, #tpu.memory_space<hbm>> -> memref<80x64xf32, #tpu.memory_space<hbm>>
        %dma_start3A_228 = arith.constant 0 : i32
        %dma_start3A_229 = arith.constant 0 : i32
        %dma_start3A_230 = tpu.memref_slice %arg12[%dma_start3A_228, %dma_start3A_229] : memref<80x128xf32, #tpu.memory_space<vmem>> -> memref<80x64xf32, #tpu.memory_space<vmem>>
        %dma_start3A_231 = tpu.memref_slice %arg2[%mul3A_215, %mul3A_135] : memref<10000x256xf32, #tpu.memory_space<hbm>> -> memref<80x64xf32, #tpu.memory_space<hbm>>
        tpu.enqueue_dma source(%dma_start3A_231 : memref<80x64xf32, #tpu.memory_space<hbm>>) target(%dma_start3A_230 : memref<80x64xf32, #tpu.memory_space<vmem>>) target_semaphore(%run_scoped3A : memref<!tpu.dma_semaphore, #tpu.memory_space<semaphore_mem>>)
        %dma_wait3A_232 = arith.constant 0 : i32
        %dma_wait3A_233 = arith.constant 0 : i32
        %dma_wait3A_234 = tpu.memref_slice %arg12[%dma_wait3A_232, %dma_wait3A_233] : memref<80x128xf32, #tpu.memory_space<vmem>> -> memref<80x64xf32, #tpu.memory_space<vmem>>
        %dma_wait3A_235 = tpu.memref_slice %arg2[%mul3A_215, %mul3A_135] : memref<10000x256xf32, #tpu.memory_space<hbm>> -> memref<80x64xf32, #tpu.memory_space<hbm>>
        %dma_wait3A_236 = arith.constant 0 : i32
        %dma_wait3A_237 = arith.constant 0 : i32
        %dma_wait3A_238 = tpu.memref_slice %arg12[%dma_wait3A_236, %dma_wait3A_237] : memref<80x128xf32, #tpu.memory_space<vmem>> -> memref<80x64xf32, #tpu.memory_space<vmem>>
        %dma_wait3A_239 = tpu.memref_slice %arg2[%mul3A_215, %mul3A_135] : memref<10000x256xf32, #tpu.memory_space<hbm>> -> memref<80x64xf32, #tpu.memory_space<hbm>>
        tpu.wait_dma2 semaphore(%run_scoped3A : memref<!tpu.dma_semaphore, #tpu.memory_space<semaphore_mem>>) src(%dma_wait3A_239 : memref<80x64xf32, #tpu.memory_space<hbm>>) dst(%dma_wait3A_238 : memref<80x64xf32, #tpu.memory_space<vmem>>)
        tpu.yield
      }) : () -> ()
      %scan3A_216 = arith.constant 0 : i32
      %scan3A_217 = arith.constant 0 : i32
      %scan3A_218 = arith.constant 80 : i32
      %scan3A_219 = arith.addi %scan3A_217, %scan3A_218 : i32
      %scan3A_220 = arith.constant 1 : i32
      %scan3A_221 = scf.for %scan3A_224 = %scan3A_217 to %scan3A_219 step %scan3A_220 iter_args(%scan3A_225 = %scan3A_216) -> (i32)  : i32 {
        %get3A = arith.index_cast %scan3A_224 : i32 to index
        %get3A_226 = arith.constant 0 : index
        %get3A_227 = tpu.vector_load %arg12[%get3A, %get3A_226] {strides = array<i32>} : memref<80x128xf32, #tpu.memory_space<vmem>>, vector<16xf32>,
        %mul3A_228 = arith.constant 2.000000e-01 : f32
        %mul3A_229 = vector.broadcast %mul3A_228 : f32 to vector<16xf32>
        %mul3A_230 = arith.mulf %mul3A_229, %get3A_227 : vector<16xf32>
        %get3A_231 = arith.index_cast %scan3A_224 : i32 to index
        %get3A_232 = arith.constant 0 : index
        %get3A_233 = tpu.vector_load %arg11[%get3A_231, %get3A_232] {strides = array<i32>} : memref<80x128xf32, #tpu.memory_space<vmem>>, vector<16xf32>,
        %mul3A_234 = arith.constant 8.000000e-01 : f32
        %mul3A_235 = vector.broadcast %mul3A_234 : f32 to vector<16xf32>
        %mul3A_236 = arith.mulf %mul3A_235, %get3A_233 : vector<16xf32>
        %get3A_237 = arith.index_cast %scan3A_224 : i32 to index
        %get3A_238 = arith.constant 64 : index
        %get3A_239 = tpu.vector_load %arg11[%get3A_237, %get3A_238] {strides = array<i32>} : memref<80x128xf32, #tpu.memory_space<vmem>>, vector<16xf32>,
        %add3A_240 = arith.constant 9.99999997E-7 : f32
        %add3A_241 = vector.broadcast %add3A_240 : f32 to vector<16xf32>
        %add3A_242 = arith.addf %get3A_239, %add3A_241 : vector<16xf32>
        %div3A_243 = arith.divf %mul3A_236, %add3A_242 : vector<16xf32>
        %add3A_244 = arith.addf %mul3A_230, %div3A_243 : vector<16xf32>
        %swap3A = arith.index_cast %scan3A_224 : i32 to index
        %swap3A_245 = arith.constant 64 : index
        %swap3A_246 = tpu.vector_load %arg12[%swap3A, %swap3A_245] {strides = array<i32>} : memref<80x128xf32, #tpu.memory_space<vmem>>, vector<16xf32>,
        tpu.vector_store %arg12[%swap3A, %swap3A_245], %add3A_244 {strides = array<i32>} : memref<80x128xf32, #tpu.memory_space<vmem>>, vector<16xf32>,
        %get3A_247 = arith.index_cast %scan3A_224 : i32 to index
        %get3A_248 = arith.constant 16 : index
        %get3A_249 = tpu.vector_load %arg12[%get3A_247, %get3A_248] {strides = array<i32>} : memref<80x128xf32, #tpu.memory_space<vmem>>, vector<16xf32>,
        %mul3A_250 = arith.constant 2.000000e-01 : f32
        %mul3A_251 = vector.broadcast %mul3A_250 : f32 to vector<16xf32>
        %mul3A_252 = arith.mulf %mul3A_251, %get3A_249 : vector<16xf32>
        %get3A_253 = arith.index_cast %scan3A_224 : i32 to index
        %get3A_254 = arith.constant 16 : index
        %get3A_255 = tpu.vector_load %arg11[%get3A_253, %get3A_254] {strides = array<i32>} : memref<80x128xf32, #tpu.memory_space<vmem>>, vector<16xf32>,
        %mul3A_256 = arith.constant 8.000000e-01 : f32
        %mul3A_257 = vector.broadcast %mul3A_256 : f32 to vector<16xf32>
        %mul3A_258 = arith.mulf %mul3A_257, %get3A_255 : vector<16xf32>
        %get3A_259 = arith.index_cast %scan3A_224 : i32 to index
        %get3A_260 = arith.constant 80 : index
        %get3A_261 = tpu.vector_load %arg11[%get3A_259, %get3A_260] {strides = array<i32>} : memref<80x128xf32, #tpu.memory_space<vmem>>, vector<16xf32>,
        %add3A_262 = arith.constant 9.99999997E-7 : f32
        %add3A_263 = vector.broadcast %add3A_262 : f32 to vector<16xf32>
        %add3A_264 = arith.addf %get3A_261, %add3A_263 : vector<16xf32>
        %div3A_265 = arith.divf %mul3A_258, %add3A_264 : vector<16xf32>
        %add3A_266 = arith.addf %mul3A_252, %div3A_265 : vector<16xf32>
        %swap3A_267 = arith.index_cast %scan3A_224 : i32 to index
        %swap3A_268 = arith.constant 80 : index
        %swap3A_269 = tpu.vector_load %arg12[%swap3A_267, %swap3A_268] {strides = array<i32>} : memref<80x128xf32, #tpu.memory_space<vmem>>, vector<16xf32>,
        tpu.vector_store %arg12[%swap3A_267, %swap3A_268], %add3A_266 {strides = array<i32>} : memref<80x128xf32, #tpu.memory_space<vmem>>, vector<16xf32>,
        %get3A_270 = arith.index_cast %scan3A_224 : i32 to index
        %get3A_271 = arith.constant 32 : index
        %get3A_272 = tpu.vector_load %arg12[%get3A_270, %get3A_271] {strides = array<i32>} : memref<80x128xf32, #tpu.memory_space<vmem>>, vector<16xf32>,
        %mul3A_273 = arith.constant 2.000000e-01 : f32
        %mul3A_274 = vector.broadcast %mul3A_273 : f32 to vector<16xf32>
        %mul3A_275 = arith.mulf %mul3A_274, %get3A_272 : vector<16xf32>
        %get3A_276 = arith.index_cast %scan3A_224 : i32 to index
        %get3A_277 = arith.constant 32 : index
        %get3A_278 = tpu.vector_load %arg11[%get3A_276, %get3A_277] {strides = array<i32>} : memref<80x128xf32, #tpu.memory_space<vmem>>, vector<16xf32>,
        %mul3A_279 = arith.constant 8.000000e-01 : f32
        %mul3A_280 = vector.broadcast %mul3A_279 : f32 to vector<16xf32>
        %mul3A_281 = arith.mulf %mul3A_280, %get3A_278 : vector<16xf32>
        %get3A_282 = arith.index_cast %scan3A_224 : i32 to index
        %get3A_283 = arith.constant 96 : index
        %get3A_284 = tpu.vector_load %arg11[%get3A_282, %get3A_283] {strides = array<i32>} : memref<80x128xf32, #tpu.memory_space<vmem>>, vector<16xf32>,
        %add3A_285 = arith.constant 9.99999997E-7 : f32
        %add3A_286 = vector.broadcast %add3A_285 : f32 to vector<16xf32>
        %add3A_287 = arith.addf %get3A_284, %add3A_286 : vector<16xf32>
        %div3A_288 = arith.divf %mul3A_281, %add3A_287 : vector<16xf32>
        %add3A_289 = arith.addf %mul3A_275, %div3A_288 : vector<16xf32>
        %swap3A_290 = arith.index_cast %scan3A_224 : i32 to index
        %swap3A_291 = arith.constant 96 : index
        %swap3A_292 = tpu.vector_load %arg12[%swap3A_290, %swap3A_291] {strides = array<i32>} : memref<80x128xf32, #tpu.memory_space<vmem>>, vector<16xf32>,
        tpu.vector_store %arg12[%swap3A_290, %swap3A_291], %add3A_289 {strides = array<i32>} : memref<80x128xf32, #tpu.memory_space<vmem>>, vector<16xf32>,
        %get3A_293 = arith.index_cast %scan3A_224 : i32 to index
        %get3A_294 = arith.constant 48 : index
        %get3A_295 = tpu.vector_load %arg12[%get3A_293, %get3A_294] {strides = array<i32>} : memref<80x128xf32, #tpu.memory_space<vmem>>, vector<16xf32>,
        %mul3A_296 = arith.constant 2.000000e-01 : f32
        %mul3A_297 = vector.broadcast %mul3A_296 : f32 to vector<16xf32>
        %mul3A_298 = arith.mulf %mul3A_297, %get3A_295 : vector<16xf32>
        %get3A_299 = arith.index_cast %scan3A_224 : i32 to index
        %get3A_300 = arith.constant 48 : index
        %get3A_301 = tpu.vector_load %arg11[%get3A_299, %get3A_300] {strides = array<i32>} : memref<80x128xf32, #tpu.memory_space<vmem>>, vector<16xf32>,
        %mul3A_302 = arith.constant 8.000000e-01 : f32
        %mul3A_303 = vector.broadcast %mul3A_302 : f32 to vector<16xf32>
        %mul3A_304 = arith.mulf %mul3A_303, %get3A_301 : vector<16xf32>
        %get3A_305 = arith.index_cast %scan3A_224 : i32 to index
        %get3A_306 = arith.constant 112 : index
        %get3A_307 = tpu.vector_load %arg11[%get3A_305, %get3A_306] {strides = array<i32>} : memref<80x128xf32, #tpu.memory_space<vmem>>, vector<16xf32>,
        %add3A_308 = arith.constant 9.99999997E-7 : f32
        %add3A_309 = vector.broadcast %add3A_308 : f32 to vector<16xf32>
        %add3A_310 = arith.addf %get3A_307, %add3A_309 : vector<16xf32>
        %div3A_311 = arith.divf %mul3A_304, %add3A_310 : vector<16xf32>
        %add3A_312 = arith.addf %mul3A_298, %div3A_311 : vector<16xf32>
        %swap3A_313 = arith.index_cast %scan3A_224 : i32 to index
        %swap3A_314 = arith.constant 112 : index
        %swap3A_315 = tpu.vector_load %arg12[%swap3A_313, %swap3A_314] {strides = array<i32>} : memref<80x128xf32, #tpu.memory_space<vmem>>, vector<16xf32>,
        tpu.vector_store %arg12[%swap3A_313, %swap3A_314], %add3A_312 {strides = array<i32>} : memref<80x128xf32, #tpu.memory_space<vmem>>, vector<16xf32>,
        %scan3A_316 = arith.constant 0 : i32
        scf.yield %scan3A_316 : i32
      }
      %scan3A_222 = arith.constant 80 : i32
      "tpu.region"() ({
        %run_scoped3A = tpu.sem_alloc : memref<!tpu.dma_semaphore, #tpu.memory_space<semaphore_mem>>
        %dma_start3A_224 = arith.constant 0 : i32
        %dma_start3A_225 = arith.constant 64 : i32
        %dma_start3A_226 = tpu.memref_slice %arg12[%dma_start3A_224, %dma_start3A_225] : memref<80x128xf32, #tpu.memory_space<vmem>> -> memref<80x64xf32, #tpu.memory_space<vmem>>
        %dma_start3A_227 = tpu.memref_slice %arg6[%mul3A_215, %mul3A_135] : memref<10000x256xf32, #tpu.memory_space<hbm>> -> memref<80x64xf32, #tpu.memory_space<hbm>>
        %dma_start3A_228 = tpu.memref_slice %arg6[%mul3A_215, %mul3A_135] : memref<10000x256xf32, #tpu.memory_space<hbm>> -> memref<80x64xf32, #tpu.memory_space<hbm>>
        %dma_start3A_229 = arith.constant 0 : i32
        %dma_start3A_230 = arith.constant 64 : i32
        %dma_start3A_231 = tpu.memref_slice %arg12[%dma_start3A_229, %dma_start3A_230] : memref<80x128xf32, #tpu.memory_space<vmem>> -> memref<80x64xf32, #tpu.memory_space<vmem>>
        tpu.enqueue_dma source(%dma_start3A_231 : memref<80x64xf32, #tpu.memory_space<vmem>>) target(%dma_start3A_228 : memref<80x64xf32, #tpu.memory_space<hbm>>) target_semaphore(%run_scoped3A : memref<!tpu.dma_semaphore, #tpu.memory_space<semaphore_mem>>)
        %dma_wait3A_232 = arith.constant 0 : i32
        %dma_wait3A_233 = arith.constant 64 : i32
        %dma_wait3A_234 = tpu.memref_slice %arg12[%dma_wait3A_232, %dma_wait3A_233] : memref<80x128xf32, #tpu.memory_space<vmem>> -> memref<80x64xf32, #tpu.memory_space<vmem>>
        %dma_wait3A_235 = tpu.memref_slice %arg6[%mul3A_215, %mul3A_135] : memref<10000x256xf32, #tpu.memory_space<hbm>> -> memref<80x64xf32, #tpu.memory_space<hbm>>
        %dma_wait3A_236 = tpu.memref_slice %arg6[%mul3A_215, %mul3A_135] : memref<10000x256xf32, #tpu.memory_space<hbm>> -> memref<80x64xf32, #tpu.memory_space<hbm>>
        %dma_wait3A_237 = arith.constant 0 : i32
        %dma_wait3A_238 = arith.constant 64 : i32
        %dma_wait3A_239 = tpu.memref_slice %arg12[%dma_wait3A_237, %dma_wait3A_238] : memref<80x128xf32, #tpu.memory_space<vmem>> -> memref<80x64xf32, #tpu.memory_space<vmem>>
        tpu.wait_dma2 semaphore(%run_scoped3A : memref<!tpu.dma_semaphore, #tpu.memory_space<semaphore_mem>>) src(%dma_wait3A_239 : memref<80x64xf32, #tpu.memory_space<vmem>>) dst(%dma_wait3A_236 : memref<80x64xf32, #tpu.memory_space<hbm>>)
        tpu.yield
      }) : () -> ()
      %while3A_223 = arith.constant 0 : i32
      scf.yield %while3A_223 : i32
    }
    return
  }
}

</mosaic_0001>

<sc_bundles>
// kernel: kernel.3.cloned.1.call-start
scs
__scs_entry_jumppad:
0x0: {  	(pc) =	sbr.rel $0x88, $3  }
0x1: {  	(tag) =	ssettag $0x0;
	lr =	simm.s32 $0x1  }
0x2: {  	[smem:$0x3F9E] =	sst lr;
	_ =	strace $0xD0000000  }
0x3: {  	_ = 	snop  }
0x4: {  	_ = 	snop  }
0x5: {  	_ = 	snop  }
0x6: {  	_ = 	snop  }
0x7: {  	_ = 	snop  }
__scs_overlays_trampoline_lowered:
0x8: {  	[smem:$0x3FAD] =	sst s0  }
0x9: {  	[smem:$0x3FAE] =	sst s1  }
0xa: {  	[smem:$0x3FAF] =	sst s2  }
0xb: {  	[smem:$0x3FB0] =	sst s3  }
0xc: {  	[smem:$0x3FB1] =	sst s4  }
0xd: {  	[smem:$0x3FB2] =	sst s5  }
0xe: {  	[smem:$0x3FB3] =	sst s6  }
0xf: {  	[smem:$0x3FB4] =	sst s7  }
0x10: {  	[smem:$0x3FB5] =	sst s8  }
0x11: {  	[smem:$0x3FB6] =	sst s9;
	s0 =	simm.s32 @!p0 $0x0  }
0x12: {  	s1 =	sld [smem:$0x3F9C];
	s0 =	simm.s32 @p0 $0x1  }
0x13: {  	[smem:$0x3FB7] =	sst s0;
	s0 =	simm.s32 @!p1 $0x0  }
0x14: {  	s2 =	sld [smem:$0x3F9B];
	s0 =	simm.s32 @p1 $0x1  }
0x15: {  	[smem:$0x3FB8] =	sst s0;
	s0 =	simm.s32 @!p2 $0x0  }
0x16: {  	s3 =	sld [smem:$0x3FDB];
	s0 =	simm.s32 @p2 $0x1  }
0x17: {  	s4 =	simm.s32 $0x1BF5;
	[smem:$0x3FBA] =	sst s0  }
0x18: {  	s0 =	sld [smem:$0x3F9D];
	_ =	swait.ge [sflag:s4], $0x0  }
0x19: {  	s7 =	sld [smem:$0x3F9E]  }
0x1a: {  	s8 =	sadd.s32 $0xFFFFE003, lr  }
0x1b: {  	s9 =	sadd.s32 $0xFFFFFEF7, lr;
	s5 =	simm.s32 $0xFFFFFFFF;
	p2 =	slt.u32 s8, $0xFFFFF086  }
0x1c: {  	p1 =	slt.u32 s9, $0xF7A;
	s5 =	simm.s32 @!p2 $0x0  }
0x1d: {  	s5 =	simm.s32 @p1 $0x1;
	p0 =	seq.s32 s7, s2  }
0x1e: {  	s7 =	smul.u32 @!p0 $0xF7A, s2;
	p2 =	seq.s32 @!p0 s5, $0x0  }
0x1f: {  	s9 =	smul.u32 $0xF7A, s1;
	s8 =	simm.s32 @!p0 $0x1BF5;
	p2 =	por !p2, p0  }
0x20: {  	[sflag:s8] =	ssyncset.s32 @!p0 $0xFFFFF086;
	s6 =	sadd.s32 @!p0 s3, s7;
	s7 =	simm.s32 @!p0 $0x108  }
0x21: {  	s3 =	sadd.s32 s3, s9;
	s6 =	sadd.s32 @!p0 $0x88, s6;
	s7 =	simm.s32 @p2 $0x1082  }
0x22: {  	[simem:s7], [sflag:s8] =	dma.local @!p0 [hbm:s6], $0xF7A  }
0x23: {  	s9 =	sor.u32 $0xD0000000, s2;
	s6 =	simm.s32 $0x108;
	_ =	swait.ge @!p0 [sflag:s8], $0x0  }
0x24: {  	s3 =	sadd.s32 $0x88, s3;
	s6 =	simm.s32 @!p1 $0x1082;
	[sflag:s4] =	ssyncset.s32 $0xFFFFF086  }
0x25: {  	[simem:s6], [sflag:s4] =	dma.local [hbm:s3], $0xF7A  }
0x26: {  	[smem:$0x3F9E] =	sst s1;
	(tag) =	ssettag s2;
	_ =	strace s9  }
0x27: {  	s1 =	sld [smem:$0x3FAE]  }
0x28: {  	s2 =	sld [smem:$0x3FAF]  }
0x29: {  	s4 =	sld [smem:$0x3FB1]  }
0x2a: {  	p0 =	seq.s32 s5, $0x0;
	s5 =	sld [smem:$0x3FB2]  }
0x2b: {  	s6 =	sld [smem:$0x3FB3]  }
0x2c: {  	s7 =	sld [smem:$0x3FB4]  }
0x2d: {  	s3 =	simm.s32 $0x108;
	s8 =	sld [smem:$0x3FB5]  }
0x2e: {  	s3 =	simm.s32 @!p0 $0x1082;
	s9 =	sld [smem:$0x3FB6]  }
0x2f: {  	lr =	sadd.s32 s0, s3;
	s0 =	sld [smem:$0x3FAD]  }
0x30: {  	s3 =	sld [smem:$0x3FB0]  }
0x31: {  	[smem:$0x3FB9] =	sst s10  }
0x32: {  	s10 =	sld [smem:$0x3FB7];
	_ =	sdelay $0x3  }
0x33: {  	p0 =	seq.s32 s10, $0x1;
	s10 =	sld [smem:$0x3FB9];
	_ =	sdelay $0x3  }
0x34: {  	[smem:$0x3FB9] =	sst s10  }
0x35: {  	s10 =	sld [smem:$0x3FB8];
	_ =	sdelay $0x3  }
0x36: {  	p1 =	seq.s32 s10, $0x1;
	s10 =	sld [smem:$0x3FB9];
	_ =	sdelay $0x3  }
0x37: {  	[smem:$0x3FB9] =	sst s10  }
0x38: {  	s10 =	sld [smem:$0x3FBA]  }
0x39: {  	_ = 	snop;
	(pc) =	sbr.ind lr, $3  }
0x3a: {  	_ = 	snop  }
0x3b: {  	_ = 	snop  }
0x3c: {  	p2 =	seq.s32 s10, $0x1;
	s10 =	sld [smem:$0x3FB9]  }
0x3d: {  	_ =	shalt  }
0x3e: {  	_ =	shalt  }
0x3f: {  	_ =	shalt  }
0x40: {  	_ =	shalt  }
0x41: {  	_ =	shalt  }
0x42: {  	_ =	shalt  }
0x43: {  	_ =	shalt  }
0x44: {  	_ =	shalt  }
0x45: {  	_ =	shalt  }
0x46: {  	_ =	shalt  }
0x47: {  	_ =	shalt  }
0x48: {  	_ =	shalt  }
0x49: {  	_ =	shalt  }
0x4a: {  	_ =	shalt  }
0x4b: {  	_ =	shalt  }
0x4c: {  	_ =	shalt  }
0x4d: {  	_ =	shalt  }
0x4e: {  	_ =	shalt  }
0x4f: {  	_ =	shalt  }
0x50: {  	_ =	shalt  }
0x51: {  	_ =	shalt  }
0x52: {  	_ =	shalt  }
0x53: {  	_ =	shalt  }
0x54: {  	_ =	shalt  }
0x55: {  	_ =	shalt  }
0x56: {  	_ =	shalt  }
0x57: {  	_ =	shalt  }
0x58: {  	_ =	shalt  }
0x59: {  	_ =	shalt  }
0x5a: {  	_ =	shalt  }
0x5b: {  	_ =	shalt  }
0x5c: {  	_ =	shalt  }
0x5d: {  	_ =	shalt  }
0x5e: {  	_ =	shalt  }
0x5f: {  	_ =	shalt  }
0x60: {  	_ =	shalt  }
0x61: {  	_ =	shalt  }
0x62: {  	_ =	shalt  }
0x63: {  	_ =	shalt  }
0x64: {  	_ =	shalt  }
0x65: {  	_ =	shalt  }
0x66: {  	_ =	shalt  }
0x67: {  	_ =	shalt  }
0x68: {  	_ =	shalt  }
0x69: {  	_ =	shalt  }
0x6a: {  	_ =	shalt  }
0x6b: {  	_ =	shalt  }
0x6c: {  	_ =	shalt  }
0x6d: {  	_ =	shalt  }
0x6e: {  	_ =	shalt  }
0x6f: {  	_ =	shalt  }
0x70: {  	_ =	shalt  }
0x71: {  	_ =	shalt  }
0x72: {  	_ =	shalt  }
0x73: {  	_ =	shalt  }
0x74: {  	_ =	shalt  }
0x75: {  	_ =	shalt  }
0x76: {  	_ =	shalt  }
0x77: {  	_ =	shalt  }
0x78: {  	_ =	shalt  }
0x79: {  	_ =	shalt  }
0x7a: {  	_ =	shalt  }
0x7b: {  	_ =	shalt  }
0x7c: {  	_ =	shalt  }
0x7d: {  	_ =	shalt  }
0x7e: {  	_ =	shalt  }
0x7f: {  	_ =	shalt  }
0x80: {  	_ =	shalt  }
0x81: {  	_ =	shalt  }
0x82: {  	_ =	shalt  }
0x83: {  	_ =	shalt  }
0x84: {  	_ =	shalt  }
0x85: {  	_ =	shalt  }
0x86: {  	_ =	shalt  }
0x87: {  	_ =	shalt  }
.Lfunc_end0:
.L_simem_size_0:
called_computation.1_lowered:
.L_overlay_start_0:
0x88: {  	s2 =	sld [smem:$0x3FD9]  }
0x89: {  	s3 =	sld [smem:$0x3FFE];
	_ =	sdelay $0x1  }
0x8a: {  	s1 =	srdreg.scid  }
0x8b: {  	s0 =	sand.u32 $0x1, s1  }
0x8c: {  	s17 =	sshll.u32 s0, $0xA;
	s2 =	sadd.s32 s3, s2  }
0x8d: {  	s2 =	sadd.s32 s2, s17  }
0x8e: {  	[smem:$0x3FC5] =	sst s2  }
0x8f: {  	_ = 	snop  }
0x90: {  	s2 =	sld [smem:$0x3FD0];
	(tm) =	ssettm $0x1  }
0x91: {  	s18 =	sld [smem:$0x3FFB];
	_ =	sdelay $0x3  }
0x92: {  	_ =	strace s18  }
0x93: {  	s3 =	sld [smem:$0x3FFC];
	_ =	sdelay $0x3  }
0x94: {  	_ =	strace s3  }
0x95: {  	s3 =	sld [smem:$0x3FFD];
	_ =	sdelay $0x3  }
0x96: {  	_ =	strace s3  }
0x97: {  	_ =	strace $0x8FFFFFFF  }
0x98: {  	s19 =	sld [smem:$0x3FDB];
	_ =	sdelay $0x1  }
0x99: {  	s4 =	simm.s32 $_scs_section_size  }
0x9a: {  	s5 =	simm.s32 $_size__tile_overlayer_lowered;
	s6 =	simm.s32 $_tile_overlayer_lowered  }
0x9b: {  	s22 =	simm.s32 $0x1BFF;
	s21 =	sshll.u32 s6, $0x1;
	s3 =	sadd.s32 s4, s19  }
0x9c: {  	s7 =	simm.s32 $0x0;
	s20 =	sshll.u32 s5, $0x1;
	s5 =	sadd.s32 s21, s3  }
0x9d: {  	[timem:s7], [sflag:s22] =	dma.local [hbm:s5], s20  }
0x9e: {  	_ =	swait.ge [sflag:s22], s20  }
0x9f: {  	s4 =	ssub.s32 $0x0, s20;
	[sflag:s22] =	ssyncset.done $0x0  }
0xa0: {  	[sflag:s22] =	ssyncadd.s32 s4;
	_ =	sdelay $0x1  }
0xa1: {  	s23 =	simm.s32 $0x1B8B  }
0xa2: {  	_ =	swait.ge [sflag:s23], $0x1  }
0xa3: {  	[sflag:s23] =	ssyncset.done $0x0  }
0xa4: {  	s25 =	simm.s32 $0x1B8E;
	s24 =	sld [smem:$0x3FFE];
	[sflag:s23] =	ssyncadd.s32 $0xFFFFFFFF  }
0xa5: {  	s26 =	simm.s32 $execute0_lowered;
	[smem:$0x3FD2] =	sst s25  }
0xa6: {  	s5 =	sshll.u32 s26, $0x1;
	_ =	strace $0x80000049;
	[dreg:$0x1] =	wrdreg $0xFFFFFFFF  }
0xa7: {  	s28 =	simm.s32 $_size_execute0_lowered;
	s3 =	sadd.s32 s3, s5;
	[dreg:$0x0] =	wrdreg $0x0  }
0xa8: {  	s5 =	sshll.u32 s28, $0x1;
	[dreg:$0x2] =	wrdreg s3  }
0xa9: {  	[dreg:$0x3] =	wrdreg s5  }
0xaa: {  	[dreg:$0x4] =	wrdreg $0xC0  }
0xab: {  	_ =	task [dreg:s7], $0x5FFFF  }
0xac: {  	[dreg:$0x1] =	wrdreg $0xFFFFFFFF  }
0xad: {  	[dreg:$0x0] =	wrdreg $0x60  }
0xae: {  	[dreg:$0x2] =	wrdreg s2  }
0xaf: {  	[dreg:$0x3] =	wrdreg s24  }
0xb0: {  	[dreg:$0x4] =	wrdreg $0x1E9800  }
0xb1: {  	[dreg:$0x5] =	wrdreg $0x0  }
0xb2: {  	[dreg:$0x6] =	wrdreg $0x9  }
0xb3: {  	_ =	task.clear_ibuf [dreg:s7], $0x7FFFF;
	_ =	strace $0x90000049  }
0xb4: {  	s29 =	simm.s32 $0x9;
	_ =	strace $0x8000004B  }
0xb5: {  	_ =	swait.ge [sflag:s29], $0x1  }
0xb6: {  	[sflag:s29] =	ssyncadd.s32 $0xFFFFFFFF  }
0xb7: {  	_ =	strace $0x9000004B  }
0xb8: {  	_ =	sfence  }
0xb9: {  	s30 =	sld [smem:$0x0];
	_ =	sdelay $0x2  }
0xba: {  	s31 =	sshll.u32 s1, $0xD;
	s1 =	sshrl.u32 s1, $0x2  }
0xbb: {  	s3 =	sand.u32 $0x4000, s31;
	s1 =	sadd.s32 s1, s30  }
0xbc: {  	s0 =	sor.u32 s3, s0;
	s1 =	sshll.u32 s1, $0x11  }
0xbd: {  	s0 =	sor.u32 s1, s0  }
0xbe: {  	s0 =	sadd.s32 $0x8F2B, s0  }
0xbf: {  	[sflag:s0] =	ssyncadd.remote.s32 $0x1  }
0xc0: {  	_ =	sfence.sel $0xFFFF  }
0xc1: {  	[dreg:$0x0] =	wrdreg $0xFFFFFFFF;
	(pc) =	sbr.abs _section_cstart, $3  }
0xc2: {  	[dreg:$0x1] =	wrdreg $0xFFFFFFFF  }
0xc3: {  	_ =	task.clear_ibuf [dreg:s7], $0x2FFFF;
	_ =	strace $0x9FFFFFFF  }
0xc4: {  	(tm) =	ssettm $0x7FFFFFFF  }
0xc5: {  	_ =	shalt  }
tec
execute0_lowered:
.L_overlay_start_1:
0x0: {  	(tag) =	ssettag $0x1  }
0x1: {  	s0 =	rddreg [dreg:$0x1]  }
0x2: {  	s3 =	rddreg [dreg:$0x3]  }
0x3: {  	s4 =	simm.s32 $0x0;
	s1 =	srdreg.scid;
	s14 =	stileid.u32  }
0x4: {  	s30 =	simm.s32 $0x7;
	[smem:$0x7FF] =	sst s4;
	s6 =	sadd.s32 $0x400, s0  }
0x5: {  	s31 =	simm.s32 $0x1;
	s7 =	sadd.s32 $0x9C9400, s0;
	s8 =	sadd.s32 $0x9C4400, s0  }
0x6: {  	s1 =	sand.u32 $0x1, s1;
	s0 =	sadd.s32 $0x9CE400, s0;
	s24 =	smul.u32 $0x2710, s14  }
0x7: {  	s5 =	ssub.s32 $0x280, s14;
	s25 =	ssub.s32 $0x8C, s14;
	s26 =	smul.u32 $0x4E2000, s14  }
0x8: {  	_ =	strace $0x8000004A;
	s2 =	ssub.s32 $0x2, s1;
	[dreg:$0x5] =	wrdreg s0  }
0x9: {  	s23 =	sshrl.u32 s5, $0x4;
	s11 =	sshll.u32 s1, $0x6;
	s12 =	sshrl.u32 s25, $0x4  }
0xa: {  	s22 =	sshrl.u32 s2, $0x1;
	[dreg:$0x6] =	wrdreg s23;
	s13 =	sor.u32 $0x100, s11  }
0xb: {  	s28 =	sshrl.u32 s24, $0x3;
	s29 =	sor.u32 s11, s26;
	s15 =	sadd.s32 $0x50, s24  }
0xc: {  	s18 =	sadd.s32 $0xA0, s24;
	s20 =	sor.u32 $0x80, s11;
	s21 =	sor.u32 $0x180, s11  }
0xd: {  	s0 =	ssub.s32 s2, s22;
	s9 =	sadd.s32 s7, s28;
	[dreg:$0x9] =	wrdreg s15  }
0xe: {  	s10 =	sor.u32 s26, s13;
	s5 =	sadd.s32 s8, s28;
	[dreg:$0xa] =	wrdreg s18  }
0xf: {  	s19 =	sor.u32 s26, s20;
	s1 =	sor.u32 s26, s21;
	[dreg:$0x7] =	wrdreg s9  }
0x10: {  	s22 =	smul.u32 $0xA000, s14;
	s2 =	sadd.s32 $0xF0, s24;
	[dreg:$0x8] =	wrdreg s5  }
0x11: {  	s9 =	sshrl.u32 s29, $0x3;
	s10 =	sshrl.u32 s10, $0x3;
	[dreg:$0xb] =	wrdreg s2  }
0x12: {  	s25 =	sshrl.u32 s19, $0x3;
	s1 =	sshrl.u32 s1, $0x3;
	s0 =	smax.u32 s0, $0x1  }
0x13: {  	s29 =	sshll.u32 s14, $0x4;
	s2 =	simm.s32 $0x1EBF8;
	s5 =	simm.s32 $0x50  }
0x14: {  	s19 =	simm.s32 $0x2;
	s14 =	simm.s32 $0x4;
	s16 =	sadd.s32 s6, s9  }
0x15: {  	s17 =	sadd.s32 s6, s10;
	s23 =	sadd.s32 s6, s25;
	[dreg:$0xc] =	wrdreg s0  }
0x16: {  	s24 =	sadd.s32 s6, s1;
	s26 =	sshrl.u32 s22, $0x2;
	[dreg:$0xe] =	wrdreg s29  }
0x17: {  	s0 =	simm.s32 $0x1B260;
	s25 =	simm.s32 $0x18970;
	s28 =	sadd.s32 s26, s3  }
0x18: {  	v0 =	vlaneseq.u32;
	v1 =	vimm.f32 $0.0e+00;
	s9 =	simm.s32 $0x0;
	s26 =	simm.s32 $0x3;
	[dreg:$0xd] =	wrdreg s28  }
.LBB2_1:
0x19: {  	[dreg:$0xf] =	wrdreg s9;
	s1 =	simm.s32 $0x0  }
.LBB2_2:
0x1a: {  	s9 =	sshll.u32 s1, $0x8;
	s10 =	rddreg [dreg:$0xe]  }
0x1b: {  	s9 =	sor.u32 s10, s9  }
0x1c: {  	s15 =	rddreg [dreg:$0x0];
	s10 =	sshll.u32 s9, $0x5  }
0x1d: {  	s18 =	simm.s32 $0x1D980;
	s10 =	sadd.s32 s15, s10;
	s15 =	simm.s32 $0x0  }
0x1e: {  	[tilespmem:s18], [sflag:$0x7] =	stream.linear.gather [hbm4b:s10+s15], $0x1000, $0x38;
	[tilespmem:$0x1EC48] =	vst v63  }
0x1f: {  	_ =	swait.ge [sflag:s30], $0x1000  }
0x20: {  	[sflag:s30] =	ssyncset.done $0x0  }
0x21: {  	s29 =	simm.s32 $0x1DA00;
	[sflag:s30] =	ssyncadd.s32 $0xFFFFF000  }
0x22: {  	v2 =	vld [tilespmem:s29+$0xFFFFFF80]  }
0x23: {  	v3 =	vld [tilespmem:s29+$0xFFFFFF90]  }
0x24: {  	v4 =	vld [tilespmem:s29+$0xFFFFFFA0]  }
0x25: {  	v5 =	vld [tilespmem:s29+$0xFFFFFFB0]  }
0x26: {  	v6 =	vld [tilespmem:s29+$0xFFFFFFC0]  }
0x27: {  	v7 =	vld [tilespmem:s29+$0xFFFFFFD0]  }
0x28: {  	v2 =	vmax.f32 v2, v3;
	v3 =	vld [tilespmem:s29+$0xFFFFFFE0]  }
0x29: {  	v2 =	vmax.f32 v2, v4;
	v4 =	vld [tilespmem:s29+$0xFFFFFFF0]  }
0x2a: {  	v2 =	vmax.f32 v2, v5;
	v5 =	vld [tilespmem:s29+$0x0]  }
0x2b: {  	v2 =	vmax.f32 v2, v6;
	v6 =	vld [tilespmem:s29+$0x10]  }
0x2c: {  	v2 =	vmax.f32 v2, v7;
	v7 =	vld [tilespmem:s29+$0x20]  }
0x2d: {  	v8 =	vld [tilespmem:s29+$0x30];
	v2 =	vmax.f32 v2, v3  }
0x2e: {  	v9 =	vld [tilespmem:s29+$0x40];
	v2 =	vmax.f32 v2, v4  }
0x2f: {  	v3 =	vld [tilespmem:s29+$0x50];
	v2 =	vmax.f32 v2, v5  }
0x30: {  	v4 =	vld [tilespmem:s29+$0x60];
	v2 =	vmax.f32 v2, v6  }
0x31: {  	s22 =	simm.s32 $0x1DB00;
	v5 =	vld [tilespmem:s29+$0x70];
	v2 =	vmax.f32 v2, v7  }
0x32: {  	v6 =	vld [tilespmem:s22+$0xFFFFFF80];
	v7 =	vmax.f32 v2, v8  }
0x33: {  	s28 =	simm.s32 $0x2;
	s18 =	simm.s32 $0x1;
	v2 =	vimm.f32 $-Inf;
	v8 =	vld [tilespmem:s22+$0xFFFFFF90];
	v7 =	vmax.f32 v7, v9  }
.LBB2_3:
0x34: {  	p0 =	sne.s32 s28, $0xF;
	v9 =	vld [tilespmem:s22+$0xFFFFFFA0];
	v3 =	vmax.f32 v7, v3  }
0x35: {  	v7 =	vld [tilespmem:s22+$0xFFFFFFB0];
	v3 =	vmax.f32 v3, v4  }
0x36: {  	v4 =	vld [tilespmem:s22+$0xFFFFFFC0];
	v3 =	vmax.f32 v3, v5  }
0x37: {  	v5 =	vld [tilespmem:s22+$0xFFFFFFD0];
	(xrf0) =	vmax.scan.msk.f32 $0xffff, v3  }
0x38: {  	v3 =	vmax.f32 v6, v8;
	v6 =	vld [tilespmem:s22+$0xFFFFFFE0]  }
0x39: {  	v3 =	vmax.f32 v3, v9;
	v8 =	vld [tilespmem:s22+$0xFFFFFFF0]  }
0x3a: {  	v3 =	vmax.f32 v3, v7;
	v7 =	vld [tilespmem:s22+$0x0]  }
0x3b: {  	v3 =	vmax.f32 v3, v4;
	v4 =	vld [tilespmem:s22+$0x10]  }
0x3c: {  	v3 =	vmax.f32 v3, v5;
	v5 =	vld [tilespmem:s22+$0x20]  }
0x3d: {  	v3 =	vmax.f32 v3, v6;
	v9 =	vld [tilespmem:s22+$0x30];
	v6, _, _ =	vpop (xrf0)  }
0x3e: {  	v3 =	vmax.f32 v3, v8;
	v10 =	vld [tilespmem:s22+$0x40];
	v8 =	vmov s15;
	v6 =	vbroadcast v6, $0xF;
	s15 =	smov.u32 s18;
	s18 =	smov.u32 s28  }
.Ltmp0:
0x3f: {  	v7 =	vmax.f32 v3, v7;
	v3 =	vld [tilespmem:s22+$0x50];
	vm0 =	veq.s32 v8, v0;
	(pc) =	sbr.rel @p0 .LBB2_3-.Ltmp0, $4  }
0x40: {  	v7 =	vmax.f32 v7, v4;
	v4 =	vld [tilespmem:s22+$0x60];
	v2 =	vsel vm0, v6, v2  }
0x41: {  	v7 =	vmax.f32 v7, v5;
	v5 =	vld [tilespmem:s22+$0x70];
	s22 =	sadd.s32 $0x100, s22  }
0x42: {  	v6 =	vld [tilespmem:s22+$0xFFFFFF80];
	v7 =	vmax.f32 v7, v9  }
0x43: {  	s28 =	sadd.s32 $0x1, s28;
	v8 =	vld [tilespmem:s22+$0xFFFFFF90];
	v7 =	vmax.f32 v7, v10  }
0x44: {  	v9 =	vld [tilespmem:s22+$0xFFFFFFA0]  }
0x45: {  	v10 =	vld [tilespmem:s22+$0xFFFFFFB0]  }
0x46: {  	v11 =	vld [tilespmem:s22+$0xFFFFFFC0]  }
0x47: {  	v12 =	vld [tilespmem:s22+$0xFFFFFFD0]  }
0x48: {  	v50 =	vld [tilespmem:s22+$0xFFFFFFE0];
	v6 =	vmax.f32 v6, v8  }
0x49: {  	v51 =	vld [tilespmem:s22+$0xFFFFFFF0];
	v6 =	vmax.f32 v6, v9  }
0x4a: {  	v52 =	vld [tilespmem:s22+$0x0];
	v6 =	vmax.f32 v6, v10  }
0x4b: {  	v53 =	vld [tilespmem:s22+$0x10];
	v6 =	vmax.f32 v6, v11  }
0x4c: {  	v54 =	vld [tilespmem:s22+$0x20];
	v6 =	vmax.f32 v6, v12  }
0x4d: {  	v55 =	vld [tilespmem:s22+$0x30];
	v6 =	vmax.f32 v6, v50  }
0x4e: {  	v56 =	vld [tilespmem:s22+$0x40];
	v6 =	vmax.f32 v6, v51  }
0x4f: {  	v57 =	vld [tilespmem:s22+$0x50];
	v6 =	vmax.f32 v6, v52  }
0x50: {  	v58 =	vld [tilespmem:s22+$0x60];
	v6 =	vmax.f32 v6, v53  }
0x51: {  	v59 =	vld [tilespmem:s22+$0x70];
	v6 =	vmax.f32 v6, v54  }
0x52: {  	v6 =	vmax.f32 v6, v55  }
0x53: {  	v3 =	vmax.f32 v7, v3;
	v6 =	vmax.f32 v6, v56  }
0x54: {  	v3 =	vmax.f32 v3, v4;
	v60 =	vmax.f32 v6, v57  }
0x55: {  	v3 =	vmax.f32 v3, v5;
	v4 =	vmax.f32 v60, v58  }
0x56: {  	(xrf0) =	vmax.scan.msk.f32 $0xffff, v3;
	v3 =	vmax.f32 v4, v59  }
0x57: {  	(xrf0) =	vmax.scan.msk.f32 $0xffff, v3;
	_ =	sdelay $0x4  }
0x58: {  	v3, _, _ =	vpop (xrf0)  }
0x59: {  	v61 =	vmov s15;
	v3 =	vbroadcast v3, $0xF;
	v62, _, _ =	vpop (xrf0)  }
0x5a: {  	v63 =	vmov s18;
	vm0 =	veq.s32 v61, v0;
	v5 =	vbroadcast v62, $0xF  }
0x5b: {  	vm15 =	veq.s32 v63, v0;
	v2 =	vsel vm0, v3, v2  }
0x5c: {  	v2 =	vsel vm15, v5, v2  }
0x5d: {  	v2 =	vmul.f32 $9.499999880e-01, v2  }
0x5e: {  	s10 =	rddreg [dreg:$0x2]  }
0x5f: {  	s28 =	simm.s32 $0x1D970;
	s9 =	sadd.s32 s9, s10;
	[tilespmem:$0x1D970] =	vst v2  }
0x60: {  	[spmem:s9] =	stream.linear.scatter [tilespmem:s28], [sflag:$0x7], $0x10, $0x38;
	[tilespmem:$0x1EC48] =	vst v63  }
0x61: {  	_ =	swait.ge [sflag:s30], $0x10  }
0x62: {  	s1 =	sadd.s32 $0x1, s1;
	s29 =	rddreg [dreg:$0x6]  }
0x63: {  	p0 =	sne.s32 s1, s29  }
.Ltmp1:
0x64: {  	_ = 	snop;
	(pc) =	sbr.rel @p0 .LBB2_2-.Ltmp1, $3  }
0x65: {  	_ =	sdelay $0x1  }
0x66: {  	[sflag:s30] =	ssyncset.done $0x0  }
0x67: {  	[sflag:s30] =	ssyncadd.s32 $0xFFFFFFF0  }
0x68: {  	[bflag:$0x0] =	sbarrier.arrive $0xFFFF  }
0x69: {  	s1 =	rddreg [dreg:$0x2]  }
0x6a: {  	[tilespmem:s0], [sflag:$0x7] =	stream.linear.gather [spmem:s1], $0x2710, $0x38;
	[tilespmem:$0x1EC48] =	vst v63  }
0x6b: {  	_ =	swait.ge [sflag:s30], $0x2710  }
0x6c: {  	[sflag:s30] =	ssyncset.done $0x0  }
0x6d: {  	[sflag:s30] =	ssyncadd.s32 $0xFFFFD8F0  }
0x6e: {  	s9 =	simm.s32 $0x200;
	s1 =	simm.s32 $0x0;
	[bflag:$0x0] =	sbarrier.arrive $0xFFFF  }
.LBB2_6:
0x6f: {  	p0 =	sne.s32 s9, $0x9E00;
	[tilespmem:s1+$0x189E0] =	vst v1  }
0x70: {  	[tilespmem:s1+$0x18970] =	vst v1  }
0x71: {  	[tilespmem:s1+$0x18980] =	vst v1  }
.Ltmp2:
0x72: {  	[tilespmem:s1+$0x18990] =	vst v1;
	(pc) =	sbr.rel @p0 .LBB2_6-.Ltmp2, $4  }
0x73: {  	[tilespmem:s1+$0x189A0] =	vst v1  }
0x74: {  	[tilespmem:s1+$0x189B0] =	vst v1  }
0x75: {  	[tilespmem:s1+$0x189C0] =	vst v1  }
0x76: {  	[tilespmem:s1+$0x189D0] =	vst v1;
	s1 =	sshra.s32 s9, $0x2;
	s9 =	sadd.s32 $0x200, s9  }
0x77: {  	[tilespmem:s1+$0x189E0] =	vst v1  }
0x78: {  	[tilespmem:s1+$0x18970] =	vst v1  }
0x79: {  	[tilespmem:s1+$0x18980] =	vst v1  }
0x7a: {  	[tilespmem:s1+$0x18990] =	vst v1  }
0x7b: {  	[tilespmem:s1+$0x189A0] =	vst v1  }
0x7c: {  	[tilespmem:s1+$0x189B0] =	vst v1;
	p0 =	sne.s32 s12, $0x1  }
.Ltmp3:
0x7d: {  	[tilespmem:s1+$0x189C0] =	vst v1;
	(pc) =	sbr.rel @!p0 .LBB2_9-.Ltmp3, $4  }
0x7e: {  	[tilespmem:s1+$0x189D0] =	vst v1;
	s9 =	rddreg [dreg:$0xd]  }
0x7f: {  	[spmem:s9] =	stream.linear.scatter [tilespmem:s25], [sflag:$0x7], $0x2800, $0x38;
	[tilespmem:$0x1EC48] =	vst v63  }
0x80: {  	_ =	swait.ge [sflag:s30], $0x2800  }
0x81: {  	s1 =	sadd.s32 $0xFFFFFFFF, s12;
	[sflag:s30] =	ssyncset.done $0x0  }
.LBB2_8:
0x82: {  	p1 =	sne.s32 s1, $0x1;
	[sflag:s30] =	ssyncadd.s32 $0xFFFFD800;
	s9 =	sadd.s32 $0x28000, s9  }
.Ltmp4:
0x83: {  	s1 =	sadd.s32 $0xFFFFFFFF, s1;
	(pc) =	sbr.rel @p1 .LBB2_8-.Ltmp4, $4  }
0x84: {  	_ = 	snop  }
0x85: {  	[spmem:s9] =	stream.linear.scatter [tilespmem:s25], [sflag:$0x7], $0x2800, $0x38;
	[tilespmem:$0x1EC48] =	vst v63  }
0x86: {  	_ =	swait.ge [sflag:s30], $0x2800  }
0x87: {  	[sflag:s30] =	ssyncset.done $0x0  }
.LBB2_9:
0x88: {  	[sflag:s30] =	ssyncadd.s32 $0xFFFFD800  }
0x89: {  	[bflag:$0x0] =	sbarrier.arrive $0xFFFF  }
0x8a: {  	s1 =	simm.s32 $0x0;
	s10 =	simm.s32 $0x1B170;
	s9 =	rddreg [dreg:$0x7]  }
0x8b: {  	[tilespmem:s10], [sflag:$0x1] =	stream.linear.gather [hbm4b:s9+s1], $0x50, $0x38;
	[tilespmem:$0x1EC48] =	vst v63  }
0x8c: {  	s29 =	simm.s32 $0x13880;
	s18 =	sadd.s32 $0x0, s16;
	s28 =	rddreg [dreg:$0x8]  }
0x8d: {  	[tilespmem:s29], [sflag:$0x1] =	stream.linear.gather [hbm4b:s28+s1], $0x50, $0x38;
	[tilespmem:$0x1EC48] =	vst v63  }
0x8e: {  	s15 =	simm.s32 $0x139F0;
	s9 =	simm.s32 $0x40;
	s1 =	simm.s32 $0x13970  }
.LBB2_10:
0x8f: {  	[tilespmem:s1], [sflag:$0x1] =	stream.linear.gather [hbm4b:s18+s4], $0x40, $0x38;
	[tilespmem:$0x1EC48] =	vst v63  }
0x90: {  	s10 =	smov.u32 s9;
	s1 =	smov.u32 s15;
	p1 =	sne.s32 s9, $0x13C0  }
.Ltmp5:
0x91: {  	s9 =	sadd.s32 $0x40, s9;
	(pc) =	sbr.rel @p1 .LBB2_10-.Ltmp5, $2  }
0x92: {  	_ =	sdelay $0x2  }
0x93: {  	s15 =	sadd.s32 $0x80, s15;
	s18 =	sadd.s32 s10, s16  }
0x94: {  	[tilespmem:s1], [sflag:$0x1] =	stream.linear.gather [hbm4b:s18+s4], $0x40, $0x38;
	[tilespmem:$0x1EC48] =	vst v63  }
0x95: {  	s1 =	simm.s32 $0x0;
	s9 =	simm.s32 $0x139B0  }
0x96: {  	s15 =	simm.s32 $0x40;
	s22 =	sadd.s32 $0x0, s17;
	s18 =	simm.s32 $0x13A30  }
.LBB2_12:
0x97: {  	[tilespmem:s9], [sflag:$0x1] =	stream.linear.gather [hbm4b:s22+s1], $0x40, $0x38;
	[tilespmem:$0x1EC48] =	vst v63  }
0x98: {  	s10 =	smov.u32 s15;
	s9 =	smov.u32 s18;
	p1 =	sne.s32 s15, $0x13C0  }
.Ltmp6:
0x99: {  	s15 =	sadd.s32 $0x40, s15;
	(pc) =	sbr.rel @p1 .LBB2_12-.Ltmp6, $2  }
0x9a: {  	_ =	sdelay $0x2  }
0x9b: {  	s18 =	sadd.s32 $0x80, s18;
	s22 =	sadd.s32 s10, s17  }
0x9c: {  	[tilespmem:s9], [sflag:$0x1] =	stream.linear.gather [hbm4b:s22+s1], $0x40, $0x38;
	[tilespmem:$0x1EC48] =	vst v63  }
.LBB2_14:
0x9d: {  	p1 =	seq.s32 s1, $0x0  }
0x9e: {  	s9 =	simm.s32 @!p1 $0x5  }
0x9f: {  	s28 =	smul.u32 $0xF0, s1;
	_ =	swait.ge @!p1 [sflag:s9], $0x2800  }
0xa0: {  	s10 =	rddreg [dreg:$0x9]  }
0xa1: {  	s10 =	sadd.s32 s28, s10  }
0xa2: {  	s18 =	simm.s32 $0x0;
	[sflag:s9] =	ssyncset.done @!p1 $0x0;
	s15 =	sshrl.u32 s10, $0x3  }
0xa3: {  	s22 =	simm.s32 $0x1B1C0;
	[sflag:s9] =	ssyncadd.s32 @!p1 $0xFFFFD800;
	s9 =	sadd.s32 s7, s15  }
0xa4: {  	[tilespmem:s22], [sflag:$0x2] =	stream.linear.gather [hbm4b:s9+s18], $0x50, $0x38;
	[tilespmem:$0x1EC48] =	vst v63  }
0xa5: {  	s9 =	sshll.u32 s10, $0x9  }
0xa6: {  	s15 =	sadd.s32 s8, s15;
	s22 =	simm.s32 $0x138D0;
	s10 =	sor.u32 s11, s9  }
0xa7: {  	[tilespmem:s22], [sflag:$0x2] =	stream.linear.gather [hbm4b:s15+s18], $0x50, $0x38;
	[tilespmem:$0x1EC48] =	vst v63  }
0xa8: {  	s10 =	sshrl.u32 s10, $0x3  }
0xa9: {  	s29 =	simm.s32 $0x161F0;
	s15 =	sadd.s32 s6, s10  }
0xaa: {  	s18 =	simm.s32 $0x16170;
	s22 =	simm.s32 $0x40;
	s10 =	sadd.s32 $0x0, s15  }
.LBB2_15:
0xab: {  	[tilespmem:s18], [sflag:$0x2] =	stream.linear.gather [hbm4b:s10+s4], $0x40, $0x38;
	[tilespmem:$0x1EC48] =	vst v63  }
0xac: {  	s10 =	smov.u32 s22;
	s18 =	smov.u32 s29;
	p2 =	sne.s32 s22, $0x13C0  }
.Ltmp7:
0xad: {  	s22 =	sadd.s32 $0x40, s22;
	(pc) =	sbr.rel @p2 .LBB2_15-.Ltmp7, $2  }
0xae: {  	_ =	sdelay $0x2  }
0xaf: {  	s29 =	sadd.s32 $0x80, s29;
	s10 =	sadd.s32 s10, s15  }
0xb0: {  	[tilespmem:s18], [sflag:$0x2] =	stream.linear.gather [hbm4b:s10+s4], $0x40, $0x38;
	[tilespmem:$0x1EC48] =	vst v63  }
0xb1: {  	s9 =	sor.u32 s13, s9  }
0xb2: {  	s9 =	sshrl.u32 s9, $0x3  }
0xb3: {  	s15 =	simm.s32 $0x161B0;
	s9 =	sadd.s32 s6, s9  }
0xb4: {  	s18 =	simm.s32 $0x40;
	s22 =	simm.s32 $0x16230;
	s10 =	sadd.s32 $0x0, s9  }
.LBB2_17:
0xb5: {  	[tilespmem:s15], [sflag:$0x2] =	stream.linear.gather [hbm4b:s10+s4], $0x40, $0x38;
	[tilespmem:$0x1EC48] =	vst v63  }
0xb6: {  	s10 =	smov.u32 s18;
	s15 =	smov.u32 s22;
	p2 =	sne.s32 s18, $0x13C0  }
.Ltmp8:
0xb7: {  	s18 =	sadd.s32 $0x40, s18;
	(pc) =	sbr.rel @p2 .LBB2_17-.Ltmp8, $2  }
0xb8: {  	_ =	sdelay $0x2  }
0xb9: {  	s22 =	sadd.s32 $0x80, s22;
	s10 =	sadd.s32 s10, s9  }
0xba: {  	[tilespmem:s15], [sflag:$0x2] =	stream.linear.gather [hbm4b:s10+s4], $0x40, $0x38;
	[tilespmem:$0x1EC48] =	vst v63  }
0xbb: {  	_ =	swait.ge [sflag:s31], $0x50  }
0xbc: {  	[sflag:s31] =	ssyncset.done $0x0  }
0xbd: {  	[sflag:s31] =	ssyncadd.s32 $0xFFFFFFB0  }
0xbe: {  	_ =	swait.ge [sflag:s31], $0x50  }
0xbf: {  	[sflag:s31] =	ssyncset.done $0x0  }
0xc0: {  	[sflag:s31] =	ssyncadd.s32 $0xFFFFFFB0  }
0xc1: {  	_ =	swait.ge [sflag:s31], $0x1400  }
0xc2: {  	[sflag:s31] =	ssyncset.done $0x0  }
0xc3: {  	[sflag:s31] =	ssyncadd.s32 $0xFFFFEC00  }
0xc4: {  	_ =	swait.ge [sflag:s31], $0x1400  }
0xc5: {  	[sflag:s31] =	ssyncset.done $0x0  }
0xc6: {  	[sflag:s31] =	ssyncadd.s32 $0xFFFFEC00  }
0xc7: {  	v2 =	vld [tilespmem:$0x1B170];
	_ =	sdelay $0x5  }
0xc8: {  	v3 =	vld [tilespmem:$0x1B180];
	_ =	sdelay $0x1  }
0xc9: {  	v2 =	vld.idx.msk [tilespmem:v2+s0+$0x0], $0xffff;
	_ =	sdelay $0x3  }
0xca: {  	v4 =	vld [tilespmem:$0x1B190]  }
0xcb: {  	[tilespmem:$0x1EBF8] =	vst v2  }
0xcc: {  	v2 =	vld.idx.msk [tilespmem:v3+s0+$0x0], $0xffff;
	_ =	sdelay $0x3  }
0xcd: {  	v3 =	vld [tilespmem:$0x1B1A0]  }
0xce: {  	[tilespmem:$0x1EC08] =	vst v2  }
0xcf: {  	v2 =	vld.idx.msk [tilespmem:v4+s0+$0x0], $0xffff;
	_ =	sdelay $0x3  }
0xd0: {  	v4 =	vld [tilespmem:$0x1B1B0]  }
0xd1: {  	[tilespmem:$0x1EC18] =	vst v2  }
0xd2: {  	v2 =	vld.idx.msk [tilespmem:v3+s0+$0x0], $0xffff;
	_ =	sdelay $0x4  }
0xd3: {  	[tilespmem:$0x1EC28] =	vst v2  }
0xd4: {  	s9 =	simm.s32 $0x0;
	v2 =	vld.idx.msk [tilespmem:v4+s0+$0x0], $0xffff  }
0xd5: {  	v3 =	vmov s9  }
0xd6: {  	v3 =	vand.u32 $0xFFFFFFFC, v3  }
0xd7: {  	v3 =	vbroadcast v3, $0x0;
	_ =	sdelay $0x1  }
0xd8: {  	s22 =	simm.s32 $0x13A70;
	[tilespmem:$0x1EC38] =	vst v2  }
0xd9: {  	v2 =	vld [tilespmem:s22+$0xFFFFFF30]  }
0xda: {  	v4 =	vld [tilespmem:s22+$0xFFFFFF70]  }
0xdb: {  	v5 =	vld [tilespmem:s22+$0xFFFFFF60]  }
0xdc: {  	v3 =	vld.idx.msk [tilespmem:v3+s2+$0x0], $0xffff  }
0xdd: {  	v6 =	vld [tilespmem:s22+$0xFFFFFF40]  }
0xde: {  	v7 =	vld [tilespmem:s22+$0xFFFFFF50]  }
0xdf: {  	v8 =	vld [tilespmem:s22+$0xFFFFFF00]  }
0xe0: {  	s15 =	simm.s32 $0x1;
	v9 =	vld [tilespmem:s22+$0xFFFFFF10]  }
0xe1: {  	v11 =	vmov s15;
	v10 =	vld [tilespmem:s22+$0xFFFFFF20];
	v4 =	vmul.f32 v4, v3  }
0xe2: {  	v11 =	vand.u32 $0xFFFFFFFD, v11;
	v6 =	vmul.f32 v6, v3  }
0xe3: {  	v7 =	vmul.f32 v7, v3;
	v2 =	vadd.f32 v2, v4;
	v4 =	vbroadcast v11, $0x0  }
0xe4: {  	v3 =	vmul.f32 v5, v3;
	v5 =	vadd.f32 v8, v6  }
0xe5: {  	v6 =	vadd.f32 v9, v7;
	[tilespmem:s22+$0xFFFFFF30] =	vst v2  }
0xe6: {  	v2 =	vadd.f32 v10, v3;
	[tilespmem:s22+$0xFFFFFF00] =	vst v5  }
0xe7: {  	v7 =	vld [tilespmem:s22+$0xFFFFFF80];
	[tilespmem:s22+$0xFFFFFF10] =	vst v6  }
0xe8: {  	v8 =	vld [tilespmem:s22+$0xFFFFFFE0];
	[tilespmem:s22+$0xFFFFFF20] =	vst v2  }
0xe9: {  	v2 =	vld.idx.msk [tilespmem:v4+s2+$0x0], $0xffff  }
0xea: {  	v4 =	vld [tilespmem:s22+$0xFFFFFFC0]  }
0xeb: {  	v6 =	vld [tilespmem:s22+$0xFFFFFFD0]  }
0xec: {  	v5 =	vld [tilespmem:s22+$0xFFFFFFF0]  }
0xed: {  	v3 =	vld [tilespmem:s22+$0xFFFFFF90]  }
0xee: {  	s18 =	simm.s32 $0x2;
	v59 =	vld [tilespmem:s22+$0xFFFFFFB0]  }
0xef: {  	v61 =	vmov s18;
	v60 =	vld [tilespmem:s22+$0xFFFFFFA0];
	v4 =	vmul.f32 v4, v2  }
0xf0: {  	v11 =	vand.u32 $0xFFFFFFFE, v61;
	v6 =	vmul.f32 v6, v2  }
0xf1: {  	v5 =	vmul.f32 v5, v2;
	v4 =	vadd.f32 v7, v4;
	v7 =	vbroadcast v11, $0x0  }
0xf2: {  	v2 =	vmul.f32 v8, v2;
	v3 =	vadd.f32 v3, v6  }
0xf3: {  	v5 =	vadd.f32 v59, v5;
	[tilespmem:s22+$0xFFFFFF80] =	vst v4  }
0xf4: {  	v8 =	vld [tilespmem:s22+$0x70];
	v2 =	vadd.f32 v60, v2;
	[tilespmem:s22+$0xFFFFFF90] =	vst v3  }
0xf5: {  	v6 =	vld [tilespmem:s22+$0x60];
	[tilespmem:s22+$0xFFFFFFB0] =	vst v5  }
0xf6: {  	[tilespmem:s22+$0xFFFFFFA0] =	vst v2;
	v5 =	vld [tilespmem:s22+$0x40]  }
0xf7: {  	v4 =	vld.idx.msk [tilespmem:v7+s2+$0x0], $0xffff  }
0xf8: {  	v2 =	vld [tilespmem:s22+$0x50]  }
0xf9: {  	v7 =	vld [tilespmem:s22+$0x0]  }
0xfa: {  	v3 =	vld [tilespmem:s22+$0x10]  }
0xfb: {  	v62 =	vld [tilespmem:s22+$0x20]  }
0xfc: {  	v63 =	vld [tilespmem:s22+$0x30];
	v5 =	vmul.f32 v5, v4  }
0xfd: {  	v2 =	vmul.f32 v2, v4  }
0xfe: {  	s29 =	simm.s32 $0x3;
	v6 =	vmul.f32 v6, v4;
	v5 =	vadd.f32 v7, v5  }
0xff: {  	v4 =	vmul.f32 v8, v4;
	v8 =	vmov s29;
	v7 =	vadd.f32 v3, v2  }
0x100: {  	v3 =	vld [tilespmem:s22+$0xC0];
	v6 =	vadd.f32 v62, v6;
	[tilespmem:s22+$0x0] =	vst v5  }
0x101: {  	v2 =	vld [tilespmem:s22+$0xD0];
	v5 =	vadd.f32 v63, v4;
	[tilespmem:s22+$0x10] =	vst v7  }
0x102: {  	[tilespmem:s22+$0x20] =	vst v6;
	v4 =	vld [tilespmem:s22+$0xF0]  }
0x103: {  	[tilespmem:s22+$0x30] =	vst v5;
	v5 =	vld [tilespmem:s22+$0xE0]  }
0x104: {  	s18 =	simm.s32 $0x13A70;
	s9 =	simm.s32 $0x4;
	v6 =	vld.idx.msk [tilespmem:v8+s2+$0x0], $0xffff  }
.LBB2_19:
0x105: {  	p2 =	slt.u32 s9, $0x4C  }
0x106: {  	v7 =	vld [tilespmem:s22+$0x80];
	s18 =	sadd.s32 $0x200, s18;
	s15 =	smov.u32 s9;
	s9 =	sadd.s32 $0x4, s9  }
0x107: {  	v8 =	vld [tilespmem:s22+$0xB0]  }
0x108: {  	v9 =	vld [tilespmem:s22+$0x90]  }
0x109: {  	v10 =	vld [tilespmem:s22+$0xA0]  }
0x10a: {  	v11 =	vld [tilespmem:s18+$0xC0]  }
0x10b: {  	v12 =	vmov s15;
	v3 =	vmul.f32 v3, v6;
	v13 =	vmul.f32 v2, v6;
	v2 =	vld [tilespmem:s18+$0xD0]  }
0x10c: {  	v12 =	vand.u32 $0xFFFFFFFC, v12;
	v5 =	vmul.f32 v5, v6;
	v4 =	vmul.f32 v4, v6  }
0x10d: {  	v6 =	vbroadcast v12, $0x0;
	v12 =	vadd.f32 v7, v3;
	v7 =	vadd.f32 v9, v13  }
0x10e: {  	v4 =	vadd.f32 v8, v4;
	v5 =	vadd.f32 v10, v5  }
0x10f: {  	v8 =	vld [tilespmem:s18+$0xFFFFFF20];
	[tilespmem:s22+$0x80] =	vst v12;
	v3 =	vmov v11  }
0x110: {  	v9 =	vld [tilespmem:s18+$0xFFFFFF30];
	[tilespmem:s22+$0x90] =	vst v7  }
0x111: {  	v7 =	vld [tilespmem:s18+$0xFFFFFF70];
	[tilespmem:s22+$0xB0] =	vst v4  }
0x112: {  	v4 =	vld [tilespmem:s18+$0xFFFFFF60];
	[tilespmem:s22+$0xA0] =	vst v5;
	s22 =	smov.u32 s18  }
0x113: {  	v5 =	vld.idx.msk [tilespmem:v6+s2+$0x0], $0xffff  }
0x114: {  	v6 =	vld [tilespmem:s18+$0xFFFFFF40]  }
0x115: {  	v10 =	vld [tilespmem:s18+$0xFFFFFF50]  }
0x116: {  	v11 =	vld [tilespmem:s18+$0xFFFFFF00]  }
0x117: {  	v12 =	vld [tilespmem:s18+$0xFFFFFF10]  }
0x118: {  	s10 =	sadd.s32 $0x1, s15  }
0x119: {  	v13 =	vmov s10;
	v7 =	vmul.f32 v7, v5;
	v6 =	vmul.f32 v6, v5  }
0x11a: {  	v4 =	vmul.f32 v4, v5;
	v10 =	vmul.f32 v10, v5;
	v5 =	vand.u32 $0xFFFFFFFD, v13  }
0x11b: {  	v7 =	vadd.f32 v9, v7;
	v6 =	vadd.f32 v11, v6;
	v5 =	vbroadcast v5, $0x0  }
0x11c: {  	v4 =	vadd.f32 v8, v4;
	v9 =	vadd.f32 v12, v10  }
0x11d: {  	[tilespmem:s18+$0xFFFFFF30] =	vst v7;
	v7 =	vld [tilespmem:s18+$0xFFFFFFB0]  }
0x11e: {  	[tilespmem:s18+$0xFFFFFF00] =	vst v6;
	v6 =	vld [tilespmem:s18+$0xFFFFFF90]  }
0x11f: {  	[tilespmem:s18+$0xFFFFFF10] =	vst v9;
	v8 =	vld [tilespmem:s18+$0xFFFFFFF0]  }
0x120: {  	[tilespmem:s18+$0xFFFFFF20] =	vst v4;
	v4 =	vld [tilespmem:s18+$0xFFFFFFD0]  }
0x121: {  	v5 =	vld.idx.msk [tilespmem:v5+s2+$0x0], $0xffff  }
0x122: {  	v9 =	vld [tilespmem:s18+$0xFFFFFFC0]  }
0x123: {  	v10 =	vld [tilespmem:s18+$0xFFFFFFE0]  }
0x124: {  	v11 =	vld [tilespmem:s18+$0xFFFFFF80]  }
0x125: {  	v12 =	vld [tilespmem:s18+$0xFFFFFFA0]  }
0x126: {  	s10 =	sadd.s32 $0x2, s15  }
0x127: {  	v13 =	vmov s10;
	v4 =	vmul.f32 v4, v5;
	v9 =	vmul.f32 v9, v5  }
0x128: {  	v10 =	vmul.f32 v10, v5;
	v5 =	vmul.f32 v8, v5;
	v8 =	vand.u32 $0xFFFFFFFE, v13  }
0x129: {  	v4 =	vadd.f32 v6, v4;
	v9 =	vadd.f32 v11, v9;
	v6 =	vbroadcast v8, $0x0  }
0x12a: {  	v8 =	vadd.f32 v12, v10;
	v5 =	vadd.f32 v7, v5  }
0x12b: {  	[tilespmem:s18+$0xFFFFFF80] =	vst v9;
	v7 =	vld [tilespmem:s18+$0x30]  }
0x12c: {  	[tilespmem:s18+$0xFFFFFF90] =	vst v4;
	v4 =	vld [tilespmem:s18+$0x10]  }
0x12d: {  	[tilespmem:s18+$0xFFFFFFB0] =	vst v5;
	v5 =	vld [tilespmem:s18+$0x70]  }
0x12e: {  	[tilespmem:s18+$0xFFFFFFA0] =	vst v8;
	v8 =	vld [tilespmem:s18+$0x50]  }
0x12f: {  	v6 =	vld.idx.msk [tilespmem:v6+s2+$0x0], $0xffff  }
0x130: {  	v9 =	vld [tilespmem:s18+$0x40]  }
0x131: {  	v10 =	vld [tilespmem:s18+$0x60]  }
0x132: {  	v11 =	vld [tilespmem:s18+$0x0]  }
0x133: {  	v12 =	vld [tilespmem:s18+$0x20];
	_ =	sdelay $0x1  }
0x134: {  	v8 =	vmul.f32 v8, v6;
	v9 =	vmul.f32 v9, v6  }
0x135: {  	v5 =	vmul.f32 v5, v6;
	v10 =	vmul.f32 v10, v6  }
0x136: {  	s10 =	sadd.s32 $0x3, s15;
	v4 =	vadd.f32 v4, v8;
	v6 =	vadd.f32 v11, v9  }
0x137: {  	v5 =	vadd.f32 v7, v5;
	v7 =	vmov s10;
	v8 =	vadd.f32 v12, v10  }
.Ltmp9:
0x138: {  	[tilespmem:s18+$0x0] =	vst v6;
	(pc) =	sbr.rel @p2 .LBB2_19-.Ltmp9, $4  }
0x139: {  	[tilespmem:s18+$0x10] =	vst v4  }
0x13a: {  	[tilespmem:s18+$0x20] =	vst v8;
	v4 =	vld [tilespmem:s18+$0xF0]  }
0x13b: {  	[tilespmem:s18+$0x30] =	vst v5;
	v5 =	vld [tilespmem:s18+$0xE0]  }
0x13c: {  	v6 =	vld.idx.msk [tilespmem:v7+s2+$0x0], $0xffff  }
0x13d: {  	_ = 	snop  }
0x13e: {  	v7 =	vld [tilespmem:s22+$0x80]  }
0x13f: {  	v8 =	vld [tilespmem:s22+$0x90]  }
0x140: {  	v9 =	vld [tilespmem:s22+$0xB0]  }
0x141: {  	v10 =	vld [tilespmem:s22+$0xA0];
	v3 =	vmul.f32 v3, v6  }
0x142: {  	v2 =	vmul.f32 v2, v6  }
0x143: {  	v4 =	vmul.f32 v4, v6;
	v3 =	vadd.f32 v7, v3  }
0x144: {  	v5 =	vmul.f32 v5, v6;
	v2 =	vadd.f32 v8, v2  }
0x145: {  	v4 =	vadd.f32 v9, v4;
	[tilespmem:s22+$0x80] =	vst v3  }
0x146: {  	v3 =	vadd.f32 v10, v5;
	[tilespmem:s22+$0x90] =	vst v2  }
0x147: {  	p2 =	seq.s32 @!p1 s1, $0x29;
	[tilespmem:s22+$0xB0] =	vst v4  }
0x148: {  	s9 =	simm.s32 $0x13880;
	s10 =	simm.s32 $0x13970;
	p2 =	por p1, !p2;
	[tilespmem:s22+$0xA0] =	vst v3  }
0x149: {  	[spmem:s3] =	stream.indirect.scatter.add.f32 [tilespmem:s10], [sflag:$0x4], $0x80, s9, s5, $0xb8;
	[tilespmem:$0x1EC48] =	vst v63  }
.Ltmp10:
0x14a: {  	_ = 	snop;
	(pc) =	sbr.rel @!p2 .LBB2_26-.Ltmp10, $4  }
0x14b: {  	s9 =	simm.s32 @!p1 $0x6  }
0x14c: {  	_ =	swait.ge @!p1 [sflag:s9], $0x2800  }
0x14d: {  	[sflag:s9] =	ssyncset.done @!p1 $0x0  }
0x14e: {  	[sflag:s9] =	ssyncadd.s32 @!p1 $0xFFFFD800  }
0x14f: {  	s9 =	rddreg [dreg:$0xa]  }
0x150: {  	s9 =	sadd.s32 s28, s9  }
0x151: {  	s10 =	sshrl.u32 s9, $0x3  }
0x152: {  	s18 =	simm.s32 $0x0;
	s22 =	simm.s32 $0x1B210;
	s15 =	sadd.s32 s7, s10  }
0x153: {  	[tilespmem:s22], [sflag:$0x3] =	stream.linear.gather [hbm4b:s15+s18], $0x50, $0x38;
	[tilespmem:$0x1EC48] =	vst v63  }
0x154: {  	s9 =	sshll.u32 s9, $0x9;
	s10 =	sadd.s32 s8, s10;
	s22 =	simm.s32 $0x13920  }
0x155: {  	[tilespmem:s22], [sflag:$0x3] =	stream.linear.gather [hbm4b:s10+s18], $0x50, $0x38;
	[tilespmem:$0x1EC48] =	vst v63  }
0x156: {  	s22 =	sor.u32 s11, s9  }
0x157: {  	s10 =	sshrl.u32 s22, $0x3  }
0x158: {  	s29 =	simm.s32 $0x189F0;
	s15 =	sadd.s32 s6, s10  }
0x159: {  	s18 =	simm.s32 $0x18970;
	s22 =	simm.s32 $0x40;
	s10 =	sadd.s32 $0x0, s15  }
.LBB2_22:
0x15a: {  	[tilespmem:s18], [sflag:$0x3] =	stream.linear.gather [hbm4b:s10+s4], $0x40, $0x38;
	[tilespmem:$0x1EC48] =	vst v63  }
0x15b: {  	s10 =	smov.u32 s22;
	s18 =	smov.u32 s29;
	p1 =	sne.s32 s22, $0x13C0  }
.Ltmp11:
0x15c: {  	s22 =	sadd.s32 $0x40, s22;
	(pc) =	sbr.rel @p1 .LBB2_22-.Ltmp11, $2  }
0x15d: {  	_ =	sdelay $0x2  }
0x15e: {  	s29 =	sadd.s32 $0x80, s29;
	s10 =	sadd.s32 s10, s15  }
0x15f: {  	[tilespmem:s18], [sflag:$0x3] =	stream.linear.gather [hbm4b:s10+s4], $0x40, $0x38;
	[tilespmem:$0x1EC48] =	vst v63  }
0x160: {  	s9 =	sor.u32 s13, s9  }
0x161: {  	s9 =	sshrl.u32 s9, $0x3  }
0x162: {  	s15 =	simm.s32 $0x189B0;
	s9 =	sadd.s32 s6, s9  }
0x163: {  	s18 =	simm.s32 $0x40;
	s22 =	simm.s32 $0x18A30;
	s10 =	sadd.s32 $0x0, s9  }
.LBB2_24:
0x164: {  	[tilespmem:s15], [sflag:$0x3] =	stream.linear.gather [hbm4b:s10+s4], $0x40, $0x38;
	[tilespmem:$0x1EC48] =	vst v63  }
0x165: {  	s10 =	smov.u32 s18;
	s15 =	smov.u32 s22;
	p1 =	sne.s32 s18, $0x13C0  }
.Ltmp12:
0x166: {  	s18 =	sadd.s32 $0x40, s18;
	(pc) =	sbr.rel @p1 .LBB2_24-.Ltmp12, $2  }
0x167: {  	_ =	sdelay $0x2  }
0x168: {  	s22 =	sadd.s32 $0x80, s22;
	s10 =	sadd.s32 s10, s9  }
0x169: {  	[tilespmem:s15], [sflag:$0x3] =	stream.linear.gather [hbm4b:s10+s4], $0x40, $0x38;
	[tilespmem:$0x1EC48] =	vst v63  }
.LBB2_26:
0x16a: {  	_ =	swait.ge [sflag:s19], $0x50  }
0x16b: {  	[sflag:s19] =	ssyncset.done $0x0  }
0x16c: {  	[sflag:s19] =	ssyncadd.s32 $0xFFFFFFB0  }
0x16d: {  	_ =	swait.ge [sflag:s19], $0x50  }
0x16e: {  	[sflag:s19] =	ssyncset.done $0x0  }
0x16f: {  	[sflag:s19] =	ssyncadd.s32 $0xFFFFFFB0  }
0x170: {  	_ =	swait.ge [sflag:s19], $0x1400  }
0x171: {  	[sflag:s19] =	ssyncset.done $0x0  }
0x172: {  	[sflag:s19] =	ssyncadd.s32 $0xFFFFEC00  }
0x173: {  	_ =	swait.ge [sflag:s19], $0x1400  }
0x174: {  	[sflag:s19] =	ssyncset.done $0x0  }
0x175: {  	[sflag:s19] =	ssyncadd.s32 $0xFFFFEC00  }
0x176: {  	v2 =	vld [tilespmem:$0x1B1C0];
	_ =	sdelay $0x5  }
0x177: {  	v3 =	vld [tilespmem:$0x1B1D0];
	_ =	sdelay $0x1  }
0x178: {  	v2 =	vld.idx.msk [tilespmem:v2+s0+$0x0], $0xffff;
	_ =	sdelay $0x3  }
0x179: {  	v4 =	vld [tilespmem:$0x1B1E0]  }
0x17a: {  	[tilespmem:$0x1EBF8] =	vst v2  }
0x17b: {  	v2 =	vld.idx.msk [tilespmem:v3+s0+$0x0], $0xffff;
	_ =	sdelay $0x3  }
0x17c: {  	v3 =	vld [tilespmem:$0x1B1F0]  }
0x17d: {  	[tilespmem:$0x1EC08] =	vst v2  }
0x17e: {  	v2 =	vld.idx.msk [tilespmem:v4+s0+$0x0], $0xffff;
	_ =	sdelay $0x3  }
0x17f: {  	v4 =	vld [tilespmem:$0x1B200]  }
0x180: {  	[tilespmem:$0x1EC18] =	vst v2  }
0x181: {  	v2 =	vld.idx.msk [tilespmem:v3+s0+$0x0], $0xffff;
	_ =	sdelay $0x4  }
0x182: {  	[tilespmem:$0x1EC28] =	vst v2  }
0x183: {  	s9 =	simm.s32 $0x0;
	v2 =	vld.idx.msk [tilespmem:v4+s0+$0x0], $0xffff  }
0x184: {  	v3 =	vmov s9  }
0x185: {  	v3 =	vand.u32 $0xFFFFFFFC, v3  }
0x186: {  	v3 =	vbroadcast v3, $0x0;
	_ =	sdelay $0x1  }
0x187: {  	s22 =	simm.s32 $0x16270;
	[tilespmem:$0x1EC38] =	vst v2  }
0x188: {  	v2 =	vld [tilespmem:s22+$0xFFFFFF30]  }
0x189: {  	v4 =	vld [tilespmem:s22+$0xFFFFFF70]  }
0x18a: {  	v5 =	vld [tilespmem:s22+$0xFFFFFF60]  }
0x18b: {  	v3 =	vld.idx.msk [tilespmem:v3+s2+$0x0], $0xffff  }
0x18c: {  	v6 =	vld [tilespmem:s22+$0xFFFFFF40]  }
0x18d: {  	v7 =	vld [tilespmem:s22+$0xFFFFFF50]  }
0x18e: {  	v8 =	vld [tilespmem:s22+$0xFFFFFF00]  }
0x18f: {  	s15 =	simm.s32 $0x1;
	v9 =	vld [tilespmem:s22+$0xFFFFFF10]  }
0x190: {  	v11 =	vmov s15;
	v10 =	vld [tilespmem:s22+$0xFFFFFF20];
	v4 =	vmul.f32 v4, v3  }
0x191: {  	v11 =	vand.u32 $0xFFFFFFFD, v11;
	v6 =	vmul.f32 v6, v3  }
0x192: {  	v7 =	vmul.f32 v7, v3;
	v2 =	vadd.f32 v2, v4;
	v4 =	vbroadcast v11, $0x0  }
0x193: {  	v3 =	vmul.f32 v5, v3;
	v5 =	vadd.f32 v8, v6  }
0x194: {  	v6 =	vadd.f32 v9, v7;
	[tilespmem:s22+$0xFFFFFF30] =	vst v2  }
0x195: {  	v2 =	vadd.f32 v10, v3;
	[tilespmem:s22+$0xFFFFFF00] =	vst v5  }
0x196: {  	v7 =	vld [tilespmem:s22+$0xFFFFFF80];
	[tilespmem:s22+$0xFFFFFF10] =	vst v6  }
0x197: {  	v8 =	vld [tilespmem:s22+$0xFFFFFFE0];
	[tilespmem:s22+$0xFFFFFF20] =	vst v2  }
0x198: {  	v2 =	vld.idx.msk [tilespmem:v4+s2+$0x0], $0xffff  }
0x199: {  	v4 =	vld [tilespmem:s22+$0xFFFFFFC0]  }
0x19a: {  	v6 =	vld [tilespmem:s22+$0xFFFFFFD0]  }
0x19b: {  	v5 =	vld [tilespmem:s22+$0xFFFFFFF0]  }
0x19c: {  	v3 =	vld [tilespmem:s22+$0xFFFFFF90]  }
0x19d: {  	s18 =	simm.s32 $0x2;
	v59 =	vld [tilespmem:s22+$0xFFFFFFB0]  }
0x19e: {  	v61 =	vmov s18;
	v60 =	vld [tilespmem:s22+$0xFFFFFFA0];
	v4 =	vmul.f32 v4, v2  }
0x19f: {  	v11 =	vand.u32 $0xFFFFFFFE, v61;
	v6 =	vmul.f32 v6, v2  }
0x1a0: {  	v5 =	vmul.f32 v5, v2;
	v4 =	vadd.f32 v7, v4;
	v7 =	vbroadcast v11, $0x0  }
0x1a1: {  	v2 =	vmul.f32 v8, v2;
	v3 =	vadd.f32 v3, v6  }
0x1a2: {  	v5 =	vadd.f32 v59, v5;
	[tilespmem:s22+$0xFFFFFF80] =	vst v4  }
0x1a3: {  	v8 =	vld [tilespmem:s22+$0x70];
	v2 =	vadd.f32 v60, v2;
	[tilespmem:s22+$0xFFFFFF90] =	vst v3  }
0x1a4: {  	v6 =	vld [tilespmem:s22+$0x60];
	[tilespmem:s22+$0xFFFFFFB0] =	vst v5  }
0x1a5: {  	[tilespmem:s22+$0xFFFFFFA0] =	vst v2;
	v5 =	vld [tilespmem:s22+$0x40]  }
0x1a6: {  	v4 =	vld.idx.msk [tilespmem:v7+s2+$0x0], $0xffff  }
0x1a7: {  	v2 =	vld [tilespmem:s22+$0x50]  }
0x1a8: {  	v7 =	vld [tilespmem:s22+$0x0]  }
0x1a9: {  	v3 =	vld [tilespmem:s22+$0x10]  }
0x1aa: {  	v62 =	vld [tilespmem:s22+$0x20]  }
0x1ab: {  	v63 =	vld [tilespmem:s22+$0x30];
	v5 =	vmul.f32 v5, v4  }
0x1ac: {  	v2 =	vmul.f32 v2, v4  }
0x1ad: {  	s29 =	simm.s32 $0x3;
	v6 =	vmul.f32 v6, v4;
	v5 =	vadd.f32 v7, v5  }
0x1ae: {  	v4 =	vmul.f32 v8, v4;
	v8 =	vmov s29;
	v7 =	vadd.f32 v3, v2  }
0x1af: {  	v3 =	vld [tilespmem:s22+$0xC0];
	v6 =	vadd.f32 v62, v6;
	[tilespmem:s22+$0x0] =	vst v5  }
0x1b0: {  	v2 =	vld [tilespmem:s22+$0xD0];
	v5 =	vadd.f32 v63, v4;
	[tilespmem:s22+$0x10] =	vst v7  }
0x1b1: {  	[tilespmem:s22+$0x20] =	vst v6;
	v4 =	vld [tilespmem:s22+$0xF0]  }
0x1b2: {  	[tilespmem:s22+$0x30] =	vst v5;
	v5 =	vld [tilespmem:s22+$0xE0]  }
0x1b3: {  	s18 =	simm.s32 $0x16270;
	s9 =	simm.s32 $0x4;
	v6 =	vld.idx.msk [tilespmem:v8+s2+$0x0], $0xffff  }
.LBB2_27:
0x1b4: {  	p1 =	slt.u32 s9, $0x4C  }
0x1b5: {  	v7 =	vld [tilespmem:s22+$0x80];
	s18 =	sadd.s32 $0x200, s18;
	s15 =	smov.u32 s9;
	s9 =	sadd.s32 $0x4, s9  }
0x1b6: {  	v8 =	vld [tilespmem:s22+$0xB0]  }
0x1b7: {  	v9 =	vld [tilespmem:s22+$0x90]  }
0x1b8: {  	v10 =	vld [tilespmem:s22+$0xA0]  }
0x1b9: {  	v11 =	vld [tilespmem:s18+$0xC0]  }
0x1ba: {  	v12 =	vmov s15;
	v3 =	vmul.f32 v3, v6;
	v13 =	vmul.f32 v2, v6;
	v2 =	vld [tilespmem:s18+$0xD0]  }
0x1bb: {  	v12 =	vand.u32 $0xFFFFFFFC, v12;
	v5 =	vmul.f32 v5, v6;
	v4 =	vmul.f32 v4, v6  }
0x1bc: {  	v6 =	vbroadcast v12, $0x0;
	v12 =	vadd.f32 v7, v3;
	v7 =	vadd.f32 v9, v13  }
0x1bd: {  	v4 =	vadd.f32 v8, v4;
	v5 =	vadd.f32 v10, v5  }
0x1be: {  	v8 =	vld [tilespmem:s18+$0xFFFFFF20];
	[tilespmem:s22+$0x80] =	vst v12;
	v3 =	vmov v11  }
0x1bf: {  	v9 =	vld [tilespmem:s18+$0xFFFFFF30];
	[tilespmem:s22+$0x90] =	vst v7  }
0x1c0: {  	v7 =	vld [tilespmem:s18+$0xFFFFFF70];
	[tilespmem:s22+$0xB0] =	vst v4  }
0x1c1: {  	v4 =	vld [tilespmem:s18+$0xFFFFFF60];
	[tilespmem:s22+$0xA0] =	vst v5;
	s22 =	smov.u32 s18  }
0x1c2: {  	v5 =	vld.idx.msk [tilespmem:v6+s2+$0x0], $0xffff  }
0x1c3: {  	v6 =	vld [tilespmem:s18+$0xFFFFFF40]  }
0x1c4: {  	v10 =	vld [tilespmem:s18+$0xFFFFFF50]  }
0x1c5: {  	v11 =	vld [tilespmem:s18+$0xFFFFFF00]  }
0x1c6: {  	v12 =	vld [tilespmem:s18+$0xFFFFFF10]  }
0x1c7: {  	s10 =	sadd.s32 $0x1, s15  }
0x1c8: {  	v13 =	vmov s10;
	v7 =	vmul.f32 v7, v5;
	v6 =	vmul.f32 v6, v5  }
0x1c9: {  	v4 =	vmul.f32 v4, v5;
	v10 =	vmul.f32 v10, v5;
	v5 =	vand.u32 $0xFFFFFFFD, v13  }
0x1ca: {  	v7 =	vadd.f32 v9, v7;
	v6 =	vadd.f32 v11, v6;
	v5 =	vbroadcast v5, $0x0  }
0x1cb: {  	v4 =	vadd.f32 v8, v4;
	v9 =	vadd.f32 v12, v10  }
0x1cc: {  	[tilespmem:s18+$0xFFFFFF30] =	vst v7;
	v7 =	vld [tilespmem:s18+$0xFFFFFFB0]  }
0x1cd: {  	[tilespmem:s18+$0xFFFFFF00] =	vst v6;
	v6 =	vld [tilespmem:s18+$0xFFFFFF90]  }
0x1ce: {  	[tilespmem:s18+$0xFFFFFF10] =	vst v9;
	v8 =	vld [tilespmem:s18+$0xFFFFFFF0]  }
0x1cf: {  	[tilespmem:s18+$0xFFFFFF20] =	vst v4;
	v4 =	vld [tilespmem:s18+$0xFFFFFFD0]  }
0x1d0: {  	v5 =	vld.idx.msk [tilespmem:v5+s2+$0x0], $0xffff  }
0x1d1: {  	v9 =	vld [tilespmem:s18+$0xFFFFFFC0]  }
0x1d2: {  	v10 =	vld [tilespmem:s18+$0xFFFFFFE0]  }
0x1d3: {  	v11 =	vld [tilespmem:s18+$0xFFFFFF80]  }
0x1d4: {  	v12 =	vld [tilespmem:s18+$0xFFFFFFA0]  }
0x1d5: {  	s10 =	sadd.s32 $0x2, s15  }
0x1d6: {  	v13 =	vmov s10;
	v4 =	vmul.f32 v4, v5;
	v9 =	vmul.f32 v9, v5  }
0x1d7: {  	v10 =	vmul.f32 v10, v5;
	v5 =	vmul.f32 v8, v5;
	v8 =	vand.u32 $0xFFFFFFFE, v13  }
0x1d8: {  	v4 =	vadd.f32 v6, v4;
	v9 =	vadd.f32 v11, v9;
	v6 =	vbroadcast v8, $0x0  }
0x1d9: {  	v8 =	vadd.f32 v12, v10;
	v5 =	vadd.f32 v7, v5  }
0x1da: {  	[tilespmem:s18+$0xFFFFFF80] =	vst v9;
	v7 =	vld [tilespmem:s18+$0x30]  }
0x1db: {  	[tilespmem:s18+$0xFFFFFF90] =	vst v4;
	v4 =	vld [tilespmem:s18+$0x10]  }
0x1dc: {  	[tilespmem:s18+$0xFFFFFFB0] =	vst v5;
	v5 =	vld [tilespmem:s18+$0x70]  }
0x1dd: {  	[tilespmem:s18+$0xFFFFFFA0] =	vst v8;
	v8 =	vld [tilespmem:s18+$0x50]  }
0x1de: {  	v6 =	vld.idx.msk [tilespmem:v6+s2+$0x0], $0xffff  }
0x1df: {  	v9 =	vld [tilespmem:s18+$0x40]  }
0x1e0: {  	v10 =	vld [tilespmem:s18+$0x60]  }
0x1e1: {  	v11 =	vld [tilespmem:s18+$0x0]  }
0x1e2: {  	v12 =	vld [tilespmem:s18+$0x20];
	_ =	sdelay $0x1  }
0x1e3: {  	v8 =	vmul.f32 v8, v6;
	v9 =	vmul.f32 v9, v6  }
0x1e4: {  	v5 =	vmul.f32 v5, v6;
	v10 =	vmul.f32 v10, v6  }
0x1e5: {  	s10 =	sadd.s32 $0x3, s15;
	v4 =	vadd.f32 v4, v8;
	v6 =	vadd.f32 v11, v9  }
0x1e6: {  	v5 =	vadd.f32 v7, v5;
	v7 =	vmov s10;
	v8 =	vadd.f32 v12, v10  }
.Ltmp13:
0x1e7: {  	[tilespmem:s18+$0x0] =	vst v6;
	(pc) =	sbr.rel @p1 .LBB2_27-.Ltmp13, $4  }
0x1e8: {  	[tilespmem:s18+$0x10] =	vst v4  }
0x1e9: {  	[tilespmem:s18+$0x20] =	vst v8;
	v4 =	vld [tilespmem:s18+$0xF0]  }
0x1ea: {  	[tilespmem:s18+$0x30] =	vst v5;
	v5 =	vld [tilespmem:s18+$0xE0]  }
0x1eb: {  	v6 =	vld.idx.msk [tilespmem:v7+s2+$0x0], $0xffff  }
0x1ec: {  	_ = 	snop  }
0x1ed: {  	v7 =	vld [tilespmem:s22+$0x80]  }
0x1ee: {  	v8 =	vld [tilespmem:s22+$0x90]  }
0x1ef: {  	v9 =	vld [tilespmem:s22+$0xB0]  }
0x1f0: {  	v10 =	vld [tilespmem:s22+$0xA0];
	v3 =	vmul.f32 v3, v6  }
0x1f1: {  	v2 =	vmul.f32 v2, v6  }
0x1f2: {  	v4 =	vmul.f32 v4, v6;
	v3 =	vadd.f32 v7, v3  }
0x1f3: {  	v5 =	vmul.f32 v5, v6;
	v2 =	vadd.f32 v8, v2  }
0x1f4: {  	v4 =	vadd.f32 v9, v4;
	[tilespmem:s22+$0x80] =	vst v3  }
0x1f5: {  	v3 =	vadd.f32 v10, v5;
	[tilespmem:s22+$0x90] =	vst v2  }
0x1f6: {  	p1 =	seq.s32 s1, $0x29;
	[tilespmem:s22+$0xB0] =	vst v4  }
.Ltmp14:
0x1f7: {  	s9 =	simm.s32 $0x138D0;
	s10 =	simm.s32 $0x16170;
	[tilespmem:s22+$0xA0] =	vst v3;
	(pc) =	sbr.rel @p1 .LBB2_36-.Ltmp14, $4  }
0x1f8: {  	[spmem:s3] =	stream.indirect.scatter.add.f32 [tilespmem:s10], [sflag:$0x5], $0x80, s9, s5, $0xb8;
	[tilespmem:$0x1EC48] =	vst v63  }
0x1f9: {  	_ =	swait.ge [sflag:s14], $0x2800  }
0x1fa: {  	[sflag:s14] =	ssyncset.done $0x0  }
0x1fb: {  	[sflag:s14] =	ssyncadd.s32 $0xFFFFD800  }
0x1fc: {  	s9 =	rddreg [dreg:$0xb]  }
0x1fd: {  	s9 =	sadd.s32 s28, s9  }
0x1fe: {  	s18 =	simm.s32 $0x0;
	s10 =	sshrl.u32 s9, $0x3  }
0x1ff: {  	s22 =	simm.s32 $0x1B170;
	s9 =	sshll.u32 s9, $0x9;
	s15 =	sadd.s32 s7, s10  }
0x200: {  	[tilespmem:s22], [sflag:$0x1] =	stream.linear.gather [hbm4b:s15+s18], $0x50, $0x38;
	[tilespmem:$0x1EC48] =	vst v63  }
0x201: {  	s10 =	sadd.s32 s8, s10;
	s29 =	sor.u32 s11, s9;
	s22 =	simm.s32 $0x13880  }
0x202: {  	[tilespmem:s22], [sflag:$0x1] =	stream.linear.gather [hbm4b:s10+s18], $0x50, $0x38;
	[tilespmem:$0x1EC48] =	vst v63  }
0x203: {  	s10 =	sshrl.u32 s29, $0x3  }
0x204: {  	s28 =	simm.s32 $0x139F0;
	s15 =	sadd.s32 s6, s10  }
0x205: {  	s18 =	simm.s32 $0x13970;
	s22 =	simm.s32 $0x40;
	s10 =	sadd.s32 $0x0, s15  }
.LBB2_30:
0x206: {  	[tilespmem:s18], [sflag:$0x1] =	stream.linear.gather [hbm4b:s10+s4], $0x40, $0x38;
	[tilespmem:$0x1EC48] =	vst v63  }
0x207: {  	s10 =	smov.u32 s22;
	s18 =	smov.u32 s28;
	p1 =	sne.s32 s22, $0x13C0  }
.Ltmp15:
0x208: {  	s22 =	sadd.s32 $0x40, s22;
	(pc) =	sbr.rel @p1 .LBB2_30-.Ltmp15, $2  }
0x209: {  	_ =	sdelay $0x2  }
0x20a: {  	s28 =	sadd.s32 $0x80, s28;
	s10 =	sadd.s32 s10, s15  }
0x20b: {  	[tilespmem:s18], [sflag:$0x1] =	stream.linear.gather [hbm4b:s10+s4], $0x40, $0x38;
	[tilespmem:$0x1EC48] =	vst v63  }
0x20c: {  	s9 =	sor.u32 s13, s9  }
0x20d: {  	s9 =	sshrl.u32 s9, $0x3  }
0x20e: {  	s15 =	simm.s32 $0x139B0;
	s9 =	sadd.s32 s6, s9  }
0x20f: {  	s18 =	simm.s32 $0x40;
	s22 =	simm.s32 $0x13A30;
	s10 =	sadd.s32 $0x0, s9  }
.LBB2_32:
0x210: {  	[tilespmem:s15], [sflag:$0x1] =	stream.linear.gather [hbm4b:s10+s4], $0x40, $0x38;
	[tilespmem:$0x1EC48] =	vst v63  }
0x211: {  	s10 =	smov.u32 s18;
	s15 =	smov.u32 s22;
	p1 =	sne.s32 s18, $0x13C0  }
.Ltmp16:
0x212: {  	s18 =	sadd.s32 $0x40, s18;
	(pc) =	sbr.rel @p1 .LBB2_32-.Ltmp16, $2  }
0x213: {  	_ =	sdelay $0x2  }
0x214: {  	s22 =	sadd.s32 $0x80, s22;
	s10 =	sadd.s32 s10, s9  }
0x215: {  	[tilespmem:s15], [sflag:$0x1] =	stream.linear.gather [hbm4b:s10+s4], $0x40, $0x38;
	[tilespmem:$0x1EC48] =	vst v63  }
0x216: {  	_ =	swait.ge [sflag:s26], $0x50  }
0x217: {  	[sflag:s26] =	ssyncset.done $0x0  }
0x218: {  	[sflag:s26] =	ssyncadd.s32 $0xFFFFFFB0  }
0x219: {  	_ =	swait.ge [sflag:s26], $0x50  }
0x21a: {  	[sflag:s26] =	ssyncset.done $0x0  }
0x21b: {  	[sflag:s26] =	ssyncadd.s32 $0xFFFFFFB0  }
0x21c: {  	_ =	swait.ge [sflag:s26], $0x1400  }
0x21d: {  	[sflag:s26] =	ssyncset.done $0x0  }
0x21e: {  	[sflag:s26] =	ssyncadd.s32 $0xFFFFEC00  }
0x21f: {  	_ =	swait.ge [sflag:s26], $0x1400  }
0x220: {  	[sflag:s26] =	ssyncset.done $0x0  }
0x221: {  	[sflag:s26] =	ssyncadd.s32 $0xFFFFEC00  }
0x222: {  	v2 =	vld [tilespmem:$0x1B210];
	_ =	sdelay $0x5  }
0x223: {  	v3 =	vld [tilespmem:$0x1B220];
	_ =	sdelay $0x1  }
0x224: {  	v2 =	vld.idx.msk [tilespmem:v2+s0+$0x0], $0xffff;
	_ =	sdelay $0x3  }
0x225: {  	v4 =	vld [tilespmem:$0x1B230]  }
0x226: {  	[tilespmem:$0x1EBF8] =	vst v2  }
0x227: {  	v2 =	vld.idx.msk [tilespmem:v3+s0+$0x0], $0xffff;
	_ =	sdelay $0x3  }
0x228: {  	v3 =	vld [tilespmem:$0x1B240]  }
0x229: {  	[tilespmem:$0x1EC08] =	vst v2  }
0x22a: {  	v2 =	vld.idx.msk [tilespmem:v4+s0+$0x0], $0xffff;
	_ =	sdelay $0x3  }
0x22b: {  	v4 =	vld [tilespmem:$0x1B250]  }
0x22c: {  	[tilespmem:$0x1EC18] =	vst v2  }
0x22d: {  	v2 =	vld.idx.msk [tilespmem:v3+s0+$0x0], $0xffff;
	_ =	sdelay $0x4  }
0x22e: {  	[tilespmem:$0x1EC28] =	vst v2  }
0x22f: {  	s9 =	simm.s32 $0x0;
	v2 =	vld.idx.msk [tilespmem:v4+s0+$0x0], $0xffff  }
0x230: {  	v3 =	vmov s9  }
0x231: {  	v3 =	vand.u32 $0xFFFFFFFC, v3  }
0x232: {  	v3 =	vbroadcast v3, $0x0;
	_ =	sdelay $0x1  }
0x233: {  	s22 =	simm.s32 $0x18A70;
	[tilespmem:$0x1EC38] =	vst v2  }
0x234: {  	v2 =	vld [tilespmem:s22+$0xFFFFFF30]  }
0x235: {  	v4 =	vld [tilespmem:s22+$0xFFFFFF70]  }
0x236: {  	v5 =	vld [tilespmem:s22+$0xFFFFFF60]  }
0x237: {  	v3 =	vld.idx.msk [tilespmem:v3+s2+$0x0], $0xffff  }
0x238: {  	v6 =	vld [tilespmem:s22+$0xFFFFFF40]  }
0x239: {  	v7 =	vld [tilespmem:s22+$0xFFFFFF50]  }
0x23a: {  	v8 =	vld [tilespmem:s22+$0xFFFFFF00]  }
0x23b: {  	s18 =	simm.s32 $0x1;
	v9 =	vld [tilespmem:s22+$0xFFFFFF10]  }
0x23c: {  	v11 =	vmov s18;
	v10 =	vld [tilespmem:s22+$0xFFFFFF20];
	v4 =	vmul.f32 v4, v3  }
0x23d: {  	v11 =	vand.u32 $0xFFFFFFFD, v11;
	v6 =	vmul.f32 v6, v3  }
0x23e: {  	v7 =	vmul.f32 v7, v3;
	v2 =	vadd.f32 v2, v4;
	v4 =	vbroadcast v11, $0x0  }
0x23f: {  	v3 =	vmul.f32 v5, v3;
	v5 =	vadd.f32 v8, v6  }
0x240: {  	v6 =	vadd.f32 v9, v7;
	[tilespmem:s22+$0xFFFFFF30] =	vst v2  }
0x241: {  	v2 =	vadd.f32 v10, v3;
	[tilespmem:s22+$0xFFFFFF00] =	vst v5  }
0x242: {  	v7 =	vld [tilespmem:s22+$0xFFFFFF80];
	[tilespmem:s22+$0xFFFFFF10] =	vst v6  }
0x243: {  	v8 =	vld [tilespmem:s22+$0xFFFFFFE0];
	[tilespmem:s22+$0xFFFFFF20] =	vst v2  }
0x244: {  	v2 =	vld.idx.msk [tilespmem:v4+s2+$0x0], $0xffff  }
0x245: {  	v4 =	vld [tilespmem:s22+$0xFFFFFFC0]  }
0x246: {  	v6 =	vld [tilespmem:s22+$0xFFFFFFD0]  }
0x247: {  	v5 =	vld [tilespmem:s22+$0xFFFFFFF0]  }
0x248: {  	v3 =	vld [tilespmem:s22+$0xFFFFFF90]  }
0x249: {  	s28 =	simm.s32 $0x2;
	v59 =	vld [tilespmem:s22+$0xFFFFFFB0]  }
0x24a: {  	v61 =	vmov s28;
	v60 =	vld [tilespmem:s22+$0xFFFFFFA0];
	v4 =	vmul.f32 v4, v2  }
0x24b: {  	v11 =	vand.u32 $0xFFFFFFFE, v61;
	v6 =	vmul.f32 v6, v2  }
0x24c: {  	v5 =	vmul.f32 v5, v2;
	v4 =	vadd.f32 v7, v4;
	v7 =	vbroadcast v11, $0x0  }
0x24d: {  	v2 =	vmul.f32 v8, v2;
	v3 =	vadd.f32 v3, v6  }
0x24e: {  	v5 =	vadd.f32 v59, v5;
	[tilespmem:s22+$0xFFFFFF80] =	vst v4  }
0x24f: {  	v8 =	vld [tilespmem:s22+$0x70];
	v2 =	vadd.f32 v60, v2;
	[tilespmem:s22+$0xFFFFFF90] =	vst v3  }
0x250: {  	v6 =	vld [tilespmem:s22+$0x60];
	[tilespmem:s22+$0xFFFFFFB0] =	vst v5  }
0x251: {  	[tilespmem:s22+$0xFFFFFFA0] =	vst v2;
	v5 =	vld [tilespmem:s22+$0x40]  }
0x252: {  	v4 =	vld.idx.msk [tilespmem:v7+s2+$0x0], $0xffff  }
0x253: {  	v2 =	vld [tilespmem:s22+$0x50]  }
0x254: {  	v7 =	vld [tilespmem:s22+$0x0]  }
0x255: {  	v3 =	vld [tilespmem:s22+$0x10]  }
0x256: {  	v62 =	vld [tilespmem:s22+$0x20]  }
0x257: {  	v63 =	vld [tilespmem:s22+$0x30];
	v5 =	vmul.f32 v5, v4  }
0x258: {  	v2 =	vmul.f32 v2, v4  }
0x259: {  	s29 =	simm.s32 $0x3;
	v6 =	vmul.f32 v6, v4;
	v5 =	vadd.f32 v7, v5  }
0x25a: {  	v4 =	vmul.f32 v8, v4;
	v8 =	vmov s29;
	v7 =	vadd.f32 v3, v2  }
0x25b: {  	v3 =	vld [tilespmem:s22+$0xC0];
	v6 =	vadd.f32 v62, v6;
	[tilespmem:s22+$0x0] =	vst v5  }
0x25c: {  	v2 =	vld [tilespmem:s22+$0xD0];
	v5 =	vadd.f32 v63, v4;
	[tilespmem:s22+$0x10] =	vst v7  }
0x25d: {  	[tilespmem:s22+$0x20] =	vst v6;
	v4 =	vld [tilespmem:s22+$0xF0]  }
0x25e: {  	[tilespmem:s22+$0x30] =	vst v5;
	v5 =	vld [tilespmem:s22+$0xE0]  }
0x25f: {  	s18 =	simm.s32 $0x18A70;
	s9 =	simm.s32 $0x4;
	v6 =	vld.idx.msk [tilespmem:v8+s2+$0x0], $0xffff  }
.LBB2_34:
0x260: {  	p1 =	slt.u32 s9, $0x4C  }
0x261: {  	v7 =	vld [tilespmem:s22+$0x80];
	s18 =	sadd.s32 $0x200, s18;
	s15 =	smov.u32 s9;
	s9 =	sadd.s32 $0x4, s9  }
0x262: {  	v8 =	vld [tilespmem:s22+$0xB0]  }
0x263: {  	v9 =	vld [tilespmem:s22+$0x90]  }
0x264: {  	v10 =	vld [tilespmem:s22+$0xA0]  }
0x265: {  	v11 =	vld [tilespmem:s18+$0xC0]  }
0x266: {  	v12 =	vmov s15;
	v3 =	vmul.f32 v3, v6;
	v13 =	vmul.f32 v2, v6;
	v2 =	vld [tilespmem:s18+$0xD0]  }
0x267: {  	v12 =	vand.u32 $0xFFFFFFFC, v12;
	v5 =	vmul.f32 v5, v6;
	v4 =	vmul.f32 v4, v6  }
0x268: {  	v6 =	vbroadcast v12, $0x0;
	v12 =	vadd.f32 v7, v3;
	v7 =	vadd.f32 v9, v13  }
0x269: {  	v4 =	vadd.f32 v8, v4;
	v5 =	vadd.f32 v10, v5  }
0x26a: {  	v8 =	vld [tilespmem:s18+$0xFFFFFF20];
	[tilespmem:s22+$0x80] =	vst v12;
	v3 =	vmov v11  }
0x26b: {  	v9 =	vld [tilespmem:s18+$0xFFFFFF30];
	[tilespmem:s22+$0x90] =	vst v7  }
0x26c: {  	v7 =	vld [tilespmem:s18+$0xFFFFFF70];
	[tilespmem:s22+$0xB0] =	vst v4  }
0x26d: {  	v4 =	vld [tilespmem:s18+$0xFFFFFF60];
	[tilespmem:s22+$0xA0] =	vst v5;
	s22 =	smov.u32 s18  }
0x26e: {  	v5 =	vld.idx.msk [tilespmem:v6+s2+$0x0], $0xffff  }
0x26f: {  	v6 =	vld [tilespmem:s18+$0xFFFFFF40]  }
0x270: {  	v10 =	vld [tilespmem:s18+$0xFFFFFF50]  }
0x271: {  	v11 =	vld [tilespmem:s18+$0xFFFFFF00]  }
0x272: {  	v12 =	vld [tilespmem:s18+$0xFFFFFF10]  }
0x273: {  	s10 =	sadd.s32 $0x1, s15  }
0x274: {  	v13 =	vmov s10;
	v7 =	vmul.f32 v7, v5;
	v6 =	vmul.f32 v6, v5  }
0x275: {  	v4 =	vmul.f32 v4, v5;
	v10 =	vmul.f32 v10, v5;
	v5 =	vand.u32 $0xFFFFFFFD, v13  }
0x276: {  	v7 =	vadd.f32 v9, v7;
	v6 =	vadd.f32 v11, v6;
	v5 =	vbroadcast v5, $0x0  }
0x277: {  	v4 =	vadd.f32 v8, v4;
	v9 =	vadd.f32 v12, v10  }
0x278: {  	[tilespmem:s18+$0xFFFFFF30] =	vst v7;
	v7 =	vld [tilespmem:s18+$0xFFFFFFB0]  }
0x279: {  	[tilespmem:s18+$0xFFFFFF00] =	vst v6;
	v6 =	vld [tilespmem:s18+$0xFFFFFF90]  }
0x27a: {  	[tilespmem:s18+$0xFFFFFF10] =	vst v9;
	v8 =	vld [tilespmem:s18+$0xFFFFFFF0]  }
0x27b: {  	[tilespmem:s18+$0xFFFFFF20] =	vst v4;
	v4 =	vld [tilespmem:s18+$0xFFFFFFD0]  }
0x27c: {  	v5 =	vld.idx.msk [tilespmem:v5+s2+$0x0], $0xffff  }
0x27d: {  	v9 =	vld [tilespmem:s18+$0xFFFFFFC0]  }
0x27e: {  	v10 =	vld [tilespmem:s18+$0xFFFFFFE0]  }
0x27f: {  	v11 =	vld [tilespmem:s18+$0xFFFFFF80]  }
0x280: {  	v12 =	vld [tilespmem:s18+$0xFFFFFFA0]  }
0x281: {  	s10 =	sadd.s32 $0x2, s15  }
0x282: {  	v13 =	vmov s10;
	v4 =	vmul.f32 v4, v5;
	v9 =	vmul.f32 v9, v5  }
0x283: {  	v10 =	vmul.f32 v10, v5;
	v5 =	vmul.f32 v8, v5;
	v8 =	vand.u32 $0xFFFFFFFE, v13  }
0x284: {  	v4 =	vadd.f32 v6, v4;
	v9 =	vadd.f32 v11, v9;
	v6 =	vbroadcast v8, $0x0  }
0x285: {  	v8 =	vadd.f32 v12, v10;
	v5 =	vadd.f32 v7, v5  }
0x286: {  	[tilespmem:s18+$0xFFFFFF80] =	vst v9;
	v7 =	vld [tilespmem:s18+$0x30]  }
0x287: {  	[tilespmem:s18+$0xFFFFFF90] =	vst v4;
	v4 =	vld [tilespmem:s18+$0x10]  }
0x288: {  	[tilespmem:s18+$0xFFFFFFB0] =	vst v5;
	v5 =	vld [tilespmem:s18+$0x70]  }
0x289: {  	[tilespmem:s18+$0xFFFFFFA0] =	vst v8;
	v8 =	vld [tilespmem:s18+$0x50]  }
0x28a: {  	v6 =	vld.idx.msk [tilespmem:v6+s2+$0x0], $0xffff  }
0x28b: {  	v9 =	vld [tilespmem:s18+$0x40]  }
0x28c: {  	v10 =	vld [tilespmem:s18+$0x60]  }
0x28d: {  	v11 =	vld [tilespmem:s18+$0x0]  }
0x28e: {  	v12 =	vld [tilespmem:s18+$0x20];
	_ =	sdelay $0x1  }
0x28f: {  	v8 =	vmul.f32 v8, v6;
	v9 =	vmul.f32 v9, v6  }
0x290: {  	v5 =	vmul.f32 v5, v6;
	v10 =	vmul.f32 v10, v6  }
0x291: {  	s10 =	sadd.s32 $0x3, s15;
	v4 =	vadd.f32 v4, v8;
	v6 =	vadd.f32 v11, v9  }
0x292: {  	v5 =	vadd.f32 v7, v5;
	v7 =	vmov s10;
	v8 =	vadd.f32 v12, v10  }
.Ltmp17:
0x293: {  	[tilespmem:s18+$0x0] =	vst v6;
	(pc) =	sbr.rel @p1 .LBB2_34-.Ltmp17, $4  }
0x294: {  	[tilespmem:s18+$0x10] =	vst v4  }
0x295: {  	[tilespmem:s18+$0x20] =	vst v8;
	v4 =	vld [tilespmem:s18+$0xF0]  }
0x296: {  	[tilespmem:s18+$0x30] =	vst v5;
	v5 =	vld [tilespmem:s18+$0xE0]  }
0x297: {  	v6 =	vld.idx.msk [tilespmem:v7+s2+$0x0], $0xffff  }
0x298: {  	_ = 	snop  }
0x299: {  	v7 =	vld [tilespmem:s22+$0x80]  }
0x29a: {  	v8 =	vld [tilespmem:s22+$0x90]  }
0x29b: {  	v9 =	vld [tilespmem:s22+$0xB0]  }
0x29c: {  	v10 =	vld [tilespmem:s22+$0xA0];
	v3 =	vmul.f32 v3, v6  }
0x29d: {  	v2 =	vmul.f32 v2, v6  }
0x29e: {  	v4 =	vmul.f32 v4, v6;
	v3 =	vadd.f32 v7, v3  }
0x29f: {  	v5 =	vmul.f32 v5, v6;
	v2 =	vadd.f32 v8, v2  }
.Ltmp18:
0x2a0: {  	v4 =	vadd.f32 v9, v4;
	[tilespmem:s22+$0x80] =	vst v3;
	(pc) =	sbr.rel .LBB2_14-.Ltmp18, $4  }
0x2a1: {  	v3 =	vadd.f32 v10, v5;
	[tilespmem:s22+$0x90] =	vst v2  }
0x2a2: {  	[tilespmem:s22+$0xB0] =	vst v4  }
0x2a3: {  	s9 =	simm.s32 $0x13920;
	s1 =	sadd.s32 $0x1, s1;
	[tilespmem:s22+$0xA0] =	vst v3  }
0x2a4: {  	[spmem:s3] =	stream.indirect.scatter.add.f32 [tilespmem:s25], [sflag:$0x6], $0x80, s9, s5, $0xb8;
	[tilespmem:$0x1EC48] =	vst v63  }
.LBB2_36:
0x2a5: {  	s1 =	simm.s32 $0x5  }
0x2a6: {  	_ =	swait.ge [sflag:s1], $0x2800  }
0x2a7: {  	[sflag:s1] =	ssyncset.done $0x0  }
0x2a8: {  	[sflag:s1] =	ssyncadd.s32 $0xFFFFD800  }
0x2a9: {  	s1 =	simm.s32 $0x0;
	[bflag:$0x0] =	sbarrier.arrive $0xFFFF  }
.LBB2_37:
0x2aa: {  	s9 =	sshll.u32 s1, $0x4;
	s10 =	stileid.u32  }
0x2ab: {  	s9 =	sor.u32 s10, s9  }
0x2ac: {  	s10 =	smul.u32 $0xA000, s9;
	_ =	sdelay $0x1  }
0x2ad: {  	s10 =	sshra.s32 s10, $0x2  }
0x2ae: {  	s15 =	simm.s32 $0x13970;
	s10 =	sadd.s32 s10, s3  }
0x2af: {  	[tilespmem:s15], [sflag:$0x7] =	stream.linear.gather [spmem:s10], $0x2800, $0x38;
	[tilespmem:$0x1EC48] =	vst v63  }
0x2b0: {  	s9 =	smul.u32 $0x5000, s9;
	_ =	swait.ge [sflag:s30], $0x2800  }
0x2b1: {  	[sflag:s30] =	ssyncset.done $0x0  }
0x2b2: {  	s9 =	sor.u32 s11, s9;
	[sflag:s30] =	ssyncadd.s32 $0xFFFFD800  }
0x2b3: {  	s22 =	sshrl.u32 s9, $0x3;
	s29 =	rddreg [dreg:$0x0]  }
0x2b4: {  	s18 =	simm.s32 $0x20;
	s9 =	sadd.s32 s29, s22  }
0x2b5: {  	s28 =	simm.s32 $0x161F0;
	s15 =	simm.s32 $0x16170;
	s10 =	sadd.s32 $0x0, s9  }
.LBB2_38:
0x2b6: {  	[tilespmem:s15], [sflag:$0x7] =	stream.linear.gather [hbm4b:s10+s4], $0x40, $0x38;
	[tilespmem:$0x1EC48] =	vst v63  }
0x2b7: {  	s10 =	smov.u32 s18;
	s15 =	smov.u32 s28;
	p1 =	sne.s32 s18, $0x9E0  }
.Ltmp19:
0x2b8: {  	s18 =	sadd.s32 $0x20, s18;
	(pc) =	sbr.rel @p1 .LBB2_38-.Ltmp19, $2  }
0x2b9: {  	_ =	sdelay $0x2  }
0x2ba: {  	s28 =	sadd.s32 $0x80, s28;
	s10 =	sadd.s32 s10, s9  }
0x2bb: {  	[tilespmem:s15], [sflag:$0x7] =	stream.linear.gather [hbm4b:s10+s4], $0x40, $0x38;
	[tilespmem:$0x1EC48] =	vst v63  }
0x2bc: {  	_ =	swait.ge [sflag:s30], $0x1400  }
0x2bd: {  	[sflag:s30] =	ssyncset.done $0x0  }
0x2be: {  	s9 =	simm.s32 $0x0;
	[sflag:s30] =	ssyncadd.s32 $0xFFFFEC00  }
0x2bf: {  	v2 =	vld [tilespmem:s9+$0x139E0]  }
0x2c0: {  	v3 =	vld [tilespmem:s9+$0x139B0]  }
0x2c1: {  	v4 =	vld [tilespmem:s9+$0x139C0]  }
0x2c2: {  	v5 =	vld [tilespmem:s9+$0x139D0]  }
0x2c3: {  	v6 =	vld [tilespmem:s9+$0x13970]  }
0x2c4: {  	v7 =	vld [tilespmem:s9+$0x13980]  }
0x2c5: {  	v8 =	vld [tilespmem:s9+$0x13990];
	v2 =	vadd.f32 $9.999999970e-07, v2  }
0x2c6: {  	v9 =	vld [tilespmem:s9+$0x16170]  }
0x2c7: {  	v10 =	vld [tilespmem:s9+$0x16190];
	v3 =	vadd.f32 $9.999999970e-07, v3;
	(erf) = vrcp.f32 v2  }
0x2c8: {  	s28 =	simm.s32 $0x80;
	v11 =	vld [tilespmem:s9+$0x139A0];
	v4 =	vadd.f32 $9.999999970e-07, v4  }
0x2c9: {  	v12 =	vld [tilespmem:s28+$0x139B0];
	(erf) = vrcp.f32 v3  }
0x2ca: {  	v13 =	vld [tilespmem:s28+$0x139C0];
	(erf) = vrcp.f32 v4  }
0x2cb: {  	v5 =	vadd.f32 $9.999999970e-07, v5;
	v3 =	vld [tilespmem:s9+$0x161A0]  }
0x2cc: {  	v4 =	vld [tilespmem:s28+$0x139E0]  }
0x2cd: {  	v2 =	vld [tilespmem:s9+$0x16180];
	(erf) = vrcp.f32 v5  }
0x2ce: {  	v15 =	vmul.f32 $8.000000110e-01, v6;
	v16 =	vmul.f32 $8.000000110e-01, v7  }
0x2cf: {  	v14 =	vld [tilespmem:s28+$0x139D0];
	v17 =	vmul.f32 $8.000000110e-01, v8;
	v5 =	vmul.f32 $8.000000110e-01, v11  }
0x2d0: {  	v9 =	vmul.f32 $2.000000030e-01, v9;
	v13 =	vadd.f32 $9.999999970e-07, v13;
	v11 =	vld [tilespmem:s28+$0x13970];
	v6 =	vpop (erf)  }
0x2d1: {  	v18 =	vld [tilespmem:s28+$0x13980];
	v3 =	vmul.f32 $2.000000030e-01, v3;
	v4 =	vadd.f32 $9.999999970e-07, v4;
	v7 =	vmul.f32 v6, v5  }
0x2d2: {  	v19 =	vld [tilespmem:s28+$0x13990];
	v2 =	vmul.f32 $2.000000030e-01, v2;
	v6 =	vmul.f32 $2.000000030e-01, v10;
	v8 =	vpop (erf);
	v10 =	vadd.f32 $9.999999970e-07, v12  }
0x2d3: {  	(erf) = vrcp.f32 v4;
	v5 =	vld [tilespmem:s28+$0x16170];
	v12 =	vmul.f32 v8, v15;
	v15 =	vpop (erf);
	v3 =	vadd.f32 v7, v3  }
0x2d4: {  	v14 =	vadd.f32 $9.999999970e-07, v14;
	v7 =	vld [tilespmem:s28+$0x16180];
	(erf) = vrcp.f32 v10;
	v15 =	vmul.f32 v15, v16  }
0x2d5: {  	v4 =	vmul.f32 $8.000000110e-01, v11;
	v8 =	vld [tilespmem:s28+$0x16190];
	(erf) = vrcp.f32 v13;
	v12 =	vadd.f32 v12, v9;
	[tilespmem:s9+$0x161E0] =	vst v3  }
0x2d6: {  	v13 =	vpop (erf);
	v3 =	vmul.f32 $8.000000110e-01, v18;
	(erf) = vrcp.f32 v14;
	v11 =	vadd.f32 v15, v2;
	v10 =	vld [tilespmem:s28+$0x139A0]  }
0x2d7: {  	s15 =	simm.s32 $0x100;
	s18 =	simm.s32 $0x600;
	v2 =	vmul.f32 $8.000000110e-01, v19;
	v9 =	vld [tilespmem:s28+$0x161A0];
	[tilespmem:s9+$0x161B0] =	vst v12;
	v12 =	vmul.f32 v13, v17  }
.LBB2_40:
0x2d8: {  	p1 =	sne.s32 s18, $0x9E00;
	v13 =	vld [tilespmem:s15+$0x139E0];
	v14 =	vmul.f32 $2.000000030e-01, v5;
	[tilespmem:s9+$0x161C0] =	vst v11  }
0x2d9: {  	v5 =	vld [tilespmem:s15+$0x139B0];
	v11 =	vmul.f32 $2.000000030e-01, v7;
	v16 =	vadd.f32 v12, v6  }
0x2da: {  	v12 =	vld [tilespmem:s15+$0x139C0];
	v6 =	vmul.f32 $2.000000030e-01, v8  }
0x2db: {  	v8 =	vld [tilespmem:s15+$0x139D0];
	v17 =	vmul.f32 $8.000000110e-01, v10;
	[tilespmem:s9+$0x161D0] =	vst v16;
	s9 =	smov.u32 s28;
	s28 =	smov.u32 s15  }
0x2dc: {  	v15 =	vld [tilespmem:s28+$0x13970];
	v7 =	vpop (erf)  }
0x2dd: {  	v9 =	vmul.f32 $2.000000030e-01, v9;
	v16 =	vld [tilespmem:s28+$0x13980];
	v19 =	vadd.f32 $9.999999970e-07, v13;
	v7 =	vmul.f32 v7, v17;
	v10 =	vpop (erf)  }
0x2de: {  	v17 =	vadd.f32 $9.999999970e-07, v5;
	v18 =	vld [tilespmem:s28+$0x13990];
	v10 =	vmul.f32 v10, v4;
	v4 =	vpop (erf)  }
.Ltmp20:
0x2df: {  	v5 =	vld [tilespmem:s28+$0x16170];
	v12 =	vadd.f32 $9.999999970e-07, v12;
	(erf) = vrcp.f32 v19;
	v9 =	vadd.f32 v7, v9;
	v13 =	vpop (erf);
	(pc) =	sbr.rel @p1 .LBB2_40-.Ltmp20, $4  }
0x2e0: {  	v7 =	vld [tilespmem:s28+$0x16180];
	v19 =	vadd.f32 $9.999999970e-07, v8;
	(erf) = vrcp.f32 v17;
	v17 =	vmul.f32 v4, v3  }
0x2e1: {  	v4 =	vmul.f32 $8.000000110e-01, v15;
	v8 =	vld [tilespmem:s28+$0x16190];
	(erf) = vrcp.f32 v12;
	v12 =	vadd.f32 v10, v14;
	[tilespmem:s9+$0x161E0] =	vst v9  }
0x2e2: {  	v3 =	vmul.f32 $8.000000110e-01, v16;
	v10 =	vld [tilespmem:s28+$0x139A0];
	(erf) = vrcp.f32 v19;
	v11 =	vadd.f32 v17, v11  }
0x2e3: {  	s15 =	sshra.s32 s18, $0x2;
	s18 =	sadd.s32 $0x200, s18;
	v9 =	vld [tilespmem:s28+$0x161A0];
	[tilespmem:s9+$0x161B0] =	vst v12;
	v12 =	vmul.f32 v13, v2;
	v2 =	vmul.f32 $8.000000110e-01, v18  }
0x2e4: {  	v13 =	vld [tilespmem:s15+$0x139E0];
	[tilespmem:s9+$0x161C0] =	vst v11  }
0x2e5: {  	v11 =	vld [tilespmem:s15+$0x139B0];
	v6 =	vadd.f32 v12, v6  }
0x2e6: {  	v41 =	vld [tilespmem:s15+$0x139C0]  }
0x2e7: {  	v14 =	vld [tilespmem:s15+$0x139D0];
	[tilespmem:s9+$0x161D0] =	vst v6;
	v42 =	vmul.f32 $8.000000110e-01, v10  }
0x2e8: {  	v43 =	vld [tilespmem:s15+$0x13970];
	v15 =	vpop (erf)  }
0x2e9: {  	v16 =	vld [tilespmem:s15+$0x13980];
	v9 =	vmul.f32 $2.000000030e-01, v9;
	v13 =	vadd.f32 $9.999999970e-07, v13;
	v6 =	vmul.f32 v15, v42  }
0x2ea: {  	v44 =	vld [tilespmem:s15+$0x13990];
	v11 =	vadd.f32 $9.999999970e-07, v11  }
0x2eb: {  	v17 =	vld [tilespmem:s15+$0x16170];
	v12 =	vadd.f32 $9.999999970e-07, v41;
	(erf) = vrcp.f32 v13;
	v6 =	vadd.f32 v6, v9  }
0x2ec: {  	v45 =	vld [tilespmem:s15+$0x16180];
	v46 =	vadd.f32 $9.999999970e-07, v14;
	(erf) = vrcp.f32 v11  }
0x2ed: {  	v47 =	vld [tilespmem:s15+$0x16190];
	(erf) = vrcp.f32 v12;
	[tilespmem:s28+$0x161E0] =	vst v6  }
0x2ee: {  	v6 =	vld [tilespmem:s15+$0x139A0];
	(erf) = vrcp.f32 v46  }
0x2ef: {  	v48 =	vpop (erf)  }
0x2f0: {  	v5 =	vmul.f32 $2.000000030e-01, v5;
	v7 =	vmul.f32 $2.000000030e-01, v7;
	v50 =	vpop (erf);
	v49 =	vld [tilespmem:s15+$0x161A0]  }
0x2f1: {  	v8 =	vmul.f32 $2.000000030e-01, v8;
	v4 =	vmul.f32 v48, v4;
	v51 =	vpop (erf)  }
0x2f2: {  	v3 =	vmul.f32 v50, v3;
	v2 =	vmul.f32 v51, v2  }
0x2f3: {  	v10 =	vmul.f32 $8.000000110e-01, v43;
	v6 =	vmul.f32 $8.000000110e-01, v6  }
0x2f4: {  	v4 =	vadd.f32 v4, v5;
	v52 =	vmul.f32 $8.000000110e-01, v16;
	v53 =	vmul.f32 $8.000000110e-01, v44;
	v54 =	vpop (erf)  }
0x2f5: {  	v3 =	vadd.f32 v3, v7;
	v55 =	vmul.f32 $2.000000030e-01, v49;
	v6 =	vmul.f32 v54, v6;
	v56 =	vpop (erf)  }
0x2f6: {  	v57 =	vmul.f32 $2.000000030e-01, v17;
	[tilespmem:s28+$0x161B0] =	vst v4;
	v2 =	vadd.f32 v2, v8;
	v58 =	vmul.f32 v56, v10;
	v59 =	vpop (erf)  }
0x2f7: {  	[tilespmem:s28+$0x161C0] =	vst v3;
	v3 =	vmul.f32 $2.000000030e-01, v45;
	v6 =	vadd.f32 v6, v55;
	v60 =	vpop (erf);
	v61 =	vmul.f32 v59, v52  }
0x2f8: {  	v62 =	vmul.f32 $2.000000030e-01, v47;
	[tilespmem:s28+$0x161D0] =	vst v2;
	v2 =	vadd.f32 v58, v57;
	v63 =	vmul.f32 v60, v53  }
0x2f9: {  	[tilespmem:s15+$0x161E0] =	vst v6;
	v3 =	vadd.f32 v61, v3  }
0x2fa: {  	s29 =	rddreg [dreg:$0x5];
	[tilespmem:s15+$0x161B0] =	vst v2;
	v2 =	vadd.f32 v63, v62  }
0x2fb: {  	s18 =	simm.s32 $0x161B0;
	s9 =	sadd.s32 s29, s22;
	[tilespmem:s15+$0x161C0] =	vst v3  }
0x2fc: {  	s22 =	simm.s32 $0x16230;
	s10 =	sadd.s32 $0x0, s9;
	[tilespmem:s15+$0x161D0] =	vst v2;
	s15 =	simm.s32 $0x20  }
.LBB2_42:
0x2fd: {  	[hbm4b:s10+s4] =	stream.linear.scatter [tilespmem:s18], [sflag:$0x7], $0x40, $0x38;
	[tilespmem:$0x1EC48] =	vst v63  }
0x2fe: {  	s10 =	smov.u32 s15;
	s18 =	smov.u32 s22;
	p1 =	sne.s32 s15, $0x9E0  }
.Ltmp21:
0x2ff: {  	s15 =	sadd.s32 $0x20, s15;
	(pc) =	sbr.rel @p1 .LBB2_42-.Ltmp21, $2  }
0x300: {  	_ =	sdelay $0x2  }
0x301: {  	s22 =	sadd.s32 $0x80, s22;
	s10 =	sadd.s32 s10, s9  }
0x302: {  	s1 =	sadd.s32 $0x1, s1  }
0x303: {  	p1 =	sne.s32 s1, s12  }
.Ltmp22:
0x304: {  	_ = 	snop;
	(pc) =	sbr.rel @p1 .LBB2_37-.Ltmp22, $4  }
0x305: {  	[hbm4b:s10+s4] =	stream.linear.scatter [tilespmem:s18], [sflag:$0x7], $0x40, $0x38;
	[tilespmem:$0x1EC48] =	vst v63  }
0x306: {  	_ =	swait.ge [sflag:s30], $0x1400  }
0x307: {  	[sflag:s30] =	ssyncset.done $0x0  }
0x308: {  	[sflag:s30] =	ssyncadd.s32 $0xFFFFEC00  }
0x309: {  	[bflag:$0x0] =	sbarrier.arrive $0xFFFF;
	s1 =	simm.s32 $0x0;
	s9 =	simm.s32 $0x200  }
.LBB2_45:
0x30a: {  	p1 =	sne.s32 s9, $0x9E00;
	[tilespmem:s1+$0x189E0] =	vst v1  }
0x30b: {  	[tilespmem:s1+$0x18970] =	vst v1  }
0x30c: {  	[tilespmem:s1+$0x18980] =	vst v1  }
.Ltmp23:
0x30d: {  	[tilespmem:s1+$0x18990] =	vst v1;
	(pc) =	sbr.rel @p1 .LBB2_45-.Ltmp23, $4  }
0x30e: {  	[tilespmem:s1+$0x189A0] =	vst v1  }
0x30f: {  	[tilespmem:s1+$0x189B0] =	vst v1  }
0x310: {  	[tilespmem:s1+$0x189C0] =	vst v1  }
0x311: {  	[tilespmem:s1+$0x189D0] =	vst v1;
	s1 =	sshra.s32 s9, $0x2;
	s9 =	sadd.s32 $0x200, s9  }
0x312: {  	[tilespmem:s1+$0x189E0] =	vst v1  }
0x313: {  	[tilespmem:s1+$0x18970] =	vst v1  }
0x314: {  	[tilespmem:s1+$0x18980] =	vst v1  }
0x315: {  	[tilespmem:s1+$0x18990] =	vst v1  }
0x316: {  	[tilespmem:s1+$0x189A0] =	vst v1  }
0x317: {  	[tilespmem:s1+$0x189B0] =	vst v1  }
.Ltmp24:
0x318: {  	[tilespmem:s1+$0x189C0] =	vst v1;
	(pc) =	sbr.rel @!p0 .LBB2_48-.Ltmp24, $4  }
0x319: {  	[tilespmem:s1+$0x189D0] =	vst v1;
	s9 =	rddreg [dreg:$0xd]  }
0x31a: {  	[spmem:s9] =	stream.linear.scatter [tilespmem:s25], [sflag:$0x7], $0x2800, $0x38;
	[tilespmem:$0x1EC48] =	vst v63  }
0x31b: {  	_ =	swait.ge [sflag:s30], $0x2800  }
0x31c: {  	s1 =	sadd.s32 $0xFFFFFFFF, s12;
	[sflag:s30] =	ssyncset.done $0x0  }
.LBB2_47:
0x31d: {  	p0 =	sne.s32 s1, $0x1;
	[sflag:s30] =	ssyncadd.s32 $0xFFFFD800;
	s9 =	sadd.s32 $0x28000, s9  }
.Ltmp25:
0x31e: {  	s1 =	sadd.s32 $0xFFFFFFFF, s1;
	(pc) =	sbr.rel @p0 .LBB2_47-.Ltmp25, $4  }
0x31f: {  	_ = 	snop  }
0x320: {  	[spmem:s9] =	stream.linear.scatter [tilespmem:s25], [sflag:$0x7], $0x2800, $0x38;
	[tilespmem:$0x1EC48] =	vst v63  }
0x321: {  	_ =	swait.ge [sflag:s30], $0x2800  }
0x322: {  	[sflag:s30] =	ssyncset.done $0x0  }
.LBB2_48:
0x323: {  	[sflag:s30] =	ssyncadd.s32 $0xFFFFD800  }
0x324: {  	[bflag:$0x0] =	sbarrier.arrive $0xFFFF  }
0x325: {  	s1 =	simm.s32 $0x0;
	s10 =	simm.s32 $0x1B170;
	s9 =	rddreg [dreg:$0x7]  }
0x326: {  	[tilespmem:s10], [sflag:$0x1] =	stream.linear.gather [hbm4b:s9+s1], $0x50, $0x38;
	[tilespmem:$0x1EC48] =	vst v63  }
0x327: {  	s29 =	simm.s32 $0x13880;
	s15 =	simm.s32 $0x139F0;
	s28 =	rddreg [dreg:$0x8]  }
0x328: {  	[tilespmem:s29], [sflag:$0x1] =	stream.linear.gather [hbm4b:s28+s1], $0x50, $0x38;
	[tilespmem:$0x1EC48] =	vst v63  }
0x329: {  	s9 =	simm.s32 $0x40;
	s10 =	sadd.s32 $0x0, s23;
	s1 =	simm.s32 $0x13970  }
.LBB2_49:
0x32a: {  	[tilespmem:s1], [sflag:$0x1] =	stream.linear.gather [hbm4b:s10+s4], $0x40, $0x38;
	[tilespmem:$0x1EC48] =	vst v63  }
0x32b: {  	s10 =	smov.u32 s9;
	s1 =	smov.u32 s15;
	p0 =	sne.s32 s9, $0x13C0  }
.Ltmp26:
0x32c: {  	s9 =	sadd.s32 $0x40, s9;
	(pc) =	sbr.rel @p0 .LBB2_49-.Ltmp26, $2  }
0x32d: {  	_ =	sdelay $0x2  }
0x32e: {  	s15 =	sadd.s32 $0x80, s15;
	s10 =	sadd.s32 s10, s23  }
0x32f: {  	[tilespmem:s1], [sflag:$0x1] =	stream.linear.gather [hbm4b:s10+s4], $0x40, $0x38;
	[tilespmem:$0x1EC48] =	vst v63  }
0x330: {  	s1 =	simm.s32 $0x0;
	s9 =	simm.s32 $0x139B0  }
0x331: {  	s15 =	simm.s32 $0x40;
	s10 =	sadd.s32 $0x0, s24;
	s18 =	simm.s32 $0x13A30  }
.LBB2_51:
0x332: {  	[tilespmem:s9], [sflag:$0x1] =	stream.linear.gather [hbm4b:s10+s1], $0x40, $0x38;
	[tilespmem:$0x1EC48] =	vst v63  }
0x333: {  	s10 =	smov.u32 s15;
	s9 =	smov.u32 s18;
	p0 =	sne.s32 s15, $0x13C0  }
.Ltmp27:
0x334: {  	s15 =	sadd.s32 $0x40, s15;
	(pc) =	sbr.rel @p0 .LBB2_51-.Ltmp27, $2  }
0x335: {  	_ =	sdelay $0x2  }
0x336: {  	s18 =	sadd.s32 $0x80, s18;
	s10 =	sadd.s32 s10, s24  }
0x337: {  	[tilespmem:s9], [sflag:$0x1] =	stream.linear.gather [hbm4b:s10+s1], $0x40, $0x38;
	[tilespmem:$0x1EC48] =	vst v63  }
.LBB2_53:
0x338: {  	p0 =	seq.s32 s1, $0x0  }
0x339: {  	s9 =	simm.s32 @!p0 $0x5  }
0x33a: {  	s28 =	smul.u32 $0xF0, s1;
	_ =	swait.ge @!p0 [sflag:s9], $0x2800  }
0x33b: {  	s10 =	rddreg [dreg:$0x9]  }
0x33c: {  	s10 =	sadd.s32 s28, s10  }
0x33d: {  	s18 =	simm.s32 $0x0;
	[sflag:s9] =	ssyncset.done @!p0 $0x0;
	s15 =	sshrl.u32 s10, $0x3  }
0x33e: {  	s22 =	simm.s32 $0x1B1C0;
	[sflag:s9] =	ssyncadd.s32 @!p0 $0xFFFFD800;
	s9 =	sadd.s32 s7, s15  }
0x33f: {  	[tilespmem:s22], [sflag:$0x2] =	stream.linear.gather [hbm4b:s9+s18], $0x50, $0x38;
	[tilespmem:$0x1EC48] =	vst v63  }
0x340: {  	s9 =	sshll.u32 s10, $0x9  }
0x341: {  	s15 =	sadd.s32 s8, s15;
	s22 =	simm.s32 $0x138D0;
	s10 =	sor.u32 s20, s9  }
0x342: {  	[tilespmem:s22], [sflag:$0x2] =	stream.linear.gather [hbm4b:s15+s18], $0x50, $0x38;
	[tilespmem:$0x1EC48] =	vst v63  }
0x343: {  	s10 =	sshrl.u32 s10, $0x3  }
0x344: {  	s29 =	simm.s32 $0x161F0;
	s15 =	sadd.s32 s6, s10  }
0x345: {  	s18 =	simm.s32 $0x16170;
	s22 =	simm.s32 $0x40;
	s10 =	sadd.s32 $0x0, s15  }
.LBB2_54:
0x346: {  	[tilespmem:s18], [sflag:$0x2] =	stream.linear.gather [hbm4b:s10+s4], $0x40, $0x38;
	[tilespmem:$0x1EC48] =	vst v63  }
0x347: {  	s10 =	smov.u32 s22;
	s18 =	smov.u32 s29;
	p1 =	sne.s32 s22, $0x13C0  }
.Ltmp28:
0x348: {  	s22 =	sadd.s32 $0x40, s22;
	(pc) =	sbr.rel @p1 .LBB2_54-.Ltmp28, $2  }
0x349: {  	_ =	sdelay $0x2  }
0x34a: {  	s29 =	sadd.s32 $0x80, s29;
	s10 =	sadd.s32 s10, s15  }
0x34b: {  	[tilespmem:s18], [sflag:$0x2] =	stream.linear.gather [hbm4b:s10+s4], $0x40, $0x38;
	[tilespmem:$0x1EC48] =	vst v63  }
0x34c: {  	s9 =	sor.u32 s21, s9  }
0x34d: {  	s9 =	sshrl.u32 s9, $0x3  }
0x34e: {  	s15 =	simm.s32 $0x161B0;
	s9 =	sadd.s32 s6, s9  }
0x34f: {  	s18 =	simm.s32 $0x40;
	s22 =	simm.s32 $0x16230;
	s10 =	sadd.s32 $0x0, s9  }
.LBB2_56:
0x350: {  	[tilespmem:s15], [sflag:$0x2] =	stream.linear.gather [hbm4b:s10+s4], $0x40, $0x38;
	[tilespmem:$0x1EC48] =	vst v63  }
0x351: {  	s10 =	smov.u32 s18;
	s15 =	smov.u32 s22;
	p1 =	sne.s32 s18, $0x13C0  }
.Ltmp29:
0x352: {  	s18 =	sadd.s32 $0x40, s18;
	(pc) =	sbr.rel @p1 .LBB2_56-.Ltmp29, $2  }
0x353: {  	_ =	sdelay $0x2  }
0x354: {  	s22 =	sadd.s32 $0x80, s22;
	s10 =	sadd.s32 s10, s9  }
0x355: {  	[tilespmem:s15], [sflag:$0x2] =	stream.linear.gather [hbm4b:s10+s4], $0x40, $0x38;
	[tilespmem:$0x1EC48] =	vst v63  }
0x356: {  	_ =	swait.ge [sflag:s31], $0x50  }
0x357: {  	[sflag:s31] =	ssyncset.done $0x0  }
0x358: {  	[sflag:s31] =	ssyncadd.s32 $0xFFFFFFB0  }
0x359: {  	_ =	swait.ge [sflag:s31], $0x50  }
0x35a: {  	[sflag:s31] =	ssyncset.done $0x0  }
0x35b: {  	[sflag:s31] =	ssyncadd.s32 $0xFFFFFFB0  }
0x35c: {  	_ =	swait.ge [sflag:s31], $0x1400  }
0x35d: {  	[sflag:s31] =	ssyncset.done $0x0  }
0x35e: {  	[sflag:s31] =	ssyncadd.s32 $0xFFFFEC00  }
0x35f: {  	_ =	swait.ge [sflag:s31], $0x1400  }
0x360: {  	[sflag:s31] =	ssyncset.done $0x0  }
0x361: {  	[sflag:s31] =	ssyncadd.s32 $0xFFFFEC00  }
0x362: {  	v2 =	vld [tilespmem:$0x1B170];
	_ =	sdelay $0x5  }
0x363: {  	v3 =	vld [tilespmem:$0x1B180];
	_ =	sdelay $0x1  }
0x364: {  	v2 =	vld.idx.msk [tilespmem:v2+s0+$0x0], $0xffff;
	_ =	sdelay $0x3  }
0x365: {  	v4 =	vld [tilespmem:$0x1B190]  }
0x366: {  	[tilespmem:$0x1EBF8] =	vst v2  }
0x367: {  	v2 =	vld.idx.msk [tilespmem:v3+s0+$0x0], $0xffff;
	_ =	sdelay $0x3  }
0x368: {  	v3 =	vld [tilespmem:$0x1B1A0]  }
0x369: {  	[tilespmem:$0x1EC08] =	vst v2  }
0x36a: {  	v2 =	vld.idx.msk [tilespmem:v4+s0+$0x0], $0xffff;
	_ =	sdelay $0x3  }
0x36b: {  	v4 =	vld [tilespmem:$0x1B1B0]  }
0x36c: {  	[tilespmem:$0x1EC18] =	vst v2  }
0x36d: {  	v2 =	vld.idx.msk [tilespmem:v3+s0+$0x0], $0xffff;
	_ =	sdelay $0x4  }
0x36e: {  	[tilespmem:$0x1EC28] =	vst v2  }
0x36f: {  	s9 =	simm.s32 $0x0;
	v2 =	vld.idx.msk [tilespmem:v4+s0+$0x0], $0xffff  }
0x370: {  	v3 =	vmov s9  }
0x371: {  	v3 =	vand.u32 $0xFFFFFFFC, v3  }
0x372: {  	v3 =	vbroadcast v3, $0x0;
	_ =	sdelay $0x1  }
0x373: {  	s22 =	simm.s32 $0x13A70;
	[tilespmem:$0x1EC38] =	vst v2  }
0x374: {  	v2 =	vld [tilespmem:s22+$0xFFFFFF30]  }
0x375: {  	v4 =	vld [tilespmem:s22+$0xFFFFFF70]  }
0x376: {  	v5 =	vld [tilespmem:s22+$0xFFFFFF60]  }
0x377: {  	v3 =	vld.idx.msk [tilespmem:v3+s2+$0x0], $0xffff  }
0x378: {  	v6 =	vld [tilespmem:s22+$0xFFFFFF40]  }
0x379: {  	v7 =	vld [tilespmem:s22+$0xFFFFFF50]  }
0x37a: {  	v8 =	vld [tilespmem:s22+$0xFFFFFF00]  }
0x37b: {  	s15 =	simm.s32 $0x1;
	v9 =	vld [tilespmem:s22+$0xFFFFFF10]  }
0x37c: {  	v11 =	vmov s15;
	v10 =	vld [tilespmem:s22+$0xFFFFFF20];
	v4 =	vmul.f32 v4, v3  }
0x37d: {  	v11 =	vand.u32 $0xFFFFFFFD, v11;
	v6 =	vmul.f32 v6, v3  }
0x37e: {  	v7 =	vmul.f32 v7, v3;
	v2 =	vadd.f32 v2, v4;
	v4 =	vbroadcast v11, $0x0  }
0x37f: {  	v3 =	vmul.f32 v5, v3;
	v5 =	vadd.f32 v8, v6  }
0x380: {  	v6 =	vadd.f32 v9, v7;
	[tilespmem:s22+$0xFFFFFF30] =	vst v2  }
0x381: {  	v2 =	vadd.f32 v10, v3;
	[tilespmem:s22+$0xFFFFFF00] =	vst v5  }
0x382: {  	v7 =	vld [tilespmem:s22+$0xFFFFFF80];
	[tilespmem:s22+$0xFFFFFF10] =	vst v6  }
0x383: {  	v8 =	vld [tilespmem:s22+$0xFFFFFFE0];
	[tilespmem:s22+$0xFFFFFF20] =	vst v2  }
0x384: {  	v2 =	vld.idx.msk [tilespmem:v4+s2+$0x0], $0xffff  }
0x385: {  	v4 =	vld [tilespmem:s22+$0xFFFFFFC0]  }
0x386: {  	v6 =	vld [tilespmem:s22+$0xFFFFFFD0]  }
0x387: {  	v5 =	vld [tilespmem:s22+$0xFFFFFFF0]  }
0x388: {  	v3 =	vld [tilespmem:s22+$0xFFFFFF90]  }
0x389: {  	s18 =	simm.s32 $0x2;
	v59 =	vld [tilespmem:s22+$0xFFFFFFB0]  }
0x38a: {  	v61 =	vmov s18;
	v60 =	vld [tilespmem:s22+$0xFFFFFFA0];
	v4 =	vmul.f32 v4, v2  }
0x38b: {  	v11 =	vand.u32 $0xFFFFFFFE, v61;
	v6 =	vmul.f32 v6, v2  }
0x38c: {  	v5 =	vmul.f32 v5, v2;
	v4 =	vadd.f32 v7, v4;
	v7 =	vbroadcast v11, $0x0  }
0x38d: {  	v2 =	vmul.f32 v8, v2;
	v3 =	vadd.f32 v3, v6  }
0x38e: {  	v5 =	vadd.f32 v59, v5;
	[tilespmem:s22+$0xFFFFFF80] =	vst v4  }
0x38f: {  	v8 =	vld [tilespmem:s22+$0x70];
	v2 =	vadd.f32 v60, v2;
	[tilespmem:s22+$0xFFFFFF90] =	vst v3  }
0x390: {  	v6 =	vld [tilespmem:s22+$0x60];
	[tilespmem:s22+$0xFFFFFFB0] =	vst v5  }
0x391: {  	[tilespmem:s22+$0xFFFFFFA0] =	vst v2;
	v5 =	vld [tilespmem:s22+$0x40]  }
0x392: {  	v4 =	vld.idx.msk [tilespmem:v7+s2+$0x0], $0xffff  }
0x393: {  	v2 =	vld [tilespmem:s22+$0x50]  }
0x394: {  	v7 =	vld [tilespmem:s22+$0x0]  }
0x395: {  	v3 =	vld [tilespmem:s22+$0x10]  }
0x396: {  	v62 =	vld [tilespmem:s22+$0x20]  }
0x397: {  	v63 =	vld [tilespmem:s22+$0x30];
	v5 =	vmul.f32 v5, v4  }
0x398: {  	v2 =	vmul.f32 v2, v4  }
0x399: {  	s29 =	simm.s32 $0x3;
	v6 =	vmul.f32 v6, v4;
	v5 =	vadd.f32 v7, v5  }
0x39a: {  	v4 =	vmul.f32 v8, v4;
	v8 =	vmov s29;
	v7 =	vadd.f32 v3, v2  }
0x39b: {  	v3 =	vld [tilespmem:s22+$0xC0];
	v6 =	vadd.f32 v62, v6;
	[tilespmem:s22+$0x0] =	vst v5  }
0x39c: {  	v2 =	vld [tilespmem:s22+$0xD0];
	v5 =	vadd.f32 v63, v4;
	[tilespmem:s22+$0x10] =	vst v7  }
0x39d: {  	[tilespmem:s22+$0x20] =	vst v6;
	v4 =	vld [tilespmem:s22+$0xF0]  }
0x39e: {  	[tilespmem:s22+$0x30] =	vst v5;
	v5 =	vld [tilespmem:s22+$0xE0]  }
0x39f: {  	s18 =	simm.s32 $0x13A70;
	s9 =	simm.s32 $0x4;
	v6 =	vld.idx.msk [tilespmem:v8+s2+$0x0], $0xffff  }
.LBB2_58:
0x3a0: {  	p1 =	slt.u32 s9, $0x4C  }
0x3a1: {  	v7 =	vld [tilespmem:s22+$0x80];
	s18 =	sadd.s32 $0x200, s18;
	s15 =	smov.u32 s9;
	s9 =	sadd.s32 $0x4, s9  }
0x3a2: {  	v8 =	vld [tilespmem:s22+$0xB0]  }
0x3a3: {  	v9 =	vld [tilespmem:s22+$0x90]  }
0x3a4: {  	v10 =	vld [tilespmem:s22+$0xA0]  }
0x3a5: {  	v11 =	vld [tilespmem:s18+$0xC0]  }
0x3a6: {  	v12 =	vmov s15;
	v3 =	vmul.f32 v3, v6;
	v13 =	vmul.f32 v2, v6;
	v2 =	vld [tilespmem:s18+$0xD0]  }
0x3a7: {  	v12 =	vand.u32 $0xFFFFFFFC, v12;
	v5 =	vmul.f32 v5, v6;
	v4 =	vmul.f32 v4, v6  }
0x3a8: {  	v6 =	vbroadcast v12, $0x0;
	v12 =	vadd.f32 v7, v3;
	v7 =	vadd.f32 v9, v13  }
0x3a9: {  	v4 =	vadd.f32 v8, v4;
	v5 =	vadd.f32 v10, v5  }
0x3aa: {  	v8 =	vld [tilespmem:s18+$0xFFFFFF20];
	[tilespmem:s22+$0x80] =	vst v12;
	v3 =	vmov v11  }
0x3ab: {  	v9 =	vld [tilespmem:s18+$0xFFFFFF30];
	[tilespmem:s22+$0x90] =	vst v7  }
0x3ac: {  	v7 =	vld [tilespmem:s18+$0xFFFFFF70];
	[tilespmem:s22+$0xB0] =	vst v4  }
0x3ad: {  	v4 =	vld [tilespmem:s18+$0xFFFFFF60];
	[tilespmem:s22+$0xA0] =	vst v5;
	s22 =	smov.u32 s18  }
0x3ae: {  	v5 =	vld.idx.msk [tilespmem:v6+s2+$0x0], $0xffff  }
0x3af: {  	v6 =	vld [tilespmem:s18+$0xFFFFFF40]  }
0x3b0: {  	v10 =	vld [tilespmem:s18+$0xFFFFFF50]  }
0x3b1: {  	v11 =	vld [tilespmem:s18+$0xFFFFFF00]  }
0x3b2: {  	v12 =	vld [tilespmem:s18+$0xFFFFFF10]  }
0x3b3: {  	s10 =	sadd.s32 $0x1, s15  }
0x3b4: {  	v13 =	vmov s10;
	v7 =	vmul.f32 v7, v5;
	v6 =	vmul.f32 v6, v5  }
0x3b5: {  	v4 =	vmul.f32 v4, v5;
	v10 =	vmul.f32 v10, v5;
	v5 =	vand.u32 $0xFFFFFFFD, v13  }
0x3b6: {  	v7 =	vadd.f32 v9, v7;
	v6 =	vadd.f32 v11, v6;
	v5 =	vbroadcast v5, $0x0  }
0x3b7: {  	v4 =	vadd.f32 v8, v4;
	v9 =	vadd.f32 v12, v10  }
0x3b8: {  	[tilespmem:s18+$0xFFFFFF30] =	vst v7;
	v7 =	vld [tilespmem:s18+$0xFFFFFFB0]  }
0x3b9: {  	[tilespmem:s18+$0xFFFFFF00] =	vst v6;
	v6 =	vld [tilespmem:s18+$0xFFFFFF90]  }
0x3ba: {  	[tilespmem:s18+$0xFFFFFF10] =	vst v9;
	v8 =	vld [tilespmem:s18+$0xFFFFFFF0]  }
0x3bb: {  	[tilespmem:s18+$0xFFFFFF20] =	vst v4;
	v4 =	vld [tilespmem:s18+$0xFFFFFFD0]  }
0x3bc: {  	v5 =	vld.idx.msk [tilespmem:v5+s2+$0x0], $0xffff  }
0x3bd: {  	v9 =	vld [tilespmem:s18+$0xFFFFFFC0]  }
0x3be: {  	v10 =	vld [tilespmem:s18+$0xFFFFFFE0]  }
0x3bf: {  	v11 =	vld [tilespmem:s18+$0xFFFFFF80]  }
0x3c0: {  	v12 =	vld [tilespmem:s18+$0xFFFFFFA0]  }
0x3c1: {  	s10 =	sadd.s32 $0x2, s15  }
0x3c2: {  	v13 =	vmov s10;
	v4 =	vmul.f32 v4, v5;
	v9 =	vmul.f32 v9, v5  }
0x3c3: {  	v10 =	vmul.f32 v10, v5;
	v5 =	vmul.f32 v8, v5;
	v8 =	vand.u32 $0xFFFFFFFE, v13  }
0x3c4: {  	v4 =	vadd.f32 v6, v4;
	v9 =	vadd.f32 v11, v9;
	v6 =	vbroadcast v8, $0x0  }
0x3c5: {  	v8 =	vadd.f32 v12, v10;
	v5 =	vadd.f32 v7, v5  }
0x3c6: {  	[tilespmem:s18+$0xFFFFFF80] =	vst v9;
	v7 =	vld [tilespmem:s18+$0x30]  }
0x3c7: {  	[tilespmem:s18+$0xFFFFFF90] =	vst v4;
	v4 =	vld [tilespmem:s18+$0x10]  }
0x3c8: {  	[tilespmem:s18+$0xFFFFFFB0] =	vst v5;
	v5 =	vld [tilespmem:s18+$0x70]  }
0x3c9: {  	[tilespmem:s18+$0xFFFFFFA0] =	vst v8;
	v8 =	vld [tilespmem:s18+$0x50]  }
0x3ca: {  	v6 =	vld.idx.msk [tilespmem:v6+s2+$0x0], $0xffff  }
0x3cb: {  	v9 =	vld [tilespmem:s18+$0x40]  }
0x3cc: {  	v10 =	vld [tilespmem:s18+$0x60]  }
0x3cd: {  	v11 =	vld [tilespmem:s18+$0x0]  }
0x3ce: {  	v12 =	vld [tilespmem:s18+$0x20];
	_ =	sdelay $0x1  }
0x3cf: {  	v8 =	vmul.f32 v8, v6;
	v9 =	vmul.f32 v9, v6  }
0x3d0: {  	v5 =	vmul.f32 v5, v6;
	v10 =	vmul.f32 v10, v6  }
0x3d1: {  	s10 =	sadd.s32 $0x3, s15;
	v4 =	vadd.f32 v4, v8;
	v6 =	vadd.f32 v11, v9  }
0x3d2: {  	v5 =	vadd.f32 v7, v5;
	v7 =	vmov s10;
	v8 =	vadd.f32 v12, v10  }
.Ltmp30:
0x3d3: {  	[tilespmem:s18+$0x0] =	vst v6;
	(pc) =	sbr.rel @p1 .LBB2_58-.Ltmp30, $4  }
0x3d4: {  	[tilespmem:s18+$0x10] =	vst v4  }
0x3d5: {  	[tilespmem:s18+$0x20] =	vst v8;
	v4 =	vld [tilespmem:s18+$0xF0]  }
0x3d6: {  	[tilespmem:s18+$0x30] =	vst v5;
	v5 =	vld [tilespmem:s18+$0xE0]  }
0x3d7: {  	v6 =	vld.idx.msk [tilespmem:v7+s2+$0x0], $0xffff  }
0x3d8: {  	_ = 	snop  }
0x3d9: {  	v7 =	vld [tilespmem:s22+$0x80]  }
0x3da: {  	v8 =	vld [tilespmem:s22+$0x90]  }
0x3db: {  	v9 =	vld [tilespmem:s22+$0xB0]  }
0x3dc: {  	v10 =	vld [tilespmem:s22+$0xA0];
	v3 =	vmul.f32 v3, v6  }
0x3dd: {  	v2 =	vmul.f32 v2, v6  }
0x3de: {  	v4 =	vmul.f32 v4, v6;
	v3 =	vadd.f32 v7, v3  }
0x3df: {  	v5 =	vmul.f32 v5, v6;
	v2 =	vadd.f32 v8, v2  }
0x3e0: {  	v4 =	vadd.f32 v9, v4;
	[tilespmem:s22+$0x80] =	vst v3  }
0x3e1: {  	v3 =	vadd.f32 v10, v5;
	[tilespmem:s22+$0x90] =	vst v2  }
0x3e2: {  	p1 =	seq.s32 @!p0 s1, $0x29;
	[tilespmem:s22+$0xB0] =	vst v4  }
0x3e3: {  	s9 =	simm.s32 $0x13880;
	s10 =	simm.s32 $0x13970;
	p1 =	por p0, !p1;
	[tilespmem:s22+$0xA0] =	vst v3  }
0x3e4: {  	[spmem:s3] =	stream.indirect.scatter.add.f32 [tilespmem:s10], [sflag:$0x4], $0x80, s9, s5, $0xb8;
	[tilespmem:$0x1EC48] =	vst v63  }
.Ltmp31:
0x3e5: {  	_ = 	snop;
	(pc) =	sbr.rel @!p1 .LBB2_65-.Ltmp31, $4  }
0x3e6: {  	s9 =	simm.s32 @!p0 $0x6  }
0x3e7: {  	_ =	swait.ge @!p0 [sflag:s9], $0x2800  }
0x3e8: {  	[sflag:s9] =	ssyncset.done @!p0 $0x0  }
0x3e9: {  	[sflag:s9] =	ssyncadd.s32 @!p0 $0xFFFFD800  }
0x3ea: {  	s9 =	rddreg [dreg:$0xa]  }
0x3eb: {  	s9 =	sadd.s32 s28, s9  }
0x3ec: {  	s10 =	sshrl.u32 s9, $0x3  }
0x3ed: {  	s18 =	simm.s32 $0x0;
	s22 =	simm.s32 $0x1B210;
	s15 =	sadd.s32 s7, s10  }
0x3ee: {  	[tilespmem:s22], [sflag:$0x3] =	stream.linear.gather [hbm4b:s15+s18], $0x50, $0x38;
	[tilespmem:$0x1EC48] =	vst v63  }
0x3ef: {  	s9 =	sshll.u32 s9, $0x9;
	s10 =	sadd.s32 s8, s10;
	s22 =	simm.s32 $0x13920  }
0x3f0: {  	[tilespmem:s22], [sflag:$0x3] =	stream.linear.gather [hbm4b:s10+s18], $0x50, $0x38;
	[tilespmem:$0x1EC48] =	vst v63  }
0x3f1: {  	s22 =	sor.u32 s20, s9  }
0x3f2: {  	s10 =	sshrl.u32 s22, $0x3  }
0x3f3: {  	s29 =	simm.s32 $0x189F0;
	s15 =	sadd.s32 s6, s10  }
0x3f4: {  	s18 =	simm.s32 $0x18970;
	s22 =	simm.s32 $0x40;
	s10 =	sadd.s32 $0x0, s15  }
.LBB2_61:
0x3f5: {  	[tilespmem:s18], [sflag:$0x3] =	stream.linear.gather [hbm4b:s10+s4], $0x40, $0x38;
	[tilespmem:$0x1EC48] =	vst v63  }
0x3f6: {  	s10 =	smov.u32 s22;
	s18 =	smov.u32 s29;
	p0 =	sne.s32 s22, $0x13C0  }
.Ltmp32:
0x3f7: {  	s22 =	sadd.s32 $0x40, s22;
	(pc) =	sbr.rel @p0 .LBB2_61-.Ltmp32, $2  }
0x3f8: {  	_ =	sdelay $0x2  }
0x3f9: {  	s29 =	sadd.s32 $0x80, s29;
	s10 =	sadd.s32 s10, s15  }
0x3fa: {  	[tilespmem:s18], [sflag:$0x3] =	stream.linear.gather [hbm4b:s10+s4], $0x40, $0x38;
	[tilespmem:$0x1EC48] =	vst v63  }
0x3fb: {  	s9 =	sor.u32 s21, s9  }
0x3fc: {  	s9 =	sshrl.u32 s9, $0x3  }
0x3fd: {  	s15 =	simm.s32 $0x189B0;
	s9 =	sadd.s32 s6, s9  }
0x3fe: {  	s18 =	simm.s32 $0x40;
	s22 =	simm.s32 $0x18A30;
	s10 =	sadd.s32 $0x0, s9  }
.LBB2_63:
0x3ff: {  	[tilespmem:s15], [sflag:$0x3] =	stream.linear.gather [hbm4b:s10+s4], $0x40, $0x38;
	[tilespmem:$0x1EC48] =	vst v63  }
0x400: {  	s10 =	smov.u32 s18;
	s15 =	smov.u32 s22;
	p0 =	sne.s32 s18, $0x13C0  }
.Ltmp33:
0x401: {  	s18 =	sadd.s32 $0x40, s18;
	(pc) =	sbr.rel @p0 .LBB2_63-.Ltmp33, $2  }
0x402: {  	_ =	sdelay $0x2  }
0x403: {  	s22 =	sadd.s32 $0x80, s22;
	s10 =	sadd.s32 s10, s9  }
0x404: {  	[tilespmem:s15], [sflag:$0x3] =	stream.linear.gather [hbm4b:s10+s4], $0x40, $0x38;
	[tilespmem:$0x1EC48] =	vst v63  }
.LBB2_65:
0x405: {  	_ =	swait.ge [sflag:s19], $0x50  }
0x406: {  	[sflag:s19] =	ssyncset.done $0x0  }
0x407: {  	[sflag:s19] =	ssyncadd.s32 $0xFFFFFFB0  }
0x408: {  	_ =	swait.ge [sflag:s19], $0x50  }
0x409: {  	[sflag:s19] =	ssyncset.done $0x0  }
0x40a: {  	[sflag:s19] =	ssyncadd.s32 $0xFFFFFFB0  }
0x40b: {  	_ =	swait.ge [sflag:s19], $0x1400  }
0x40c: {  	[sflag:s19] =	ssyncset.done $0x0  }
0x40d: {  	[sflag:s19] =	ssyncadd.s32 $0xFFFFEC00  }
0x40e: {  	_ =	swait.ge [sflag:s19], $0x1400  }
0x40f: {  	[sflag:s19] =	ssyncset.done $0x0  }
0x410: {  	[sflag:s19] =	ssyncadd.s32 $0xFFFFEC00  }
0x411: {  	v2 =	vld [tilespmem:$0x1B1C0];
	_ =	sdelay $0x5  }
0x412: {  	v3 =	vld [tilespmem:$0x1B1D0];
	_ =	sdelay $0x1  }
0x413: {  	v2 =	vld.idx.msk [tilespmem:v2+s0+$0x0], $0xffff;
	_ =	sdelay $0x3  }
0x414: {  	v4 =	vld [tilespmem:$0x1B1E0]  }
0x415: {  	[tilespmem:$0x1EBF8] =	vst v2  }
0x416: {  	v2 =	vld.idx.msk [tilespmem:v3+s0+$0x0], $0xffff;
	_ =	sdelay $0x3  }
0x417: {  	v3 =	vld [tilespmem:$0x1B1F0]  }
0x418: {  	[tilespmem:$0x1EC08] =	vst v2  }
0x419: {  	v2 =	vld.idx.msk [tilespmem:v4+s0+$0x0], $0xffff;
	_ =	sdelay $0x3  }
0x41a: {  	v4 =	vld [tilespmem:$0x1B200]  }
0x41b: {  	[tilespmem:$0x1EC18] =	vst v2  }
0x41c: {  	v2 =	vld.idx.msk [tilespmem:v3+s0+$0x0], $0xffff;
	_ =	sdelay $0x4  }
0x41d: {  	[tilespmem:$0x1EC28] =	vst v2  }
0x41e: {  	s9 =	simm.s32 $0x0;
	v2 =	vld.idx.msk [tilespmem:v4+s0+$0x0], $0xffff  }
0x41f: {  	v3 =	vmov s9  }
0x420: {  	v3 =	vand.u32 $0xFFFFFFFC, v3  }
0x421: {  	v3 =	vbroadcast v3, $0x0;
	_ =	sdelay $0x1  }
0x422: {  	s22 =	simm.s32 $0x16270;
	[tilespmem:$0x1EC38] =	vst v2  }
0x423: {  	v2 =	vld [tilespmem:s22+$0xFFFFFF30]  }
0x424: {  	v4 =	vld [tilespmem:s22+$0xFFFFFF70]  }
0x425: {  	v5 =	vld [tilespmem:s22+$0xFFFFFF60]  }
0x426: {  	v3 =	vld.idx.msk [tilespmem:v3+s2+$0x0], $0xffff  }
0x427: {  	v6 =	vld [tilespmem:s22+$0xFFFFFF40]  }
0x428: {  	v7 =	vld [tilespmem:s22+$0xFFFFFF50]  }
0x429: {  	v8 =	vld [tilespmem:s22+$0xFFFFFF00]  }
0x42a: {  	s15 =	simm.s32 $0x1;
	v9 =	vld [tilespmem:s22+$0xFFFFFF10]  }
0x42b: {  	v11 =	vmov s15;
	v10 =	vld [tilespmem:s22+$0xFFFFFF20];
	v4 =	vmul.f32 v4, v3  }
0x42c: {  	v11 =	vand.u32 $0xFFFFFFFD, v11;
	v6 =	vmul.f32 v6, v3  }
0x42d: {  	v7 =	vmul.f32 v7, v3;
	v2 =	vadd.f32 v2, v4;
	v4 =	vbroadcast v11, $0x0  }
0x42e: {  	v3 =	vmul.f32 v5, v3;
	v5 =	vadd.f32 v8, v6  }
0x42f: {  	v6 =	vadd.f32 v9, v7;
	[tilespmem:s22+$0xFFFFFF30] =	vst v2  }
0x430: {  	v2 =	vadd.f32 v10, v3;
	[tilespmem:s22+$0xFFFFFF00] =	vst v5  }
0x431: {  	v7 =	vld [tilespmem:s22+$0xFFFFFF80];
	[tilespmem:s22+$0xFFFFFF10] =	vst v6  }
0x432: {  	v8 =	vld [tilespmem:s22+$0xFFFFFFE0];
	[tilespmem:s22+$0xFFFFFF20] =	vst v2  }
0x433: {  	v2 =	vld.idx.msk [tilespmem:v4+s2+$0x0], $0xffff  }
0x434: {  	v4 =	vld [tilespmem:s22+$0xFFFFFFC0]  }
0x435: {  	v6 =	vld [tilespmem:s22+$0xFFFFFFD0]  }
0x436: {  	v5 =	vld [tilespmem:s22+$0xFFFFFFF0]  }
0x437: {  	v3 =	vld [tilespmem:s22+$0xFFFFFF90]  }
0x438: {  	s18 =	simm.s32 $0x2;
	v59 =	vld [tilespmem:s22+$0xFFFFFFB0]  }
0x439: {  	v61 =	vmov s18;
	v60 =	vld [tilespmem:s22+$0xFFFFFFA0];
	v4 =	vmul.f32 v4, v2  }
0x43a: {  	v11 =	vand.u32 $0xFFFFFFFE, v61;
	v6 =	vmul.f32 v6, v2  }
0x43b: {  	v5 =	vmul.f32 v5, v2;
	v4 =	vadd.f32 v7, v4;
	v7 =	vbroadcast v11, $0x0  }
0x43c: {  	v2 =	vmul.f32 v8, v2;
	v3 =	vadd.f32 v3, v6  }
0x43d: {  	v5 =	vadd.f32 v59, v5;
	[tilespmem:s22+$0xFFFFFF80] =	vst v4  }
0x43e: {  	v8 =	vld [tilespmem:s22+$0x70];
	v2 =	vadd.f32 v60, v2;
	[tilespmem:s22+$0xFFFFFF90] =	vst v3  }
0x43f: {  	v6 =	vld [tilespmem:s22+$0x60];
	[tilespmem:s22+$0xFFFFFFB0] =	vst v5  }
0x440: {  	[tilespmem:s22+$0xFFFFFFA0] =	vst v2;
	v5 =	vld [tilespmem:s22+$0x40]  }
0x441: {  	v4 =	vld.idx.msk [tilespmem:v7+s2+$0x0], $0xffff  }
0x442: {  	v2 =	vld [tilespmem:s22+$0x50]  }
0x443: {  	v7 =	vld [tilespmem:s22+$0x0]  }
0x444: {  	v3 =	vld [tilespmem:s22+$0x10]  }
0x445: {  	v62 =	vld [tilespmem:s22+$0x20]  }
0x446: {  	v63 =	vld [tilespmem:s22+$0x30];
	v5 =	vmul.f32 v5, v4  }
0x447: {  	v2 =	vmul.f32 v2, v4  }
0x448: {  	s29 =	simm.s32 $0x3;
	v6 =	vmul.f32 v6, v4;
	v5 =	vadd.f32 v7, v5  }
0x449: {  	v4 =	vmul.f32 v8, v4;
	v8 =	vmov s29;
	v7 =	vadd.f32 v3, v2  }
0x44a: {  	v3 =	vld [tilespmem:s22+$0xC0];
	v6 =	vadd.f32 v62, v6;
	[tilespmem:s22+$0x0] =	vst v5  }
0x44b: {  	v2 =	vld [tilespmem:s22+$0xD0];
	v5 =	vadd.f32 v63, v4;
	[tilespmem:s22+$0x10] =	vst v7  }
0x44c: {  	[tilespmem:s22+$0x20] =	vst v6;
	v4 =	vld [tilespmem:s22+$0xF0]  }
0x44d: {  	[tilespmem:s22+$0x30] =	vst v5;
	v5 =	vld [tilespmem:s22+$0xE0]  }
0x44e: {  	s18 =	simm.s32 $0x16270;
	s9 =	simm.s32 $0x4;
	v6 =	vld.idx.msk [tilespmem:v8+s2+$0x0], $0xffff  }
.LBB2_66:
0x44f: {  	p0 =	slt.u32 s9, $0x4C  }
0x450: {  	v7 =	vld [tilespmem:s22+$0x80];
	s18 =	sadd.s32 $0x200, s18;
	s15 =	smov.u32 s9;
	s9 =	sadd.s32 $0x4, s9  }
0x451: {  	v8 =	vld [tilespmem:s22+$0xB0]  }
0x452: {  	v9 =	vld [tilespmem:s22+$0x90]  }
0x453: {  	v10 =	vld [tilespmem:s22+$0xA0]  }
0x454: {  	v11 =	vld [tilespmem:s18+$0xC0]  }
0x455: {  	v12 =	vmov s15;
	v3 =	vmul.f32 v3, v6;
	v13 =	vmul.f32 v2, v6;
	v2 =	vld [tilespmem:s18+$0xD0]  }
0x456: {  	v12 =	vand.u32 $0xFFFFFFFC, v12;
	v5 =	vmul.f32 v5, v6;
	v4 =	vmul.f32 v4, v6  }
0x457: {  	v6 =	vbroadcast v12, $0x0;
	v12 =	vadd.f32 v7, v3;
	v7 =	vadd.f32 v9, v13  }
0x458: {  	v4 =	vadd.f32 v8, v4;
	v5 =	vadd.f32 v10, v5  }
0x459: {  	v8 =	vld [tilespmem:s18+$0xFFFFFF20];
	[tilespmem:s22+$0x80] =	vst v12;
	v3 =	vmov v11  }
0x45a: {  	v9 =	vld [tilespmem:s18+$0xFFFFFF30];
	[tilespmem:s22+$0x90] =	vst v7  }
0x45b: {  	v7 =	vld [tilespmem:s18+$0xFFFFFF70];
	[tilespmem:s22+$0xB0] =	vst v4  }
0x45c: {  	v4 =	vld [tilespmem:s18+$0xFFFFFF60];
	[tilespmem:s22+$0xA0] =	vst v5;
	s22 =	smov.u32 s18  }
0x45d: {  	v5 =	vld.idx.msk [tilespmem:v6+s2+$0x0], $0xffff  }
0x45e: {  	v6 =	vld [tilespmem:s18+$0xFFFFFF40]  }
0x45f: {  	v10 =	vld [tilespmem:s18+$0xFFFFFF50]  }
0x460: {  	v11 =	vld [tilespmem:s18+$0xFFFFFF00]  }
0x461: {  	v12 =	vld [tilespmem:s18+$0xFFFFFF10]  }
0x462: {  	s10 =	sadd.s32 $0x1, s15  }
0x463: {  	v13 =	vmov s10;
	v7 =	vmul.f32 v7, v5;
	v6 =	vmul.f32 v6, v5  }
0x464: {  	v4 =	vmul.f32 v4, v5;
	v10 =	vmul.f32 v10, v5;
	v5 =	vand.u32 $0xFFFFFFFD, v13  }
0x465: {  	v7 =	vadd.f32 v9, v7;
	v6 =	vadd.f32 v11, v6;
	v5 =	vbroadcast v5, $0x0  }
0x466: {  	v4 =	vadd.f32 v8, v4;
	v9 =	vadd.f32 v12, v10  }
0x467: {  	[tilespmem:s18+$0xFFFFFF30] =	vst v7;
	v7 =	vld [tilespmem:s18+$0xFFFFFFB0]  }
0x468: {  	[tilespmem:s18+$0xFFFFFF00] =	vst v6;
	v6 =	vld [tilespmem:s18+$0xFFFFFF90]  }
0x469: {  	[tilespmem:s18+$0xFFFFFF10] =	vst v9;
	v8 =	vld [tilespmem:s18+$0xFFFFFFF0]  }
0x46a: {  	[tilespmem:s18+$0xFFFFFF20] =	vst v4;
	v4 =	vld [tilespmem:s18+$0xFFFFFFD0]  }
0x46b: {  	v5 =	vld.idx.msk [tilespmem:v5+s2+$0x0], $0xffff  }
0x46c: {  	v9 =	vld [tilespmem:s18+$0xFFFFFFC0]  }
0x46d: {  	v10 =	vld [tilespmem:s18+$0xFFFFFFE0]  }
0x46e: {  	v11 =	vld [tilespmem:s18+$0xFFFFFF80]  }
0x46f: {  	v12 =	vld [tilespmem:s18+$0xFFFFFFA0]  }
0x470: {  	s10 =	sadd.s32 $0x2, s15  }
0x471: {  	v13 =	vmov s10;
	v4 =	vmul.f32 v4, v5;
	v9 =	vmul.f32 v9, v5  }
0x472: {  	v10 =	vmul.f32 v10, v5;
	v5 =	vmul.f32 v8, v5;
	v8 =	vand.u32 $0xFFFFFFFE, v13  }
0x473: {  	v4 =	vadd.f32 v6, v4;
	v9 =	vadd.f32 v11, v9;
	v6 =	vbroadcast v8, $0x0  }
0x474: {  	v8 =	vadd.f32 v12, v10;
	v5 =	vadd.f32 v7, v5  }
0x475: {  	[tilespmem:s18+$0xFFFFFF80] =	vst v9;
	v7 =	vld [tilespmem:s18+$0x30]  }
0x476: {  	[tilespmem:s18+$0xFFFFFF90] =	vst v4;
	v4 =	vld [tilespmem:s18+$0x10]  }
0x477: {  	[tilespmem:s18+$0xFFFFFFB0] =	vst v5;
	v5 =	vld [tilespmem:s18+$0x70]  }
0x478: {  	[tilespmem:s18+$0xFFFFFFA0] =	vst v8;
	v8 =	vld [tilespmem:s18+$0x50]  }
0x479: {  	v6 =	vld.idx.msk [tilespmem:v6+s2+$0x0], $0xffff  }
0x47a: {  	v9 =	vld [tilespmem:s18+$0x40]  }
0x47b: {  	v10 =	vld [tilespmem:s18+$0x60]  }
0x47c: {  	v11 =	vld [tilespmem:s18+$0x0]  }
0x47d: {  	v12 =	vld [tilespmem:s18+$0x20];
	_ =	sdelay $0x1  }
0x47e: {  	v8 =	vmul.f32 v8, v6;
	v9 =	vmul.f32 v9, v6  }
0x47f: {  	v5 =	vmul.f32 v5, v6;
	v10 =	vmul.f32 v10, v6  }
0x480: {  	s10 =	sadd.s32 $0x3, s15;
	v4 =	vadd.f32 v4, v8;
	v6 =	vadd.f32 v11, v9  }
0x481: {  	v5 =	vadd.f32 v7, v5;
	v7 =	vmov s10;
	v8 =	vadd.f32 v12, v10  }
.Ltmp34:
0x482: {  	[tilespmem:s18+$0x0] =	vst v6;
	(pc) =	sbr.rel @p0 .LBB2_66-.Ltmp34, $4  }
0x483: {  	[tilespmem:s18+$0x10] =	vst v4  }
0x484: {  	[tilespmem:s18+$0x20] =	vst v8;
	v4 =	vld [tilespmem:s18+$0xF0]  }
0x485: {  	[tilespmem:s18+$0x30] =	vst v5;
	v5 =	vld [tilespmem:s18+$0xE0]  }
0x486: {  	v6 =	vld.idx.msk [tilespmem:v7+s2+$0x0], $0xffff  }
0x487: {  	_ = 	snop  }
0x488: {  	v7 =	vld [tilespmem:s22+$0x80]  }
0x489: {  	v8 =	vld [tilespmem:s22+$0x90]  }
0x48a: {  	v9 =	vld [tilespmem:s22+$0xB0]  }
0x48b: {  	v10 =	vld [tilespmem:s22+$0xA0];
	v3 =	vmul.f32 v3, v6  }
0x48c: {  	v2 =	vmul.f32 v2, v6  }
0x48d: {  	v4 =	vmul.f32 v4, v6;
	v3 =	vadd.f32 v7, v3  }
0x48e: {  	v5 =	vmul.f32 v5, v6;
	v2 =	vadd.f32 v8, v2  }
0x48f: {  	v4 =	vadd.f32 v9, v4;
	[tilespmem:s22+$0x80] =	vst v3  }
0x490: {  	v3 =	vadd.f32 v10, v5;
	[tilespmem:s22+$0x90] =	vst v2  }
0x491: {  	p0 =	seq.s32 s1, $0x29;
	[tilespmem:s22+$0xB0] =	vst v4  }
.Ltmp35:
0x492: {  	s9 =	simm.s32 $0x138D0;
	s10 =	simm.s32 $0x16170;
	[tilespmem:s22+$0xA0] =	vst v3;
	(pc) =	sbr.rel @p0 .LBB2_75-.Ltmp35, $4  }
0x493: {  	[spmem:s3] =	stream.indirect.scatter.add.f32 [tilespmem:s10], [sflag:$0x5], $0x80, s9, s5, $0xb8;
	[tilespmem:$0x1EC48] =	vst v63  }
0x494: {  	_ =	swait.ge [sflag:s14], $0x2800  }
0x495: {  	[sflag:s14] =	ssyncset.done $0x0  }
0x496: {  	[sflag:s14] =	ssyncadd.s32 $0xFFFFD800  }
0x497: {  	s9 =	rddreg [dreg:$0xb]  }
0x498: {  	s9 =	sadd.s32 s28, s9  }
0x499: {  	s18 =	simm.s32 $0x0;
	s10 =	sshrl.u32 s9, $0x3  }
0x49a: {  	s22 =	simm.s32 $0x1B170;
	s9 =	sshll.u32 s9, $0x9;
	s15 =	sadd.s32 s7, s10  }
0x49b: {  	[tilespmem:s22], [sflag:$0x1] =	stream.linear.gather [hbm4b:s15+s18], $0x50, $0x38;
	[tilespmem:$0x1EC48] =	vst v63  }
0x49c: {  	s10 =	sadd.s32 s8, s10;
	s29 =	sor.u32 s20, s9;
	s22 =	simm.s32 $0x13880  }
0x49d: {  	[tilespmem:s22], [sflag:$0x1] =	stream.linear.gather [hbm4b:s10+s18], $0x50, $0x38;
	[tilespmem:$0x1EC48] =	vst v63  }
0x49e: {  	s10 =	sshrl.u32 s29, $0x3  }
0x49f: {  	s28 =	simm.s32 $0x139F0;
	s15 =	sadd.s32 s6, s10  }
0x4a0: {  	s18 =	simm.s32 $0x13970;
	s22 =	simm.s32 $0x40;
	s10 =	sadd.s32 $0x0, s15  }
.LBB2_69:
0x4a1: {  	[tilespmem:s18], [sflag:$0x1] =	stream.linear.gather [hbm4b:s10+s4], $0x40, $0x38;
	[tilespmem:$0x1EC48] =	vst v63  }
0x4a2: {  	s10 =	smov.u32 s22;
	s18 =	smov.u32 s28;
	p0 =	sne.s32 s22, $0x13C0  }
.Ltmp36:
0x4a3: {  	s22 =	sadd.s32 $0x40, s22;
	(pc) =	sbr.rel @p0 .LBB2_69-.Ltmp36, $2  }
0x4a4: {  	_ =	sdelay $0x2  }
0x4a5: {  	s28 =	sadd.s32 $0x80, s28;
	s10 =	sadd.s32 s10, s15  }
0x4a6: {  	[tilespmem:s18], [sflag:$0x1] =	stream.linear.gather [hbm4b:s10+s4], $0x40, $0x38;
	[tilespmem:$0x1EC48] =	vst v63  }
0x4a7: {  	s9 =	sor.u32 s21, s9  }
0x4a8: {  	s9 =	sshrl.u32 s9, $0x3  }
0x4a9: {  	s15 =	simm.s32 $0x139B0;
	s9 =	sadd.s32 s6, s9  }
0x4aa: {  	s18 =	simm.s32 $0x40;
	s22 =	simm.s32 $0x13A30;
	s10 =	sadd.s32 $0x0, s9  }
.LBB2_71:
0x4ab: {  	[tilespmem:s15], [sflag:$0x1] =	stream.linear.gather [hbm4b:s10+s4], $0x40, $0x38;
	[tilespmem:$0x1EC48] =	vst v63  }
0x4ac: {  	s10 =	smov.u32 s18;
	s15 =	smov.u32 s22;
	p0 =	sne.s32 s18, $0x13C0  }
.Ltmp37:
0x4ad: {  	s18 =	sadd.s32 $0x40, s18;
	(pc) =	sbr.rel @p0 .LBB2_71-.Ltmp37, $2  }
0x4ae: {  	_ =	sdelay $0x2  }
0x4af: {  	s22 =	sadd.s32 $0x80, s22;
	s10 =	sadd.s32 s10, s9  }
0x4b0: {  	[tilespmem:s15], [sflag:$0x1] =	stream.linear.gather [hbm4b:s10+s4], $0x40, $0x38;
	[tilespmem:$0x1EC48] =	vst v63  }
0x4b1: {  	_ =	swait.ge [sflag:s26], $0x50  }
0x4b2: {  	[sflag:s26] =	ssyncset.done $0x0  }
0x4b3: {  	[sflag:s26] =	ssyncadd.s32 $0xFFFFFFB0  }
0x4b4: {  	_ =	swait.ge [sflag:s26], $0x50  }
0x4b5: {  	[sflag:s26] =	ssyncset.done $0x0  }
0x4b6: {  	[sflag:s26] =	ssyncadd.s32 $0xFFFFFFB0  }
0x4b7: {  	_ =	swait.ge [sflag:s26], $0x1400  }
0x4b8: {  	[sflag:s26] =	ssyncset.done $0x0  }
0x4b9: {  	[sflag:s26] =	ssyncadd.s32 $0xFFFFEC00  }
0x4ba: {  	_ =	swait.ge [sflag:s26], $0x1400  }
0x4bb: {  	[sflag:s26] =	ssyncset.done $0x0  }
0x4bc: {  	[sflag:s26] =	ssyncadd.s32 $0xFFFFEC00  }
0x4bd: {  	v2 =	vld [tilespmem:$0x1B210];
	_ =	sdelay $0x5  }
0x4be: {  	v3 =	vld [tilespmem:$0x1B220];
	_ =	sdelay $0x1  }
0x4bf: {  	v2 =	vld.idx.msk [tilespmem:v2+s0+$0x0], $0xffff;
	_ =	sdelay $0x3  }
0x4c0: {  	v4 =	vld [tilespmem:$0x1B230]  }
0x4c1: {  	[tilespmem:$0x1EBF8] =	vst v2  }
0x4c2: {  	v2 =	vld.idx.msk [tilespmem:v3+s0+$0x0], $0xffff;
	_ =	sdelay $0x3  }
0x4c3: {  	v3 =	vld [tilespmem:$0x1B240]  }
0x4c4: {  	[tilespmem:$0x1EC08] =	vst v2  }
0x4c5: {  	v2 =	vld.idx.msk [tilespmem:v4+s0+$0x0], $0xffff;
	_ =	sdelay $0x3  }
0x4c6: {  	v4 =	vld [tilespmem:$0x1B250]  }
0x4c7: {  	[tilespmem:$0x1EC18] =	vst v2  }
0x4c8: {  	v2 =	vld.idx.msk [tilespmem:v3+s0+$0x0], $0xffff;
	_ =	sdelay $0x4  }
0x4c9: {  	[tilespmem:$0x1EC28] =	vst v2  }
0x4ca: {  	s9 =	simm.s32 $0x0;
	v2 =	vld.idx.msk [tilespmem:v4+s0+$0x0], $0xffff  }
0x4cb: {  	v3 =	vmov s9  }
0x4cc: {  	v3 =	vand.u32 $0xFFFFFFFC, v3  }
0x4cd: {  	v3 =	vbroadcast v3, $0x0;
	_ =	sdelay $0x1  }
0x4ce: {  	s22 =	simm.s32 $0x18A70;
	[tilespmem:$0x1EC38] =	vst v2  }
0x4cf: {  	v2 =	vld [tilespmem:s22+$0xFFFFFF30]  }
0x4d0: {  	v4 =	vld [tilespmem:s22+$0xFFFFFF70]  }
0x4d1: {  	v5 =	vld [tilespmem:s22+$0xFFFFFF60]  }
0x4d2: {  	v3 =	vld.idx.msk [tilespmem:v3+s2+$0x0], $0xffff  }
0x4d3: {  	v6 =	vld [tilespmem:s22+$0xFFFFFF40]  }
0x4d4: {  	v7 =	vld [tilespmem:s22+$0xFFFFFF50]  }
0x4d5: {  	v8 =	vld [tilespmem:s22+$0xFFFFFF00]  }
0x4d6: {  	s18 =	simm.s32 $0x1;
	v9 =	vld [tilespmem:s22+$0xFFFFFF10]  }
0x4d7: {  	v11 =	vmov s18;
	v10 =	vld [tilespmem:s22+$0xFFFFFF20];
	v4 =	vmul.f32 v4, v3  }
0x4d8: {  	v11 =	vand.u32 $0xFFFFFFFD, v11;
	v6 =	vmul.f32 v6, v3  }
0x4d9: {  	v7 =	vmul.f32 v7, v3;
	v2 =	vadd.f32 v2, v4;
	v4 =	vbroadcast v11, $0x0  }
0x4da: {  	v3 =	vmul.f32 v5, v3;
	v5 =	vadd.f32 v8, v6  }
0x4db: {  	v6 =	vadd.f32 v9, v7;
	[tilespmem:s22+$0xFFFFFF30] =	vst v2  }
0x4dc: {  	v2 =	vadd.f32 v10, v3;
	[tilespmem:s22+$0xFFFFFF00] =	vst v5  }
0x4dd: {  	v7 =	vld [tilespmem:s22+$0xFFFFFF80];
	[tilespmem:s22+$0xFFFFFF10] =	vst v6  }
0x4de: {  	v8 =	vld [tilespmem:s22+$0xFFFFFFE0];
	[tilespmem:s22+$0xFFFFFF20] =	vst v2  }
0x4df: {  	v2 =	vld.idx.msk [tilespmem:v4+s2+$0x0], $0xffff  }
0x4e0: {  	v4 =	vld [tilespmem:s22+$0xFFFFFFC0]  }
0x4e1: {  	v6 =	vld [tilespmem:s22+$0xFFFFFFD0]  }
0x4e2: {  	v5 =	vld [tilespmem:s22+$0xFFFFFFF0]  }
0x4e3: {  	v3 =	vld [tilespmem:s22+$0xFFFFFF90]  }
0x4e4: {  	s28 =	simm.s32 $0x2;
	v59 =	vld [tilespmem:s22+$0xFFFFFFB0]  }
0x4e5: {  	v61 =	vmov s28;
	v60 =	vld [tilespmem:s22+$0xFFFFFFA0];
	v4 =	vmul.f32 v4, v2  }
0x4e6: {  	v11 =	vand.u32 $0xFFFFFFFE, v61;
	v6 =	vmul.f32 v6, v2  }
0x4e7: {  	v5 =	vmul.f32 v5, v2;
	v4 =	vadd.f32 v7, v4;
	v7 =	vbroadcast v11, $0x0  }
0x4e8: {  	v2 =	vmul.f32 v8, v2;
	v3 =	vadd.f32 v3, v6  }
0x4e9: {  	v5 =	vadd.f32 v59, v5;
	[tilespmem:s22+$0xFFFFFF80] =	vst v4  }
0x4ea: {  	v8 =	vld [tilespmem:s22+$0x70];
	v2 =	vadd.f32 v60, v2;
	[tilespmem:s22+$0xFFFFFF90] =	vst v3  }
0x4eb: {  	v6 =	vld [tilespmem:s22+$0x60];
	[tilespmem:s22+$0xFFFFFFB0] =	vst v5  }
0x4ec: {  	[tilespmem:s22+$0xFFFFFFA0] =	vst v2;
	v5 =	vld [tilespmem:s22+$0x40]  }
0x4ed: {  	v4 =	vld.idx.msk [tilespmem:v7+s2+$0x0], $0xffff  }
0x4ee: {  	v2 =	vld [tilespmem:s22+$0x50]  }
0x4ef: {  	v7 =	vld [tilespmem:s22+$0x0]  }
0x4f0: {  	v3 =	vld [tilespmem:s22+$0x10]  }
0x4f1: {  	v62 =	vld [tilespmem:s22+$0x20]  }
0x4f2: {  	v63 =	vld [tilespmem:s22+$0x30];
	v5 =	vmul.f32 v5, v4  }
0x4f3: {  	v2 =	vmul.f32 v2, v4  }
0x4f4: {  	s29 =	simm.s32 $0x3;
	v6 =	vmul.f32 v6, v4;
	v5 =	vadd.f32 v7, v5  }
0x4f5: {  	v4 =	vmul.f32 v8, v4;
	v8 =	vmov s29;
	v7 =	vadd.f32 v3, v2  }
0x4f6: {  	v3 =	vld [tilespmem:s22+$0xC0];
	v6 =	vadd.f32 v62, v6;
	[tilespmem:s22+$0x0] =	vst v5  }
0x4f7: {  	v2 =	vld [tilespmem:s22+$0xD0];
	v5 =	vadd.f32 v63, v4;
	[tilespmem:s22+$0x10] =	vst v7  }
0x4f8: {  	[tilespmem:s22+$0x20] =	vst v6;
	v4 =	vld [tilespmem:s22+$0xF0]  }
0x4f9: {  	[tilespmem:s22+$0x30] =	vst v5;
	v5 =	vld [tilespmem:s22+$0xE0]  }
0x4fa: {  	s18 =	simm.s32 $0x18A70;
	s9 =	simm.s32 $0x4;
	v6 =	vld.idx.msk [tilespmem:v8+s2+$0x0], $0xffff  }
.LBB2_73:
0x4fb: {  	p0 =	slt.u32 s9, $0x4C  }
0x4fc: {  	v7 =	vld [tilespmem:s22+$0x80];
	s18 =	sadd.s32 $0x200, s18;
	s15 =	smov.u32 s9;
	s9 =	sadd.s32 $0x4, s9  }
0x4fd: {  	v8 =	vld [tilespmem:s22+$0xB0]  }
0x4fe: {  	v9 =	vld [tilespmem:s22+$0x90]  }
0x4ff: {  	v10 =	vld [tilespmem:s22+$0xA0]  }
0x500: {  	v11 =	vld [tilespmem:s18+$0xC0]  }
0x501: {  	v12 =	vmov s15;
	v3 =	vmul.f32 v3, v6;
	v13 =	vmul.f32 v2, v6;
	v2 =	vld [tilespmem:s18+$0xD0]  }
0x502: {  	v12 =	vand.u32 $0xFFFFFFFC, v12;
	v5 =	vmul.f32 v5, v6;
	v4 =	vmul.f32 v4, v6  }
0x503: {  	v6 =	vbroadcast v12, $0x0;
	v12 =	vadd.f32 v7, v3;
	v7 =	vadd.f32 v9, v13  }
0x504: {  	v4 =	vadd.f32 v8, v4;
	v5 =	vadd.f32 v10, v5  }
0x505: {  	v8 =	vld [tilespmem:s18+$0xFFFFFF20];
	[tilespmem:s22+$0x80] =	vst v12;
	v3 =	vmov v11  }
0x506: {  	v9 =	vld [tilespmem:s18+$0xFFFFFF30];
	[tilespmem:s22+$0x90] =	vst v7  }
0x507: {  	v7 =	vld [tilespmem:s18+$0xFFFFFF70];
	[tilespmem:s22+$0xB0] =	vst v4  }
0x508: {  	v4 =	vld [tilespmem:s18+$0xFFFFFF60];
	[tilespmem:s22+$0xA0] =	vst v5;
	s22 =	smov.u32 s18  }
0x509: {  	v5 =	vld.idx.msk [tilespmem:v6+s2+$0x0], $0xffff  }
0x50a: {  	v6 =	vld [tilespmem:s18+$0xFFFFFF40]  }
0x50b: {  	v10 =	vld [tilespmem:s18+$0xFFFFFF50]  }
0x50c: {  	v11 =	vld [tilespmem:s18+$0xFFFFFF00]  }
0x50d: {  	v12 =	vld [tilespmem:s18+$0xFFFFFF10]  }
0x50e: {  	s10 =	sadd.s32 $0x1, s15  }
0x50f: {  	v13 =	vmov s10;
	v7 =	vmul.f32 v7, v5;
	v6 =	vmul.f32 v6, v5  }
0x510: {  	v4 =	vmul.f32 v4, v5;
	v10 =	vmul.f32 v10, v5;
	v5 =	vand.u32 $0xFFFFFFFD, v13  }
0x511: {  	v7 =	vadd.f32 v9, v7;
	v6 =	vadd.f32 v11, v6;
	v5 =	vbroadcast v5, $0x0  }
0x512: {  	v4 =	vadd.f32 v8, v4;
	v9 =	vadd.f32 v12, v10  }
0x513: {  	[tilespmem:s18+$0xFFFFFF30] =	vst v7;
	v7 =	vld [tilespmem:s18+$0xFFFFFFB0]  }
0x514: {  	[tilespmem:s18+$0xFFFFFF00] =	vst v6;
	v6 =	vld [tilespmem:s18+$0xFFFFFF90]  }
0x515: {  	[tilespmem:s18+$0xFFFFFF10] =	vst v9;
	v8 =	vld [tilespmem:s18+$0xFFFFFFF0]  }
0x516: {  	[tilespmem:s18+$0xFFFFFF20] =	vst v4;
	v4 =	vld [tilespmem:s18+$0xFFFFFFD0]  }
0x517: {  	v5 =	vld.idx.msk [tilespmem:v5+s2+$0x0], $0xffff  }
0x518: {  	v9 =	vld [tilespmem:s18+$0xFFFFFFC0]  }
0x519: {  	v10 =	vld [tilespmem:s18+$0xFFFFFFE0]  }
0x51a: {  	v11 =	vld [tilespmem:s18+$0xFFFFFF80]  }
0x51b: {  	v12 =	vld [tilespmem:s18+$0xFFFFFFA0]  }
0x51c: {  	s10 =	sadd.s32 $0x2, s15  }
0x51d: {  	v13 =	vmov s10;
	v4 =	vmul.f32 v4, v5;
	v9 =	vmul.f32 v9, v5  }
0x51e: {  	v10 =	vmul.f32 v10, v5;
	v5 =	vmul.f32 v8, v5;
	v8 =	vand.u32 $0xFFFFFFFE, v13  }
0x51f: {  	v4 =	vadd.f32 v6, v4;
	v9 =	vadd.f32 v11, v9;
	v6 =	vbroadcast v8, $0x0  }
0x520: {  	v8 =	vadd.f32 v12, v10;
	v5 =	vadd.f32 v7, v5  }
0x521: {  	[tilespmem:s18+$0xFFFFFF80] =	vst v9;
	v7 =	vld [tilespmem:s18+$0x30]  }
0x522: {  	[tilespmem:s18+$0xFFFFFF90] =	vst v4;
	v4 =	vld [tilespmem:s18+$0x10]  }
0x523: {  	[tilespmem:s18+$0xFFFFFFB0] =	vst v5;
	v5 =	vld [tilespmem:s18+$0x70]  }
0x524: {  	[tilespmem:s18+$0xFFFFFFA0] =	vst v8;
	v8 =	vld [tilespmem:s18+$0x50]  }
0x525: {  	v6 =	vld.idx.msk [tilespmem:v6+s2+$0x0], $0xffff  }
0x526: {  	v9 =	vld [tilespmem:s18+$0x40]  }
0x527: {  	v10 =	vld [tilespmem:s18+$0x60]  }
0x528: {  	v11 =	vld [tilespmem:s18+$0x0]  }
0x529: {  	v12 =	vld [tilespmem:s18+$0x20];
	_ =	sdelay $0x1  }
0x52a: {  	v8 =	vmul.f32 v8, v6;
	v9 =	vmul.f32 v9, v6  }
0x52b: {  	v5 =	vmul.f32 v5, v6;
	v10 =	vmul.f32 v10, v6  }
0x52c: {  	s10 =	sadd.s32 $0x3, s15;
	v4 =	vadd.f32 v4, v8;
	v6 =	vadd.f32 v11, v9  }
0x52d: {  	v5 =	vadd.f32 v7, v5;
	v7 =	vmov s10;
	v8 =	vadd.f32 v12, v10  }
.Ltmp38:
0x52e: {  	[tilespmem:s18+$0x0] =	vst v6;
	(pc) =	sbr.rel @p0 .LBB2_73-.Ltmp38, $4  }
0x52f: {  	[tilespmem:s18+$0x10] =	vst v4  }
0x530: {  	[tilespmem:s18+$0x20] =	vst v8;
	v4 =	vld [tilespmem:s18+$0xF0]  }
0x531: {  	[tilespmem:s18+$0x30] =	vst v5;
	v5 =	vld [tilespmem:s18+$0xE0]  }
0x532: {  	v6 =	vld.idx.msk [tilespmem:v7+s2+$0x0], $0xffff  }
0x533: {  	_ = 	snop  }
0x534: {  	v7 =	vld [tilespmem:s22+$0x80]  }
0x535: {  	v8 =	vld [tilespmem:s22+$0x90]  }
0x536: {  	v9 =	vld [tilespmem:s22+$0xB0]  }
0x537: {  	v10 =	vld [tilespmem:s22+$0xA0];
	v3 =	vmul.f32 v3, v6  }
0x538: {  	v2 =	vmul.f32 v2, v6  }
0x539: {  	v4 =	vmul.f32 v4, v6;
	v3 =	vadd.f32 v7, v3  }
0x53a: {  	v5 =	vmul.f32 v5, v6;
	v2 =	vadd.f32 v8, v2  }
.Ltmp39:
0x53b: {  	v4 =	vadd.f32 v9, v4;
	[tilespmem:s22+$0x80] =	vst v3;
	(pc) =	sbr.rel .LBB2_53-.Ltmp39, $4  }
0x53c: {  	v3 =	vadd.f32 v10, v5;
	[tilespmem:s22+$0x90] =	vst v2  }
0x53d: {  	[tilespmem:s22+$0xB0] =	vst v4  }
0x53e: {  	s9 =	simm.s32 $0x13920;
	s1 =	sadd.s32 $0x1, s1;
	[tilespmem:s22+$0xA0] =	vst v3  }
0x53f: {  	[spmem:s3] =	stream.indirect.scatter.add.f32 [tilespmem:s25], [sflag:$0x6], $0x80, s9, s5, $0xb8;
	[tilespmem:$0x1EC48] =	vst v63  }
.LBB2_75:
0x540: {  	s1 =	simm.s32 $0x5  }
0x541: {  	_ =	swait.ge [sflag:s1], $0x2800  }
0x542: {  	[sflag:s1] =	ssyncset.done $0x0  }
0x543: {  	[sflag:s1] =	ssyncadd.s32 $0xFFFFD800  }
0x544: {  	s1 =	simm.s32 $0x0;
	[bflag:$0x0] =	sbarrier.arrive $0xFFFF  }
.LBB2_76:
0x545: {  	s9 =	sshll.u32 s1, $0x4;
	s10 =	stileid.u32  }
0x546: {  	s9 =	sor.u32 s10, s9  }
0x547: {  	s10 =	smul.u32 $0xA000, s9;
	_ =	sdelay $0x1  }
0x548: {  	s10 =	sshra.s32 s10, $0x2  }
0x549: {  	s15 =	simm.s32 $0x13970;
	s10 =	sadd.s32 s10, s3  }
0x54a: {  	[tilespmem:s15], [sflag:$0x7] =	stream.linear.gather [spmem:s10], $0x2800, $0x38;
	[tilespmem:$0x1EC48] =	vst v63  }
0x54b: {  	s9 =	smul.u32 $0x5000, s9;
	_ =	swait.ge [sflag:s30], $0x2800  }
0x54c: {  	[sflag:s30] =	ssyncset.done $0x0  }
0x54d: {  	s9 =	sor.u32 s20, s9;
	[sflag:s30] =	ssyncadd.s32 $0xFFFFD800  }
0x54e: {  	s22 =	sshrl.u32 s9, $0x3;
	s29 =	rddreg [dreg:$0x0]  }
0x54f: {  	s18 =	simm.s32 $0x20;
	s9 =	sadd.s32 s29, s22  }
0x550: {  	s28 =	simm.s32 $0x161F0;
	s15 =	simm.s32 $0x16170;
	s10 =	sadd.s32 $0x0, s9  }
.LBB2_77:
0x551: {  	[tilespmem:s15], [sflag:$0x7] =	stream.linear.gather [hbm4b:s10+s4], $0x40, $0x38;
	[tilespmem:$0x1EC48] =	vst v63  }
0x552: {  	s10 =	smov.u32 s18;
	s15 =	smov.u32 s28;
	p0 =	sne.s32 s18, $0x9E0  }
.Ltmp40:
0x553: {  	s18 =	sadd.s32 $0x20, s18;
	(pc) =	sbr.rel @p0 .LBB2_77-.Ltmp40, $2  }
0x554: {  	_ =	sdelay $0x2  }
0x555: {  	s28 =	sadd.s32 $0x80, s28;
	s10 =	sadd.s32 s10, s9  }
0x556: {  	[tilespmem:s15], [sflag:$0x7] =	stream.linear.gather [hbm4b:s10+s4], $0x40, $0x38;
	[tilespmem:$0x1EC48] =	vst v63  }
0x557: {  	_ =	swait.ge [sflag:s30], $0x1400  }
0x558: {  	[sflag:s30] =	ssyncset.done $0x0  }
0x559: {  	s9 =	simm.s32 $0x0;
	[sflag:s30] =	ssyncadd.s32 $0xFFFFEC00  }
0x55a: {  	v2 =	vld [tilespmem:s9+$0x139E0]  }
0x55b: {  	v3 =	vld [tilespmem:s9+$0x139B0]  }
0x55c: {  	v4 =	vld [tilespmem:s9+$0x139C0]  }
0x55d: {  	v5 =	vld [tilespmem:s9+$0x139D0]  }
0x55e: {  	v6 =	vld [tilespmem:s9+$0x13970]  }
0x55f: {  	v7 =	vld [tilespmem:s9+$0x13980]  }
0x560: {  	v8 =	vld [tilespmem:s9+$0x13990];
	v2 =	vadd.f32 $9.999999970e-07, v2  }
0x561: {  	v9 =	vld [tilespmem:s9+$0x16170]  }
0x562: {  	v10 =	vld [tilespmem:s9+$0x16190];
	v3 =	vadd.f32 $9.999999970e-07, v3;
	(erf) = vrcp.f32 v2  }
0x563: {  	s28 =	simm.s32 $0x80;
	v11 =	vld [tilespmem:s9+$0x139A0];
	v4 =	vadd.f32 $9.999999970e-07, v4  }
0x564: {  	v12 =	vld [tilespmem:s28+$0x139B0];
	(erf) = vrcp.f32 v3  }
0x565: {  	v13 =	vld [tilespmem:s28+$0x139C0];
	(erf) = vrcp.f32 v4  }
0x566: {  	v5 =	vadd.f32 $9.999999970e-07, v5;
	v3 =	vld [tilespmem:s9+$0x161A0]  }
0x567: {  	v4 =	vld [tilespmem:s28+$0x139E0]  }
0x568: {  	v2 =	vld [tilespmem:s9+$0x16180];
	(erf) = vrcp.f32 v5  }
0x569: {  	v15 =	vmul.f32 $8.000000110e-01, v6;
	v16 =	vmul.f32 $8.000000110e-01, v7  }
0x56a: {  	v14 =	vld [tilespmem:s28+$0x139D0];
	v17 =	vmul.f32 $8.000000110e-01, v8;
	v5 =	vmul.f32 $8.000000110e-01, v11  }
0x56b: {  	v9 =	vmul.f32 $2.000000030e-01, v9;
	v13 =	vadd.f32 $9.999999970e-07, v13;
	v11 =	vld [tilespmem:s28+$0x13970];
	v6 =	vpop (erf)  }
0x56c: {  	v18 =	vld [tilespmem:s28+$0x13980];
	v3 =	vmul.f32 $2.000000030e-01, v3;
	v4 =	vadd.f32 $9.999999970e-07, v4;
	v7 =	vmul.f32 v6, v5  }
0x56d: {  	v19 =	vld [tilespmem:s28+$0x13990];
	v2 =	vmul.f32 $2.000000030e-01, v2;
	v6 =	vmul.f32 $2.000000030e-01, v10;
	v8 =	vpop (erf);
	v10 =	vadd.f32 $9.999999970e-07, v12  }
0x56e: {  	(erf) = vrcp.f32 v4;
	v5 =	vld [tilespmem:s28+$0x16170];
	v12 =	vmul.f32 v8, v15;
	v15 =	vpop (erf);
	v3 =	vadd.f32 v7, v3  }
0x56f: {  	v14 =	vadd.f32 $9.999999970e-07, v14;
	v7 =	vld [tilespmem:s28+$0x16180];
	(erf) = vrcp.f32 v10;
	v15 =	vmul.f32 v15, v16  }
0x570: {  	v4 =	vmul.f32 $8.000000110e-01, v11;
	v8 =	vld [tilespmem:s28+$0x16190];
	(erf) = vrcp.f32 v13;
	v12 =	vadd.f32 v12, v9;
	[tilespmem:s9+$0x161E0] =	vst v3  }
0x571: {  	v13 =	vpop (erf);
	v3 =	vmul.f32 $8.000000110e-01, v18;
	(erf) = vrcp.f32 v14;
	v11 =	vadd.f32 v15, v2;
	v10 =	vld [tilespmem:s28+$0x139A0]  }
0x572: {  	s15 =	simm.s32 $0x100;
	s18 =	simm.s32 $0x600;
	v2 =	vmul.f32 $8.000000110e-01, v19;
	v9 =	vld [tilespmem:s28+$0x161A0];
	[tilespmem:s9+$0x161B0] =	vst v12;
	v12 =	vmul.f32 v13, v17  }
.LBB2_79:
0x573: {  	p0 =	sne.s32 s18, $0x9E00;
	v13 =	vld [tilespmem:s15+$0x139E0];
	v14 =	vmul.f32 $2.000000030e-01, v5;
	[tilespmem:s9+$0x161C0] =	vst v11  }
0x574: {  	v5 =	vld [tilespmem:s15+$0x139B0];
	v11 =	vmul.f32 $2.000000030e-01, v7;
	v16 =	vadd.f32 v12, v6  }
0x575: {  	v12 =	vld [tilespmem:s15+$0x139C0];
	v6 =	vmul.f32 $2.000000030e-01, v8  }
0x576: {  	v8 =	vld [tilespmem:s15+$0x139D0];
	v17 =	vmul.f32 $8.000000110e-01, v10;
	[tilespmem:s9+$0x161D0] =	vst v16;
	s9 =	smov.u32 s28;
	s28 =	smov.u32 s15  }
0x577: {  	v15 =	vld [tilespmem:s28+$0x13970];
	v7 =	vpop (erf)  }
0x578: {  	v9 =	vmul.f32 $2.000000030e-01, v9;
	v16 =	vld [tilespmem:s28+$0x13980];
	v19 =	vadd.f32 $9.999999970e-07, v13;
	v7 =	vmul.f32 v7, v17;
	v10 =	vpop (erf)  }
0x579: {  	v17 =	vadd.f32 $9.999999970e-07, v5;
	v18 =	vld [tilespmem:s28+$0x13990];
	v10 =	vmul.f32 v10, v4;
	v4 =	vpop (erf)  }
.Ltmp41:
0x57a: {  	v5 =	vld [tilespmem:s28+$0x16170];
	v12 =	vadd.f32 $9.999999970e-07, v12;
	(erf) = vrcp.f32 v19;
	v9 =	vadd.f32 v7, v9;
	v13 =	vpop (erf);
	(pc) =	sbr.rel @p0 .LBB2_79-.Ltmp41, $4  }
0x57b: {  	v7 =	vld [tilespmem:s28+$0x16180];
	v19 =	vadd.f32 $9.999999970e-07, v8;
	(erf) = vrcp.f32 v17;
	v17 =	vmul.f32 v4, v3  }
0x57c: {  	v4 =	vmul.f32 $8.000000110e-01, v15;
	v8 =	vld [tilespmem:s28+$0x16190];
	(erf) = vrcp.f32 v12;
	v12 =	vadd.f32 v10, v14;
	[tilespmem:s9+$0x161E0] =	vst v9  }
0x57d: {  	v3 =	vmul.f32 $8.000000110e-01, v16;
	v10 =	vld [tilespmem:s28+$0x139A0];
	(erf) = vrcp.f32 v19;
	v11 =	vadd.f32 v17, v11  }
0x57e: {  	s15 =	sshra.s32 s18, $0x2;
	s18 =	sadd.s32 $0x200, s18;
	v9 =	vld [tilespmem:s28+$0x161A0];
	[tilespmem:s9+$0x161B0] =	vst v12;
	v12 =	vmul.f32 v13, v2;
	v2 =	vmul.f32 $8.000000110e-01, v18  }
0x57f: {  	v13 =	vld [tilespmem:s15+$0x139E0];
	[tilespmem:s9+$0x161C0] =	vst v11  }
0x580: {  	v11 =	vld [tilespmem:s15+$0x139B0];
	v6 =	vadd.f32 v12, v6  }
0x581: {  	v41 =	vld [tilespmem:s15+$0x139C0]  }
0x582: {  	v14 =	vld [tilespmem:s15+$0x139D0];
	[tilespmem:s9+$0x161D0] =	vst v6;
	v42 =	vmul.f32 $8.000000110e-01, v10  }
0x583: {  	v43 =	vld [tilespmem:s15+$0x13970];
	v15 =	vpop (erf)  }
0x584: {  	v16 =	vld [tilespmem:s15+$0x13980];
	v9 =	vmul.f32 $2.000000030e-01, v9;
	v13 =	vadd.f32 $9.999999970e-07, v13;
	v6 =	vmul.f32 v15, v42  }
0x585: {  	v44 =	vld [tilespmem:s15+$0x13990];
	v11 =	vadd.f32 $9.999999970e-07, v11  }
0x586: {  	v17 =	vld [tilespmem:s15+$0x16170];
	v12 =	vadd.f32 $9.999999970e-07, v41;
	(erf) = vrcp.f32 v13;
	v6 =	vadd.f32 v6, v9  }
0x587: {  	v45 =	vld [tilespmem:s15+$0x16180];
	v46 =	vadd.f32 $9.999999970e-07, v14;
	(erf) = vrcp.f32 v11  }
0x588: {  	v47 =	vld [tilespmem:s15+$0x16190];
	(erf) = vrcp.f32 v12;
	[tilespmem:s28+$0x161E0] =	vst v6  }
0x589: {  	v6 =	vld [tilespmem:s15+$0x139A0];
	(erf) = vrcp.f32 v46  }
0x58a: {  	v48 =	vpop (erf)  }
0x58b: {  	v5 =	vmul.f32 $2.000000030e-01, v5;
	v7 =	vmul.f32 $2.000000030e-01, v7;
	v50 =	vpop (erf);
	v49 =	vld [tilespmem:s15+$0x161A0]  }
0x58c: {  	v8 =	vmul.f32 $2.000000030e-01, v8;
	v4 =	vmul.f32 v48, v4;
	v51 =	vpop (erf)  }
0x58d: {  	v3 =	vmul.f32 v50, v3;
	v2 =	vmul.f32 v51, v2  }
0x58e: {  	v10 =	vmul.f32 $8.000000110e-01, v43;
	v6 =	vmul.f32 $8.000000110e-01, v6  }
0x58f: {  	v4 =	vadd.f32 v4, v5;
	v52 =	vmul.f32 $8.000000110e-01, v16;
	v53 =	vmul.f32 $8.000000110e-01, v44;
	v54 =	vpop (erf)  }
0x590: {  	v3 =	vadd.f32 v3, v7;
	v55 =	vmul.f32 $2.000000030e-01, v49;
	v6 =	vmul.f32 v54, v6;
	v56 =	vpop (erf)  }
0x591: {  	v57 =	vmul.f32 $2.000000030e-01, v17;
	[tilespmem:s28+$0x161B0] =	vst v4;
	v2 =	vadd.f32 v2, v8;
	v58 =	vmul.f32 v56, v10;
	v59 =	vpop (erf)  }
0x592: {  	[tilespmem:s28+$0x161C0] =	vst v3;
	v3 =	vmul.f32 $2.000000030e-01, v45;
	v6 =	vadd.f32 v6, v55;
	v60 =	vpop (erf);
	v61 =	vmul.f32 v59, v52  }
0x593: {  	v62 =	vmul.f32 $2.000000030e-01, v47;
	[tilespmem:s28+$0x161D0] =	vst v2;
	v2 =	vadd.f32 v58, v57;
	v63 =	vmul.f32 v60, v53  }
0x594: {  	[tilespmem:s15+$0x161E0] =	vst v6;
	v3 =	vadd.f32 v61, v3  }
0x595: {  	s29 =	rddreg [dreg:$0x5];
	[tilespmem:s15+$0x161B0] =	vst v2;
	v2 =	vadd.f32 v63, v62  }
0x596: {  	s18 =	simm.s32 $0x161B0;
	s9 =	sadd.s32 s29, s22;
	[tilespmem:s15+$0x161C0] =	vst v3  }
0x597: {  	s22 =	simm.s32 $0x16230;
	s10 =	sadd.s32 $0x0, s9;
	[tilespmem:s15+$0x161D0] =	vst v2;
	s15 =	simm.s32 $0x20  }
.LBB2_81:
0x598: {  	[hbm4b:s10+s4] =	stream.linear.scatter [tilespmem:s18], [sflag:$0x7], $0x40, $0x38;
	[tilespmem:$0x1EC48] =	vst v63  }
0x599: {  	s10 =	smov.u32 s15;
	s18 =	smov.u32 s22;
	p0 =	sne.s32 s15, $0x9E0  }
.Ltmp42:
0x59a: {  	s15 =	sadd.s32 $0x20, s15;
	(pc) =	sbr.rel @p0 .LBB2_81-.Ltmp42, $2  }
0x59b: {  	_ =	sdelay $0x2  }
0x59c: {  	s22 =	sadd.s32 $0x80, s22;
	s10 =	sadd.s32 s10, s9  }
0x59d: {  	s1 =	sadd.s32 $0x1, s1  }
0x59e: {  	p0 =	sne.s32 s1, s12  }
.Ltmp43:
0x59f: {  	_ = 	snop;
	(pc) =	sbr.rel @p0 .LBB2_76-.Ltmp43, $4  }
0x5a0: {  	[hbm4b:s10+s4] =	stream.linear.scatter [tilespmem:s18], [sflag:$0x7], $0x40, $0x38;
	[tilespmem:$0x1EC48] =	vst v63  }
0x5a1: {  	_ =	swait.ge [sflag:s30], $0x1400  }
0x5a2: {  	[sflag:s30] =	ssyncset.done $0x0  }
0x5a3: {  	[sflag:s30] =	ssyncadd.s32 $0xFFFFEC00  }
0x5a4: {  	s9 =	rddreg [dreg:$0xf]  }
0x5a5: {  	s1 =	rddreg [dreg:$0xc];
	s9 =	sadd.s32 $0x1, s9  }
0x5a6: {  	p0 =	sne.s32 s9, s1  }
.Ltmp44:
0x5a7: {  	_ = 	snop;
	(pc) =	sbr.rel @p0 .LBB2_1-.Ltmp44, $1  }
0x5a8: {  	_ =	sdelay $0x3  }
0x5a9: {  	_ =	sfence.sel $0x180000  }
0x5aa: {  	[bflag:$0x0] =	sbarrier.arrive $0xFFFF  }
0x5ab: {  	_ =	strace $0x9000004A  }
0x5ac: {  	s0 =	stileid.u32;
	[bflag:$0x2] =	sbarrier.arrive $0xFFFF  }
0x5ad: {  	p0 =	sne.s32 s0, $0x0;
	s0 =	rddreg [dreg:$0x4]  }
0x5ae: {  	s0 =	sadd.s32 @!p0 $0x100000, s0  }
0x5af: {  	[sflag:s0] =	ssyncadd.tile.s32 @!p0 $0x1;
	_ =	shalt  }
.Lfunc_end2:
_tile_overlayer_lowered:
.L_overlay_start_2:
0x5b0: {  	(tag) =	ssettag $0x2  }
0x5b1: {  	s0 =	rddreg [dreg:$0x0];
	s2 =	stileid.u32  }
0x5b2: {  	s1 =	rddreg [dreg:$0x1];
	p0 =	sne.s32 s2, $0x0  }
0x5b3: {  	s3 =	rddreg [dreg:$0x2];
	[bflag:$0x3] =	sbarrier.arrive $0xFFFF;
	s2 =	simm.s32 @!p0 $0x1C07  }
0x5b4: {  	[timem:s3], [sflag:s2] =	dma.local @!p0 [hbm:s0], s1  }
0x5b5: {  	s0 =	simm.s32 @!p0 $0x7  }
0x5b6: {  	_ =	swait.ge @!p0 [sflag:s0], s1  }
0x5b7: {  	s1 =	ssub.s32 @!p0 $0x0, s1;
	[sflag:s0] =	ssyncset.done @!p0 $0x0  }
0x5b8: {  	[sflag:s0] =	ssyncadd.s32 @!p0 s1  }
0x5b9: {  	[bflag:$0x3] =	sbarrier.arrive $0xFFFF  }
0x5ba: {  	_ =	shalt  }

// kernel: sparse-core-data-format-call.cloned.1.call-start
scs
called_computation_lowered:
.L_overlay_start_0:
0x0: {  	s2 =	sld [smem:$0x3FD9]  }
0x1: {  	s3 =	sld [smem:$0x3FFE];
	_ =	sdelay $0x1  }
0x2: {  	s1 =	srdreg.scid  }
0x3: {  	s0 =	sand.u32 $0x1, s1  }
0x4: {  	s18 =	sshll.u32 s0, $0xA;
	s2 =	sadd.s32 s3, s2  }
0x5: {  	s2 =	sadd.s32 s2, s18  }
0x6: {  	[smem:$0x3FC5] =	sst s2  }
0x7: {  	_ = 	snop  }
0x8: {  	s2 =	sld [smem:$0x3FC8];
	(tm) =	ssettm $0x1  }
0x9: {  	s19 =	sld [smem:$0x3FFB];
	_ =	sdelay $0x3  }
0xa: {  	_ =	strace s19  }
0xb: {  	s3 =	sld [smem:$0x3FFC];
	_ =	sdelay $0x3  }
0xc: {  	_ =	strace s3  }
0xd: {  	s3 =	sld [smem:$0x3FFD];
	_ =	sdelay $0x3  }
0xe: {  	_ =	strace s3  }
0xf: {  	_ =	strace $0x8FFFFFFF  }
0x10: {  	s20 =	sld [smem:$0x3FDB];
	_ =	sdelay $0x1  }
0x11: {  	s4 =	simm.s32 $_scs_section_size  }
0x12: {  	s5 =	simm.s32 $_size__tile_overlayer_lowered;
	s6 =	simm.s32 $_tile_overlayer_lowered  }
0x13: {  	s23 =	simm.s32 $0x1BFF;
	s22 =	sshll.u32 s6, $0x1;
	s3 =	sadd.s32 s4, s20  }
0x14: {  	s7 =	simm.s32 $0x0;
	s21 =	sshll.u32 s5, $0x1;
	s5 =	sadd.s32 s22, s3  }
0x15: {  	[timem:s7], [sflag:s23] =	dma.local [hbm:s5], s21  }
0x16: {  	_ =	swait.ge [sflag:s23], s21  }
0x17: {  	s4 =	ssub.s32 $0x0, s21;
	[sflag:s23] =	ssyncset.done $0x0  }
0x18: {  	[sflag:s23] =	ssyncadd.s32 s4;
	_ =	sdelay $0x1  }
0x19: {  	s24 =	simm.s32 $0x1B8B  }
0x1a: {  	_ =	swait.ge [sflag:s24], $0x1  }
0x1b: {  	[sflag:s24] =	ssyncset.done $0x0  }
0x1c: {  	s26 =	simm.s32 $0x1B8E;
	s25 =	sld [smem:$0x3FFE];
	[sflag:s24] =	ssyncadd.s32 $0xFFFFFFFF  }
0x1d: {  	s27 =	simm.s32 $execute0_lowered;
	[smem:$0x3FD2] =	sst s26  }
0x1e: {  	s5 =	sshll.u32 s27, $0x1;
	_ =	strace $0x80000046;
	[dreg:$0x1] =	wrdreg $0xFFFFFFFF  }
0x1f: {  	s28 =	simm.s32 $_size_execute0_lowered;
	s3 =	sadd.s32 s3, s5;
	[dreg:$0x0] =	wrdreg $0x0  }
0x20: {  	s5 =	sshll.u32 s28, $0x1;
	[dreg:$0x2] =	wrdreg s3  }
0x21: {  	[dreg:$0x3] =	wrdreg s5  }
0x22: {  	[dreg:$0x4] =	wrdreg $0xC0  }
0x23: {  	_ =	task [dreg:s7], $0x5FFFF  }
0x24: {  	[dreg:$0x1] =	wrdreg $0xFFFFFFFF  }
0x25: {  	[dreg:$0x0] =	wrdreg $0x60  }
0x26: {  	[dreg:$0x2] =	wrdreg s2  }
0x27: {  	[dreg:$0x3] =	wrdreg s25  }
0x28: {  	[dreg:$0x4] =	wrdreg $0x9  }
0x29: {  	_ =	task.clear_ibuf [dreg:s7], $0x5FFFF;
	_ =	strace $0x90000046  }
0x2a: {  	s29 =	simm.s32 $0x9;
	_ =	strace $0x80000048  }
0x2b: {  	_ =	swait.ge [sflag:s29], $0x1  }
0x2c: {  	[sflag:s29] =	ssyncadd.s32 $0xFFFFFFFF  }
0x2d: {  	_ =	strace $0x90000048  }
0x2e: {  	_ =	sfence  }
0x2f: {  	s30 =	sld [smem:$0x0];
	_ =	sdelay $0x2  }
0x30: {  	s31 =	sshll.u32 s1, $0xD;
	s1 =	sshrl.u32 s1, $0x2  }
0x31: {  	s3 =	sand.u32 $0x4000, s31;
	s1 =	sadd.s32 s1, s30  }
0x32: {  	s0 =	sor.u32 s3, s0;
	s1 =	sshll.u32 s1, $0x11  }
0x33: {  	s0 =	sor.u32 s1, s0  }
0x34: {  	s0 =	sadd.s32 $0x8F2B, s0  }
0x35: {  	[sflag:s0] =	ssyncadd.remote.s32 $0x1  }
0x36: {  	_ =	sfence.sel $0xFFFF  }
0x37: {  	[dreg:$0x0] =	wrdreg $0xFFFFFFFF;
	(pc) =	sbr.abs _section_cstart, $3  }
0x38: {  	[dreg:$0x1] =	wrdreg $0xFFFFFFFF  }
0x39: {  	_ =	task.clear_ibuf [dreg:s7], $0x2FFFF;
	_ =	strace $0x9FFFFFFF  }
0x3a: {  	(tm) =	ssettm $0x7FFFFFFF  }
0x3b: {  	_ =	shalt  }
tec
execute0_lowered:
.L_overlay_start_1:
0x0: {  	(tag) =	ssettag $0x1  }
0x1: {  	s0 =	srdreg.scid  }
0x2: {  	s1 =	sshll.u32 s0, $0x4  }
0x3: {  	s2 =	rddreg [dreg:$0x0];
	s0 =	stileid.u32;
	s1 =	sand.u32 $0x10, s1  }
0x4: {  	s6 =	rddreg [dreg:$0x1];
	s1 =	sor.u32 s0, s1  }
0x5: {  	s7 =	simm.s32 $0x1;
	s8 =	simm.s32 $0x2;
	s3 =	sshll.u32 s1, $0x5  }
0x6: {  	s11 =	simm.s32 $0x0;
	s10 =	simm.s32 $0x0;
	s5 =	ssub.s32 $0x27100, s3  }
.Ltmp0:
0x7: {  	s6 =	sadd.s32 $0x400, s6;
	s4 =	sand.u32 $0x3E0, s5;
	(pc) =	sbr.rel .LBB1_1-.Ltmp0, $4  }
0x8: {  	s1 =	rddreg [dreg:$0x2];
	_ =	strace $0x80000047;
	p0 =	sne.s32 s4, $0x0  }
0x9: {  	s5 =	sshrl.u32 s5, $0xA;
	s4 =	simm.s32 $0x1;
	s7 =	simm.s32 @!p0 $0x0  }
0xa: {  	s9 =	smov.u32 s3;
	[sflag:s4] =	ssyncpa.u1 $0x0;
	s5 =	sadd.s32 s7, s5  }
0xb: {  	[sflag:s8] =	ssyncpa.u1 $0x0;
	s8 =	simm.s32 $0x0;
	s7 =	sadd.s32 $0x1, s5  }
.LBB1_9:
0xc: {  	s13 =	sadd.s32 $0x400, s9  }
0xd: {  	p1 =	sgt.s32 s13, $0x270FF  }
0xe: {  	s13 =	smov.u32 @p1 s3;
	p1 =	sne.s32 s10, s7  }
.Ltmp1:
0xf: {  	p0 =	slt.u32 s10, $0x2;
	(pc) =	sbr.rel @!p1 .LBB1_10-.Ltmp1, $4  }
0x10: {  	s12 =	simm.s32 @!p0 $0x2  }
0x11: {  	_ =	swait.ge @!p0 [sflag:s12], $0x4000  }
0x12: {  	s14 =	sadd.s32 $0x1, s10;
	s11 =	smov.u32 s9;
	[sflag:s12] =	ssyncset.done @!p0 $0x0  }
0x13: {  	s10 =	smov.u32 s14;
	s9 =	smov.u32 s13;
	[sflag:s12] =	ssyncadd.s32 @!p0 $0xFFFFC000  }
.LBB1_1:
0x14: {  	p0 =	sge.u32 s10, s5  }
0x15: {  	s12 =	sxor.u32 @!p0 $0xFFFFFFFF, s10  }
0x16: {  	s31 =	sadd.s32 $0xFFFFFFFF, s10;
	s13 =	sshll.u32 @!p0 s9, $0x6;
	s12 =	sshll.u32 @!p0 s12, $0xE  }
0x17: {  	s14 =	simm.s32 @!p0 $0x0;
	s13 =	sadd.s32 @!p0 s2, s13;
	s12 =	sand.u32 @!p0 $0x4000, s12  }
0x18: {  	[tilespmem:s12], [sflag:$0x1] =	stream.linear.gather @!p0 [hbm4b:s13+s14], $0x4000, $0x38;
	[tilespmem:$0x10000] =	vst v63  }
0x19: {  	p0 =	sge.u32 s31, s5  }
.Ltmp2:
0x1a: {  	_ = 	snop;
	(pc) =	sbr.rel @p0 .LBB1_9-.Ltmp2, $1  }
0x1b: {  	_ =	sdelay $0x3  }
0x1c: {  	_ =	swait.ge [sflag:s4], $0x4000;
	s12 =	sshll.u32 s10, $0xE  }
0x1d: {  	[sflag:s4] =	ssyncset.done $0x0;
	s13 =	sand.u32 $0x4000, s12  }
0x1e: {  	s14 =	simm.s32 $0x0;
	[sflag:s4] =	ssyncadd.s32 $0xFFFFC000;
	s12 =	sor.u32 $0x8000, s13  }
.LBB1_3:
0x1f: {  	s16 =	sshll.u32 s14, $0x9;
	p1 =	por $0x1, $0x1  }
0x20: {  	s17 =	simm.s32 $0x0;
	s15 =	sadd.s32 s16, s13;
	s16 =	sadd.s32 s16, s12  }
.LBB1_4:
0x21: {  	s18 =	sshll.u32 s17, $0x8  }
0x22: {  	s18 =	sand.u32 $0x3FFFFF00, s18  }
0x23: {  	s31 =	sshll.u32 s17, $0x7;
	s18 =	sadd.s32 s18, s15  }
0x24: {  	s17 =	sand.u32 $0x3FFFFF80, s31;
	v0 =	vmov s18  }
0x25: {  	s19 =	sadd.s32 s17, s16  }
0x26: {  	p0 =	por p1, p1;
	p1 =	por $0x1, $0x1;
	s17 =	simm.s32 $0x0;
	v1 =	vmov s19  }
.LBB1_5:
0x27: {  	s18 =	sshll.u32 s17, $0x7  }
0x28: {  	s18 =	sand.u32 $0x3FFFFF80, s18  }
0x29: {  	v2 =	vld.idx.msk [tilespmem:v0+s18+$0x0 ss:$0x1], $0xffff  }
0x2a: {  	v3 =	vld.idx.msk [tilespmem:v0+s18+$0x10 ss:$0x1], $0xffff  }
0x2b: {  	v4 =	vld.idx.msk [tilespmem:v0+s18+$0x20 ss:$0x1], $0xffff  }
0x2c: {  	s31 =	sshll.u32 s17, $0x8;
	v5 =	vld.idx.msk [tilespmem:v0+s18+$0x30 ss:$0x1], $0xffff  }
0x2d: {  	s17 =	sand.u32 $0x3FFFFF00, s31;
	v6 =	vld.idx.msk [tilespmem:v0+s18+$0x40 ss:$0x1], $0xffff  }
0x2e: {  	v63 =	vld.idx.msk [tilespmem:v0+s18+$0x70 ss:$0x1], $0xffff;
	[tilespmem:v1+s17+$0x0 ss:$0x1] =	vst.idx.msk $0xffff, v2  }
0x2f: {  	v2 =	vld.idx.msk [tilespmem:v0+s18+$0x50 ss:$0x1], $0xffff;
	[tilespmem:v1+s17+$0x10 ss:$0x1] =	vst.idx.msk $0xffff, v3  }
0x30: {  	p2 =	por p1, p1;
	v3 =	vld.idx.msk [tilespmem:v0+s18+$0x60 ss:$0x1], $0xffff;
	[tilespmem:v1+s17+$0x20 ss:$0x1] =	vst.idx.msk $0xffff, v4  }
.Ltmp3:
0x31: {  	[tilespmem:v1+s17+$0x30 ss:$0x1] =	vst.idx.msk $0xffff, v5;
	(pc) =	sbr.rel @p2 .LBB1_5-.Ltmp3, $4  }
0x32: {  	[tilespmem:v1+s17+$0x40 ss:$0x1] =	vst.idx.msk $0xffff, v6  }
0x33: {  	[tilespmem:v1+s17+$0x70 ss:$0x1] =	vst.idx.msk $0xffff, v63  }
0x34: {  	[tilespmem:v1+s17+$0x50 ss:$0x1] =	vst.idx.msk $0xffff, v2  }
0x35: {  	p1 =	por $0x0, $0x0;
	[tilespmem:v1+s17+$0x60 ss:$0x1] =	vst.idx.msk $0xffff, v3;
	s17 =	simm.s32 $0x1  }
.Ltmp4:
0x36: {  	(pc) =	sbr.rel @p0 .LBB1_4-.Ltmp4, $2  }
0x37: {  	_ =	sdelay $0x2  }
0x38: {  	s17 =	simm.s32 $0x1;
	p1 =	por $0x0, $0x0  }
0x39: {  	s14 =	sadd.s32 $0x1, s14  }
0x3a: {  	p0 =	sne.s32 s14, $0x20  }
.Ltmp5:
0x3b: {  	_ = 	snop;
	(pc) =	sbr.rel @p0 .LBB1_3-.Ltmp5, $1  }
0x3c: {  	_ =	sdelay $0x3  }
.Ltmp6:
0x3d: {  	(pc) =	sbr.rel .LBB1_9-.Ltmp6, $4  }
0x3e: {  	_ = 	snop  }
0x3f: {  	s11 =	sshll.u32 s11, $0x6  }
0x40: {  	s11 =	sadd.s32 s6, s11  }
0x41: {  	[hbm4b:s11+s8] =	stream.linear.scatter [tilespmem:s12], [sflag:$0x2], $0x4000, $0x38;
	[tilespmem:$0x10000] =	vst v63  }
.LBB1_10:
0x42: {  	_ =	sfence.sel $0x180000  }
0x43: {  	s2 =	simm.s32 $0x1;
	[bflag:$0x0] =	sbarrier.arrive $0xFFFF  }
0x44: {  	s31 =	simm.s32 $0x2;
	[sflag:s2] =	ssyncpa.u1 $0x1  }
0x45: {  	[sflag:s31] =	ssyncpa.u1 $0x1  }
0x46: {  	p0 =	sne.s32 s0, $0x0;
	_ =	strace $0x90000047  }
0x47: {  	s0 =	sadd.s32 @!p0 $0x100000, s1;
	[bflag:$0x2] =	sbarrier.arrive $0xFFFF  }
0x48: {  	[sflag:s0] =	ssyncadd.tile.s32 @!p0 $0x1;
	_ =	shalt  }
.Lfunc_end1:
_tile_overlayer_lowered:
.L_overlay_start_2:
0x49: {  	(tag) =	ssettag $0x2  }
0x4a: {  	s0 =	rddreg [dreg:$0x0];
	s2 =	stileid.u32  }
0x4b: {  	s1 =	rddreg [dreg:$0x1];
	p0 =	sne.s32 s2, $0x0  }
0x4c: {  	s3 =	rddreg [dreg:$0x2];
	[bflag:$0x3] =	sbarrier.arrive $0xFFFF;
	s2 =	simm.s32 @!p0 $0x1C01  }
0x4d: {  	[timem:s3], [sflag:s2] =	dma.local @!p0 [hbm:s0], s1  }
0x4e: {  	s0 =	simm.s32 @!p0 $0x1  }
0x4f: {  	_ =	swait.ge @!p0 [sflag:s0], s1  }
0x50: {  	s1 =	ssub.s32 @!p0 $0x0, s1;
	[sflag:s0] =	ssyncset.done @!p0 $0x0  }
0x51: {  	[sflag:s0] =	ssyncadd.s32 @!p0 s1  }
0x52: {  	[bflag:$0x3] =	sbarrier.arrive $0xFFFF  }
0x53: {  	_ =	shalt  }

</sc_bundles>
